<compile_context>
chip_gen: v7x
topology: tpu7x:2x2x1
jax: 0.10.2.dev20260603
libtpu: 0.0.44.dev20260713+nightly
codegen_flags: <defaults>
</compile_context>

<pallas_src>
import functools

import jax
import jax.numpy as jnp
from jax import lax
from jax.experimental import pallas as pl
from jax.experimental.pallas import tpu as pltpu
from jax.experimental.pallas import tpu_sc as plsc

_GRID = 256
_PITCH = 1.0 / _GRID
_NC = 2
_NS = 16
_NW = _NC * _NS
_L = 16
_T = 31488
_GCH = 128
_NSUB = _T // _GCH
_GPC = _GCH // _L
_SENT = -1
_NSLAB = 6
_SLAB = _T // _NSLAB
_CPS = _NSUB // _NSLAB


@functools.lru_cache(maxsize=None)
def _build(n: int):
    if n < _T:
        raise NotImplementedError("point count below one worker window")
    stride = -(-(n - _T) // (_NW - 1))
    stride = (stride + 7) & ~7
    last = n - _T

    mesh = plsc.VectorSubcoreMesh(core_axis_name="c", subcore_axis_name="s")

    @functools.partial(
        pl.kernel,
        mesh=mesh,
        out_type=jax.ShapeDtypeStruct((n,), jnp.float32),
        scratch_types=[
            pltpu.VMEM((_T,), jnp.float32),
            pltpu.VMEM((2 * _T,), jnp.float32),
            pltpu.VMEM((_T,), jnp.int32),
            pltpu.VMEM((9, _L), jnp.float32),
            pltpu.SemaphoreType.DMA,
            pltpu.SemaphoreType.DMA,
        ],
    )
    def k(ptst_h, consts_h, sdf_h, out_h, xv, yzv, idxv, cv,
          isem, gsem):
        wid = lax.axis_index("s") * _NC + lax.axis_index("c")
        base = jnp.minimum(wid * stride, last)

        for s in range(_NSLAB):
            so = s * _SLAB
            pltpu.async_copy(
                ptst_h.at[pl.ds(base + so, _SLAB)],
                xv.at[pl.ds(so, _SLAB)], isem,
            )
            pltpu.async_copy(
                ptst_h.at[pl.ds(n + base + so, _SLAB)],
                yzv.at[pl.ds(so, _SLAB)], isem,
            )
            pltpu.async_copy(
                ptst_h.at[pl.ds(2 * n + base + so, _SLAB)],
                yzv.at[pl.ds(_T + so, _SLAB)], isem,
            )
        pltpu.sync_copy(consts_h, cv)
        lo0 = cv[0]
        lo1 = cv[1]
        lo2 = cv[2]
        lb0 = cv[3]
        lb1 = cv[4]
        lb2 = cv[5]
        ub0 = cv[6]
        ub1 = cv[7]
        ub2 = cv[8]
        scale = jnp.full((_L,), float(_GRID), jnp.float32)
        sent = jnp.full((_L,), _SENT, jnp.int32)
        neg10 = jnp.full((_L,), -10.0, jnp.float32)
        u254 = jnp.full((_L,), 254, jnp.uint32)
        def cbody(c, _):
            for g in range(_GPC):
                i = c * _GPC + g
                sl = pl.ds(i * _L, _L)
                x = xv[sl]
                y = yzv[sl]
                z = yzv[pl.ds(_T + i * _L, _L)]
                ix = ((x - lo0) * scale).astype(jnp.int32)
                iy = ((y - lo1) * scale).astype(jnp.int32)
                iz = ((z - lo2) * scale).astype(jnp.int32)
                idx = ix * (_GRID * _GRID) + iy * _GRID + iz
                inb = lax.bitcast_convert_type(ix - 1, jnp.uint32) < u254
                inb &= lax.bitcast_convert_type(iy - 1, jnp.uint32) < u254
                inb &= lax.bitcast_convert_type(iz - 1, jnp.uint32) < u254
                idxv[sl] = jnp.where(inb, idx, sent)
                yzv[sl] = neg10
            gs = pl.ds(c * _GCH, _GCH)
            pltpu.async_copy(
                sdf_h.at[plsc.Indices(idxv.at[gs], ignored_value=_SENT)],
                yzv.at[gs],
                gsem,
            )
            return 0

        for s in range(_NSLAB):
            pltpu.make_async_copy(
                ptst_h.at[pl.ds(0, 3 * _SLAB)],
                yzv.at[pl.ds(0, 3 * _SLAB)], isem,
            ).wait()
            lax.fori_loop(s * _CPS, (s + 1) * _CPS, cbody, 0)
        pltpu.make_async_copy(
            sdf_h.at[pl.ds(0, _T)], yzv.at[pl.ds(0, _T)], gsem
        ).wait()

        pltpu.sync_copy(yzv.at[pl.ds(0, _T)], out_h.at[pl.ds(base, _T)])

    return k


def kernel(pts, scene_sdf, bounds):
    n = pts.shape[0]
    pts_t = pts.astype(jnp.float32).T.reshape(3 * n)
    lo = bounds[0].astype(jnp.float32)
    hi = bounds[1].astype(jnp.float32)
    consts = jnp.concatenate([lo, lo + _PITCH, hi - _PITCH])
    consts = jnp.broadcast_to(consts[:, None], (9, _L))
    return _build(n)(pts_t, consts, scene_sdf.astype(jnp.float32))

# --- scband reference (transcript-rebuilt; emitter-appended) ---
"""Pipeline reference for scband-world-primitive-collision-38517266710606 (READ-ONLY COPY).

The authoritative reference and input builder live on the scoring server;
editing this copy changes nothing except your own understanding.
"""

import jax, jax.numpy as jnp
import numpy as np

GRID = 256
PITCH = 1.0 / GRID
N_PTS = 1000000


def setup_inputs(seed: int = 0) -> dict:
    key = jax.random.key(seed)
    k1, k2 = jax.random.split(key)
    # query points: uniform over slightly-expanded unit cube so some fall out of bounds
    pts = jax.random.uniform(k1, (N_PTS, 3), dtype=jnp.float32, minval=-0.1, maxval=1.1)
    # module state (buffers): flattened scene SDF grid, world bounds, voxel pitch
    scene_sdf = jax.random.normal(k2, (GRID * GRID * GRID,), dtype=jnp.float32)
    bounds = jnp.array([[0.0, 0.0, 0.0], [1.0, 1.0, 1.0]], dtype=jnp.float32)
    return {"pts": pts, "scene_sdf": scene_sdf, "bounds": bounds}


def reference(pts, scene_sdf, bounds):
    # sdf:in_bounds
    in_bounds = jnp.all(pts > bounds[0] + PITCH, axis=-1)
    in_bounds = in_bounds & jnp.all(pts < bounds[1] - PITCH, axis=-1)
    # sdf:voxel_inds -- map 3D points to flattened voxel indices
    ijk = jnp.floor((pts - bounds[0]) / PITCH).astype(jnp.int32)
    ijk = jnp.clip(ijk, 0, GRID - 1)
    pt_idx = ijk[:, 0] * (GRID * GRID) + ijk[:, 1] * GRID + ijk[:, 2]
    # pt_idx[~in_bounds] = 0
    pt_idx = jnp.where(in_bounds, pt_idx, 0)
    # gather SDF values from the voxel grid
    sdf = jnp.take(scene_sdf, pt_idx, axis=0)
    # sdf[~in_bounds] = -10.0
    sdf = jnp.where(in_bounds, sdf, jnp.float32(-10.0))
    return sdf

if __name__ == "__main__":
    import jax
    _d = setup_inputs()
    print(jax.jit(kernel)(*tuple(_d.values())))

</pallas_src>

<mosaic_0001>
#map = affine_map<(d0, d1) -> (0)>
#map1 = affine_map<(d0, d1) -> (0, 0)>
module attributes {stable_mosaic.version = 14 : i64} {
  func.func @k(%arg0: i32, %arg1: i32, %arg2: memref<3000000xf32, #tpu.memory_space<hbm>>, %arg3: memref<9x16xf32, #tpu.memory_space<hbm>>, %arg4: memref<16777216xf32, #tpu.memory_space<hbm>>, %arg5: memref<1000000xf32, #tpu.memory_space<hbm>>, %arg6: memref<31488xf32, #tpu.memory_space<vmem>>, %arg7: memref<62976xf32, #tpu.memory_space<vmem>>, %arg8: memref<31488xi32, #tpu.memory_space<vmem>>, %arg9: memref<9x16xf32, #tpu.memory_space<vmem>>, %arg10: memref<!tpu.dma_semaphore, #tpu.memory_space<semaphore_mem>>, %arg11: memref<!tpu.dma_semaphore, #tpu.memory_space<semaphore_mem>>) attributes {dimension_semantics = [#tpu.dimension_semantics<core_parallel>, #tpu.dimension_semantics<subcore_parallel>], iteration_bounds = array<i64: 2, 16>, scalar_prefetch = 0 : i64, scratch_operands = 6 : i64, tpu.core_type = #tpu.core_type<sc_vector_subcore>, window_params = [{transform_indices = #map}, {transform_indices = #map1}, {transform_indices = #map}, {transform_indices = #map}]} {
    %mul3A = arith.constant 2 : i32
    %mul3A_0 = arith.muli %arg1, %mul3A : i32
    %add3A = arith.addi %mul3A_0, %arg0 : i32
    %mul3A_1 = arith.constant 31248 : i32
    %mul3A_2 = arith.muli %add3A, %mul3A_1 : i32
    %min3A = arith.constant 968512 : i32
    %min3A_3 = arith.minsi %mul3A_2, %min3A : i32
    %add3A_4 = arith.constant 0 : i32
    %add3A_5 = arith.addi %min3A_3, %add3A_4 : i32
    %dma_start3A = arith.constant 0 : i32
    %dma_start3A_6 = tpu.memref_slice %arg6[%dma_start3A] : memref<31488xf32, #tpu.memory_space<vmem>> -> memref<5248xf32, #tpu.memory_space<vmem>>
    %dma_start3A_7 = tpu.memref_slice %arg2[%add3A_5] : memref<3000000xf32, #tpu.memory_space<hbm>> -> memref<5248xf32, #tpu.memory_space<hbm>>
    %dma_start3A_8 = arith.constant 0 : i32
    %dma_start3A_9 = tpu.memref_slice %arg6[%dma_start3A_8] : memref<31488xf32, #tpu.memory_space<vmem>> -> memref<5248xf32, #tpu.memory_space<vmem>>
    %dma_start3A_10 = tpu.memref_slice %arg2[%add3A_5] : memref<3000000xf32, #tpu.memory_space<hbm>> -> memref<5248xf32, #tpu.memory_space<hbm>>
    tpu.enqueue_dma source(%dma_start3A_10 : memref<5248xf32, #tpu.memory_space<hbm>>) target(%dma_start3A_9 : memref<5248xf32, #tpu.memory_space<vmem>>) target_semaphore(%arg10 : memref<!tpu.dma_semaphore, #tpu.memory_space<semaphore_mem>>)
    %add3A_11 = arith.constant 1000000 : i32
    %add3A_12 = arith.addi %add3A_11, %min3A_3 : i32
    %add3A_13 = arith.constant 0 : i32
    %add3A_14 = arith.addi %add3A_12, %add3A_13 : i32
    %dma_start3A_15 = arith.constant 0 : i32
    %dma_start3A_16 = tpu.memref_slice %arg7[%dma_start3A_15] : memref<62976xf32, #tpu.memory_space<vmem>> -> memref<5248xf32, #tpu.memory_space<vmem>>
    %dma_start3A_17 = tpu.memref_slice %arg2[%add3A_14] : memref<3000000xf32, #tpu.memory_space<hbm>> -> memref<5248xf32, #tpu.memory_space<hbm>>
    %dma_start3A_18 = arith.constant 0 : i32
    %dma_start3A_19 = tpu.memref_slice %arg7[%dma_start3A_18] : memref<62976xf32, #tpu.memory_space<vmem>> -> memref<5248xf32, #tpu.memory_space<vmem>>
    %dma_start3A_20 = tpu.memref_slice %arg2[%add3A_14] : memref<3000000xf32, #tpu.memory_space<hbm>> -> memref<5248xf32, #tpu.memory_space<hbm>>
    tpu.enqueue_dma source(%dma_start3A_20 : memref<5248xf32, #tpu.memory_space<hbm>>) target(%dma_start3A_19 : memref<5248xf32, #tpu.memory_space<vmem>>) target_semaphore(%arg10 : memref<!tpu.dma_semaphore, #tpu.memory_space<semaphore_mem>>)
    %add3A_21 = arith.constant 2000000 : i32
    %add3A_22 = arith.addi %add3A_21, %min3A_3 : i32
    %add3A_23 = arith.constant 0 : i32
    %add3A_24 = arith.addi %add3A_22, %add3A_23 : i32
    %dma_start3A_25 = arith.constant 31488 : i32
    %dma_start3A_26 = tpu.memref_slice %arg7[%dma_start3A_25] : memref<62976xf32, #tpu.memory_space<vmem>> -> memref<5248xf32, #tpu.memory_space<vmem>>
    %dma_start3A_27 = tpu.memref_slice %arg2[%add3A_24] : memref<3000000xf32, #tpu.memory_space<hbm>> -> memref<5248xf32, #tpu.memory_space<hbm>>
    %dma_start3A_28 = arith.constant 31488 : i32
    %dma_start3A_29 = tpu.memref_slice %arg7[%dma_start3A_28] : memref<62976xf32, #tpu.memory_space<vmem>> -> memref<5248xf32, #tpu.memory_space<vmem>>
    %dma_start3A_30 = tpu.memref_slice %arg2[%add3A_24] : memref<3000000xf32, #tpu.memory_space<hbm>> -> memref<5248xf32, #tpu.memory_space<hbm>>
    tpu.enqueue_dma source(%dma_start3A_30 : memref<5248xf32, #tpu.memory_space<hbm>>) target(%dma_start3A_29 : memref<5248xf32, #tpu.memory_space<vmem>>) target_semaphore(%arg10 : memref<!tpu.dma_semaphore, #tpu.memory_space<semaphore_mem>>)
    %add3A_31 = arith.constant 5248 : i32
    %add3A_32 = arith.addi %min3A_3, %add3A_31 : i32
    %dma_start3A_33 = arith.constant 5248 : i32
    %dma_start3A_34 = tpu.memref_slice %arg6[%dma_start3A_33] : memref<31488xf32, #tpu.memory_space<vmem>> -> memref<5248xf32, #tpu.memory_space<vmem>>
    %dma_start3A_35 = tpu.memref_slice %arg2[%add3A_32] : memref<3000000xf32, #tpu.memory_space<hbm>> -> memref<5248xf32, #tpu.memory_space<hbm>>
    %dma_start3A_36 = arith.constant 5248 : i32
    %dma_start3A_37 = tpu.memref_slice %arg6[%dma_start3A_36] : memref<31488xf32, #tpu.memory_space<vmem>> -> memref<5248xf32, #tpu.memory_space<vmem>>
    %dma_start3A_38 = tpu.memref_slice %arg2[%add3A_32] : memref<3000000xf32, #tpu.memory_space<hbm>> -> memref<5248xf32, #tpu.memory_space<hbm>>
    tpu.enqueue_dma source(%dma_start3A_38 : memref<5248xf32, #tpu.memory_space<hbm>>) target(%dma_start3A_37 : memref<5248xf32, #tpu.memory_space<vmem>>) target_semaphore(%arg10 : memref<!tpu.dma_semaphore, #tpu.memory_space<semaphore_mem>>)
    %add3A_39 = arith.constant 1000000 : i32
    %add3A_40 = arith.addi %add3A_39, %min3A_3 : i32
    %add3A_41 = arith.constant 5248 : i32
    %add3A_42 = arith.addi %add3A_40, %add3A_41 : i32
    %dma_start3A_43 = arith.constant 5248 : i32
    %dma_start3A_44 = tpu.memref_slice %arg7[%dma_start3A_43] : memref<62976xf32, #tpu.memory_space<vmem>> -> memref<5248xf32, #tpu.memory_space<vmem>>
    %dma_start3A_45 = tpu.memref_slice %arg2[%add3A_42] : memref<3000000xf32, #tpu.memory_space<hbm>> -> memref<5248xf32, #tpu.memory_space<hbm>>
    %dma_start3A_46 = arith.constant 5248 : i32
    %dma_start3A_47 = tpu.memref_slice %arg7[%dma_start3A_46] : memref<62976xf32, #tpu.memory_space<vmem>> -> memref<5248xf32, #tpu.memory_space<vmem>>
    %dma_start3A_48 = tpu.memref_slice %arg2[%add3A_42] : memref<3000000xf32, #tpu.memory_space<hbm>> -> memref<5248xf32, #tpu.memory_space<hbm>>
    tpu.enqueue_dma source(%dma_start3A_48 : memref<5248xf32, #tpu.memory_space<hbm>>) target(%dma_start3A_47 : memref<5248xf32, #tpu.memory_space<vmem>>) target_semaphore(%arg10 : memref<!tpu.dma_semaphore, #tpu.memory_space<semaphore_mem>>)
    %add3A_49 = arith.constant 2000000 : i32
    %add3A_50 = arith.addi %add3A_49, %min3A_3 : i32
    %add3A_51 = arith.constant 5248 : i32
    %add3A_52 = arith.addi %add3A_50, %add3A_51 : i32
    %dma_start3A_53 = arith.constant 36736 : i32
    %dma_start3A_54 = tpu.memref_slice %arg7[%dma_start3A_53] : memref<62976xf32, #tpu.memory_space<vmem>> -> memref<5248xf32, #tpu.memory_space<vmem>>
    %dma_start3A_55 = tpu.memref_slice %arg2[%add3A_52] : memref<3000000xf32, #tpu.memory_space<hbm>> -> memref<5248xf32, #tpu.memory_space<hbm>>
    %dma_start3A_56 = arith.constant 36736 : i32
    %dma_start3A_57 = tpu.memref_slice %arg7[%dma_start3A_56] : memref<62976xf32, #tpu.memory_space<vmem>> -> memref<5248xf32, #tpu.memory_space<vmem>>
    %dma_start3A_58 = tpu.memref_slice %arg2[%add3A_52] : memref<3000000xf32, #tpu.memory_space<hbm>> -> memref<5248xf32, #tpu.memory_space<hbm>>
    tpu.enqueue_dma source(%dma_start3A_58 : memref<5248xf32, #tpu.memory_space<hbm>>) target(%dma_start3A_57 : memref<5248xf32, #tpu.memory_space<vmem>>) target_semaphore(%arg10 : memref<!tpu.dma_semaphore, #tpu.memory_space<semaphore_mem>>)
    %add3A_59 = arith.constant 10496 : i32
    %add3A_60 = arith.addi %min3A_3, %add3A_59 : i32
    %dma_start3A_61 = arith.constant 10496 : i32
    %dma_start3A_62 = tpu.memref_slice %arg6[%dma_start3A_61] : memref<31488xf32, #tpu.memory_space<vmem>> -> memref<5248xf32, #tpu.memory_space<vmem>>
    %dma_start3A_63 = tpu.memref_slice %arg2[%add3A_60] : memref<3000000xf32, #tpu.memory_space<hbm>> -> memref<5248xf32, #tpu.memory_space<hbm>>
    %dma_start3A_64 = arith.constant 10496 : i32
    %dma_start3A_65 = tpu.memref_slice %arg6[%dma_start3A_64] : memref<31488xf32, #tpu.memory_space<vmem>> -> memref<5248xf32, #tpu.memory_space<vmem>>
    %dma_start3A_66 = tpu.memref_slice %arg2[%add3A_60] : memref<3000000xf32, #tpu.memory_space<hbm>> -> memref<5248xf32, #tpu.memory_space<hbm>>
    tpu.enqueue_dma source(%dma_start3A_66 : memref<5248xf32, #tpu.memory_space<hbm>>) target(%dma_start3A_65 : memref<5248xf32, #tpu.memory_space<vmem>>) target_semaphore(%arg10 : memref<!tpu.dma_semaphore, #tpu.memory_space<semaphore_mem>>)
    %add3A_67 = arith.constant 1000000 : i32
    %add3A_68 = arith.addi %add3A_67, %min3A_3 : i32
    %add3A_69 = arith.constant 10496 : i32
    %add3A_70 = arith.addi %add3A_68, %add3A_69 : i32
    %dma_start3A_71 = arith.constant 10496 : i32
    %dma_start3A_72 = tpu.memref_slice %arg7[%dma_start3A_71] : memref<62976xf32, #tpu.memory_space<vmem>> -> memref<5248xf32, #tpu.memory_space<vmem>>
    %dma_start3A_73 = tpu.memref_slice %arg2[%add3A_70] : memref<3000000xf32, #tpu.memory_space<hbm>> -> memref<5248xf32, #tpu.memory_space<hbm>>
    %dma_start3A_74 = arith.constant 10496 : i32
    %dma_start3A_75 = tpu.memref_slice %arg7[%dma_start3A_74] : memref<62976xf32, #tpu.memory_space<vmem>> -> memref<5248xf32, #tpu.memory_space<vmem>>
    %dma_start3A_76 = tpu.memref_slice %arg2[%add3A_70] : memref<3000000xf32, #tpu.memory_space<hbm>> -> memref<5248xf32, #tpu.memory_space<hbm>>
    tpu.enqueue_dma source(%dma_start3A_76 : memref<5248xf32, #tpu.memory_space<hbm>>) target(%dma_start3A_75 : memref<5248xf32, #tpu.memory_space<vmem>>) target_semaphore(%arg10 : memref<!tpu.dma_semaphore, #tpu.memory_space<semaphore_mem>>)
    %add3A_77 = arith.constant 2000000 : i32
    %add3A_78 = arith.addi %add3A_77, %min3A_3 : i32
    %add3A_79 = arith.constant 10496 : i32
    %add3A_80 = arith.addi %add3A_78, %add3A_79 : i32
    %dma_start3A_81 = arith.constant 41984 : i32
    %dma_start3A_82 = tpu.memref_slice %arg7[%dma_start3A_81] : memref<62976xf32, #tpu.memory_space<vmem>> -> memref<5248xf32, #tpu.memory_space<vmem>>
    %dma_start3A_83 = tpu.memref_slice %arg2[%add3A_80] : memref<3000000xf32, #tpu.memory_space<hbm>> -> memref<5248xf32, #tpu.memory_space<hbm>>
    %dma_start3A_84 = arith.constant 41984 : i32
    %dma_start3A_85 = tpu.memref_slice %arg7[%dma_start3A_84] : memref<62976xf32, #tpu.memory_space<vmem>> -> memref<5248xf32, #tpu.memory_space<vmem>>
    %dma_start3A_86 = tpu.memref_slice %arg2[%add3A_80] : memref<3000000xf32, #tpu.memory_space<hbm>> -> memref<5248xf32, #tpu.memory_space<hbm>>
    tpu.enqueue_dma source(%dma_start3A_86 : memref<5248xf32, #tpu.memory_space<hbm>>) target(%dma_start3A_85 : memref<5248xf32, #tpu.memory_space<vmem>>) target_semaphore(%arg10 : memref<!tpu.dma_semaphore, #tpu.memory_space<semaphore_mem>>)
    %add3A_87 = arith.constant 15744 : i32
    %add3A_88 = arith.addi %min3A_3, %add3A_87 : i32
    %dma_start3A_89 = arith.constant 15744 : i32
    %dma_start3A_90 = tpu.memref_slice %arg6[%dma_start3A_89] : memref<31488xf32, #tpu.memory_space<vmem>> -> memref<5248xf32, #tpu.memory_space<vmem>>
    %dma_start3A_91 = tpu.memref_slice %arg2[%add3A_88] : memref<3000000xf32, #tpu.memory_space<hbm>> -> memref<5248xf32, #tpu.memory_space<hbm>>
    %dma_start3A_92 = arith.constant 15744 : i32
    %dma_start3A_93 = tpu.memref_slice %arg6[%dma_start3A_92] : memref<31488xf32, #tpu.memory_space<vmem>> -> memref<5248xf32, #tpu.memory_space<vmem>>
    %dma_start3A_94 = tpu.memref_slice %arg2[%add3A_88] : memref<3000000xf32, #tpu.memory_space<hbm>> -> memref<5248xf32, #tpu.memory_space<hbm>>
    tpu.enqueue_dma source(%dma_start3A_94 : memref<5248xf32, #tpu.memory_space<hbm>>) target(%dma_start3A_93 : memref<5248xf32, #tpu.memory_space<vmem>>) target_semaphore(%arg10 : memref<!tpu.dma_semaphore, #tpu.memory_space<semaphore_mem>>)
    %add3A_95 = arith.constant 1000000 : i32
    %add3A_96 = arith.addi %add3A_95, %min3A_3 : i32
    %add3A_97 = arith.constant 15744 : i32
    %add3A_98 = arith.addi %add3A_96, %add3A_97 : i32
    %dma_start3A_99 = arith.constant 15744 : i32
    %dma_start3A_100 = tpu.memref_slice %arg7[%dma_start3A_99] : memref<62976xf32, #tpu.memory_space<vmem>> -> memref<5248xf32, #tpu.memory_space<vmem>>
    %dma_start3A_101 = tpu.memref_slice %arg2[%add3A_98] : memref<3000000xf32, #tpu.memory_space<hbm>> -> memref<5248xf32, #tpu.memory_space<hbm>>
    %dma_start3A_102 = arith.constant 15744 : i32
    %dma_start3A_103 = tpu.memref_slice %arg7[%dma_start3A_102] : memref<62976xf32, #tpu.memory_space<vmem>> -> memref<5248xf32, #tpu.memory_space<vmem>>
    %dma_start3A_104 = tpu.memref_slice %arg2[%add3A_98] : memref<3000000xf32, #tpu.memory_space<hbm>> -> memref<5248xf32, #tpu.memory_space<hbm>>
    tpu.enqueue_dma source(%dma_start3A_104 : memref<5248xf32, #tpu.memory_space<hbm>>) target(%dma_start3A_103 : memref<5248xf32, #tpu.memory_space<vmem>>) target_semaphore(%arg10 : memref<!tpu.dma_semaphore, #tpu.memory_space<semaphore_mem>>)
    %add3A_105 = arith.constant 2000000 : i32
    %add3A_106 = arith.addi %add3A_105, %min3A_3 : i32
    %add3A_107 = arith.constant 15744 : i32
    %add3A_108 = arith.addi %add3A_106, %add3A_107 : i32
    %dma_start3A_109 = arith.constant 47232 : i32
    %dma_start3A_110 = tpu.memref_slice %arg7[%dma_start3A_109] : memref<62976xf32, #tpu.memory_space<vmem>> -> memref<5248xf32, #tpu.memory_space<vmem>>
    %dma_start3A_111 = tpu.memref_slice %arg2[%add3A_108] : memref<3000000xf32, #tpu.memory_space<hbm>> -> memref<5248xf32, #tpu.memory_space<hbm>>
    %dma_start3A_112 = arith.constant 47232 : i32
    %dma_start3A_113 = tpu.memref_slice %arg7[%dma_start3A_112] : memref<62976xf32, #tpu.memory_space<vmem>> -> memref<5248xf32, #tpu.memory_space<vmem>>
    %dma_start3A_114 = tpu.memref_slice %arg2[%add3A_108] : memref<3000000xf32, #tpu.memory_space<hbm>> -> memref<5248xf32, #tpu.memory_space<hbm>>
    tpu.enqueue_dma source(%dma_start3A_114 : memref<5248xf32, #tpu.memory_space<hbm>>) target(%dma_start3A_113 : memref<5248xf32, #tpu.memory_space<vmem>>) target_semaphore(%arg10 : memref<!tpu.dma_semaphore, #tpu.memory_space<semaphore_mem>>)
    %add3A_115 = arith.constant 20992 : i32
    %add3A_116 = arith.addi %min3A_3, %add3A_115 : i32
    %dma_start3A_117 = arith.constant 20992 : i32
    %dma_start3A_118 = tpu.memref_slice %arg6[%dma_start3A_117] : memref<31488xf32, #tpu.memory_space<vmem>> -> memref<5248xf32, #tpu.memory_space<vmem>>
    %dma_start3A_119 = tpu.memref_slice %arg2[%add3A_116] : memref<3000000xf32, #tpu.memory_space<hbm>> -> memref<5248xf32, #tpu.memory_space<hbm>>
    %dma_start3A_120 = arith.constant 20992 : i32
    %dma_start3A_121 = tpu.memref_slice %arg6[%dma_start3A_120] : memref<31488xf32, #tpu.memory_space<vmem>> -> memref<5248xf32, #tpu.memory_space<vmem>>
    %dma_start3A_122 = tpu.memref_slice %arg2[%add3A_116] : memref<3000000xf32, #tpu.memory_space<hbm>> -> memref<5248xf32, #tpu.memory_space<hbm>>
    tpu.enqueue_dma source(%dma_start3A_122 : memref<5248xf32, #tpu.memory_space<hbm>>) target(%dma_start3A_121 : memref<5248xf32, #tpu.memory_space<vmem>>) target_semaphore(%arg10 : memref<!tpu.dma_semaphore, #tpu.memory_space<semaphore_mem>>)
    %add3A_123 = arith.constant 1000000 : i32
    %add3A_124 = arith.addi %add3A_123, %min3A_3 : i32
    %add3A_125 = arith.constant 20992 : i32
    %add3A_126 = arith.addi %add3A_124, %add3A_125 : i32
    %dma_start3A_127 = arith.constant 20992 : i32
    %dma_start3A_128 = tpu.memref_slice %arg7[%dma_start3A_127] : memref<62976xf32, #tpu.memory_space<vmem>> -> memref<5248xf32, #tpu.memory_space<vmem>>
    %dma_start3A_129 = tpu.memref_slice %arg2[%add3A_126] : memref<3000000xf32, #tpu.memory_space<hbm>> -> memref<5248xf32, #tpu.memory_space<hbm>>
    %dma_start3A_130 = arith.constant 20992 : i32
    %dma_start3A_131 = tpu.memref_slice %arg7[%dma_start3A_130] : memref<62976xf32, #tpu.memory_space<vmem>> -> memref<5248xf32, #tpu.memory_space<vmem>>
    %dma_start3A_132 = tpu.memref_slice %arg2[%add3A_126] : memref<3000000xf32, #tpu.memory_space<hbm>> -> memref<5248xf32, #tpu.memory_space<hbm>>
    tpu.enqueue_dma source(%dma_start3A_132 : memref<5248xf32, #tpu.memory_space<hbm>>) target(%dma_start3A_131 : memref<5248xf32, #tpu.memory_space<vmem>>) target_semaphore(%arg10 : memref<!tpu.dma_semaphore, #tpu.memory_space<semaphore_mem>>)
    %add3A_133 = arith.constant 2000000 : i32
    %add3A_134 = arith.addi %add3A_133, %min3A_3 : i32
    %add3A_135 = arith.constant 20992 : i32
    %add3A_136 = arith.addi %add3A_134, %add3A_135 : i32
    %dma_start3A_137 = arith.constant 52480 : i32
    %dma_start3A_138 = tpu.memref_slice %arg7[%dma_start3A_137] : memref<62976xf32, #tpu.memory_space<vmem>> -> memref<5248xf32, #tpu.memory_space<vmem>>
    %dma_start3A_139 = tpu.memref_slice %arg2[%add3A_136] : memref<3000000xf32, #tpu.memory_space<hbm>> -> memref<5248xf32, #tpu.memory_space<hbm>>
    %dma_start3A_140 = arith.constant 52480 : i32
    %dma_start3A_141 = tpu.memref_slice %arg7[%dma_start3A_140] : memref<62976xf32, #tpu.memory_space<vmem>> -> memref<5248xf32, #tpu.memory_space<vmem>>
    %dma_start3A_142 = tpu.memref_slice %arg2[%add3A_136] : memref<3000000xf32, #tpu.memory_space<hbm>> -> memref<5248xf32, #tpu.memory_space<hbm>>
    tpu.enqueue_dma source(%dma_start3A_142 : memref<5248xf32, #tpu.memory_space<hbm>>) target(%dma_start3A_141 : memref<5248xf32, #tpu.memory_space<vmem>>) target_semaphore(%arg10 : memref<!tpu.dma_semaphore, #tpu.memory_space<semaphore_mem>>)
    %add3A_143 = arith.constant 26240 : i32
    %add3A_144 = arith.addi %min3A_3, %add3A_143 : i32
    %dma_start3A_145 = arith.constant 26240 : i32
    %dma_start3A_146 = tpu.memref_slice %arg6[%dma_start3A_145] : memref<31488xf32, #tpu.memory_space<vmem>> -> memref<5248xf32, #tpu.memory_space<vmem>>
    %dma_start3A_147 = tpu.memref_slice %arg2[%add3A_144] : memref<3000000xf32, #tpu.memory_space<hbm>> -> memref<5248xf32, #tpu.memory_space<hbm>>
    %dma_start3A_148 = arith.constant 26240 : i32
    %dma_start3A_149 = tpu.memref_slice %arg6[%dma_start3A_148] : memref<31488xf32, #tpu.memory_space<vmem>> -> memref<5248xf32, #tpu.memory_space<vmem>>
    %dma_start3A_150 = tpu.memref_slice %arg2[%add3A_144] : memref<3000000xf32, #tpu.memory_space<hbm>> -> memref<5248xf32, #tpu.memory_space<hbm>>
    tpu.enqueue_dma source(%dma_start3A_150 : memref<5248xf32, #tpu.memory_space<hbm>>) target(%dma_start3A_149 : memref<5248xf32, #tpu.memory_space<vmem>>) target_semaphore(%arg10 : memref<!tpu.dma_semaphore, #tpu.memory_space<semaphore_mem>>)
    %add3A_151 = arith.constant 1000000 : i32
    %add3A_152 = arith.addi %add3A_151, %min3A_3 : i32
    %add3A_153 = arith.constant 26240 : i32
    %add3A_154 = arith.addi %add3A_152, %add3A_153 : i32
    %dma_start3A_155 = arith.constant 26240 : i32
    %dma_start3A_156 = tpu.memref_slice %arg7[%dma_start3A_155] : memref<62976xf32, #tpu.memory_space<vmem>> -> memref<5248xf32, #tpu.memory_space<vmem>>
    %dma_start3A_157 = tpu.memref_slice %arg2[%add3A_154] : memref<3000000xf32, #tpu.memory_space<hbm>> -> memref<5248xf32, #tpu.memory_space<hbm>>
    %dma_start3A_158 = arith.constant 26240 : i32
    %dma_start3A_159 = tpu.memref_slice %arg7[%dma_start3A_158] : memref<62976xf32, #tpu.memory_space<vmem>> -> memref<5248xf32, #tpu.memory_space<vmem>>
    %dma_start3A_160 = tpu.memref_slice %arg2[%add3A_154] : memref<3000000xf32, #tpu.memory_space<hbm>> -> memref<5248xf32, #tpu.memory_space<hbm>>
    tpu.enqueue_dma source(%dma_start3A_160 : memref<5248xf32, #tpu.memory_space<hbm>>) target(%dma_start3A_159 : memref<5248xf32, #tpu.memory_space<vmem>>) target_semaphore(%arg10 : memref<!tpu.dma_semaphore, #tpu.memory_space<semaphore_mem>>)
    %add3A_161 = arith.constant 2000000 : i32
    %add3A_162 = arith.addi %add3A_161, %min3A_3 : i32
    %add3A_163 = arith.constant 26240 : i32
    %add3A_164 = arith.addi %add3A_162, %add3A_163 : i32
    %dma_start3A_165 = arith.constant 57728 : i32
    %dma_start3A_166 = tpu.memref_slice %arg7[%dma_start3A_165] : memref<62976xf32, #tpu.memory_space<vmem>> -> memref<5248xf32, #tpu.memory_space<vmem>>
    %dma_start3A_167 = tpu.memref_slice %arg2[%add3A_164] : memref<3000000xf32, #tpu.memory_space<hbm>> -> memref<5248xf32, #tpu.memory_space<hbm>>
    %dma_start3A_168 = arith.constant 57728 : i32
    %dma_start3A_169 = tpu.memref_slice %arg7[%dma_start3A_168] : memref<62976xf32, #tpu.memory_space<vmem>> -> memref<5248xf32, #tpu.memory_space<vmem>>
    %dma_start3A_170 = tpu.memref_slice %arg2[%add3A_164] : memref<3000000xf32, #tpu.memory_space<hbm>> -> memref<5248xf32, #tpu.memory_space<hbm>>
    tpu.enqueue_dma source(%dma_start3A_170 : memref<5248xf32, #tpu.memory_space<hbm>>) target(%dma_start3A_169 : memref<5248xf32, #tpu.memory_space<vmem>>) target_semaphore(%arg10 : memref<!tpu.dma_semaphore, #tpu.memory_space<semaphore_mem>>)
    "tpu.region"() ({
      %run_scoped3A = tpu.sem_alloc : memref<!tpu.dma_semaphore, #tpu.memory_space<semaphore_mem>>
      tpu.enqueue_dma source(%arg3 : memref<9x16xf32, #tpu.memory_space<hbm>>) target(%arg9 : memref<9x16xf32, #tpu.memory_space<vmem>>) target_semaphore(%run_scoped3A : memref<!tpu.dma_semaphore, #tpu.memory_space<semaphore_mem>>)
      tpu.wait_dma2 semaphore(%run_scoped3A : memref<!tpu.dma_semaphore, #tpu.memory_space<semaphore_mem>>) src(%arg3 : memref<9x16xf32, #tpu.memory_space<hbm>>) dst(%arg9 : memref<9x16xf32, #tpu.memory_space<vmem>>)
      tpu.yield
    }) : () -> ()
    %get3A = arith.constant 0 : i32
    %get3A_171 = arith.index_cast %get3A : i32 to index
    %get3A_172 = arith.constant 0 : index
    %get3A_173 = tpu.vector_load %arg9[%get3A_171, %get3A_172] {strides = array<i32>} : memref<9x16xf32, #tpu.memory_space<vmem>>, vector<1x16xf32>,
    %get3A_174 = vector.shape_cast %get3A_173 : vector<1x16xf32> to vector<16xf32>
    %get3A_175 = arith.constant 1 : i32
    %get3A_176 = arith.index_cast %get3A_175 : i32 to index
    %get3A_177 = arith.constant 0 : index
    %get3A_178 = tpu.vector_load %arg9[%get3A_176, %get3A_177] {strides = array<i32>} : memref<9x16xf32, #tpu.memory_space<vmem>>, vector<1x16xf32>,
    %get3A_179 = vector.shape_cast %get3A_178 : vector<1x16xf32> to vector<16xf32>
    %get3A_180 = arith.constant 2 : i32
    %get3A_181 = arith.index_cast %get3A_180 : i32 to index
    %get3A_182 = arith.constant 0 : index
    %get3A_183 = tpu.vector_load %arg9[%get3A_181, %get3A_182] {strides = array<i32>} : memref<9x16xf32, #tpu.memory_space<vmem>>, vector<1x16xf32>,
    %get3A_184 = vector.shape_cast %get3A_183 : vector<1x16xf32> to vector<16xf32>
    %get3A_185 = arith.constant 3 : i32
    %get3A_186 = arith.index_cast %get3A_185 : i32 to index
    %get3A_187 = arith.constant 0 : index
    %get3A_188 = tpu.vector_load %arg9[%get3A_186, %get3A_187] {strides = array<i32>} : memref<9x16xf32, #tpu.memory_space<vmem>>, vector<1x16xf32>,
    %get3A_189 = vector.shape_cast %get3A_188 : vector<1x16xf32> to vector<16xf32>
    %get3A_190 = arith.constant 4 : i32
    %get3A_191 = arith.index_cast %get3A_190 : i32 to index
    %get3A_192 = arith.constant 0 : index
    %get3A_193 = tpu.vector_load %arg9[%get3A_191, %get3A_192] {strides = array<i32>} : memref<9x16xf32, #tpu.memory_space<vmem>>, vector<1x16xf32>,
    %get3A_194 = vector.shape_cast %get3A_193 : vector<1x16xf32> to vector<16xf32>
    %get3A_195 = arith.constant 5 : i32
    %get3A_196 = arith.index_cast %get3A_195 : i32 to index
    %get3A_197 = arith.constant 0 : index
    %get3A_198 = tpu.vector_load %arg9[%get3A_196, %get3A_197] {strides = array<i32>} : memref<9x16xf32, #tpu.memory_space<vmem>>, vector<1x16xf32>,
    %get3A_199 = vector.shape_cast %get3A_198 : vector<1x16xf32> to vector<16xf32>
    %get3A_200 = arith.constant 6 : i32
    %get3A_201 = arith.index_cast %get3A_200 : i32 to index
    %get3A_202 = arith.constant 0 : index
    %get3A_203 = tpu.vector_load %arg9[%get3A_201, %get3A_202] {strides = array<i32>} : memref<9x16xf32, #tpu.memory_space<vmem>>, vector<1x16xf32>,
    %get3A_204 = vector.shape_cast %get3A_203 : vector<1x16xf32> to vector<16xf32>
    %get3A_205 = arith.constant 7 : i32
    %get3A_206 = arith.index_cast %get3A_205 : i32 to index
    %get3A_207 = arith.constant 0 : index
    %get3A_208 = tpu.vector_load %arg9[%get3A_206, %get3A_207] {strides = array<i32>} : memref<9x16xf32, #tpu.memory_space<vmem>>, vector<1x16xf32>,
    %get3A_209 = vector.shape_cast %get3A_208 : vector<1x16xf32> to vector<16xf32>
    %get3A_210 = arith.constant 8 : i32
    %get3A_211 = arith.index_cast %get3A_210 : i32 to index
    %get3A_212 = arith.constant 0 : index
    %get3A_213 = tpu.vector_load %arg9[%get3A_211, %get3A_212] {strides = array<i32>} : memref<9x16xf32, #tpu.memory_space<vmem>>, vector<1x16xf32>,
    %get3A_214 = vector.shape_cast %get3A_213 : vector<1x16xf32> to vector<16xf32>
    %broadcast_in_dim3A = arith.constant 2.560000e+02 : f32
    %broadcast_in_dim3A_215 = vector.broadcast %broadcast_in_dim3A : f32 to vector<16xf32>
    %broadcast_in_dim3A_216 = arith.constant -1 : i32
    %broadcast_in_dim3A_217 = vector.broadcast %broadcast_in_dim3A_216 : i32 to vector<16xi32>
    %broadcast_in_dim3A_218 = arith.constant -1.000000e+01 : f32
    %broadcast_in_dim3A_219 = vector.broadcast %broadcast_in_dim3A_218 : f32 to vector<16xf32>
    %broadcast_in_dim3A_220 = arith.constant 254 : i32
    %broadcast_in_dim3A_221 = vector.broadcast %broadcast_in_dim3A_220 : i32 to vector<16xi32>
    %dma_wait3A = arith.constant 0 : i32
    %dma_wait3A_222 = tpu.memref_slice %arg7[%dma_wait3A] : memref<62976xf32, #tpu.memory_space<vmem>> -> memref<15744xf32, #tpu.memory_space<vmem>>
    %dma_wait3A_223 = arith.constant 0 : i32
    %dma_wait3A_224 = tpu.memref_slice %arg2[%dma_wait3A_223] : memref<3000000xf32, #tpu.memory_space<hbm>> -> memref<15744xf32, #tpu.memory_space<hbm>>
    %dma_wait3A_225 = arith.constant 0 : i32
    %dma_wait3A_226 = tpu.memref_slice %arg7[%dma_wait3A_225] : memref<62976xf32, #tpu.memory_space<vmem>> -> memref<15744xf32, #tpu.memory_space<vmem>>
    %dma_wait3A_227 = arith.constant 0 : i32
    %dma_wait3A_228 = tpu.memref_slice %arg2[%dma_wait3A_227] : memref<3000000xf32, #tpu.memory_space<hbm>> -> memref<15744xf32, #tpu.memory_space<hbm>>
    tpu.wait_dma2 semaphore(%arg10 : memref<!tpu.dma_semaphore, #tpu.memory_space<semaphore_mem>>) src(%dma_wait3A_228 : memref<15744xf32, #tpu.memory_space<hbm>>) dst(%dma_wait3A_226 : memref<15744xf32, #tpu.memory_space<vmem>>)
    %scan3A = arith.constant 0 : i32
    %scan3A_229 = arith.constant 0 : i32
    %scan3A_230 = arith.constant 41 : i32
    %scan3A_231 = arith.addi %scan3A_229, %scan3A_230 : i32
    %scan3A_232 = arith.constant 1 : i32
    %scan3A_233 = scf.for %scan3A_318 = %scan3A_229 to %scan3A_231 step %scan3A_232 iter_args(%scan3A_319 = %scan3A) -> (i32)  : i32 {
      %mul3A_320 = arith.constant 8 : i32
      %mul3A_321 = arith.muli %scan3A_318, %mul3A_320 : i32
      %add3A_322 = arith.constant 0 : i32
      %add3A_323 = arith.addi %mul3A_321, %add3A_322 : i32
      %mul3A_324 = arith.constant 16 : i32
      %mul3A_325 = arith.muli %add3A_323, %mul3A_324 : i32
      %get3A_326 = arith.index_cast %mul3A_325 : i32 to index
      %get3A_327 = tpu.vector_load %arg6[%get3A_326] {strides = array<i32>} : memref<31488xf32, #tpu.memory_space<vmem>>, vector<16xf32>,
      %get3A_328 = vector.shape_cast %get3A_327 : vector<16xf32> to vector<16xf32>
      %get3A_329 = arith.index_cast %mul3A_325 : i32 to index
      %get3A_330 = tpu.vector_load %arg7[%get3A_329] {strides = array<i32>} : memref<62976xf32, #tpu.memory_space<vmem>>, vector<16xf32>,
      %get3A_331 = vector.shape_cast %get3A_330 : vector<16xf32> to vector<16xf32>
      %mul3A_332 = arith.constant 16 : i32
      %mul3A_333 = arith.muli %add3A_323, %mul3A_332 : i32
      %add3A_334 = arith.constant 31488 : i32
      %add3A_335 = arith.addi %add3A_334, %mul3A_333 : i32
      %get3A_336 = arith.index_cast %add3A_335 : i32 to index
      %get3A_337 = tpu.vector_load %arg7[%get3A_336] {strides = array<i32>} : memref<62976xf32, #tpu.memory_space<vmem>>, vector<16xf32>,
      %get3A_338 = vector.shape_cast %get3A_337 : vector<16xf32> to vector<16xf32>
      %sub3A = arith.subf %get3A_328, %get3A_174 : vector<16xf32>
      %mul3A_339 = arith.mulf %sub3A, %broadcast_in_dim3A_215 : vector<16xf32>
      %convert_element_type3A = arith.fptosi %mul3A_339 : vector<16xf32> to vector<16xi32>
      %sub3A_340 = arith.subf %get3A_331, %get3A_179 : vector<16xf32>
      %mul3A_341 = arith.mulf %sub3A_340, %broadcast_in_dim3A_215 : vector<16xf32>
      %convert_element_type3A_342 = arith.fptosi %mul3A_341 : vector<16xf32> to vector<16xi32>
      %sub3A_343 = arith.subf %get3A_338, %get3A_184 : vector<16xf32>
      %mul3A_344 = arith.mulf %sub3A_343, %broadcast_in_dim3A_215 : vector<16xf32>
      %convert_element_type3A_345 = arith.fptosi %mul3A_344 : vector<16xf32> to vector<16xi32>
      %mul3A_346 = arith.constant 65536 : i32
      %mul3A_347 = vector.broadcast %mul3A_346 : i32 to vector<16xi32>
      %mul3A_348 = arith.muli %convert_element_type3A, %mul3A_347 : vector<16xi32>
      %mul3A_349 = arith.constant 256 : i32
      %mul3A_350 = vector.broadcast %mul3A_349 : i32 to vector<16xi32>
      %mul3A_351 = arith.muli %convert_element_type3A_342, %mul3A_350 : vector<16xi32>
      %add3A_352 = arith.addi %mul3A_348, %mul3A_351 : vector<16xi32>
      %add3A_353 = arith.addi %add3A_352, %convert_element_type3A_345 : vector<16xi32>
      %sub3A_354 = arith.constant 1 : i32
      %sub3A_355 = vector.broadcast %sub3A_354 : i32 to vector<16xi32>
      %sub3A_356 = arith.subi %convert_element_type3A, %sub3A_355 : vector<16xi32>
      %bitcast_convert_type3A = tpu.bitcast %sub3A_356 : vector<16xi32> -> vector<16xi32>
      %lt3A = arith.cmpi ult, %bitcast_convert_type3A, %broadcast_in_dim3A_221 : vector<16xi32>
      %sub3A_357 = arith.constant 1 : i32
      %sub3A_358 = vector.broadcast %sub3A_357 : i32 to vector<16xi32>
      %sub3A_359 = arith.subi %convert_element_type3A_342, %sub3A_358 : vector<16xi32>
      %bitcast_convert_type3A_360 = tpu.bitcast %sub3A_359 : vector<16xi32> -> vector<16xi32>
      %lt3A_361 = arith.cmpi ult, %bitcast_convert_type3A_360, %broadcast_in_dim3A_221 : vector<16xi32>
      %and3A = arith.andi %lt3A, %lt3A_361 : vector<16xi1>
      %sub3A_362 = arith.constant 1 : i32
      %sub3A_363 = vector.broadcast %sub3A_362 : i32 to vector<16xi32>
      %sub3A_364 = arith.subi %convert_element_type3A_345, %sub3A_363 : vector<16xi32>
      %bitcast_convert_type3A_365 = tpu.bitcast %sub3A_364 : vector<16xi32> -> vector<16xi32>
      %lt3A_366 = arith.cmpi ult, %bitcast_convert_type3A_365, %broadcast_in_dim3A_221 : vector<16xi32>
      %and3A_367 = arith.andi %and3A, %lt3A_366 : vector<16xi1>
      %select_n3A = arith.select %and3A_367, %add3A_353, %broadcast_in_dim3A_217 : vector<16xi1>, vector<16xi32>
      %swap3A = arith.index_cast %mul3A_325 : i32 to index
      %swap3A_368 = tpu.vector_load %arg8[%swap3A] {strides = array<i32>} : memref<31488xi32, #tpu.memory_space<vmem>>, vector<16xi32>,
      %swap3A_369 = vector.shape_cast %swap3A_368 : vector<16xi32> to vector<16xi32>
      %swap3A_370 = vector.shape_cast %select_n3A : vector<16xi32> to vector<16xi32>
      tpu.vector_store %arg8[%swap3A], %swap3A_370 {strides = array<i32>} : memref<31488xi32, #tpu.memory_space<vmem>>, vector<16xi32>,
      %swap3A_371 = arith.index_cast %mul3A_325 : i32 to index
      %swap3A_372 = tpu.vector_load %arg7[%swap3A_371] {strides = array<i32>} : memref<62976xf32, #tpu.memory_space<vmem>>, vector<16xf32>,
      %swap3A_373 = vector.shape_cast %swap3A_372 : vector<16xf32> to vector<16xf32>
      %swap3A_374 = vector.shape_cast %broadcast_in_dim3A_219 : vector<16xf32> to vector<16xf32>
      tpu.vector_store %arg7[%swap3A_371], %swap3A_374 {strides = array<i32>} : memref<62976xf32, #tpu.memory_space<vmem>>, vector<16xf32>,
      %mul3A_375 = arith.constant 8 : i32
      %mul3A_376 = arith.muli %scan3A_318, %mul3A_375 : i32
      %add3A_377 = arith.constant 1 : i32
      %add3A_378 = arith.addi %mul3A_376, %add3A_377 : i32
      %mul3A_379 = arith.constant 16 : i32
      %mul3A_380 = arith.muli %add3A_378, %mul3A_379 : i32
      %get3A_381 = arith.index_cast %mul3A_380 : i32 to index
      %get3A_382 = tpu.vector_load %arg6[%get3A_381] {strides = array<i32>} : memref<31488xf32, #tpu.memory_space<vmem>>, vector<16xf32>,
      %get3A_383 = vector.shape_cast %get3A_382 : vector<16xf32> to vector<16xf32>
      %get3A_384 = arith.index_cast %mul3A_380 : i32 to index
      %get3A_385 = tpu.vector_load %arg7[%get3A_384] {strides = array<i32>} : memref<62976xf32, #tpu.memory_space<vmem>>, vector<16xf32>,
      %get3A_386 = vector.shape_cast %get3A_385 : vector<16xf32> to vector<16xf32>
      %mul3A_387 = arith.constant 16 : i32
      %mul3A_388 = arith.muli %add3A_378, %mul3A_387 : i32
      %add3A_389 = arith.constant 31488 : i32
      %add3A_390 = arith.addi %add3A_389, %mul3A_388 : i32
      %get3A_391 = arith.index_cast %add3A_390 : i32 to index
      %get3A_392 = tpu.vector_load %arg7[%get3A_391] {strides = array<i32>} : memref<62976xf32, #tpu.memory_space<vmem>>, vector<16xf32>,
      %get3A_393 = vector.shape_cast %get3A_392 : vector<16xf32> to vector<16xf32>
      %sub3A_394 = arith.subf %get3A_383, %get3A_174 : vector<16xf32>
      %mul3A_395 = arith.mulf %sub3A_394, %broadcast_in_dim3A_215 : vector<16xf32>
      %convert_element_type3A_396 = arith.fptosi %mul3A_395 : vector<16xf32> to vector<16xi32>
      %sub3A_397 = arith.subf %get3A_386, %get3A_179 : vector<16xf32>
      %mul3A_398 = arith.mulf %sub3A_397, %broadcast_in_dim3A_215 : vector<16xf32>
      %convert_element_type3A_399 = arith.fptosi %mul3A_398 : vector<16xf32> to vector<16xi32>
      %sub3A_400 = arith.subf %get3A_393, %get3A_184 : vector<16xf32>
      %mul3A_401 = arith.mulf %sub3A_400, %broadcast_in_dim3A_215 : vector<16xf32>
      %convert_element_type3A_402 = arith.fptosi %mul3A_401 : vector<16xf32> to vector<16xi32>
      %mul3A_403 = arith.constant 65536 : i32
      %mul3A_404 = vector.broadcast %mul3A_403 : i32 to vector<16xi32>
      %mul3A_405 = arith.muli %convert_element_type3A_396, %mul3A_404 : vector<16xi32>
      %mul3A_406 = arith.constant 256 : i32
      %mul3A_407 = vector.broadcast %mul3A_406 : i32 to vector<16xi32>
      %mul3A_408 = arith.muli %convert_element_type3A_399, %mul3A_407 : vector<16xi32>
      %add3A_409 = arith.addi %mul3A_405, %mul3A_408 : vector<16xi32>
      %add3A_410 = arith.addi %add3A_409, %convert_element_type3A_402 : vector<16xi32>
      %sub3A_411 = arith.constant 1 : i32
      %sub3A_412 = vector.broadcast %sub3A_411 : i32 to vector<16xi32>
      %sub3A_413 = arith.subi %convert_element_type3A_396, %sub3A_412 : vector<16xi32>
      %bitcast_convert_type3A_414 = tpu.bitcast %sub3A_413 : vector<16xi32> -> vector<16xi32>
      %lt3A_415 = arith.cmpi ult, %bitcast_convert_type3A_414, %broadcast_in_dim3A_221 : vector<16xi32>
      %sub3A_416 = arith.constant 1 : i32
      %sub3A_417 = vector.broadcast %sub3A_416 : i32 to vector<16xi32>
      %sub3A_418 = arith.subi %convert_element_type3A_399, %sub3A_417 : vector<16xi32>
      %bitcast_convert_type3A_419 = tpu.bitcast %sub3A_418 : vector<16xi32> -> vector<16xi32>
      %lt3A_420 = arith.cmpi ult, %bitcast_convert_type3A_419, %broadcast_in_dim3A_221 : vector<16xi32>
      %and3A_421 = arith.andi %lt3A_415, %lt3A_420 : vector<16xi1>
      %sub3A_422 = arith.constant 1 : i32
      %sub3A_423 = vector.broadcast %sub3A_422 : i32 to vector<16xi32>
      %sub3A_424 = arith.subi %convert_element_type3A_402, %sub3A_423 : vector<16xi32>
      %bitcast_convert_type3A_425 = tpu.bitcast %sub3A_424 : vector<16xi32> -> vector<16xi32>
      %lt3A_426 = arith.cmpi ult, %bitcast_convert_type3A_425, %broadcast_in_dim3A_221 : vector<16xi32>
      %and3A_427 = arith.andi %and3A_421, %lt3A_426 : vector<16xi1>
      %select_n3A_428 = arith.select %and3A_427, %add3A_410, %broadcast_in_dim3A_217 : vector<16xi1>, vector<16xi32>
      %swap3A_429 = arith.index_cast %mul3A_380 : i32 to index
      %swap3A_430 = tpu.vector_load %arg8[%swap3A_429] {strides = array<i32>} : memref<31488xi32, #tpu.memory_space<vmem>>, vector<16xi32>,
      %swap3A_431 = vector.shape_cast %swap3A_430 : vector<16xi32> to vector<16xi32>
      %swap3A_432 = vector.shape_cast %select_n3A_428 : vector<16xi32> to vector<16xi32>
      tpu.vector_store %arg8[%swap3A_429], %swap3A_432 {strides = array<i32>} : memref<31488xi32, #tpu.memory_space<vmem>>, vector<16xi32>,
      %swap3A_433 = arith.index_cast %mul3A_380 : i32 to index
      %swap3A_434 = tpu.vector_load %arg7[%swap3A_433] {strides = array<i32>} : memref<62976xf32, #tpu.memory_space<vmem>>, vector<16xf32>,
      %swap3A_435 = vector.shape_cast %swap3A_434 : vector<16xf32> to vector<16xf32>
      %swap3A_436 = vector.shape_cast %broadcast_in_dim3A_219 : vector<16xf32> to vector<16xf32>
      tpu.vector_store %arg7[%swap3A_433], %swap3A_436 {strides = array<i32>} : memref<62976xf32, #tpu.memory_space<vmem>>, vector<16xf32>,
      %mul3A_437 = arith.constant 8 : i32
      %mul3A_438 = arith.muli %scan3A_318, %mul3A_437 : i32
      %add3A_439 = arith.constant 2 : i32
      %add3A_440 = arith.addi %mul3A_438, %add3A_439 : i32
      %mul3A_441 = arith.constant 16 : i32
      %mul3A_442 = arith.muli %add3A_440, %mul3A_441 : i32
      %get3A_443 = arith.index_cast %mul3A_442 : i32 to index
      %get3A_444 = tpu.vector_load %arg6[%get3A_443] {strides = array<i32>} : memref<31488xf32, #tpu.memory_space<vmem>>, vector<16xf32>,
      %get3A_445 = vector.shape_cast %get3A_444 : vector<16xf32> to vector<16xf32>
      %get3A_446 = arith.index_cast %mul3A_442 : i32 to index
      %get3A_447 = tpu.vector_load %arg7[%get3A_446] {strides = array<i32>} : memref<62976xf32, #tpu.memory_space<vmem>>, vector<16xf32>,
      %get3A_448 = vector.shape_cast %get3A_447 : vector<16xf32> to vector<16xf32>
      %mul3A_449 = arith.constant 16 : i32
      %mul3A_450 = arith.muli %add3A_440, %mul3A_449 : i32
      %add3A_451 = arith.constant 31488 : i32
      %add3A_452 = arith.addi %add3A_451, %mul3A_450 : i32
      %get3A_453 = arith.index_cast %add3A_452 : i32 to index
      %get3A_454 = tpu.vector_load %arg7[%get3A_453] {strides = array<i32>} : memref<62976xf32, #tpu.memory_space<vmem>>, vector<16xf32>,
      %get3A_455 = vector.shape_cast %get3A_454 : vector<16xf32> to vector<16xf32>
      %sub3A_456 = arith.subf %get3A_445, %get3A_174 : vector<16xf32>
      %mul3A_457 = arith.mulf %sub3A_456, %broadcast_in_dim3A_215 : vector<16xf32>
      %convert_element_type3A_458 = arith.fptosi %mul3A_457 : vector<16xf32> to vector<16xi32>
      %sub3A_459 = arith.subf %get3A_448, %get3A_179 : vector<16xf32>
      %mul3A_460 = arith.mulf %sub3A_459, %broadcast_in_dim3A_215 : vector<16xf32>
      %convert_element_type3A_461 = arith.fptosi %mul3A_460 : vector<16xf32> to vector<16xi32>
      %sub3A_462 = arith.subf %get3A_455, %get3A_184 : vector<16xf32>
      %mul3A_463 = arith.mulf %sub3A_462, %broadcast_in_dim3A_215 : vector<16xf32>
      %convert_element_type3A_464 = arith.fptosi %mul3A_463 : vector<16xf32> to vector<16xi32>
      %mul3A_465 = arith.constant 65536 : i32
      %mul3A_466 = vector.broadcast %mul3A_465 : i32 to vector<16xi32>
      %mul3A_467 = arith.muli %convert_element_type3A_458, %mul3A_466 : vector<16xi32>
      %mul3A_468 = arith.constant 256 : i32
      %mul3A_469 = vector.broadcast %mul3A_468 : i32 to vector<16xi32>
      %mul3A_470 = arith.muli %convert_element_type3A_461, %mul3A_469 : vector<16xi32>
      %add3A_471 = arith.addi %mul3A_467, %mul3A_470 : vector<16xi32>
      %add3A_472 = arith.addi %add3A_471, %convert_element_type3A_464 : vector<16xi32>
      %sub3A_473 = arith.constant 1 : i32
      %sub3A_474 = vector.broadcast %sub3A_473 : i32 to vector<16xi32>
      %sub3A_475 = arith.subi %convert_element_type3A_458, %sub3A_474 : vector<16xi32>
      %bitcast_convert_type3A_476 = tpu.bitcast %sub3A_475 : vector<16xi32> -> vector<16xi32>
      %lt3A_477 = arith.cmpi ult, %bitcast_convert_type3A_476, %broadcast_in_dim3A_221 : vector<16xi32>
      %sub3A_478 = arith.constant 1 : i32
      %sub3A_479 = vector.broadcast %sub3A_478 : i32 to vector<16xi32>
      %sub3A_480 = arith.subi %convert_element_type3A_461, %sub3A_479 : vector<16xi32>
      %bitcast_convert_type3A_481 = tpu.bitcast %sub3A_480 : vector<16xi32> -> vector<16xi32>
      %lt3A_482 = arith.cmpi ult, %bitcast_convert_type3A_481, %broadcast_in_dim3A_221 : vector<16xi32>
      %and3A_483 = arith.andi %lt3A_477, %lt3A_482 : vector<16xi1>
      %sub3A_484 = arith.constant 1 : i32
      %sub3A_485 = vector.broadcast %sub3A_484 : i32 to vector<16xi32>
      %sub3A_486 = arith.subi %convert_element_type3A_464, %sub3A_485 : vector<16xi32>
      %bitcast_convert_type3A_487 = tpu.bitcast %sub3A_486 : vector<16xi32> -> vector<16xi32>
      %lt3A_488 = arith.cmpi ult, %bitcast_convert_type3A_487, %broadcast_in_dim3A_221 : vector<16xi32>
      %and3A_489 = arith.andi %and3A_483, %lt3A_488 : vector<16xi1>
      %select_n3A_490 = arith.select %and3A_489, %add3A_472, %broadcast_in_dim3A_217 : vector<16xi1>, vector<16xi32>
      %swap3A_491 = arith.index_cast %mul3A_442 : i32 to index
      %swap3A_492 = tpu.vector_load %arg8[%swap3A_491] {strides = array<i32>} : memref<31488xi32, #tpu.memory_space<vmem>>, vector<16xi32>,
      %swap3A_493 = vector.shape_cast %swap3A_492 : vector<16xi32> to vector<16xi32>
      %swap3A_494 = vector.shape_cast %select_n3A_490 : vector<16xi32> to vector<16xi32>
      tpu.vector_store %arg8[%swap3A_491], %swap3A_494 {strides = array<i32>} : memref<31488xi32, #tpu.memory_space<vmem>>, vector<16xi32>,
      %swap3A_495 = arith.index_cast %mul3A_442 : i32 to index
      %swap3A_496 = tpu.vector_load %arg7[%swap3A_495] {strides = array<i32>} : memref<62976xf32, #tpu.memory_space<vmem>>, vector<16xf32>,
      %swap3A_497 = vector.shape_cast %swap3A_496 : vector<16xf32> to vector<16xf32>
      %swap3A_498 = vector.shape_cast %broadcast_in_dim3A_219 : vector<16xf32> to vector<16xf32>
      tpu.vector_store %arg7[%swap3A_495], %swap3A_498 {strides = array<i32>} : memref<62976xf32, #tpu.memory_space<vmem>>, vector<16xf32>,
      %mul3A_499 = arith.constant 8 : i32
      %mul3A_500 = arith.muli %scan3A_318, %mul3A_499 : i32
      %add3A_501 = arith.constant 3 : i32
      %add3A_502 = arith.addi %mul3A_500, %add3A_501 : i32
      %mul3A_503 = arith.constant 16 : i32
      %mul3A_504 = arith.muli %add3A_502, %mul3A_503 : i32
      %get3A_505 = arith.index_cast %mul3A_504 : i32 to index
      %get3A_506 = tpu.vector_load %arg6[%get3A_505] {strides = array<i32>} : memref<31488xf32, #tpu.memory_space<vmem>>, vector<16xf32>,
      %get3A_507 = vector.shape_cast %get3A_506 : vector<16xf32> to vector<16xf32>
      %get3A_508 = arith.index_cast %mul3A_504 : i32 to index
      %get3A_509 = tpu.vector_load %arg7[%get3A_508] {strides = array<i32>} : memref<62976xf32, #tpu.memory_space<vmem>>, vector<16xf32>,
      %get3A_510 = vector.shape_cast %get3A_509 : vector<16xf32> to vector<16xf32>
      %mul3A_511 = arith.constant 16 : i32
      %mul3A_512 = arith.muli %add3A_502, %mul3A_511 : i32
      %add3A_513 = arith.constant 31488 : i32
      %add3A_514 = arith.addi %add3A_513, %mul3A_512 : i32
      %get3A_515 = arith.index_cast %add3A_514 : i32 to index
      %get3A_516 = tpu.vector_load %arg7[%get3A_515] {strides = array<i32>} : memref<62976xf32, #tpu.memory_space<vmem>>, vector<16xf32>,
      %get3A_517 = vector.shape_cast %get3A_516 : vector<16xf32> to vector<16xf32>
      %sub3A_518 = arith.subf %get3A_507, %get3A_174 : vector<16xf32>
      %mul3A_519 = arith.mulf %sub3A_518, %broadcast_in_dim3A_215 : vector<16xf32>
      %convert_element_type3A_520 = arith.fptosi %mul3A_519 : vector<16xf32> to vector<16xi32>
      %sub3A_521 = arith.subf %get3A_510, %get3A_179 : vector<16xf32>
      %mul3A_522 = arith.mulf %sub3A_521, %broadcast_in_dim3A_215 : vector<16xf32>
      %convert_element_type3A_523 = arith.fptosi %mul3A_522 : vector<16xf32> to vector<16xi32>
      %sub3A_524 = arith.subf %get3A_517, %get3A_184 : vector<16xf32>
      %mul3A_525 = arith.mulf %sub3A_524, %broadcast_in_dim3A_215 : vector<16xf32>
      %convert_element_type3A_526 = arith.fptosi %mul3A_525 : vector<16xf32> to vector<16xi32>
      %mul3A_527 = arith.constant 65536 : i32
      %mul3A_528 = vector.broadcast %mul3A_527 : i32 to vector<16xi32>
      %mul3A_529 = arith.muli %convert_element_type3A_520, %mul3A_528 : vector<16xi32>
      %mul3A_530 = arith.constant 256 : i32
      %mul3A_531 = vector.broadcast %mul3A_530 : i32 to vector<16xi32>
      %mul3A_532 = arith.muli %convert_element_type3A_523, %mul3A_531 : vector<16xi32>
      %add3A_533 = arith.addi %mul3A_529, %mul3A_532 : vector<16xi32>
      %add3A_534 = arith.addi %add3A_533, %convert_element_type3A_526 : vector<16xi32>
      %sub3A_535 = arith.constant 1 : i32
      %sub3A_536 = vector.broadcast %sub3A_535 : i32 to vector<16xi32>
      %sub3A_537 = arith.subi %convert_element_type3A_520, %sub3A_536 : vector<16xi32>
      %bitcast_convert_type3A_538 = tpu.bitcast %sub3A_537 : vector<16xi32> -> vector<16xi32>
      %lt3A_539 = arith.cmpi ult, %bitcast_convert_type3A_538, %broadcast_in_dim3A_221 : vector<16xi32>
      %sub3A_540 = arith.constant 1 : i32
      %sub3A_541 = vector.broadcast %sub3A_540 : i32 to vector<16xi32>
      %sub3A_542 = arith.subi %convert_element_type3A_523, %sub3A_541 : vector<16xi32>
      %bitcast_convert_type3A_543 = tpu.bitcast %sub3A_542 : vector<16xi32> -> vector<16xi32>
      %lt3A_544 = arith.cmpi ult, %bitcast_convert_type3A_543, %broadcast_in_dim3A_221 : vector<16xi32>
      %and3A_545 = arith.andi %lt3A_539, %lt3A_544 : vector<16xi1>
      %sub3A_546 = arith.constant 1 : i32
      %sub3A_547 = vector.broadcast %sub3A_546 : i32 to vector<16xi32>
      %sub3A_548 = arith.subi %convert_element_type3A_526, %sub3A_547 : vector<16xi32>
      %bitcast_convert_type3A_549 = tpu.bitcast %sub3A_548 : vector<16xi32> -> vector<16xi32>
      %lt3A_550 = arith.cmpi ult, %bitcast_convert_type3A_549, %broadcast_in_dim3A_221 : vector<16xi32>
      %and3A_551 = arith.andi %and3A_545, %lt3A_550 : vector<16xi1>
      %select_n3A_552 = arith.select %and3A_551, %add3A_534, %broadcast_in_dim3A_217 : vector<16xi1>, vector<16xi32>
      %swap3A_553 = arith.index_cast %mul3A_504 : i32 to index
      %swap3A_554 = tpu.vector_load %arg8[%swap3A_553] {strides = array<i32>} : memref<31488xi32, #tpu.memory_space<vmem>>, vector<16xi32>,
      %swap3A_555 = vector.shape_cast %swap3A_554 : vector<16xi32> to vector<16xi32>
      %swap3A_556 = vector.shape_cast %select_n3A_552 : vector<16xi32> to vector<16xi32>
      tpu.vector_store %arg8[%swap3A_553], %swap3A_556 {strides = array<i32>} : memref<31488xi32, #tpu.memory_space<vmem>>, vector<16xi32>,
      %swap3A_557 = arith.index_cast %mul3A_504 : i32 to index
      %swap3A_558 = tpu.vector_load %arg7[%swap3A_557] {strides = array<i32>} : memref<62976xf32, #tpu.memory_space<vmem>>, vector<16xf32>,
      %swap3A_559 = vector.shape_cast %swap3A_558 : vector<16xf32> to vector<16xf32>
      %swap3A_560 = vector.shape_cast %broadcast_in_dim3A_219 : vector<16xf32> to vector<16xf32>
      tpu.vector_store %arg7[%swap3A_557], %swap3A_560 {strides = array<i32>} : memref<62976xf32, #tpu.memory_space<vmem>>, vector<16xf32>,
      %mul3A_561 = arith.constant 8 : i32
      %mul3A_562 = arith.muli %scan3A_318, %mul3A_561 : i32
      %add3A_563 = arith.constant 4 : i32
      %add3A_564 = arith.addi %mul3A_562, %add3A_563 : i32
      %mul3A_565 = arith.constant 16 : i32
      %mul3A_566 = arith.muli %add3A_564, %mul3A_565 : i32
      %get3A_567 = arith.index_cast %mul3A_566 : i32 to index
      %get3A_568 = tpu.vector_load %arg6[%get3A_567] {strides = array<i32>} : memref<31488xf32, #tpu.memory_space<vmem>>, vector<16xf32>,
      %get3A_569 = vector.shape_cast %get3A_568 : vector<16xf32> to vector<16xf32>
      %get3A_570 = arith.index_cast %mul3A_566 : i32 to index
      %get3A_571 = tpu.vector_load %arg7[%get3A_570] {strides = array<i32>} : memref<62976xf32, #tpu.memory_space<vmem>>, vector<16xf32>,
      %get3A_572 = vector.shape_cast %get3A_571 : vector<16xf32> to vector<16xf32>
      %mul3A_573 = arith.constant 16 : i32
      %mul3A_574 = arith.muli %add3A_564, %mul3A_573 : i32
      %add3A_575 = arith.constant 31488 : i32
      %add3A_576 = arith.addi %add3A_575, %mul3A_574 : i32
      %get3A_577 = arith.index_cast %add3A_576 : i32 to index
      %get3A_578 = tpu.vector_load %arg7[%get3A_577] {strides = array<i32>} : memref<62976xf32, #tpu.memory_space<vmem>>, vector<16xf32>,
      %get3A_579 = vector.shape_cast %get3A_578 : vector<16xf32> to vector<16xf32>
      %sub3A_580 = arith.subf %get3A_569, %get3A_174 : vector<16xf32>
      %mul3A_581 = arith.mulf %sub3A_580, %broadcast_in_dim3A_215 : vector<16xf32>
      %convert_element_type3A_582 = arith.fptosi %mul3A_581 : vector<16xf32> to vector<16xi32>
      %sub3A_583 = arith.subf %get3A_572, %get3A_179 : vector<16xf32>
      %mul3A_584 = arith.mulf %sub3A_583, %broadcast_in_dim3A_215 : vector<16xf32>
      %convert_element_type3A_585 = arith.fptosi %mul3A_584 : vector<16xf32> to vector<16xi32>
      %sub3A_586 = arith.subf %get3A_579, %get3A_184 : vector<16xf32>
      %mul3A_587 = arith.mulf %sub3A_586, %broadcast_in_dim3A_215 : vector<16xf32>
      %convert_element_type3A_588 = arith.fptosi %mul3A_587 : vector<16xf32> to vector<16xi32>
      %mul3A_589 = arith.constant 65536 : i32
      %mul3A_590 = vector.broadcast %mul3A_589 : i32 to vector<16xi32>
      %mul3A_591 = arith.muli %convert_element_type3A_582, %mul3A_590 : vector<16xi32>
      %mul3A_592 = arith.constant 256 : i32
      %mul3A_593 = vector.broadcast %mul3A_592 : i32 to vector<16xi32>
      %mul3A_594 = arith.muli %convert_element_type3A_585, %mul3A_593 : vector<16xi32>
      %add3A_595 = arith.addi %mul3A_591, %mul3A_594 : vector<16xi32>
      %add3A_596 = arith.addi %add3A_595, %convert_element_type3A_588 : vector<16xi32>
      %sub3A_597 = arith.constant 1 : i32
      %sub3A_598 = vector.broadcast %sub3A_597 : i32 to vector<16xi32>
      %sub3A_599 = arith.subi %convert_element_type3A_582, %sub3A_598 : vector<16xi32>
      %bitcast_convert_type3A_600 = tpu.bitcast %sub3A_599 : vector<16xi32> -> vector<16xi32>
      %lt3A_601 = arith.cmpi ult, %bitcast_convert_type3A_600, %broadcast_in_dim3A_221 : vector<16xi32>
      %sub3A_602 = arith.constant 1 : i32
      %sub3A_603 = vector.broadcast %sub3A_602 : i32 to vector<16xi32>
      %sub3A_604 = arith.subi %convert_element_type3A_585, %sub3A_603 : vector<16xi32>
      %bitcast_convert_type3A_605 = tpu.bitcast %sub3A_604 : vector<16xi32> -> vector<16xi32>
      %lt3A_606 = arith.cmpi ult, %bitcast_convert_type3A_605, %broadcast_in_dim3A_221 : vector<16xi32>
      %and3A_607 = arith.andi %lt3A_601, %lt3A_606 : vector<16xi1>
      %sub3A_608 = arith.constant 1 : i32
      %sub3A_609 = vector.broadcast %sub3A_608 : i32 to vector<16xi32>
      %sub3A_610 = arith.subi %convert_element_type3A_588, %sub3A_609 : vector<16xi32>
      %bitcast_convert_type3A_611 = tpu.bitcast %sub3A_610 : vector<16xi32> -> vector<16xi32>
      %lt3A_612 = arith.cmpi ult, %bitcast_convert_type3A_611, %broadcast_in_dim3A_221 : vector<16xi32>
      %and3A_613 = arith.andi %and3A_607, %lt3A_612 : vector<16xi1>
      %select_n3A_614 = arith.select %and3A_613, %add3A_596, %broadcast_in_dim3A_217 : vector<16xi1>, vector<16xi32>
      %swap3A_615 = arith.index_cast %mul3A_566 : i32 to index
      %swap3A_616 = tpu.vector_load %arg8[%swap3A_615] {strides = array<i32>} : memref<31488xi32, #tpu.memory_space<vmem>>, vector<16xi32>,
      %swap3A_617 = vector.shape_cast %swap3A_616 : vector<16xi32> to vector<16xi32>
      %swap3A_618 = vector.shape_cast %select_n3A_614 : vector<16xi32> to vector<16xi32>
      tpu.vector_store %arg8[%swap3A_615], %swap3A_618 {strides = array<i32>} : memref<31488xi32, #tpu.memory_space<vmem>>, vector<16xi32>,
      %swap3A_619 = arith.index_cast %mul3A_566 : i32 to index
      %swap3A_620 = tpu.vector_load %arg7[%swap3A_619] {strides = array<i32>} : memref<62976xf32, #tpu.memory_space<vmem>>, vector<16xf32>,
      %swap3A_621 = vector.shape_cast %swap3A_620 : vector<16xf32> to vector<16xf32>
      %swap3A_622 = vector.shape_cast %broadcast_in_dim3A_219 : vector<16xf32> to vector<16xf32>
      tpu.vector_store %arg7[%swap3A_619], %swap3A_622 {strides = array<i32>} : memref<62976xf32, #tpu.memory_space<vmem>>, vector<16xf32>,
      %mul3A_623 = arith.constant 8 : i32
      %mul3A_624 = arith.muli %scan3A_318, %mul3A_623 : i32
      %add3A_625 = arith.constant 5 : i32
      %add3A_626 = arith.addi %mul3A_624, %add3A_625 : i32
      %mul3A_627 = arith.constant 16 : i32
      %mul3A_628 = arith.muli %add3A_626, %mul3A_627 : i32
      %get3A_629 = arith.index_cast %mul3A_628 : i32 to index
      %get3A_630 = tpu.vector_load %arg6[%get3A_629] {strides = array<i32>} : memref<31488xf32, #tpu.memory_space<vmem>>, vector<16xf32>,
      %get3A_631 = vector.shape_cast %get3A_630 : vector<16xf32> to vector<16xf32>
      %get3A_632 = arith.index_cast %mul3A_628 : i32 to index
      %get3A_633 = tpu.vector_load %arg7[%get3A_632] {strides = array<i32>} : memref<62976xf32, #tpu.memory_space<vmem>>, vector<16xf32>,
      %get3A_634 = vector.shape_cast %get3A_633 : vector<16xf32> to vector<16xf32>
      %mul3A_635 = arith.constant 16 : i32
      %mul3A_636 = arith.muli %add3A_626, %mul3A_635 : i32
      %add3A_637 = arith.constant 31488 : i32
      %add3A_638 = arith.addi %add3A_637, %mul3A_636 : i32
      %get3A_639 = arith.index_cast %add3A_638 : i32 to index
      %get3A_640 = tpu.vector_load %arg7[%get3A_639] {strides = array<i32>} : memref<62976xf32, #tpu.memory_space<vmem>>, vector<16xf32>,
      %get3A_641 = vector.shape_cast %get3A_640 : vector<16xf32> to vector<16xf32>
      %sub3A_642 = arith.subf %get3A_631, %get3A_174 : vector<16xf32>
      %mul3A_643 = arith.mulf %sub3A_642, %broadcast_in_dim3A_215 : vector<16xf32>
      %convert_element_type3A_644 = arith.fptosi %mul3A_643 : vector<16xf32> to vector<16xi32>
      %sub3A_645 = arith.subf %get3A_634, %get3A_179 : vector<16xf32>
      %mul3A_646 = arith.mulf %sub3A_645, %broadcast_in_dim3A_215 : vector<16xf32>
      %convert_element_type3A_647 = arith.fptosi %mul3A_646 : vector<16xf32> to vector<16xi32>
      %sub3A_648 = arith.subf %get3A_641, %get3A_184 : vector<16xf32>
      %mul3A_649 = arith.mulf %sub3A_648, %broadcast_in_dim3A_215 : vector<16xf32>
      %convert_element_type3A_650 = arith.fptosi %mul3A_649 : vector<16xf32> to vector<16xi32>
      %mul3A_651 = arith.constant 65536 : i32
      %mul3A_652 = vector.broadcast %mul3A_651 : i32 to vector<16xi32>
      %mul3A_653 = arith.muli %convert_element_type3A_644, %mul3A_652 : vector<16xi32>
      %mul3A_654 = arith.constant 256 : i32
      %mul3A_655 = vector.broadcast %mul3A_654 : i32 to vector<16xi32>
      %mul3A_656 = arith.muli %convert_element_type3A_647, %mul3A_655 : vector<16xi32>
      %add3A_657 = arith.addi %mul3A_653, %mul3A_656 : vector<16xi32>
      %add3A_658 = arith.addi %add3A_657, %convert_element_type3A_650 : vector<16xi32>
      %sub3A_659 = arith.constant 1 : i32
      %sub3A_660 = vector.broadcast %sub3A_659 : i32 to vector<16xi32>
      %sub3A_661 = arith.subi %convert_element_type3A_644, %sub3A_660 : vector<16xi32>
      %bitcast_convert_type3A_662 = tpu.bitcast %sub3A_661 : vector<16xi32> -> vector<16xi32>
      %lt3A_663 = arith.cmpi ult, %bitcast_convert_type3A_662, %broadcast_in_dim3A_221 : vector<16xi32>
      %sub3A_664 = arith.constant 1 : i32
      %sub3A_665 = vector.broadcast %sub3A_664 : i32 to vector<16xi32>
      %sub3A_666 = arith.subi %convert_element_type3A_647, %sub3A_665 : vector<16xi32>
      %bitcast_convert_type3A_667 = tpu.bitcast %sub3A_666 : vector<16xi32> -> vector<16xi32>
      %lt3A_668 = arith.cmpi ult, %bitcast_convert_type3A_667, %broadcast_in_dim3A_221 : vector<16xi32>
      %and3A_669 = arith.andi %lt3A_663, %lt3A_668 : vector<16xi1>
      %sub3A_670 = arith.constant 1 : i32
      %sub3A_671 = vector.broadcast %sub3A_670 : i32 to vector<16xi32>
      %sub3A_672 = arith.subi %convert_element_type3A_650, %sub3A_671 : vector<16xi32>
      %bitcast_convert_type3A_673 = tpu.bitcast %sub3A_672 : vector<16xi32> -> vector<16xi32>
      %lt3A_674 = arith.cmpi ult, %bitcast_convert_type3A_673, %broadcast_in_dim3A_221 : vector<16xi32>
      %and3A_675 = arith.andi %and3A_669, %lt3A_674 : vector<16xi1>
      %select_n3A_676 = arith.select %and3A_675, %add3A_658, %broadcast_in_dim3A_217 : vector<16xi1>, vector<16xi32>
      %swap3A_677 = arith.index_cast %mul3A_628 : i32 to index
      %swap3A_678 = tpu.vector_load %arg8[%swap3A_677] {strides = array<i32>} : memref<31488xi32, #tpu.memory_space<vmem>>, vector<16xi32>,
      %swap3A_679 = vector.shape_cast %swap3A_678 : vector<16xi32> to vector<16xi32>
      %swap3A_680 = vector.shape_cast %select_n3A_676 : vector<16xi32> to vector<16xi32>
      tpu.vector_store %arg8[%swap3A_677], %swap3A_680 {strides = array<i32>} : memref<31488xi32, #tpu.memory_space<vmem>>, vector<16xi32>,
      %swap3A_681 = arith.index_cast %mul3A_628 : i32 to index
      %swap3A_682 = tpu.vector_load %arg7[%swap3A_681] {strides = array<i32>} : memref<62976xf32, #tpu.memory_space<vmem>>, vector<16xf32>,
      %swap3A_683 = vector.shape_cast %swap3A_682 : vector<16xf32> to vector<16xf32>
      %swap3A_684 = vector.shape_cast %broadcast_in_dim3A_219 : vector<16xf32> to vector<16xf32>
      tpu.vector_store %arg7[%swap3A_681], %swap3A_684 {strides = array<i32>} : memref<62976xf32, #tpu.memory_space<vmem>>, vector<16xf32>,
      %mul3A_685 = arith.constant 8 : i32
      %mul3A_686 = arith.muli %scan3A_318, %mul3A_685 : i32
      %add3A_687 = arith.constant 6 : i32
      %add3A_688 = arith.addi %mul3A_686, %add3A_687 : i32
      %mul3A_689 = arith.constant 16 : i32
      %mul3A_690 = arith.muli %add3A_688, %mul3A_689 : i32
      %get3A_691 = arith.index_cast %mul3A_690 : i32 to index
      %get3A_692 = tpu.vector_load %arg6[%get3A_691] {strides = array<i32>} : memref<31488xf32, #tpu.memory_space<vmem>>, vector<16xf32>,
      %get3A_693 = vector.shape_cast %get3A_692 : vector<16xf32> to vector<16xf32>
      %get3A_694 = arith.index_cast %mul3A_690 : i32 to index
      %get3A_695 = tpu.vector_load %arg7[%get3A_694] {strides = array<i32>} : memref<62976xf32, #tpu.memory_space<vmem>>, vector<16xf32>,
      %get3A_696 = vector.shape_cast %get3A_695 : vector<16xf32> to vector<16xf32>
      %mul3A_697 = arith.constant 16 : i32
      %mul3A_698 = arith.muli %add3A_688, %mul3A_697 : i32
      %add3A_699 = arith.constant 31488 : i32
      %add3A_700 = arith.addi %add3A_699, %mul3A_698 : i32
      %get3A_701 = arith.index_cast %add3A_700 : i32 to index
      %get3A_702 = tpu.vector_load %arg7[%get3A_701] {strides = array<i32>} : memref<62976xf32, #tpu.memory_space<vmem>>, vector<16xf32>,
      %get3A_703 = vector.shape_cast %get3A_702 : vector<16xf32> to vector<16xf32>
      %sub3A_704 = arith.subf %get3A_693, %get3A_174 : vector<16xf32>
      %mul3A_705 = arith.mulf %sub3A_704, %broadcast_in_dim3A_215 : vector<16xf32>
      %convert_element_type3A_706 = arith.fptosi %mul3A_705 : vector<16xf32> to vector<16xi32>
      %sub3A_707 = arith.subf %get3A_696, %get3A_179 : vector<16xf32>
      %mul3A_708 = arith.mulf %sub3A_707, %broadcast_in_dim3A_215 : vector<16xf32>
      %convert_element_type3A_709 = arith.fptosi %mul3A_708 : vector<16xf32> to vector<16xi32>
      %sub3A_710 = arith.subf %get3A_703, %get3A_184 : vector<16xf32>
      %mul3A_711 = arith.mulf %sub3A_710, %broadcast_in_dim3A_215 : vector<16xf32>
      %convert_element_type3A_712 = arith.fptosi %mul3A_711 : vector<16xf32> to vector<16xi32>
      %mul3A_713 = arith.constant 65536 : i32
      %mul3A_714 = vector.broadcast %mul3A_713 : i32 to vector<16xi32>
      %mul3A_715 = arith.muli %convert_element_type3A_706, %mul3A_714 : vector<16xi32>
      %mul3A_716 = arith.constant 256 : i32
      %mul3A_717 = vector.broadcast %mul3A_716 : i32 to vector<16xi32>
      %mul3A_718 = arith.muli %convert_element_type3A_709, %mul3A_717 : vector<16xi32>
      %add3A_719 = arith.addi %mul3A_715, %mul3A_718 : vector<16xi32>
      %add3A_720 = arith.addi %add3A_719, %convert_element_type3A_712 : vector<16xi32>
      %sub3A_721 = arith.constant 1 : i32
      %sub3A_722 = vector.broadcast %sub3A_721 : i32 to vector<16xi32>
      %sub3A_723 = arith.subi %convert_element_type3A_706, %sub3A_722 : vector<16xi32>
      %bitcast_convert_type3A_724 = tpu.bitcast %sub3A_723 : vector<16xi32> -> vector<16xi32>
      %lt3A_725 = arith.cmpi ult, %bitcast_convert_type3A_724, %broadcast_in_dim3A_221 : vector<16xi32>
      %sub3A_726 = arith.constant 1 : i32
      %sub3A_727 = vector.broadcast %sub3A_726 : i32 to vector<16xi32>
      %sub3A_728 = arith.subi %convert_element_type3A_709, %sub3A_727 : vector<16xi32>
      %bitcast_convert_type3A_729 = tpu.bitcast %sub3A_728 : vector<16xi32> -> vector<16xi32>
      %lt3A_730 = arith.cmpi ult, %bitcast_convert_type3A_729, %broadcast_in_dim3A_221 : vector<16xi32>
      %and3A_731 = arith.andi %lt3A_725, %lt3A_730 : vector<16xi1>
      %sub3A_732 = arith.constant 1 : i32
      %sub3A_733 = vector.broadcast %sub3A_732 : i32 to vector<16xi32>
      %sub3A_734 = arith.subi %convert_element_type3A_712, %sub3A_733 : vector<16xi32>
      %bitcast_convert_type3A_735 = tpu.bitcast %sub3A_734 : vector<16xi32> -> vector<16xi32>
      %lt3A_736 = arith.cmpi ult, %bitcast_convert_type3A_735, %broadcast_in_dim3A_221 : vector<16xi32>
      %and3A_737 = arith.andi %and3A_731, %lt3A_736 : vector<16xi1>
      %select_n3A_738 = arith.select %and3A_737, %add3A_720, %broadcast_in_dim3A_217 : vector<16xi1>, vector<16xi32>
      %swap3A_739 = arith.index_cast %mul3A_690 : i32 to index
      %swap3A_740 = tpu.vector_load %arg8[%swap3A_739] {strides = array<i32>} : memref<31488xi32, #tpu.memory_space<vmem>>, vector<16xi32>,
      %swap3A_741 = vector.shape_cast %swap3A_740 : vector<16xi32> to vector<16xi32>
      %swap3A_742 = vector.shape_cast %select_n3A_738 : vector<16xi32> to vector<16xi32>
      tpu.vector_store %arg8[%swap3A_739], %swap3A_742 {strides = array<i32>} : memref<31488xi32, #tpu.memory_space<vmem>>, vector<16xi32>,
      %swap3A_743 = arith.index_cast %mul3A_690 : i32 to index
      %swap3A_744 = tpu.vector_load %arg7[%swap3A_743] {strides = array<i32>} : memref<62976xf32, #tpu.memory_space<vmem>>, vector<16xf32>,
      %swap3A_745 = vector.shape_cast %swap3A_744 : vector<16xf32> to vector<16xf32>
      %swap3A_746 = vector.shape_cast %broadcast_in_dim3A_219 : vector<16xf32> to vector<16xf32>
      tpu.vector_store %arg7[%swap3A_743], %swap3A_746 {strides = array<i32>} : memref<62976xf32, #tpu.memory_space<vmem>>, vector<16xf32>,
      %mul3A_747 = arith.constant 8 : i32
      %mul3A_748 = arith.muli %scan3A_318, %mul3A_747 : i32
      %add3A_749 = arith.constant 7 : i32
      %add3A_750 = arith.addi %mul3A_748, %add3A_749 : i32
      %mul3A_751 = arith.constant 16 : i32
      %mul3A_752 = arith.muli %add3A_750, %mul3A_751 : i32
      %get3A_753 = arith.index_cast %mul3A_752 : i32 to index
      %get3A_754 = tpu.vector_load %arg6[%get3A_753] {strides = array<i32>} : memref<31488xf32, #tpu.memory_space<vmem>>, vector<16xf32>,
      %get3A_755 = vector.shape_cast %get3A_754 : vector<16xf32> to vector<16xf32>
      %get3A_756 = arith.index_cast %mul3A_752 : i32 to index
      %get3A_757 = tpu.vector_load %arg7[%get3A_756] {strides = array<i32>} : memref<62976xf32, #tpu.memory_space<vmem>>, vector<16xf32>,
      %get3A_758 = vector.shape_cast %get3A_757 : vector<16xf32> to vector<16xf32>
      %mul3A_759 = arith.constant 16 : i32
      %mul3A_760 = arith.muli %add3A_750, %mul3A_759 : i32
      %add3A_761 = arith.constant 31488 : i32
      %add3A_762 = arith.addi %add3A_761, %mul3A_760 : i32
      %get3A_763 = arith.index_cast %add3A_762 : i32 to index
      %get3A_764 = tpu.vector_load %arg7[%get3A_763] {strides = array<i32>} : memref<62976xf32, #tpu.memory_space<vmem>>, vector<16xf32>,
      %get3A_765 = vector.shape_cast %get3A_764 : vector<16xf32> to vector<16xf32>
      %sub3A_766 = arith.subf %get3A_755, %get3A_174 : vector<16xf32>
      %mul3A_767 = arith.mulf %sub3A_766, %broadcast_in_dim3A_215 : vector<16xf32>
      %convert_element_type3A_768 = arith.fptosi %mul3A_767 : vector<16xf32> to vector<16xi32>
      %sub3A_769 = arith.subf %get3A_758, %get3A_179 : vector<16xf32>
      %mul3A_770 = arith.mulf %sub3A_769, %broadcast_in_dim3A_215 : vector<16xf32>
      %convert_element_type3A_771 = arith.fptosi %mul3A_770 : vector<16xf32> to vector<16xi32>
      %sub3A_772 = arith.subf %get3A_765, %get3A_184 : vector<16xf32>
      %mul3A_773 = arith.mulf %sub3A_772, %broadcast_in_dim3A_215 : vector<16xf32>
      %convert_element_type3A_774 = arith.fptosi %mul3A_773 : vector<16xf32> to vector<16xi32>
      %mul3A_775 = arith.constant 65536 : i32
      %mul3A_776 = vector.broadcast %mul3A_775 : i32 to vector<16xi32>
      %mul3A_777 = arith.muli %convert_element_type3A_768, %mul3A_776 : vector<16xi32>
      %mul3A_778 = arith.constant 256 : i32
      %mul3A_779 = vector.broadcast %mul3A_778 : i32 to vector<16xi32>
      %mul3A_780 = arith.muli %convert_element_type3A_771, %mul3A_779 : vector<16xi32>
      %add3A_781 = arith.addi %mul3A_777, %mul3A_780 : vector<16xi32>
      %add3A_782 = arith.addi %add3A_781, %convert_element_type3A_774 : vector<16xi32>
      %sub3A_783 = arith.constant 1 : i32
      %sub3A_784 = vector.broadcast %sub3A_783 : i32 to vector<16xi32>
      %sub3A_785 = arith.subi %convert_element_type3A_768, %sub3A_784 : vector<16xi32>
      %bitcast_convert_type3A_786 = tpu.bitcast %sub3A_785 : vector<16xi32> -> vector<16xi32>
      %lt3A_787 = arith.cmpi ult, %bitcast_convert_type3A_786, %broadcast_in_dim3A_221 : vector<16xi32>
      %sub3A_788 = arith.constant 1 : i32
      %sub3A_789 = vector.broadcast %sub3A_788 : i32 to vector<16xi32>
      %sub3A_790 = arith.subi %convert_element_type3A_771, %sub3A_789 : vector<16xi32>
      %bitcast_convert_type3A_791 = tpu.bitcast %sub3A_790 : vector<16xi32> -> vector<16xi32>
      %lt3A_792 = arith.cmpi ult, %bitcast_convert_type3A_791, %broadcast_in_dim3A_221 : vector<16xi32>
      %and3A_793 = arith.andi %lt3A_787, %lt3A_792 : vector<16xi1>
      %sub3A_794 = arith.constant 1 : i32
      %sub3A_795 = vector.broadcast %sub3A_794 : i32 to vector<16xi32>
      %sub3A_796 = arith.subi %convert_element_type3A_774, %sub3A_795 : vector<16xi32>
      %bitcast_convert_type3A_797 = tpu.bitcast %sub3A_796 : vector<16xi32> -> vector<16xi32>
      %lt3A_798 = arith.cmpi ult, %bitcast_convert_type3A_797, %broadcast_in_dim3A_221 : vector<16xi32>
      %and3A_799 = arith.andi %and3A_793, %lt3A_798 : vector<16xi1>
      %select_n3A_800 = arith.select %and3A_799, %add3A_782, %broadcast_in_dim3A_217 : vector<16xi1>, vector<16xi32>
      %swap3A_801 = arith.index_cast %mul3A_752 : i32 to index
      %swap3A_802 = tpu.vector_load %arg8[%swap3A_801] {strides = array<i32>} : memref<31488xi32, #tpu.memory_space<vmem>>, vector<16xi32>,
      %swap3A_803 = vector.shape_cast %swap3A_802 : vector<16xi32> to vector<16xi32>
      %swap3A_804 = vector.shape_cast %select_n3A_800 : vector<16xi32> to vector<16xi32>
      tpu.vector_store %arg8[%swap3A_801], %swap3A_804 {strides = array<i32>} : memref<31488xi32, #tpu.memory_space<vmem>>, vector<16xi32>,
      %swap3A_805 = arith.index_cast %mul3A_752 : i32 to index
      %swap3A_806 = tpu.vector_load %arg7[%swap3A_805] {strides = array<i32>} : memref<62976xf32, #tpu.memory_space<vmem>>, vector<16xf32>,
      %swap3A_807 = vector.shape_cast %swap3A_806 : vector<16xf32> to vector<16xf32>
      %swap3A_808 = vector.shape_cast %broadcast_in_dim3A_219 : vector<16xf32> to vector<16xf32>
      tpu.vector_store %arg7[%swap3A_805], %swap3A_808 {strides = array<i32>} : memref<62976xf32, #tpu.memory_space<vmem>>, vector<16xf32>,
      %mul3A_809 = arith.constant 128 : i32
      %mul3A_810 = arith.muli %scan3A_318, %mul3A_809 : i32
      %dma_start3A_811 = tpu.memref_slice %arg7[%mul3A_810] : memref<62976xf32, #tpu.memory_space<vmem>> -> memref<128xf32, #tpu.memory_space<vmem>>
      %dma_start3A_812 = tpu.memref_slice %arg8[%mul3A_810] : memref<31488xi32, #tpu.memory_space<vmem>> -> memref<128xi32, #tpu.memory_space<vmem>>
      %dma_start3A_813 = arith.constant 0 : i32
      %dma_start3A_814 = tpu.memref_slice %arg4[%dma_start3A_813] : memref<16777216xf32, #tpu.memory_space<hbm>> -> memref<16777216xf32, #tpu.memory_space<hbm>>
      %dma_start3A_815 = arith.constant -1 : i32
      tpu.enqueue_indirect_dma source(%dma_start3A_814 : memref<16777216xf32, #tpu.memory_space<hbm>>) target(%dma_start3A_811 : memref<128xf32, #tpu.memory_space<vmem>>) offsets(%dma_start3A_812 : memref<128xi32, #tpu.memory_space<vmem>>) offset_filter(%dma_start3A_815) semaphore(%arg11 : memref<!tpu.dma_semaphore, #tpu.memory_space<semaphore_mem>>)
      %scan3A_816 = arith.constant 0 : i32
      scf.yield %scan3A_816 : i32
    }
    %scan3A_234 = arith.constant 41 : i32
    %dma_wait3A_235 = arith.constant 0 : i32
    %dma_wait3A_236 = tpu.memref_slice %arg7[%dma_wait3A_235] : memref<62976xf32, #tpu.memory_space<vmem>> -> memref<15744xf32, #tpu.memory_space<vmem>>
    %dma_wait3A_237 = arith.constant 0 : i32
    %dma_wait3A_238 = tpu.memref_slice %arg2[%dma_wait3A_237] : memref<3000000xf32, #tpu.memory_space<hbm>> -> memref<15744xf32, #tpu.memory_space<hbm>>
    %dma_wait3A_239 = arith.constant 0 : i32
    %dma_wait3A_240 = tpu.memref_slice %arg7[%dma_wait3A_239] : memref<62976xf32, #tpu.memory_space<vmem>> -> memref<15744xf32, #tpu.memory_space<vmem>>
    %dma_wait3A_241 = arith.constant 0 : i32
    %dma_wait3A_242 = tpu.memref_slice %arg2[%dma_wait3A_241] : memref<3000000xf32, #tpu.memory_space<hbm>> -> memref<15744xf32, #tpu.memory_space<hbm>>
    tpu.wait_dma2 semaphore(%arg10 : memref<!tpu.dma_semaphore, #tpu.memory_space<semaphore_mem>>) src(%dma_wait3A_242 : memref<15744xf32, #tpu.memory_space<hbm>>) dst(%dma_wait3A_240 : memref<15744xf32, #tpu.memory_space<vmem>>)
    %scan3A_243 = arith.constant 0 : i32
    %scan3A_244 = arith.constant 41 : i32
    %scan3A_245 = arith.constant 41 : i32
    %scan3A_246 = arith.addi %scan3A_244, %scan3A_245 : i32
    %scan3A_247 = arith.constant 1 : i32
    %scan3A_248 = scf.for %scan3A_318 = %scan3A_244 to %scan3A_246 step %scan3A_247 iter_args(%scan3A_319 = %scan3A_243) -> (i32)  : i32 {
      %mul3A_320 = arith.constant 8 : i32
      %mul3A_321 = arith.muli %scan3A_318, %mul3A_320 : i32
      %add3A_322 = arith.constant 0 : i32
      %add3A_323 = arith.addi %mul3A_321, %add3A_322 : i32
      %mul3A_324 = arith.constant 16 : i32
      %mul3A_325 = arith.muli %add3A_323, %mul3A_324 : i32
      %get3A_326 = arith.index_cast %mul3A_325 : i32 to index
      %get3A_327 = tpu.vector_load %arg6[%get3A_326] {strides = array<i32>} : memref<31488xf32, #tpu.memory_space<vmem>>, vector<16xf32>,
      %get3A_328 = vector.shape_cast %get3A_327 : vector<16xf32> to vector<16xf32>
      %get3A_329 = arith.index_cast %mul3A_325 : i32 to index
      %get3A_330 = tpu.vector_load %arg7[%get3A_329] {strides = array<i32>} : memref<62976xf32, #tpu.memory_space<vmem>>, vector<16xf32>,
      %get3A_331 = vector.shape_cast %get3A_330 : vector<16xf32> to vector<16xf32>
      %mul3A_332 = arith.constant 16 : i32
      %mul3A_333 = arith.muli %add3A_323, %mul3A_332 : i32
      %add3A_334 = arith.constant 31488 : i32
      %add3A_335 = arith.addi %add3A_334, %mul3A_333 : i32
      %get3A_336 = arith.index_cast %add3A_335 : i32 to index
      %get3A_337 = tpu.vector_load %arg7[%get3A_336] {strides = array<i32>} : memref<62976xf32, #tpu.memory_space<vmem>>, vector<16xf32>,
      %get3A_338 = vector.shape_cast %get3A_337 : vector<16xf32> to vector<16xf32>
      %sub3A = arith.subf %get3A_328, %get3A_174 : vector<16xf32>
      %mul3A_339 = arith.mulf %sub3A, %broadcast_in_dim3A_215 : vector<16xf32>
      %convert_element_type3A = arith.fptosi %mul3A_339 : vector<16xf32> to vector<16xi32>
      %sub3A_340 = arith.subf %get3A_331, %get3A_179 : vector<16xf32>
      %mul3A_341 = arith.mulf %sub3A_340, %broadcast_in_dim3A_215 : vector<16xf32>
      %convert_element_type3A_342 = arith.fptosi %mul3A_341 : vector<16xf32> to vector<16xi32>
      %sub3A_343 = arith.subf %get3A_338, %get3A_184 : vector<16xf32>
      %mul3A_344 = arith.mulf %sub3A_343, %broadcast_in_dim3A_215 : vector<16xf32>
      %convert_element_type3A_345 = arith.fptosi %mul3A_344 : vector<16xf32> to vector<16xi32>
      %mul3A_346 = arith.constant 65536 : i32
      %mul3A_347 = vector.broadcast %mul3A_346 : i32 to vector<16xi32>
      %mul3A_348 = arith.muli %convert_element_type3A, %mul3A_347 : vector<16xi32>
      %mul3A_349 = arith.constant 256 : i32
      %mul3A_350 = vector.broadcast %mul3A_349 : i32 to vector<16xi32>
      %mul3A_351 = arith.muli %convert_element_type3A_342, %mul3A_350 : vector<16xi32>
      %add3A_352 = arith.addi %mul3A_348, %mul3A_351 : vector<16xi32>
      %add3A_353 = arith.addi %add3A_352, %convert_element_type3A_345 : vector<16xi32>
      %sub3A_354 = arith.constant 1 : i32
      %sub3A_355 = vector.broadcast %sub3A_354 : i32 to vector<16xi32>
      %sub3A_356 = arith.subi %convert_element_type3A, %sub3A_355 : vector<16xi32>
      %bitcast_convert_type3A = tpu.bitcast %sub3A_356 : vector<16xi32> -> vector<16xi32>
      %lt3A = arith.cmpi ult, %bitcast_convert_type3A, %broadcast_in_dim3A_221 : vector<16xi32>
      %sub3A_357 = arith.constant 1 : i32
      %sub3A_358 = vector.broadcast %sub3A_357 : i32 to vector<16xi32>
      %sub3A_359 = arith.subi %convert_element_type3A_342, %sub3A_358 : vector<16xi32>
      %bitcast_convert_type3A_360 = tpu.bitcast %sub3A_359 : vector<16xi32> -> vector<16xi32>
      %lt3A_361 = arith.cmpi ult, %bitcast_convert_type3A_360, %broadcast_in_dim3A_221 : vector<16xi32>
      %and3A = arith.andi %lt3A, %lt3A_361 : vector<16xi1>
      %sub3A_362 = arith.constant 1 : i32
      %sub3A_363 = vector.broadcast %sub3A_362 : i32 to vector<16xi32>
      %sub3A_364 = arith.subi %convert_element_type3A_345, %sub3A_363 : vector<16xi32>
      %bitcast_convert_type3A_365 = tpu.bitcast %sub3A_364 : vector<16xi32> -> vector<16xi32>
      %lt3A_366 = arith.cmpi ult, %bitcast_convert_type3A_365, %broadcast_in_dim3A_221 : vector<16xi32>
      %and3A_367 = arith.andi %and3A, %lt3A_366 : vector<16xi1>
      %select_n3A = arith.select %and3A_367, %add3A_353, %broadcast_in_dim3A_217 : vector<16xi1>, vector<16xi32>
      %swap3A = arith.index_cast %mul3A_325 : i32 to index
      %swap3A_368 = tpu.vector_load %arg8[%swap3A] {strides = array<i32>} : memref<31488xi32, #tpu.memory_space<vmem>>, vector<16xi32>,
      %swap3A_369 = vector.shape_cast %swap3A_368 : vector<16xi32> to vector<16xi32>
      %swap3A_370 = vector.shape_cast %select_n3A : vector<16xi32> to vector<16xi32>
      tpu.vector_store %arg8[%swap3A], %swap3A_370 {strides = array<i32>} : memref<31488xi32, #tpu.memory_space<vmem>>, vector<16xi32>,
      %swap3A_371 = arith.index_cast %mul3A_325 : i32 to index
      %swap3A_372 = tpu.vector_load %arg7[%swap3A_371] {strides = array<i32>} : memref<62976xf32, #tpu.memory_space<vmem>>, vector<16xf32>,
      %swap3A_373 = vector.shape_cast %swap3A_372 : vector<16xf32> to vector<16xf32>
      %swap3A_374 = vector.shape_cast %broadcast_in_dim3A_219 : vector<16xf32> to vector<16xf32>
      tpu.vector_store %arg7[%swap3A_371], %swap3A_374 {strides = array<i32>} : memref<62976xf32, #tpu.memory_space<vmem>>, vector<16xf32>,
      %mul3A_375 = arith.constant 8 : i32
      %mul3A_376 = arith.muli %scan3A_318, %mul3A_375 : i32
      %add3A_377 = arith.constant 1 : i32
      %add3A_378 = arith.addi %mul3A_376, %add3A_377 : i32
      %mul3A_379 = arith.constant 16 : i32
      %mul3A_380 = arith.muli %add3A_378, %mul3A_379 : i32
      %get3A_381 = arith.index_cast %mul3A_380 : i32 to index
      %get3A_382 = tpu.vector_load %arg6[%get3A_381] {strides = array<i32>} : memref<31488xf32, #tpu.memory_space<vmem>>, vector<16xf32>,
      %get3A_383 = vector.shape_cast %get3A_382 : vector<16xf32> to vector<16xf32>
      %get3A_384 = arith.index_cast %mul3A_380 : i32 to index
      %get3A_385 = tpu.vector_load %arg7[%get3A_384] {strides = array<i32>} : memref<62976xf32, #tpu.memory_space<vmem>>, vector<16xf32>,
      %get3A_386 = vector.shape_cast %get3A_385 : vector<16xf32> to vector<16xf32>
      %mul3A_387 = arith.constant 16 : i32
      %mul3A_388 = arith.muli %add3A_378, %mul3A_387 : i32
      %add3A_389 = arith.constant 31488 : i32
      %add3A_390 = arith.addi %add3A_389, %mul3A_388 : i32
      %get3A_391 = arith.index_cast %add3A_390 : i32 to index
      %get3A_392 = tpu.vector_load %arg7[%get3A_391] {strides = array<i32>} : memref<62976xf32, #tpu.memory_space<vmem>>, vector<16xf32>,
      %get3A_393 = vector.shape_cast %get3A_392 : vector<16xf32> to vector<16xf32>
      %sub3A_394 = arith.subf %get3A_383, %get3A_174 : vector<16xf32>
      %mul3A_395 = arith.mulf %sub3A_394, %broadcast_in_dim3A_215 : vector<16xf32>
      %convert_element_type3A_396 = arith.fptosi %mul3A_395 : vector<16xf32> to vector<16xi32>
      %sub3A_397 = arith.subf %get3A_386, %get3A_179 : vector<16xf32>
      %mul3A_398 = arith.mulf %sub3A_397, %broadcast_in_dim3A_215 : vector<16xf32>
      %convert_element_type3A_399 = arith.fptosi %mul3A_398 : vector<16xf32> to vector<16xi32>
      %sub3A_400 = arith.subf %get3A_393, %get3A_184 : vector<16xf32>
      %mul3A_401 = arith.mulf %sub3A_400, %broadcast_in_dim3A_215 : vector<16xf32>
      %convert_element_type3A_402 = arith.fptosi %mul3A_401 : vector<16xf32> to vector<16xi32>
      %mul3A_403 = arith.constant 65536 : i32
      %mul3A_404 = vector.broadcast %mul3A_403 : i32 to vector<16xi32>
      %mul3A_405 = arith.muli %convert_element_type3A_396, %mul3A_404 : vector<16xi32>
      %mul3A_406 = arith.constant 256 : i32
      %mul3A_407 = vector.broadcast %mul3A_406 : i32 to vector<16xi32>
      %mul3A_408 = arith.muli %convert_element_type3A_399, %mul3A_407 : vector<16xi32>
      %add3A_409 = arith.addi %mul3A_405, %mul3A_408 : vector<16xi32>
      %add3A_410 = arith.addi %add3A_409, %convert_element_type3A_402 : vector<16xi32>
      %sub3A_411 = arith.constant 1 : i32
      %sub3A_412 = vector.broadcast %sub3A_411 : i32 to vector<16xi32>
      %sub3A_413 = arith.subi %convert_element_type3A_396, %sub3A_412 : vector<16xi32>
      %bitcast_convert_type3A_414 = tpu.bitcast %sub3A_413 : vector<16xi32> -> vector<16xi32>
      %lt3A_415 = arith.cmpi ult, %bitcast_convert_type3A_414, %broadcast_in_dim3A_221 : vector<16xi32>
      %sub3A_416 = arith.constant 1 : i32
      %sub3A_417 = vector.broadcast %sub3A_416 : i32 to vector<16xi32>
      %sub3A_418 = arith.subi %convert_element_type3A_399, %sub3A_417 : vector<16xi32>
      %bitcast_convert_type3A_419 = tpu.bitcast %sub3A_418 : vector<16xi32> -> vector<16xi32>
      %lt3A_420 = arith.cmpi ult, %bitcast_convert_type3A_419, %broadcast_in_dim3A_221 : vector<16xi32>
      %and3A_421 = arith.andi %lt3A_415, %lt3A_420 : vector<16xi1>
      %sub3A_422 = arith.constant 1 : i32
      %sub3A_423 = vector.broadcast %sub3A_422 : i32 to vector<16xi32>
      %sub3A_424 = arith.subi %convert_element_type3A_402, %sub3A_423 : vector<16xi32>
      %bitcast_convert_type3A_425 = tpu.bitcast %sub3A_424 : vector<16xi32> -> vector<16xi32>
      %lt3A_426 = arith.cmpi ult, %bitcast_convert_type3A_425, %broadcast_in_dim3A_221 : vector<16xi32>
      %and3A_427 = arith.andi %and3A_421, %lt3A_426 : vector<16xi1>
      %select_n3A_428 = arith.select %and3A_427, %add3A_410, %broadcast_in_dim3A_217 : vector<16xi1>, vector<16xi32>
      %swap3A_429 = arith.index_cast %mul3A_380 : i32 to index
      %swap3A_430 = tpu.vector_load %arg8[%swap3A_429] {strides = array<i32>} : memref<31488xi32, #tpu.memory_space<vmem>>, vector<16xi32>,
      %swap3A_431 = vector.shape_cast %swap3A_430 : vector<16xi32> to vector<16xi32>
      %swap3A_432 = vector.shape_cast %select_n3A_428 : vector<16xi32> to vector<16xi32>
      tpu.vector_store %arg8[%swap3A_429], %swap3A_432 {strides = array<i32>} : memref<31488xi32, #tpu.memory_space<vmem>>, vector<16xi32>,
      %swap3A_433 = arith.index_cast %mul3A_380 : i32 to index
      %swap3A_434 = tpu.vector_load %arg7[%swap3A_433] {strides = array<i32>} : memref<62976xf32, #tpu.memory_space<vmem>>, vector<16xf32>,
      %swap3A_435 = vector.shape_cast %swap3A_434 : vector<16xf32> to vector<16xf32>
      %swap3A_436 = vector.shape_cast %broadcast_in_dim3A_219 : vector<16xf32> to vector<16xf32>
      tpu.vector_store %arg7[%swap3A_433], %swap3A_436 {strides = array<i32>} : memref<62976xf32, #tpu.memory_space<vmem>>, vector<16xf32>,
      %mul3A_437 = arith.constant 8 : i32
      %mul3A_438 = arith.muli %scan3A_318, %mul3A_437 : i32
      %add3A_439 = arith.constant 2 : i32
      %add3A_440 = arith.addi %mul3A_438, %add3A_439 : i32
      %mul3A_441 = arith.constant 16 : i32
      %mul3A_442 = arith.muli %add3A_440, %mul3A_441 : i32
      %get3A_443 = arith.index_cast %mul3A_442 : i32 to index
      %get3A_444 = tpu.vector_load %arg6[%get3A_443] {strides = array<i32>} : memref<31488xf32, #tpu.memory_space<vmem>>, vector<16xf32>,
      %get3A_445 = vector.shape_cast %get3A_444 : vector<16xf32> to vector<16xf32>
      %get3A_446 = arith.index_cast %mul3A_442 : i32 to index
      %get3A_447 = tpu.vector_load %arg7[%get3A_446] {strides = array<i32>} : memref<62976xf32, #tpu.memory_space<vmem>>, vector<16xf32>,
      %get3A_448 = vector.shape_cast %get3A_447 : vector<16xf32> to vector<16xf32>
      %mul3A_449 = arith.constant 16 : i32
      %mul3A_450 = arith.muli %add3A_440, %mul3A_449 : i32
      %add3A_451 = arith.constant 31488 : i32
      %add3A_452 = arith.addi %add3A_451, %mul3A_450 : i32
      %get3A_453 = arith.index_cast %add3A_452 : i32 to index
      %get3A_454 = tpu.vector_load %arg7[%get3A_453] {strides = array<i32>} : memref<62976xf32, #tpu.memory_space<vmem>>, vector<16xf32>,
      %get3A_455 = vector.shape_cast %get3A_454 : vector<16xf32> to vector<16xf32>
      %sub3A_456 = arith.subf %get3A_445, %get3A_174 : vector<16xf32>
      %mul3A_457 = arith.mulf %sub3A_456, %broadcast_in_dim3A_215 : vector<16xf32>
      %convert_element_type3A_458 = arith.fptosi %mul3A_457 : vector<16xf32> to vector<16xi32>
      %sub3A_459 = arith.subf %get3A_448, %get3A_179 : vector<16xf32>
      %mul3A_460 = arith.mulf %sub3A_459, %broadcast_in_dim3A_215 : vector<16xf32>
      %convert_element_type3A_461 = arith.fptosi %mul3A_460 : vector<16xf32> to vector<16xi32>
      %sub3A_462 = arith.subf %get3A_455, %get3A_184 : vector<16xf32>
      %mul3A_463 = arith.mulf %sub3A_462, %broadcast_in_dim3A_215 : vector<16xf32>
      %convert_element_type3A_464 = arith.fptosi %mul3A_463 : vector<16xf32> to vector<16xi32>
      %mul3A_465 = arith.constant 65536 : i32
      %mul3A_466 = vector.broadcast %mul3A_465 : i32 to vector<16xi32>
      %mul3A_467 = arith.muli %convert_element_type3A_458, %mul3A_466 : vector<16xi32>
      %mul3A_468 = arith.constant 256 : i32
      %mul3A_469 = vector.broadcast %mul3A_468 : i32 to vector<16xi32>
      %mul3A_470 = arith.muli %convert_element_type3A_461, %mul3A_469 : vector<16xi32>
      %add3A_471 = arith.addi %mul3A_467, %mul3A_470 : vector<16xi32>
      %add3A_472 = arith.addi %add3A_471, %convert_element_type3A_464 : vector<16xi32>
      %sub3A_473 = arith.constant 1 : i32
      %sub3A_474 = vector.broadcast %sub3A_473 : i32 to vector<16xi32>
      %sub3A_475 = arith.subi %convert_element_type3A_458, %sub3A_474 : vector<16xi32>
      %bitcast_convert_type3A_476 = tpu.bitcast %sub3A_475 : vector<16xi32> -> vector<16xi32>
      %lt3A_477 = arith.cmpi ult, %bitcast_convert_type3A_476, %broadcast_in_dim3A_221 : vector<16xi32>
      %sub3A_478 = arith.constant 1 : i32
      %sub3A_479 = vector.broadcast %sub3A_478 : i32 to vector<16xi32>
      %sub3A_480 = arith.subi %convert_element_type3A_461, %sub3A_479 : vector<16xi32>
      %bitcast_convert_type3A_481 = tpu.bitcast %sub3A_480 : vector<16xi32> -> vector<16xi32>
      %lt3A_482 = arith.cmpi ult, %bitcast_convert_type3A_481, %broadcast_in_dim3A_221 : vector<16xi32>
      %and3A_483 = arith.andi %lt3A_477, %lt3A_482 : vector<16xi1>
      %sub3A_484 = arith.constant 1 : i32
      %sub3A_485 = vector.broadcast %sub3A_484 : i32 to vector<16xi32>
      %sub3A_486 = arith.subi %convert_element_type3A_464, %sub3A_485 : vector<16xi32>
      %bitcast_convert_type3A_487 = tpu.bitcast %sub3A_486 : vector<16xi32> -> vector<16xi32>
      %lt3A_488 = arith.cmpi ult, %bitcast_convert_type3A_487, %broadcast_in_dim3A_221 : vector<16xi32>
      %and3A_489 = arith.andi %and3A_483, %lt3A_488 : vector<16xi1>
      %select_n3A_490 = arith.select %and3A_489, %add3A_472, %broadcast_in_dim3A_217 : vector<16xi1>, vector<16xi32>
      %swap3A_491 = arith.index_cast %mul3A_442 : i32 to index
      %swap3A_492 = tpu.vector_load %arg8[%swap3A_491] {strides = array<i32>} : memref<31488xi32, #tpu.memory_space<vmem>>, vector<16xi32>,
      %swap3A_493 = vector.shape_cast %swap3A_492 : vector<16xi32> to vector<16xi32>
      %swap3A_494 = vector.shape_cast %select_n3A_490 : vector<16xi32> to vector<16xi32>
      tpu.vector_store %arg8[%swap3A_491], %swap3A_494 {strides = array<i32>} : memref<31488xi32, #tpu.memory_space<vmem>>, vector<16xi32>,
      %swap3A_495 = arith.index_cast %mul3A_442 : i32 to index
      %swap3A_496 = tpu.vector_load %arg7[%swap3A_495] {strides = array<i32>} : memref<62976xf32, #tpu.memory_space<vmem>>, vector<16xf32>,
      %swap3A_497 = vector.shape_cast %swap3A_496 : vector<16xf32> to vector<16xf32>
      %swap3A_498 = vector.shape_cast %broadcast_in_dim3A_219 : vector<16xf32> to vector<16xf32>
      tpu.vector_store %arg7[%swap3A_495], %swap3A_498 {strides = array<i32>} : memref<62976xf32, #tpu.memory_space<vmem>>, vector<16xf32>,
      %mul3A_499 = arith.constant 8 : i32
      %mul3A_500 = arith.muli %scan3A_318, %mul3A_499 : i32
      %add3A_501 = arith.constant 3 : i32
      %add3A_502 = arith.addi %mul3A_500, %add3A_501 : i32
      %mul3A_503 = arith.constant 16 : i32
      %mul3A_504 = arith.muli %add3A_502, %mul3A_503 : i32
      %get3A_505 = arith.index_cast %mul3A_504 : i32 to index
      %get3A_506 = tpu.vector_load %arg6[%get3A_505] {strides = array<i32>} : memref<31488xf32, #tpu.memory_space<vmem>>, vector<16xf32>,
      %get3A_507 = vector.shape_cast %get3A_506 : vector<16xf32> to vector<16xf32>
      %get3A_508 = arith.index_cast %mul3A_504 : i32 to index
      %get3A_509 = tpu.vector_load %arg7[%get3A_508] {strides = array<i32>} : memref<62976xf32, #tpu.memory_space<vmem>>, vector<16xf32>,
      %get3A_510 = vector.shape_cast %get3A_509 : vector<16xf32> to vector<16xf32>
      %mul3A_511 = arith.constant 16 : i32
      %mul3A_512 = arith.muli %add3A_502, %mul3A_511 : i32
      %add3A_513 = arith.constant 31488 : i32
      %add3A_514 = arith.addi %add3A_513, %mul3A_512 : i32
      %get3A_515 = arith.index_cast %add3A_514 : i32 to index
      %get3A_516 = tpu.vector_load %arg7[%get3A_515] {strides = array<i32>} : memref<62976xf32, #tpu.memory_space<vmem>>, vector<16xf32>,
      %get3A_517 = vector.shape_cast %get3A_516 : vector<16xf32> to vector<16xf32>
      %sub3A_518 = arith.subf %get3A_507, %get3A_174 : vector<16xf32>
      %mul3A_519 = arith.mulf %sub3A_518, %broadcast_in_dim3A_215 : vector<16xf32>
      %convert_element_type3A_520 = arith.fptosi %mul3A_519 : vector<16xf32> to vector<16xi32>
      %sub3A_521 = arith.subf %get3A_510, %get3A_179 : vector<16xf32>
      %mul3A_522 = arith.mulf %sub3A_521, %broadcast_in_dim3A_215 : vector<16xf32>
      %convert_element_type3A_523 = arith.fptosi %mul3A_522 : vector<16xf32> to vector<16xi32>
      %sub3A_524 = arith.subf %get3A_517, %get3A_184 : vector<16xf32>
      %mul3A_525 = arith.mulf %sub3A_524, %broadcast_in_dim3A_215 : vector<16xf32>
      %convert_element_type3A_526 = arith.fptosi %mul3A_525 : vector<16xf32> to vector<16xi32>
      %mul3A_527 = arith.constant 65536 : i32
      %mul3A_528 = vector.broadcast %mul3A_527 : i32 to vector<16xi32>
      %mul3A_529 = arith.muli %convert_element_type3A_520, %mul3A_528 : vector<16xi32>
      %mul3A_530 = arith.constant 256 : i32
      %mul3A_531 = vector.broadcast %mul3A_530 : i32 to vector<16xi32>
      %mul3A_532 = arith.muli %convert_element_type3A_523, %mul3A_531 : vector<16xi32>
      %add3A_533 = arith.addi %mul3A_529, %mul3A_532 : vector<16xi32>
      %add3A_534 = arith.addi %add3A_533, %convert_element_type3A_526 : vector<16xi32>
      %sub3A_535 = arith.constant 1 : i32
      %sub3A_536 = vector.broadcast %sub3A_535 : i32 to vector<16xi32>
      %sub3A_537 = arith.subi %convert_element_type3A_520, %sub3A_536 : vector<16xi32>
      %bitcast_convert_type3A_538 = tpu.bitcast %sub3A_537 : vector<16xi32> -> vector<16xi32>
      %lt3A_539 = arith.cmpi ult, %bitcast_convert_type3A_538, %broadcast_in_dim3A_221 : vector<16xi32>
      %sub3A_540 = arith.constant 1 : i32
      %sub3A_541 = vector.broadcast %sub3A_540 : i32 to vector<16xi32>
      %sub3A_542 = arith.subi %convert_element_type3A_523, %sub3A_541 : vector<16xi32>
      %bitcast_convert_type3A_543 = tpu.bitcast %sub3A_542 : vector<16xi32> -> vector<16xi32>
      %lt3A_544 = arith.cmpi ult, %bitcast_convert_type3A_543, %broadcast_in_dim3A_221 : vector<16xi32>
      %and3A_545 = arith.andi %lt3A_539, %lt3A_544 : vector<16xi1>
      %sub3A_546 = arith.constant 1 : i32
      %sub3A_547 = vector.broadcast %sub3A_546 : i32 to vector<16xi32>
      %sub3A_548 = arith.subi %convert_element_type3A_526, %sub3A_547 : vector<16xi32>
      %bitcast_convert_type3A_549 = tpu.bitcast %sub3A_548 : vector<16xi32> -> vector<16xi32>
      %lt3A_550 = arith.cmpi ult, %bitcast_convert_type3A_549, %broadcast_in_dim3A_221 : vector<16xi32>
      %and3A_551 = arith.andi %and3A_545, %lt3A_550 : vector<16xi1>
      %select_n3A_552 = arith.select %and3A_551, %add3A_534, %broadcast_in_dim3A_217 : vector<16xi1>, vector<16xi32>
      %swap3A_553 = arith.index_cast %mul3A_504 : i32 to index
      %swap3A_554 = tpu.vector_load %arg8[%swap3A_553] {strides = array<i32>} : memref<31488xi32, #tpu.memory_space<vmem>>, vector<16xi32>,
      %swap3A_555 = vector.shape_cast %swap3A_554 : vector<16xi32> to vector<16xi32>
      %swap3A_556 = vector.shape_cast %select_n3A_552 : vector<16xi32> to vector<16xi32>
      tpu.vector_store %arg8[%swap3A_553], %swap3A_556 {strides = array<i32>} : memref<31488xi32, #tpu.memory_space<vmem>>, vector<16xi32>,
      %swap3A_557 = arith.index_cast %mul3A_504 : i32 to index
      %swap3A_558 = tpu.vector_load %arg7[%swap3A_557] {strides = array<i32>} : memref<62976xf32, #tpu.memory_space<vmem>>, vector<16xf32>,
      %swap3A_559 = vector.shape_cast %swap3A_558 : vector<16xf32> to vector<16xf32>
      %swap3A_560 = vector.shape_cast %broadcast_in_dim3A_219 : vector<16xf32> to vector<16xf32>
      tpu.vector_store %arg7[%swap3A_557], %swap3A_560 {strides = array<i32>} : memref<62976xf32, #tpu.memory_space<vmem>>, vector<16xf32>,
      %mul3A_561 = arith.constant 8 : i32
      %mul3A_562 = arith.muli %scan3A_318, %mul3A_561 : i32
      %add3A_563 = arith.constant 4 : i32
      %add3A_564 = arith.addi %mul3A_562, %add3A_563 : i32
      %mul3A_565 = arith.constant 16 : i32
      %mul3A_566 = arith.muli %add3A_564, %mul3A_565 : i32
      %get3A_567 = arith.index_cast %mul3A_566 : i32 to index
      %get3A_568 = tpu.vector_load %arg6[%get3A_567] {strides = array<i32>} : memref<31488xf32, #tpu.memory_space<vmem>>, vector<16xf32>,
      %get3A_569 = vector.shape_cast %get3A_568 : vector<16xf32> to vector<16xf32>
      %get3A_570 = arith.index_cast %mul3A_566 : i32 to index
      %get3A_571 = tpu.vector_load %arg7[%get3A_570] {strides = array<i32>} : memref<62976xf32, #tpu.memory_space<vmem>>, vector<16xf32>,
      %get3A_572 = vector.shape_cast %get3A_571 : vector<16xf32> to vector<16xf32>
      %mul3A_573 = arith.constant 16 : i32
      %mul3A_574 = arith.muli %add3A_564, %mul3A_573 : i32
      %add3A_575 = arith.constant 31488 : i32
      %add3A_576 = arith.addi %add3A_575, %mul3A_574 : i32
      %get3A_577 = arith.index_cast %add3A_576 : i32 to index
      %get3A_578 = tpu.vector_load %arg7[%get3A_577] {strides = array<i32>} : memref<62976xf32, #tpu.memory_space<vmem>>, vector<16xf32>,
      %get3A_579 = vector.shape_cast %get3A_578 : vector<16xf32> to vector<16xf32>
      %sub3A_580 = arith.subf %get3A_569, %get3A_174 : vector<16xf32>
      %mul3A_581 = arith.mulf %sub3A_580, %broadcast_in_dim3A_215 : vector<16xf32>
      %convert_element_type3A_582 = arith.fptosi %mul3A_581 : vector<16xf32> to vector<16xi32>
      %sub3A_583 = arith.subf %get3A_572, %get3A_179 : vector<16xf32>
      %mul3A_584 = arith.mulf %sub3A_583, %broadcast_in_dim3A_215 : vector<16xf32>
      %convert_element_type3A_585 = arith.fptosi %mul3A_584 : vector<16xf32> to vector<16xi32>
      %sub3A_586 = arith.subf %get3A_579, %get3A_184 : vector<16xf32>
      %mul3A_587 = arith.mulf %sub3A_586, %broadcast_in_dim3A_215 : vector<16xf32>
      %convert_element_type3A_588 = arith.fptosi %mul3A_587 : vector<16xf32> to vector<16xi32>
      %mul3A_589 = arith.constant 65536 : i32
      %mul3A_590 = vector.broadcast %mul3A_589 : i32 to vector<16xi32>
      %mul3A_591 = arith.muli %convert_element_type3A_582, %mul3A_590 : vector<16xi32>
      %mul3A_592 = arith.constant 256 : i32
      %mul3A_593 = vector.broadcast %mul3A_592 : i32 to vector<16xi32>
      %mul3A_594 = arith.muli %convert_element_type3A_585, %mul3A_593 : vector<16xi32>
      %add3A_595 = arith.addi %mul3A_591, %mul3A_594 : vector<16xi32>
      %add3A_596 = arith.addi %add3A_595, %convert_element_type3A_588 : vector<16xi32>
      %sub3A_597 = arith.constant 1 : i32
      %sub3A_598 = vector.broadcast %sub3A_597 : i32 to vector<16xi32>
      %sub3A_599 = arith.subi %convert_element_type3A_582, %sub3A_598 : vector<16xi32>
      %bitcast_convert_type3A_600 = tpu.bitcast %sub3A_599 : vector<16xi32> -> vector<16xi32>
      %lt3A_601 = arith.cmpi ult, %bitcast_convert_type3A_600, %broadcast_in_dim3A_221 : vector<16xi32>
      %sub3A_602 = arith.constant 1 : i32
      %sub3A_603 = vector.broadcast %sub3A_602 : i32 to vector<16xi32>
      %sub3A_604 = arith.subi %convert_element_type3A_585, %sub3A_603 : vector<16xi32>
      %bitcast_convert_type3A_605 = tpu.bitcast %sub3A_604 : vector<16xi32> -> vector<16xi32>
      %lt3A_606 = arith.cmpi ult, %bitcast_convert_type3A_605, %broadcast_in_dim3A_221 : vector<16xi32>
      %and3A_607 = arith.andi %lt3A_601, %lt3A_606 : vector<16xi1>
      %sub3A_608 = arith.constant 1 : i32
      %sub3A_609 = vector.broadcast %sub3A_608 : i32 to vector<16xi32>
      %sub3A_610 = arith.subi %convert_element_type3A_588, %sub3A_609 : vector<16xi32>
      %bitcast_convert_type3A_611 = tpu.bitcast %sub3A_610 : vector<16xi32> -> vector<16xi32>
      %lt3A_612 = arith.cmpi ult, %bitcast_convert_type3A_611, %broadcast_in_dim3A_221 : vector<16xi32>
      %and3A_613 = arith.andi %and3A_607, %lt3A_612 : vector<16xi1>
      %select_n3A_614 = arith.select %and3A_613, %add3A_596, %broadcast_in_dim3A_217 : vector<16xi1>, vector<16xi32>
      %swap3A_615 = arith.index_cast %mul3A_566 : i32 to index
      %swap3A_616 = tpu.vector_load %arg8[%swap3A_615] {strides = array<i32>} : memref<31488xi32, #tpu.memory_space<vmem>>, vector<16xi32>,
      %swap3A_617 = vector.shape_cast %swap3A_616 : vector<16xi32> to vector<16xi32>
      %swap3A_618 = vector.shape_cast %select_n3A_614 : vector<16xi32> to vector<16xi32>
      tpu.vector_store %arg8[%swap3A_615], %swap3A_618 {strides = array<i32>} : memref<31488xi32, #tpu.memory_space<vmem>>, vector<16xi32>,
      %swap3A_619 = arith.index_cast %mul3A_566 : i32 to index
      %swap3A_620 = tpu.vector_load %arg7[%swap3A_619] {strides = array<i32>} : memref<62976xf32, #tpu.memory_space<vmem>>, vector<16xf32>,
      %swap3A_621 = vector.shape_cast %swap3A_620 : vector<16xf32> to vector<16xf32>
      %swap3A_622 = vector.shape_cast %broadcast_in_dim3A_219 : vector<16xf32> to vector<16xf32>
      tpu.vector_store %arg7[%swap3A_619], %swap3A_622 {strides = array<i32>} : memref<62976xf32, #tpu.memory_space<vmem>>, vector<16xf32>,
      %mul3A_623 = arith.constant 8 : i32
      %mul3A_624 = arith.muli %scan3A_318, %mul3A_623 : i32
      %add3A_625 = arith.constant 5 : i32
      %add3A_626 = arith.addi %mul3A_624, %add3A_625 : i32
      %mul3A_627 = arith.constant 16 : i32
      %mul3A_628 = arith.muli %add3A_626, %mul3A_627 : i32
      %get3A_629 = arith.index_cast %mul3A_628 : i32 to index
      %get3A_630 = tpu.vector_load %arg6[%get3A_629] {strides = array<i32>} : memref<31488xf32, #tpu.memory_space<vmem>>, vector<16xf32>,
      %get3A_631 = vector.shape_cast %get3A_630 : vector<16xf32> to vector<16xf32>
      %get3A_632 = arith.index_cast %mul3A_628 : i32 to index
      %get3A_633 = tpu.vector_load %arg7[%get3A_632] {strides = array<i32>} : memref<62976xf32, #tpu.memory_space<vmem>>, vector<16xf32>,
      %get3A_634 = vector.shape_cast %get3A_633 : vector<16xf32> to vector<16xf32>
      %mul3A_635 = arith.constant 16 : i32
      %mul3A_636 = arith.muli %add3A_626, %mul3A_635 : i32
      %add3A_637 = arith.constant 31488 : i32
      %add3A_638 = arith.addi %add3A_637, %mul3A_636 : i32
      %get3A_639 = arith.index_cast %add3A_638 : i32 to index
      %get3A_640 = tpu.vector_load %arg7[%get3A_639] {strides = array<i32>} : memref<62976xf32, #tpu.memory_space<vmem>>, vector<16xf32>,
      %get3A_641 = vector.shape_cast %get3A_640 : vector<16xf32> to vector<16xf32>
      %sub3A_642 = arith.subf %get3A_631, %get3A_174 : vector<16xf32>
      %mul3A_643 = arith.mulf %sub3A_642, %broadcast_in_dim3A_215 : vector<16xf32>
      %convert_element_type3A_644 = arith.fptosi %mul3A_643 : vector<16xf32> to vector<16xi32>
      %sub3A_645 = arith.subf %get3A_634, %get3A_179 : vector<16xf32>
      %mul3A_646 = arith.mulf %sub3A_645, %broadcast_in_dim3A_215 : vector<16xf32>
      %convert_element_type3A_647 = arith.fptosi %mul3A_646 : vector<16xf32> to vector<16xi32>
      %sub3A_648 = arith.subf %get3A_641, %get3A_184 : vector<16xf32>
      %mul3A_649 = arith.mulf %sub3A_648, %broadcast_in_dim3A_215 : vector<16xf32>
      %convert_element_type3A_650 = arith.fptosi %mul3A_649 : vector<16xf32> to vector<16xi32>
      %mul3A_651 = arith.constant 65536 : i32
      %mul3A_652 = vector.broadcast %mul3A_651 : i32 to vector<16xi32>
      %mul3A_653 = arith.muli %convert_element_type3A_644, %mul3A_652 : vector<16xi32>
      %mul3A_654 = arith.constant 256 : i32
      %mul3A_655 = vector.broadcast %mul3A_654 : i32 to vector<16xi32>
      %mul3A_656 = arith.muli %convert_element_type3A_647, %mul3A_655 : vector<16xi32>
      %add3A_657 = arith.addi %mul3A_653, %mul3A_656 : vector<16xi32>
      %add3A_658 = arith.addi %add3A_657, %convert_element_type3A_650 : vector<16xi32>
      %sub3A_659 = arith.constant 1 : i32
      %sub3A_660 = vector.broadcast %sub3A_659 : i32 to vector<16xi32>
      %sub3A_661 = arith.subi %convert_element_type3A_644, %sub3A_660 : vector<16xi32>
      %bitcast_convert_type3A_662 = tpu.bitcast %sub3A_661 : vector<16xi32> -> vector<16xi32>
      %lt3A_663 = arith.cmpi ult, %bitcast_convert_type3A_662, %broadcast_in_dim3A_221 : vector<16xi32>
      %sub3A_664 = arith.constant 1 : i32
      %sub3A_665 = vector.broadcast %sub3A_664 : i32 to vector<16xi32>
      %sub3A_666 = arith.subi %convert_element_type3A_647, %sub3A_665 : vector<16xi32>
      %bitcast_convert_type3A_667 = tpu.bitcast %sub3A_666 : vector<16xi32> -> vector<16xi32>
      %lt3A_668 = arith.cmpi ult, %bitcast_convert_type3A_667, %broadcast_in_dim3A_221 : vector<16xi32>
      %and3A_669 = arith.andi %lt3A_663, %lt3A_668 : vector<16xi1>
      %sub3A_670 = arith.constant 1 : i32
      %sub3A_671 = vector.broadcast %sub3A_670 : i32 to vector<16xi32>
      %sub3A_672 = arith.subi %convert_element_type3A_650, %sub3A_671 : vector<16xi32>
      %bitcast_convert_type3A_673 = tpu.bitcast %sub3A_672 : vector<16xi32> -> vector<16xi32>
      %lt3A_674 = arith.cmpi ult, %bitcast_convert_type3A_673, %broadcast_in_dim3A_221 : vector<16xi32>
      %and3A_675 = arith.andi %and3A_669, %lt3A_674 : vector<16xi1>
      %select_n3A_676 = arith.select %and3A_675, %add3A_658, %broadcast_in_dim3A_217 : vector<16xi1>, vector<16xi32>
      %swap3A_677 = arith.index_cast %mul3A_628 : i32 to index
      %swap3A_678 = tpu.vector_load %arg8[%swap3A_677] {strides = array<i32>} : memref<31488xi32, #tpu.memory_space<vmem>>, vector<16xi32>,
      %swap3A_679 = vector.shape_cast %swap3A_678 : vector<16xi32> to vector<16xi32>
      %swap3A_680 = vector.shape_cast %select_n3A_676 : vector<16xi32> to vector<16xi32>
      tpu.vector_store %arg8[%swap3A_677], %swap3A_680 {strides = array<i32>} : memref<31488xi32, #tpu.memory_space<vmem>>, vector<16xi32>,
      %swap3A_681 = arith.index_cast %mul3A_628 : i32 to index
      %swap3A_682 = tpu.vector_load %arg7[%swap3A_681] {strides = array<i32>} : memref<62976xf32, #tpu.memory_space<vmem>>, vector<16xf32>,
      %swap3A_683 = vector.shape_cast %swap3A_682 : vector<16xf32> to vector<16xf32>
      %swap3A_684 = vector.shape_cast %broadcast_in_dim3A_219 : vector<16xf32> to vector<16xf32>
      tpu.vector_store %arg7[%swap3A_681], %swap3A_684 {strides = array<i32>} : memref<62976xf32, #tpu.memory_space<vmem>>, vector<16xf32>,
      %mul3A_685 = arith.constant 8 : i32
      %mul3A_686 = arith.muli %scan3A_318, %mul3A_685 : i32
      %add3A_687 = arith.constant 6 : i32
      %add3A_688 = arith.addi %mul3A_686, %add3A_687 : i32
      %mul3A_689 = arith.constant 16 : i32
      %mul3A_690 = arith.muli %add3A_688, %mul3A_689 : i32
      %get3A_691 = arith.index_cast %mul3A_690 : i32 to index
      %get3A_692 = tpu.vector_load %arg6[%get3A_691] {strides = array<i32>} : memref<31488xf32, #tpu.memory_space<vmem>>, vector<16xf32>,
      %get3A_693 = vector.shape_cast %get3A_692 : vector<16xf32> to vector<16xf32>
      %get3A_694 = arith.index_cast %mul3A_690 : i32 to index
      %get3A_695 = tpu.vector_load %arg7[%get3A_694] {strides = array<i32>} : memref<62976xf32, #tpu.memory_space<vmem>>, vector<16xf32>,
      %get3A_696 = vector.shape_cast %get3A_695 : vector<16xf32> to vector<16xf32>
      %mul3A_697 = arith.constant 16 : i32
      %mul3A_698 = arith.muli %add3A_688, %mul3A_697 : i32
      %add3A_699 = arith.constant 31488 : i32
      %add3A_700 = arith.addi %add3A_699, %mul3A_698 : i32
      %get3A_701 = arith.index_cast %add3A_700 : i32 to index
      %get3A_702 = tpu.vector_load %arg7[%get3A_701] {strides = array<i32>} : memref<62976xf32, #tpu.memory_space<vmem>>, vector<16xf32>,
      %get3A_703 = vector.shape_cast %get3A_702 : vector<16xf32> to vector<16xf32>
      %sub3A_704 = arith.subf %get3A_693, %get3A_174 : vector<16xf32>
      %mul3A_705 = arith.mulf %sub3A_704, %broadcast_in_dim3A_215 : vector<16xf32>
      %convert_element_type3A_706 = arith.fptosi %mul3A_705 : vector<16xf32> to vector<16xi32>
      %sub3A_707 = arith.subf %get3A_696, %get3A_179 : vector<16xf32>
      %mul3A_708 = arith.mulf %sub3A_707, %broadcast_in_dim3A_215 : vector<16xf32>
      %convert_element_type3A_709 = arith.fptosi %mul3A_708 : vector<16xf32> to vector<16xi32>
      %sub3A_710 = arith.subf %get3A_703, %get3A_184 : vector<16xf32>
      %mul3A_711 = arith.mulf %sub3A_710, %broadcast_in_dim3A_215 : vector<16xf32>
      %convert_element_type3A_712 = arith.fptosi %mul3A_711 : vector<16xf32> to vector<16xi32>
      %mul3A_713 = arith.constant 65536 : i32
      %mul3A_714 = vector.broadcast %mul3A_713 : i32 to vector<16xi32>
      %mul3A_715 = arith.muli %convert_element_type3A_706, %mul3A_714 : vector<16xi32>
      %mul3A_716 = arith.constant 256 : i32
      %mul3A_717 = vector.broadcast %mul3A_716 : i32 to vector<16xi32>
      %mul3A_718 = arith.muli %convert_element_type3A_709, %mul3A_717 : vector<16xi32>
      %add3A_719 = arith.addi %mul3A_715, %mul3A_718 : vector<16xi32>
      %add3A_720 = arith.addi %add3A_719, %convert_element_type3A_712 : vector<16xi32>
      %sub3A_721 = arith.constant 1 : i32
      %sub3A_722 = vector.broadcast %sub3A_721 : i32 to vector<16xi32>
      %sub3A_723 = arith.subi %convert_element_type3A_706, %sub3A_722 : vector<16xi32>
      %bitcast_convert_type3A_724 = tpu.bitcast %sub3A_723 : vector<16xi32> -> vector<16xi32>
      %lt3A_725 = arith.cmpi ult, %bitcast_convert_type3A_724, %broadcast_in_dim3A_221 : vector<16xi32>
      %sub3A_726 = arith.constant 1 : i32
      %sub3A_727 = vector.broadcast %sub3A_726 : i32 to vector<16xi32>
      %sub3A_728 = arith.subi %convert_element_type3A_709, %sub3A_727 : vector<16xi32>
      %bitcast_convert_type3A_729 = tpu.bitcast %sub3A_728 : vector<16xi32> -> vector<16xi32>
      %lt3A_730 = arith.cmpi ult, %bitcast_convert_type3A_729, %broadcast_in_dim3A_221 : vector<16xi32>
      %and3A_731 = arith.andi %lt3A_725, %lt3A_730 : vector<16xi1>
      %sub3A_732 = arith.constant 1 : i32
      %sub3A_733 = vector.broadcast %sub3A_732 : i32 to vector<16xi32>
      %sub3A_734 = arith.subi %convert_element_type3A_712, %sub3A_733 : vector<16xi32>
      %bitcast_convert_type3A_735 = tpu.bitcast %sub3A_734 : vector<16xi32> -> vector<16xi32>
      %lt3A_736 = arith.cmpi ult, %bitcast_convert_type3A_735, %broadcast_in_dim3A_221 : vector<16xi32>
      %and3A_737 = arith.andi %and3A_731, %lt3A_736 : vector<16xi1>
      %select_n3A_738 = arith.select %and3A_737, %add3A_720, %broadcast_in_dim3A_217 : vector<16xi1>, vector<16xi32>
      %swap3A_739 = arith.index_cast %mul3A_690 : i32 to index
      %swap3A_740 = tpu.vector_load %arg8[%swap3A_739] {strides = array<i32>} : memref<31488xi32, #tpu.memory_space<vmem>>, vector<16xi32>,
      %swap3A_741 = vector.shape_cast %swap3A_740 : vector<16xi32> to vector<16xi32>
      %swap3A_742 = vector.shape_cast %select_n3A_738 : vector<16xi32> to vector<16xi32>
      tpu.vector_store %arg8[%swap3A_739], %swap3A_742 {strides = array<i32>} : memref<31488xi32, #tpu.memory_space<vmem>>, vector<16xi32>,
      %swap3A_743 = arith.index_cast %mul3A_690 : i32 to index
      %swap3A_744 = tpu.vector_load %arg7[%swap3A_743] {strides = array<i32>} : memref<62976xf32, #tpu.memory_space<vmem>>, vector<16xf32>,
      %swap3A_745 = vector.shape_cast %swap3A_744 : vector<16xf32> to vector<16xf32>
      %swap3A_746 = vector.shape_cast %broadcast_in_dim3A_219 : vector<16xf32> to vector<16xf32>
      tpu.vector_store %arg7[%swap3A_743], %swap3A_746 {strides = array<i32>} : memref<62976xf32, #tpu.memory_space<vmem>>, vector<16xf32>,
      %mul3A_747 = arith.constant 8 : i32
      %mul3A_748 = arith.muli %scan3A_318, %mul3A_747 : i32
      %add3A_749 = arith.constant 7 : i32
      %add3A_750 = arith.addi %mul3A_748, %add3A_749 : i32
      %mul3A_751 = arith.constant 16 : i32
      %mul3A_752 = arith.muli %add3A_750, %mul3A_751 : i32
      %get3A_753 = arith.index_cast %mul3A_752 : i32 to index
      %get3A_754 = tpu.vector_load %arg6[%get3A_753] {strides = array<i32>} : memref<31488xf32, #tpu.memory_space<vmem>>, vector<16xf32>,
      %get3A_755 = vector.shape_cast %get3A_754 : vector<16xf32> to vector<16xf32>
      %get3A_756 = arith.index_cast %mul3A_752 : i32 to index
      %get3A_757 = tpu.vector_load %arg7[%get3A_756] {strides = array<i32>} : memref<62976xf32, #tpu.memory_space<vmem>>, vector<16xf32>,
      %get3A_758 = vector.shape_cast %get3A_757 : vector<16xf32> to vector<16xf32>
      %mul3A_759 = arith.constant 16 : i32
      %mul3A_760 = arith.muli %add3A_750, %mul3A_759 : i32
      %add3A_761 = arith.constant 31488 : i32
      %add3A_762 = arith.addi %add3A_761, %mul3A_760 : i32
      %get3A_763 = arith.index_cast %add3A_762 : i32 to index
      %get3A_764 = tpu.vector_load %arg7[%get3A_763] {strides = array<i32>} : memref<62976xf32, #tpu.memory_space<vmem>>, vector<16xf32>,
      %get3A_765 = vector.shape_cast %get3A_764 : vector<16xf32> to vector<16xf32>
      %sub3A_766 = arith.subf %get3A_755, %get3A_174 : vector<16xf32>
      %mul3A_767 = arith.mulf %sub3A_766, %broadcast_in_dim3A_215 : vector<16xf32>
      %convert_element_type3A_768 = arith.fptosi %mul3A_767 : vector<16xf32> to vector<16xi32>
      %sub3A_769 = arith.subf %get3A_758, %get3A_179 : vector<16xf32>
      %mul3A_770 = arith.mulf %sub3A_769, %broadcast_in_dim3A_215 : vector<16xf32>
      %convert_element_type3A_771 = arith.fptosi %mul3A_770 : vector<16xf32> to vector<16xi32>
      %sub3A_772 = arith.subf %get3A_765, %get3A_184 : vector<16xf32>
      %mul3A_773 = arith.mulf %sub3A_772, %broadcast_in_dim3A_215 : vector<16xf32>
      %convert_element_type3A_774 = arith.fptosi %mul3A_773 : vector<16xf32> to vector<16xi32>
      %mul3A_775 = arith.constant 65536 : i32
      %mul3A_776 = vector.broadcast %mul3A_775 : i32 to vector<16xi32>
      %mul3A_777 = arith.muli %convert_element_type3A_768, %mul3A_776 : vector<16xi32>
      %mul3A_778 = arith.constant 256 : i32
      %mul3A_779 = vector.broadcast %mul3A_778 : i32 to vector<16xi32>
      %mul3A_780 = arith.muli %convert_element_type3A_771, %mul3A_779 : vector<16xi32>
      %add3A_781 = arith.addi %mul3A_777, %mul3A_780 : vector<16xi32>
      %add3A_782 = arith.addi %add3A_781, %convert_element_type3A_774 : vector<16xi32>
      %sub3A_783 = arith.constant 1 : i32
      %sub3A_784 = vector.broadcast %sub3A_783 : i32 to vector<16xi32>
      %sub3A_785 = arith.subi %convert_element_type3A_768, %sub3A_784 : vector<16xi32>
      %bitcast_convert_type3A_786 = tpu.bitcast %sub3A_785 : vector<16xi32> -> vector<16xi32>
      %lt3A_787 = arith.cmpi ult, %bitcast_convert_type3A_786, %broadcast_in_dim3A_221 : vector<16xi32>
      %sub3A_788 = arith.constant 1 : i32
      %sub3A_789 = vector.broadcast %sub3A_788 : i32 to vector<16xi32>
      %sub3A_790 = arith.subi %convert_element_type3A_771, %sub3A_789 : vector<16xi32>
      %bitcast_convert_type3A_791 = tpu.bitcast %sub3A_790 : vector<16xi32> -> vector<16xi32>
      %lt3A_792 = arith.cmpi ult, %bitcast_convert_type3A_791, %broadcast_in_dim3A_221 : vector<16xi32>
      %and3A_793 = arith.andi %lt3A_787, %lt3A_792 : vector<16xi1>
      %sub3A_794 = arith.constant 1 : i32
      %sub3A_795 = vector.broadcast %sub3A_794 : i32 to vector<16xi32>
      %sub3A_796 = arith.subi %convert_element_type3A_774, %sub3A_795 : vector<16xi32>
      %bitcast_convert_type3A_797 = tpu.bitcast %sub3A_796 : vector<16xi32> -> vector<16xi32>
      %lt3A_798 = arith.cmpi ult, %bitcast_convert_type3A_797, %broadcast_in_dim3A_221 : vector<16xi32>
      %and3A_799 = arith.andi %and3A_793, %lt3A_798 : vector<16xi1>
      %select_n3A_800 = arith.select %and3A_799, %add3A_782, %broadcast_in_dim3A_217 : vector<16xi1>, vector<16xi32>
      %swap3A_801 = arith.index_cast %mul3A_752 : i32 to index
      %swap3A_802 = tpu.vector_load %arg8[%swap3A_801] {strides = array<i32>} : memref<31488xi32, #tpu.memory_space<vmem>>, vector<16xi32>,
      %swap3A_803 = vector.shape_cast %swap3A_802 : vector<16xi32> to vector<16xi32>
      %swap3A_804 = vector.shape_cast %select_n3A_800 : vector<16xi32> to vector<16xi32>
      tpu.vector_store %arg8[%swap3A_801], %swap3A_804 {strides = array<i32>} : memref<31488xi32, #tpu.memory_space<vmem>>, vector<16xi32>,
      %swap3A_805 = arith.index_cast %mul3A_752 : i32 to index
      %swap3A_806 = tpu.vector_load %arg7[%swap3A_805] {strides = array<i32>} : memref<62976xf32, #tpu.memory_space<vmem>>, vector<16xf32>,
      %swap3A_807 = vector.shape_cast %swap3A_806 : vector<16xf32> to vector<16xf32>
      %swap3A_808 = vector.shape_cast %broadcast_in_dim3A_219 : vector<16xf32> to vector<16xf32>
      tpu.vector_store %arg7[%swap3A_805], %swap3A_808 {strides = array<i32>} : memref<62976xf32, #tpu.memory_space<vmem>>, vector<16xf32>,
      %mul3A_809 = arith.constant 128 : i32
      %mul3A_810 = arith.muli %scan3A_318, %mul3A_809 : i32
      %dma_start3A_811 = tpu.memref_slice %arg7[%mul3A_810] : memref<62976xf32, #tpu.memory_space<vmem>> -> memref<128xf32, #tpu.memory_space<vmem>>
      %dma_start3A_812 = tpu.memref_slice %arg8[%mul3A_810] : memref<31488xi32, #tpu.memory_space<vmem>> -> memref<128xi32, #tpu.memory_space<vmem>>
      %dma_start3A_813 = arith.constant 0 : i32
      %dma_start3A_814 = tpu.memref_slice %arg4[%dma_start3A_813] : memref<16777216xf32, #tpu.memory_space<hbm>> -> memref<16777216xf32, #tpu.memory_space<hbm>>
      %dma_start3A_815 = arith.constant -1 : i32
      tpu.enqueue_indirect_dma source(%dma_start3A_814 : memref<16777216xf32, #tpu.memory_space<hbm>>) target(%dma_start3A_811 : memref<128xf32, #tpu.memory_space<vmem>>) offsets(%dma_start3A_812 : memref<128xi32, #tpu.memory_space<vmem>>) offset_filter(%dma_start3A_815) semaphore(%arg11 : memref<!tpu.dma_semaphore, #tpu.memory_space<semaphore_mem>>)
      %scan3A_816 = arith.constant 0 : i32
      scf.yield %scan3A_816 : i32
    }
    %scan3A_249 = arith.constant 41 : i32
    %dma_wait3A_250 = arith.constant 0 : i32
    %dma_wait3A_251 = tpu.memref_slice %arg7[%dma_wait3A_250] : memref<62976xf32, #tpu.memory_space<vmem>> -> memref<15744xf32, #tpu.memory_space<vmem>>
    %dma_wait3A_252 = arith.constant 0 : i32
    %dma_wait3A_253 = tpu.memref_slice %arg2[%dma_wait3A_252] : memref<3000000xf32, #tpu.memory_space<hbm>> -> memref<15744xf32, #tpu.memory_space<hbm>>
    %dma_wait3A_254 = arith.constant 0 : i32
    %dma_wait3A_255 = tpu.memref_slice %arg7[%dma_wait3A_254] : memref<62976xf32, #tpu.memory_space<vmem>> -> memref<15744xf32, #tpu.memory_space<vmem>>
    %dma_wait3A_256 = arith.constant 0 : i32
    %dma_wait3A_257 = tpu.memref_slice %arg2[%dma_wait3A_256] : memref<3000000xf32, #tpu.memory_space<hbm>> -> memref<15744xf32, #tpu.memory_space<hbm>>
    tpu.wait_dma2 semaphore(%arg10 : memref<!tpu.dma_semaphore, #tpu.memory_space<semaphore_mem>>) src(%dma_wait3A_257 : memref<15744xf32, #tpu.memory_space<hbm>>) dst(%dma_wait3A_255 : memref<15744xf32, #tpu.memory_space<vmem>>)
    %scan3A_258 = arith.constant 0 : i32
    %scan3A_259 = arith.constant 82 : i32
    %scan3A_260 = arith.constant 41 : i32
    %scan3A_261 = arith.addi %scan3A_259, %scan3A_260 : i32
    %scan3A_262 = arith.constant 1 : i32
    %scan3A_263 = scf.for %scan3A_318 = %scan3A_259 to %scan3A_261 step %scan3A_262 iter_args(%scan3A_319 = %scan3A_258) -> (i32)  : i32 {
      %mul3A_320 = arith.constant 8 : i32
      %mul3A_321 = arith.muli %scan3A_318, %mul3A_320 : i32
      %add3A_322 = arith.constant 0 : i32
      %add3A_323 = arith.addi %mul3A_321, %add3A_322 : i32
      %mul3A_324 = arith.constant 16 : i32
      %mul3A_325 = arith.muli %add3A_323, %mul3A_324 : i32
      %get3A_326 = arith.index_cast %mul3A_325 : i32 to index
      %get3A_327 = tpu.vector_load %arg6[%get3A_326] {strides = array<i32>} : memref<31488xf32, #tpu.memory_space<vmem>>, vector<16xf32>,
      %get3A_328 = vector.shape_cast %get3A_327 : vector<16xf32> to vector<16xf32>
      %get3A_329 = arith.index_cast %mul3A_325 : i32 to index
      %get3A_330 = tpu.vector_load %arg7[%get3A_329] {strides = array<i32>} : memref<62976xf32, #tpu.memory_space<vmem>>, vector<16xf32>,
      %get3A_331 = vector.shape_cast %get3A_330 : vector<16xf32> to vector<16xf32>
      %mul3A_332 = arith.constant 16 : i32
      %mul3A_333 = arith.muli %add3A_323, %mul3A_332 : i32
      %add3A_334 = arith.constant 31488 : i32
      %add3A_335 = arith.addi %add3A_334, %mul3A_333 : i32
      %get3A_336 = arith.index_cast %add3A_335 : i32 to index
      %get3A_337 = tpu.vector_load %arg7[%get3A_336] {strides = array<i32>} : memref<62976xf32, #tpu.memory_space<vmem>>, vector<16xf32>,
      %get3A_338 = vector.shape_cast %get3A_337 : vector<16xf32> to vector<16xf32>
      %sub3A = arith.subf %get3A_328, %get3A_174 : vector<16xf32>
      %mul3A_339 = arith.mulf %sub3A, %broadcast_in_dim3A_215 : vector<16xf32>
      %convert_element_type3A = arith.fptosi %mul3A_339 : vector<16xf32> to vector<16xi32>
      %sub3A_340 = arith.subf %get3A_331, %get3A_179 : vector<16xf32>
      %mul3A_341 = arith.mulf %sub3A_340, %broadcast_in_dim3A_215 : vector<16xf32>
      %convert_element_type3A_342 = arith.fptosi %mul3A_341 : vector<16xf32> to vector<16xi32>
      %sub3A_343 = arith.subf %get3A_338, %get3A_184 : vector<16xf32>
      %mul3A_344 = arith.mulf %sub3A_343, %broadcast_in_dim3A_215 : vector<16xf32>
      %convert_element_type3A_345 = arith.fptosi %mul3A_344 : vector<16xf32> to vector<16xi32>
      %mul3A_346 = arith.constant 65536 : i32
      %mul3A_347 = vector.broadcast %mul3A_346 : i32 to vector<16xi32>
      %mul3A_348 = arith.muli %convert_element_type3A, %mul3A_347 : vector<16xi32>
      %mul3A_349 = arith.constant 256 : i32
      %mul3A_350 = vector.broadcast %mul3A_349 : i32 to vector<16xi32>
      %mul3A_351 = arith.muli %convert_element_type3A_342, %mul3A_350 : vector<16xi32>
      %add3A_352 = arith.addi %mul3A_348, %mul3A_351 : vector<16xi32>
      %add3A_353 = arith.addi %add3A_352, %convert_element_type3A_345 : vector<16xi32>
      %sub3A_354 = arith.constant 1 : i32
      %sub3A_355 = vector.broadcast %sub3A_354 : i32 to vector<16xi32>
      %sub3A_356 = arith.subi %convert_element_type3A, %sub3A_355 : vector<16xi32>
      %bitcast_convert_type3A = tpu.bitcast %sub3A_356 : vector<16xi32> -> vector<16xi32>
      %lt3A = arith.cmpi ult, %bitcast_convert_type3A, %broadcast_in_dim3A_221 : vector<16xi32>
      %sub3A_357 = arith.constant 1 : i32
      %sub3A_358 = vector.broadcast %sub3A_357 : i32 to vector<16xi32>
      %sub3A_359 = arith.subi %convert_element_type3A_342, %sub3A_358 : vector<16xi32>
      %bitcast_convert_type3A_360 = tpu.bitcast %sub3A_359 : vector<16xi32> -> vector<16xi32>
      %lt3A_361 = arith.cmpi ult, %bitcast_convert_type3A_360, %broadcast_in_dim3A_221 : vector<16xi32>
      %and3A = arith.andi %lt3A, %lt3A_361 : vector<16xi1>
      %sub3A_362 = arith.constant 1 : i32
      %sub3A_363 = vector.broadcast %sub3A_362 : i32 to vector<16xi32>
      %sub3A_364 = arith.subi %convert_element_type3A_345, %sub3A_363 : vector<16xi32>
      %bitcast_convert_type3A_365 = tpu.bitcast %sub3A_364 : vector<16xi32> -> vector<16xi32>
      %lt3A_366 = arith.cmpi ult, %bitcast_convert_type3A_365, %broadcast_in_dim3A_221 : vector<16xi32>
      %and3A_367 = arith.andi %and3A, %lt3A_366 : vector<16xi1>
      %select_n3A = arith.select %and3A_367, %add3A_353, %broadcast_in_dim3A_217 : vector<16xi1>, vector<16xi32>
      %swap3A = arith.index_cast %mul3A_325 : i32 to index
      %swap3A_368 = tpu.vector_load %arg8[%swap3A] {strides = array<i32>} : memref<31488xi32, #tpu.memory_space<vmem>>, vector<16xi32>,
      %swap3A_369 = vector.shape_cast %swap3A_368 : vector<16xi32> to vector<16xi32>
      %swap3A_370 = vector.shape_cast %select_n3A : vector<16xi32> to vector<16xi32>
      tpu.vector_store %arg8[%swap3A], %swap3A_370 {strides = array<i32>} : memref<31488xi32, #tpu.memory_space<vmem>>, vector<16xi32>,
      %swap3A_371 = arith.index_cast %mul3A_325 : i32 to index
      %swap3A_372 = tpu.vector_load %arg7[%swap3A_371] {strides = array<i32>} : memref<62976xf32, #tpu.memory_space<vmem>>, vector<16xf32>,
      %swap3A_373 = vector.shape_cast %swap3A_372 : vector<16xf32> to vector<16xf32>
      %swap3A_374 = vector.shape_cast %broadcast_in_dim3A_219 : vector<16xf32> to vector<16xf32>
      tpu.vector_store %arg7[%swap3A_371], %swap3A_374 {strides = array<i32>} : memref<62976xf32, #tpu.memory_space<vmem>>, vector<16xf32>,
      %mul3A_375 = arith.constant 8 : i32
      %mul3A_376 = arith.muli %scan3A_318, %mul3A_375 : i32
      %add3A_377 = arith.constant 1 : i32
      %add3A_378 = arith.addi %mul3A_376, %add3A_377 : i32
      %mul3A_379 = arith.constant 16 : i32
      %mul3A_380 = arith.muli %add3A_378, %mul3A_379 : i32
      %get3A_381 = arith.index_cast %mul3A_380 : i32 to index
      %get3A_382 = tpu.vector_load %arg6[%get3A_381] {strides = array<i32>} : memref<31488xf32, #tpu.memory_space<vmem>>, vector<16xf32>,
      %get3A_383 = vector.shape_cast %get3A_382 : vector<16xf32> to vector<16xf32>
      %get3A_384 = arith.index_cast %mul3A_380 : i32 to index
      %get3A_385 = tpu.vector_load %arg7[%get3A_384] {strides = array<i32>} : memref<62976xf32, #tpu.memory_space<vmem>>, vector<16xf32>,
      %get3A_386 = vector.shape_cast %get3A_385 : vector<16xf32> to vector<16xf32>
      %mul3A_387 = arith.constant 16 : i32
      %mul3A_388 = arith.muli %add3A_378, %mul3A_387 : i32
      %add3A_389 = arith.constant 31488 : i32
      %add3A_390 = arith.addi %add3A_389, %mul3A_388 : i32
      %get3A_391 = arith.index_cast %add3A_390 : i32 to index
      %get3A_392 = tpu.vector_load %arg7[%get3A_391] {strides = array<i32>} : memref<62976xf32, #tpu.memory_space<vmem>>, vector<16xf32>,
      %get3A_393 = vector.shape_cast %get3A_392 : vector<16xf32> to vector<16xf32>
      %sub3A_394 = arith.subf %get3A_383, %get3A_174 : vector<16xf32>
      %mul3A_395 = arith.mulf %sub3A_394, %broadcast_in_dim3A_215 : vector<16xf32>
      %convert_element_type3A_396 = arith.fptosi %mul3A_395 : vector<16xf32> to vector<16xi32>
      %sub3A_397 = arith.subf %get3A_386, %get3A_179 : vector<16xf32>
      %mul3A_398 = arith.mulf %sub3A_397, %broadcast_in_dim3A_215 : vector<16xf32>
      %convert_element_type3A_399 = arith.fptosi %mul3A_398 : vector<16xf32> to vector<16xi32>
      %sub3A_400 = arith.subf %get3A_393, %get3A_184 : vector<16xf32>
      %mul3A_401 = arith.mulf %sub3A_400, %broadcast_in_dim3A_215 : vector<16xf32>
      %convert_element_type3A_402 = arith.fptosi %mul3A_401 : vector<16xf32> to vector<16xi32>
      %mul3A_403 = arith.constant 65536 : i32
      %mul3A_404 = vector.broadcast %mul3A_403 : i32 to vector<16xi32>
      %mul3A_405 = arith.muli %convert_element_type3A_396, %mul3A_404 : vector<16xi32>
      %mul3A_406 = arith.constant 256 : i32
      %mul3A_407 = vector.broadcast %mul3A_406 : i32 to vector<16xi32>
      %mul3A_408 = arith.muli %convert_element_type3A_399, %mul3A_407 : vector<16xi32>
      %add3A_409 = arith.addi %mul3A_405, %mul3A_408 : vector<16xi32>
      %add3A_410 = arith.addi %add3A_409, %convert_element_type3A_402 : vector<16xi32>
      %sub3A_411 = arith.constant 1 : i32
      %sub3A_412 = vector.broadcast %sub3A_411 : i32 to vector<16xi32>
      %sub3A_413 = arith.subi %convert_element_type3A_396, %sub3A_412 : vector<16xi32>
      %bitcast_convert_type3A_414 = tpu.bitcast %sub3A_413 : vector<16xi32> -> vector<16xi32>
      %lt3A_415 = arith.cmpi ult, %bitcast_convert_type3A_414, %broadcast_in_dim3A_221 : vector<16xi32>
      %sub3A_416 = arith.constant 1 : i32
      %sub3A_417 = vector.broadcast %sub3A_416 : i32 to vector<16xi32>
      %sub3A_418 = arith.subi %convert_element_type3A_399, %sub3A_417 : vector<16xi32>
      %bitcast_convert_type3A_419 = tpu.bitcast %sub3A_418 : vector<16xi32> -> vector<16xi32>
      %lt3A_420 = arith.cmpi ult, %bitcast_convert_type3A_419, %broadcast_in_dim3A_221 : vector<16xi32>
      %and3A_421 = arith.andi %lt3A_415, %lt3A_420 : vector<16xi1>
      %sub3A_422 = arith.constant 1 : i32
      %sub3A_423 = vector.broadcast %sub3A_422 : i32 to vector<16xi32>
      %sub3A_424 = arith.subi %convert_element_type3A_402, %sub3A_423 : vector<16xi32>
      %bitcast_convert_type3A_425 = tpu.bitcast %sub3A_424 : vector<16xi32> -> vector<16xi32>
      %lt3A_426 = arith.cmpi ult, %bitcast_convert_type3A_425, %broadcast_in_dim3A_221 : vector<16xi32>
      %and3A_427 = arith.andi %and3A_421, %lt3A_426 : vector<16xi1>
      %select_n3A_428 = arith.select %and3A_427, %add3A_410, %broadcast_in_dim3A_217 : vector<16xi1>, vector<16xi32>
      %swap3A_429 = arith.index_cast %mul3A_380 : i32 to index
      %swap3A_430 = tpu.vector_load %arg8[%swap3A_429] {strides = array<i32>} : memref<31488xi32, #tpu.memory_space<vmem>>, vector<16xi32>,
      %swap3A_431 = vector.shape_cast %swap3A_430 : vector<16xi32> to vector<16xi32>
      %swap3A_432 = vector.shape_cast %select_n3A_428 : vector<16xi32> to vector<16xi32>
      tpu.vector_store %arg8[%swap3A_429], %swap3A_432 {strides = array<i32>} : memref<31488xi32, #tpu.memory_space<vmem>>, vector<16xi32>,
      %swap3A_433 = arith.index_cast %mul3A_380 : i32 to index
      %swap3A_434 = tpu.vector_load %arg7[%swap3A_433] {strides = array<i32>} : memref<62976xf32, #tpu.memory_space<vmem>>, vector<16xf32>,
      %swap3A_435 = vector.shape_cast %swap3A_434 : vector<16xf32> to vector<16xf32>
      %swap3A_436 = vector.shape_cast %broadcast_in_dim3A_219 : vector<16xf32> to vector<16xf32>
      tpu.vector_store %arg7[%swap3A_433], %swap3A_436 {strides = array<i32>} : memref<62976xf32, #tpu.memory_space<vmem>>, vector<16xf32>,
      %mul3A_437 = arith.constant 8 : i32
      %mul3A_438 = arith.muli %scan3A_318, %mul3A_437 : i32
      %add3A_439 = arith.constant 2 : i32
      %add3A_440 = arith.addi %mul3A_438, %add3A_439 : i32
      %mul3A_441 = arith.constant 16 : i32
      %mul3A_442 = arith.muli %add3A_440, %mul3A_441 : i32
      %get3A_443 = arith.index_cast %mul3A_442 : i32 to index
      %get3A_444 = tpu.vector_load %arg6[%get3A_443] {strides = array<i32>} : memref<31488xf32, #tpu.memory_space<vmem>>, vector<16xf32>,
      %get3A_445 = vector.shape_cast %get3A_444 : vector<16xf32> to vector<16xf32>
      %get3A_446 = arith.index_cast %mul3A_442 : i32 to index
      %get3A_447 = tpu.vector_load %arg7[%get3A_446] {strides = array<i32>} : memref<62976xf32, #tpu.memory_space<vmem>>, vector<16xf32>,
      %get3A_448 = vector.shape_cast %get3A_447 : vector<16xf32> to vector<16xf32>
      %mul3A_449 = arith.constant 16 : i32
      %mul3A_450 = arith.muli %add3A_440, %mul3A_449 : i32
      %add3A_451 = arith.constant 31488 : i32
      %add3A_452 = arith.addi %add3A_451, %mul3A_450 : i32
      %get3A_453 = arith.index_cast %add3A_452 : i32 to index
      %get3A_454 = tpu.vector_load %arg7[%get3A_453] {strides = array<i32>} : memref<62976xf32, #tpu.memory_space<vmem>>, vector<16xf32>,
      %get3A_455 = vector.shape_cast %get3A_454 : vector<16xf32> to vector<16xf32>
      %sub3A_456 = arith.subf %get3A_445, %get3A_174 : vector<16xf32>
      %mul3A_457 = arith.mulf %sub3A_456, %broadcast_in_dim3A_215 : vector<16xf32>
      %convert_element_type3A_458 = arith.fptosi %mul3A_457 : vector<16xf32> to vector<16xi32>
      %sub3A_459 = arith.subf %get3A_448, %get3A_179 : vector<16xf32>
      %mul3A_460 = arith.mulf %sub3A_459, %broadcast_in_dim3A_215 : vector<16xf32>
      %convert_element_type3A_461 = arith.fptosi %mul3A_460 : vector<16xf32> to vector<16xi32>
      %sub3A_462 = arith.subf %get3A_455, %get3A_184 : vector<16xf32>
      %mul3A_463 = arith.mulf %sub3A_462, %broadcast_in_dim3A_215 : vector<16xf32>
      %convert_element_type3A_464 = arith.fptosi %mul3A_463 : vector<16xf32> to vector<16xi32>
      %mul3A_465 = arith.constant 65536 : i32
      %mul3A_466 = vector.broadcast %mul3A_465 : i32 to vector<16xi32>
      %mul3A_467 = arith.muli %convert_element_type3A_458, %mul3A_466 : vector<16xi32>
      %mul3A_468 = arith.constant 256 : i32
      %mul3A_469 = vector.broadcast %mul3A_468 : i32 to vector<16xi32>
      %mul3A_470 = arith.muli %convert_element_type3A_461, %mul3A_469 : vector<16xi32>
      %add3A_471 = arith.addi %mul3A_467, %mul3A_470 : vector<16xi32>
      %add3A_472 = arith.addi %add3A_471, %convert_element_type3A_464 : vector<16xi32>
      %sub3A_473 = arith.constant 1 : i32
      %sub3A_474 = vector.broadcast %sub3A_473 : i32 to vector<16xi32>
      %sub3A_475 = arith.subi %convert_element_type3A_458, %sub3A_474 : vector<16xi32>
      %bitcast_convert_type3A_476 = tpu.bitcast %sub3A_475 : vector<16xi32> -> vector<16xi32>
      %lt3A_477 = arith.cmpi ult, %bitcast_convert_type3A_476, %broadcast_in_dim3A_221 : vector<16xi32>
      %sub3A_478 = arith.constant 1 : i32
      %sub3A_479 = vector.broadcast %sub3A_478 : i32 to vector<16xi32>
      %sub3A_480 = arith.subi %convert_element_type3A_461, %sub3A_479 : vector<16xi32>
      %bitcast_convert_type3A_481 = tpu.bitcast %sub3A_480 : vector<16xi32> -> vector<16xi32>
      %lt3A_482 = arith.cmpi ult, %bitcast_convert_type3A_481, %broadcast_in_dim3A_221 : vector<16xi32>
      %and3A_483 = arith.andi %lt3A_477, %lt3A_482 : vector<16xi1>
      %sub3A_484 = arith.constant 1 : i32
      %sub3A_485 = vector.broadcast %sub3A_484 : i32 to vector<16xi32>
      %sub3A_486 = arith.subi %convert_element_type3A_464, %sub3A_485 : vector<16xi32>
      %bitcast_convert_type3A_487 = tpu.bitcast %sub3A_486 : vector<16xi32> -> vector<16xi32>
      %lt3A_488 = arith.cmpi ult, %bitcast_convert_type3A_487, %broadcast_in_dim3A_221 : vector<16xi32>
      %and3A_489 = arith.andi %and3A_483, %lt3A_488 : vector<16xi1>
      %select_n3A_490 = arith.select %and3A_489, %add3A_472, %broadcast_in_dim3A_217 : vector<16xi1>, vector<16xi32>
      %swap3A_491 = arith.index_cast %mul3A_442 : i32 to index
      %swap3A_492 = tpu.vector_load %arg8[%swap3A_491] {strides = array<i32>} : memref<31488xi32, #tpu.memory_space<vmem>>, vector<16xi32>,
      %swap3A_493 = vector.shape_cast %swap3A_492 : vector<16xi32> to vector<16xi32>
      %swap3A_494 = vector.shape_cast %select_n3A_490 : vector<16xi32> to vector<16xi32>
      tpu.vector_store %arg8[%swap3A_491], %swap3A_494 {strides = array<i32>} : memref<31488xi32, #tpu.memory_space<vmem>>, vector<16xi32>,
      %swap3A_495 = arith.index_cast %mul3A_442 : i32 to index
      %swap3A_496 = tpu.vector_load %arg7[%swap3A_495] {strides = array<i32>} : memref<62976xf32, #tpu.memory_space<vmem>>, vector<16xf32>,
      %swap3A_497 = vector.shape_cast %swap3A_496 : vector<16xf32> to vector<16xf32>
      %swap3A_498 = vector.shape_cast %broadcast_in_dim3A_219 : vector<16xf32> to vector<16xf32>
      tpu.vector_store %arg7[%swap3A_495], %swap3A_498 {strides = array<i32>} : memref<62976xf32, #tpu.memory_space<vmem>>, vector<16xf32>,
      %mul3A_499 = arith.constant 8 : i32
      %mul3A_500 = arith.muli %scan3A_318, %mul3A_499 : i32
      %add3A_501 = arith.constant 3 : i32
      %add3A_502 = arith.addi %mul3A_500, %add3A_501 : i32
      %mul3A_503 = arith.constant 16 : i32
      %mul3A_504 = arith.muli %add3A_502, %mul3A_503 : i32
      %get3A_505 = arith.index_cast %mul3A_504 : i32 to index
      %get3A_506 = tpu.vector_load %arg6[%get3A_505] {strides = array<i32>} : memref<31488xf32, #tpu.memory_space<vmem>>, vector<16xf32>,
      %get3A_507 = vector.shape_cast %get3A_506 : vector<16xf32> to vector<16xf32>
      %get3A_508 = arith.index_cast %mul3A_504 : i32 to index
      %get3A_509 = tpu.vector_load %arg7[%get3A_508] {strides = array<i32>} : memref<62976xf32, #tpu.memory_space<vmem>>, vector<16xf32>,
      %get3A_510 = vector.shape_cast %get3A_509 : vector<16xf32> to vector<16xf32>
      %mul3A_511 = arith.constant 16 : i32
      %mul3A_512 = arith.muli %add3A_502, %mul3A_511 : i32
      %add3A_513 = arith.constant 31488 : i32
      %add3A_514 = arith.addi %add3A_513, %mul3A_512 : i32
      %get3A_515 = arith.index_cast %add3A_514 : i32 to index
      %get3A_516 = tpu.vector_load %arg7[%get3A_515] {strides = array<i32>} : memref<62976xf32, #tpu.memory_space<vmem>>, vector<16xf32>,
      %get3A_517 = vector.shape_cast %get3A_516 : vector<16xf32> to vector<16xf32>
      %sub3A_518 = arith.subf %get3A_507, %get3A_174 : vector<16xf32>
      %mul3A_519 = arith.mulf %sub3A_518, %broadcast_in_dim3A_215 : vector<16xf32>
      %convert_element_type3A_520 = arith.fptosi %mul3A_519 : vector<16xf32> to vector<16xi32>
      %sub3A_521 = arith.subf %get3A_510, %get3A_179 : vector<16xf32>
      %mul3A_522 = arith.mulf %sub3A_521, %broadcast_in_dim3A_215 : vector<16xf32>
      %convert_element_type3A_523 = arith.fptosi %mul3A_522 : vector<16xf32> to vector<16xi32>
      %sub3A_524 = arith.subf %get3A_517, %get3A_184 : vector<16xf32>
      %mul3A_525 = arith.mulf %sub3A_524, %broadcast_in_dim3A_215 : vector<16xf32>
      %convert_element_type3A_526 = arith.fptosi %mul3A_525 : vector<16xf32> to vector<16xi32>
      %mul3A_527 = arith.constant 65536 : i32
      %mul3A_528 = vector.broadcast %mul3A_527 : i32 to vector<16xi32>
      %mul3A_529 = arith.muli %convert_element_type3A_520, %mul3A_528 : vector<16xi32>
      %mul3A_530 = arith.constant 256 : i32
      %mul3A_531 = vector.broadcast %mul3A_530 : i32 to vector<16xi32>
      %mul3A_532 = arith.muli %convert_element_type3A_523, %mul3A_531 : vector<16xi32>
      %add3A_533 = arith.addi %mul3A_529, %mul3A_532 : vector<16xi32>
      %add3A_534 = arith.addi %add3A_533, %convert_element_type3A_526 : vector<16xi32>
      %sub3A_535 = arith.constant 1 : i32
      %sub3A_536 = vector.broadcast %sub3A_535 : i32 to vector<16xi32>
      %sub3A_537 = arith.subi %convert_element_type3A_520, %sub3A_536 : vector<16xi32>
      %bitcast_convert_type3A_538 = tpu.bitcast %sub3A_537 : vector<16xi32> -> vector<16xi32>
      %lt3A_539 = arith.cmpi ult, %bitcast_convert_type3A_538, %broadcast_in_dim3A_221 : vector<16xi32>
      %sub3A_540 = arith.constant 1 : i32
      %sub3A_541 = vector.broadcast %sub3A_540 : i32 to vector<16xi32>
      %sub3A_542 = arith.subi %convert_element_type3A_523, %sub3A_541 : vector<16xi32>
      %bitcast_convert_type3A_543 = tpu.bitcast %sub3A_542 : vector<16xi32> -> vector<16xi32>
      %lt3A_544 = arith.cmpi ult, %bitcast_convert_type3A_543, %broadcast_in_dim3A_221 : vector<16xi32>
      %and3A_545 = arith.andi %lt3A_539, %lt3A_544 : vector<16xi1>
      %sub3A_546 = arith.constant 1 : i32
      %sub3A_547 = vector.broadcast %sub3A_546 : i32 to vector<16xi32>
      %sub3A_548 = arith.subi %convert_element_type3A_526, %sub3A_547 : vector<16xi32>
      %bitcast_convert_type3A_549 = tpu.bitcast %sub3A_548 : vector<16xi32> -> vector<16xi32>
      %lt3A_550 = arith.cmpi ult, %bitcast_convert_type3A_549, %broadcast_in_dim3A_221 : vector<16xi32>
      %and3A_551 = arith.andi %and3A_545, %lt3A_550 : vector<16xi1>
      %select_n3A_552 = arith.select %and3A_551, %add3A_534, %broadcast_in_dim3A_217 : vector<16xi1>, vector<16xi32>
      %swap3A_553 = arith.index_cast %mul3A_504 : i32 to index
      %swap3A_554 = tpu.vector_load %arg8[%swap3A_553] {strides = array<i32>} : memref<31488xi32, #tpu.memory_space<vmem>>, vector<16xi32>,
      %swap3A_555 = vector.shape_cast %swap3A_554 : vector<16xi32> to vector<16xi32>
      %swap3A_556 = vector.shape_cast %select_n3A_552 : vector<16xi32> to vector<16xi32>
      tpu.vector_store %arg8[%swap3A_553], %swap3A_556 {strides = array<i32>} : memref<31488xi32, #tpu.memory_space<vmem>>, vector<16xi32>,
      %swap3A_557 = arith.index_cast %mul3A_504 : i32 to index
      %swap3A_558 = tpu.vector_load %arg7[%swap3A_557] {strides = array<i32>} : memref<62976xf32, #tpu.memory_space<vmem>>, vector<16xf32>,
      %swap3A_559 = vector.shape_cast %swap3A_558 : vector<16xf32> to vector<16xf32>
      %swap3A_560 = vector.shape_cast %broadcast_in_dim3A_219 : vector<16xf32> to vector<16xf32>
      tpu.vector_store %arg7[%swap3A_557], %swap3A_560 {strides = array<i32>} : memref<62976xf32, #tpu.memory_space<vmem>>, vector<16xf32>,
      %mul3A_561 = arith.constant 8 : i32
      %mul3A_562 = arith.muli %scan3A_318, %mul3A_561 : i32
      %add3A_563 = arith.constant 4 : i32
      %add3A_564 = arith.addi %mul3A_562, %add3A_563 : i32
      %mul3A_565 = arith.constant 16 : i32
      %mul3A_566 = arith.muli %add3A_564, %mul3A_565 : i32
      %get3A_567 = arith.index_cast %mul3A_566 : i32 to index
      %get3A_568 = tpu.vector_load %arg6[%get3A_567] {strides = array<i32>} : memref<31488xf32, #tpu.memory_space<vmem>>, vector<16xf32>,
      %get3A_569 = vector.shape_cast %get3A_568 : vector<16xf32> to vector<16xf32>
      %get3A_570 = arith.index_cast %mul3A_566 : i32 to index
      %get3A_571 = tpu.vector_load %arg7[%get3A_570] {strides = array<i32>} : memref<62976xf32, #tpu.memory_space<vmem>>, vector<16xf32>,
      %get3A_572 = vector.shape_cast %get3A_571 : vector<16xf32> to vector<16xf32>
      %mul3A_573 = arith.constant 16 : i32
      %mul3A_574 = arith.muli %add3A_564, %mul3A_573 : i32
      %add3A_575 = arith.constant 31488 : i32
      %add3A_576 = arith.addi %add3A_575, %mul3A_574 : i32
      %get3A_577 = arith.index_cast %add3A_576 : i32 to index
      %get3A_578 = tpu.vector_load %arg7[%get3A_577] {strides = array<i32>} : memref<62976xf32, #tpu.memory_space<vmem>>, vector<16xf32>,
      %get3A_579 = vector.shape_cast %get3A_578 : vector<16xf32> to vector<16xf32>
      %sub3A_580 = arith.subf %get3A_569, %get3A_174 : vector<16xf32>
      %mul3A_581 = arith.mulf %sub3A_580, %broadcast_in_dim3A_215 : vector<16xf32>
      %convert_element_type3A_582 = arith.fptosi %mul3A_581 : vector<16xf32> to vector<16xi32>
      %sub3A_583 = arith.subf %get3A_572, %get3A_179 : vector<16xf32>
      %mul3A_584 = arith.mulf %sub3A_583, %broadcast_in_dim3A_215 : vector<16xf32>
      %convert_element_type3A_585 = arith.fptosi %mul3A_584 : vector<16xf32> to vector<16xi32>
      %sub3A_586 = arith.subf %get3A_579, %get3A_184 : vector<16xf32>
      %mul3A_587 = arith.mulf %sub3A_586, %broadcast_in_dim3A_215 : vector<16xf32>
      %convert_element_type3A_588 = arith.fptosi %mul3A_587 : vector<16xf32> to vector<16xi32>
      %mul3A_589 = arith.constant 65536 : i32
      %mul3A_590 = vector.broadcast %mul3A_589 : i32 to vector<16xi32>
      %mul3A_591 = arith.muli %convert_element_type3A_582, %mul3A_590 : vector<16xi32>
      %mul3A_592 = arith.constant 256 : i32
      %mul3A_593 = vector.broadcast %mul3A_592 : i32 to vector<16xi32>
      %mul3A_594 = arith.muli %convert_element_type3A_585, %mul3A_593 : vector<16xi32>
      %add3A_595 = arith.addi %mul3A_591, %mul3A_594 : vector<16xi32>
      %add3A_596 = arith.addi %add3A_595, %convert_element_type3A_588 : vector<16xi32>
      %sub3A_597 = arith.constant 1 : i32
      %sub3A_598 = vector.broadcast %sub3A_597 : i32 to vector<16xi32>
      %sub3A_599 = arith.subi %convert_element_type3A_582, %sub3A_598 : vector<16xi32>
      %bitcast_convert_type3A_600 = tpu.bitcast %sub3A_599 : vector<16xi32> -> vector<16xi32>
      %lt3A_601 = arith.cmpi ult, %bitcast_convert_type3A_600, %broadcast_in_dim3A_221 : vector<16xi32>
      %sub3A_602 = arith.constant 1 : i32
      %sub3A_603 = vector.broadcast %sub3A_602 : i32 to vector<16xi32>
      %sub3A_604 = arith.subi %convert_element_type3A_585, %sub3A_603 : vector<16xi32>
      %bitcast_convert_type3A_605 = tpu.bitcast %sub3A_604 : vector<16xi32> -> vector<16xi32>
      %lt3A_606 = arith.cmpi ult, %bitcast_convert_type3A_605, %broadcast_in_dim3A_221 : vector<16xi32>
      %and3A_607 = arith.andi %lt3A_601, %lt3A_606 : vector<16xi1>
      %sub3A_608 = arith.constant 1 : i32
      %sub3A_609 = vector.broadcast %sub3A_608 : i32 to vector<16xi32>
      %sub3A_610 = arith.subi %convert_element_type3A_588, %sub3A_609 : vector<16xi32>
      %bitcast_convert_type3A_611 = tpu.bitcast %sub3A_610 : vector<16xi32> -> vector<16xi32>
      %lt3A_612 = arith.cmpi ult, %bitcast_convert_type3A_611, %broadcast_in_dim3A_221 : vector<16xi32>
      %and3A_613 = arith.andi %and3A_607, %lt3A_612 : vector<16xi1>
      %select_n3A_614 = arith.select %and3A_613, %add3A_596, %broadcast_in_dim3A_217 : vector<16xi1>, vector<16xi32>
      %swap3A_615 = arith.index_cast %mul3A_566 : i32 to index
      %swap3A_616 = tpu.vector_load %arg8[%swap3A_615] {strides = array<i32>} : memref<31488xi32, #tpu.memory_space<vmem>>, vector<16xi32>,
      %swap3A_617 = vector.shape_cast %swap3A_616 : vector<16xi32> to vector<16xi32>
      %swap3A_618 = vector.shape_cast %select_n3A_614 : vector<16xi32> to vector<16xi32>
      tpu.vector_store %arg8[%swap3A_615], %swap3A_618 {strides = array<i32>} : memref<31488xi32, #tpu.memory_space<vmem>>, vector<16xi32>,
      %swap3A_619 = arith.index_cast %mul3A_566 : i32 to index
      %swap3A_620 = tpu.vector_load %arg7[%swap3A_619] {strides = array<i32>} : memref<62976xf32, #tpu.memory_space<vmem>>, vector<16xf32>,
      %swap3A_621 = vector.shape_cast %swap3A_620 : vector<16xf32> to vector<16xf32>
      %swap3A_622 = vector.shape_cast %broadcast_in_dim3A_219 : vector<16xf32> to vector<16xf32>
      tpu.vector_store %arg7[%swap3A_619], %swap3A_622 {strides = array<i32>} : memref<62976xf32, #tpu.memory_space<vmem>>, vector<16xf32>,
      %mul3A_623 = arith.constant 8 : i32
      %mul3A_624 = arith.muli %scan3A_318, %mul3A_623 : i32
      %add3A_625 = arith.constant 5 : i32
      %add3A_626 = arith.addi %mul3A_624, %add3A_625 : i32
      %mul3A_627 = arith.constant 16 : i32
      %mul3A_628 = arith.muli %add3A_626, %mul3A_627 : i32
      %get3A_629 = arith.index_cast %mul3A_628 : i32 to index
      %get3A_630 = tpu.vector_load %arg6[%get3A_629] {strides = array<i32>} : memref<31488xf32, #tpu.memory_space<vmem>>, vector<16xf32>,
      %get3A_631 = vector.shape_cast %get3A_630 : vector<16xf32> to vector<16xf32>
      %get3A_632 = arith.index_cast %mul3A_628 : i32 to index
      %get3A_633 = tpu.vector_load %arg7[%get3A_632] {strides = array<i32>} : memref<62976xf32, #tpu.memory_space<vmem>>, vector<16xf32>,
      %get3A_634 = vector.shape_cast %get3A_633 : vector<16xf32> to vector<16xf32>
      %mul3A_635 = arith.constant 16 : i32
      %mul3A_636 = arith.muli %add3A_626, %mul3A_635 : i32
      %add3A_637 = arith.constant 31488 : i32
      %add3A_638 = arith.addi %add3A_637, %mul3A_636 : i32
      %get3A_639 = arith.index_cast %add3A_638 : i32 to index
      %get3A_640 = tpu.vector_load %arg7[%get3A_639] {strides = array<i32>} : memref<62976xf32, #tpu.memory_space<vmem>>, vector<16xf32>,
      %get3A_641 = vector.shape_cast %get3A_640 : vector<16xf32> to vector<16xf32>
      %sub3A_642 = arith.subf %get3A_631, %get3A_174 : vector<16xf32>
      %mul3A_643 = arith.mulf %sub3A_642, %broadcast_in_dim3A_215 : vector<16xf32>
      %convert_element_type3A_644 = arith.fptosi %mul3A_643 : vector<16xf32> to vector<16xi32>
      %sub3A_645 = arith.subf %get3A_634, %get3A_179 : vector<16xf32>
      %mul3A_646 = arith.mulf %sub3A_645, %broadcast_in_dim3A_215 : vector<16xf32>
      %convert_element_type3A_647 = arith.fptosi %mul3A_646 : vector<16xf32> to vector<16xi32>
      %sub3A_648 = arith.subf %get3A_641, %get3A_184 : vector<16xf32>
      %mul3A_649 = arith.mulf %sub3A_648, %broadcast_in_dim3A_215 : vector<16xf32>
      %convert_element_type3A_650 = arith.fptosi %mul3A_649 : vector<16xf32> to vector<16xi32>
      %mul3A_651 = arith.constant 65536 : i32
      %mul3A_652 = vector.broadcast %mul3A_651 : i32 to vector<16xi32>
      %mul3A_653 = arith.muli %convert_element_type3A_644, %mul3A_652 : vector<16xi32>
      %mul3A_654 = arith.constant 256 : i32
      %mul3A_655 = vector.broadcast %mul3A_654 : i32 to vector<16xi32>
      %mul3A_656 = arith.muli %convert_element_type3A_647, %mul3A_655 : vector<16xi32>
      %add3A_657 = arith.addi %mul3A_653, %mul3A_656 : vector<16xi32>
      %add3A_658 = arith.addi %add3A_657, %convert_element_type3A_650 : vector<16xi32>
      %sub3A_659 = arith.constant 1 : i32
      %sub3A_660 = vector.broadcast %sub3A_659 : i32 to vector<16xi32>
      %sub3A_661 = arith.subi %convert_element_type3A_644, %sub3A_660 : vector<16xi32>
      %bitcast_convert_type3A_662 = tpu.bitcast %sub3A_661 : vector<16xi32> -> vector<16xi32>
      %lt3A_663 = arith.cmpi ult, %bitcast_convert_type3A_662, %broadcast_in_dim3A_221 : vector<16xi32>
      %sub3A_664 = arith.constant 1 : i32
      %sub3A_665 = vector.broadcast %sub3A_664 : i32 to vector<16xi32>
      %sub3A_666 = arith.subi %convert_element_type3A_647, %sub3A_665 : vector<16xi32>
      %bitcast_convert_type3A_667 = tpu.bitcast %sub3A_666 : vector<16xi32> -> vector<16xi32>
      %lt3A_668 = arith.cmpi ult, %bitcast_convert_type3A_667, %broadcast_in_dim3A_221 : vector<16xi32>
      %and3A_669 = arith.andi %lt3A_663, %lt3A_668 : vector<16xi1>
      %sub3A_670 = arith.constant 1 : i32
      %sub3A_671 = vector.broadcast %sub3A_670 : i32 to vector<16xi32>
      %sub3A_672 = arith.subi %convert_element_type3A_650, %sub3A_671 : vector<16xi32>
      %bitcast_convert_type3A_673 = tpu.bitcast %sub3A_672 : vector<16xi32> -> vector<16xi32>
      %lt3A_674 = arith.cmpi ult, %bitcast_convert_type3A_673, %broadcast_in_dim3A_221 : vector<16xi32>
      %and3A_675 = arith.andi %and3A_669, %lt3A_674 : vector<16xi1>
      %select_n3A_676 = arith.select %and3A_675, %add3A_658, %broadcast_in_dim3A_217 : vector<16xi1>, vector<16xi32>
      %swap3A_677 = arith.index_cast %mul3A_628 : i32 to index
      %swap3A_678 = tpu.vector_load %arg8[%swap3A_677] {strides = array<i32>} : memref<31488xi32, #tpu.memory_space<vmem>>, vector<16xi32>,
      %swap3A_679 = vector.shape_cast %swap3A_678 : vector<16xi32> to vector<16xi32>
      %swap3A_680 = vector.shape_cast %select_n3A_676 : vector<16xi32> to vector<16xi32>
      tpu.vector_store %arg8[%swap3A_677], %swap3A_680 {strides = array<i32>} : memref<31488xi32, #tpu.memory_space<vmem>>, vector<16xi32>,
      %swap3A_681 = arith.index_cast %mul3A_628 : i32 to index
      %swap3A_682 = tpu.vector_load %arg7[%swap3A_681] {strides = array<i32>} : memref<62976xf32, #tpu.memory_space<vmem>>, vector<16xf32>,
      %swap3A_683 = vector.shape_cast %swap3A_682 : vector<16xf32> to vector<16xf32>
      %swap3A_684 = vector.shape_cast %broadcast_in_dim3A_219 : vector<16xf32> to vector<16xf32>
      tpu.vector_store %arg7[%swap3A_681], %swap3A_684 {strides = array<i32>} : memref<62976xf32, #tpu.memory_space<vmem>>, vector<16xf32>,
      %mul3A_685 = arith.constant 8 : i32
      %mul3A_686 = arith.muli %scan3A_318, %mul3A_685 : i32
      %add3A_687 = arith.constant 6 : i32
      %add3A_688 = arith.addi %mul3A_686, %add3A_687 : i32
      %mul3A_689 = arith.constant 16 : i32
      %mul3A_690 = arith.muli %add3A_688, %mul3A_689 : i32
      %get3A_691 = arith.index_cast %mul3A_690 : i32 to index
      %get3A_692 = tpu.vector_load %arg6[%get3A_691] {strides = array<i32>} : memref<31488xf32, #tpu.memory_space<vmem>>, vector<16xf32>,
      %get3A_693 = vector.shape_cast %get3A_692 : vector<16xf32> to vector<16xf32>
      %get3A_694 = arith.index_cast %mul3A_690 : i32 to index
      %get3A_695 = tpu.vector_load %arg7[%get3A_694] {strides = array<i32>} : memref<62976xf32, #tpu.memory_space<vmem>>, vector<16xf32>,
      %get3A_696 = vector.shape_cast %get3A_695 : vector<16xf32> to vector<16xf32>
      %mul3A_697 = arith.constant 16 : i32
      %mul3A_698 = arith.muli %add3A_688, %mul3A_697 : i32
      %add3A_699 = arith.constant 31488 : i32
      %add3A_700 = arith.addi %add3A_699, %mul3A_698 : i32
      %get3A_701 = arith.index_cast %add3A_700 : i32 to index
      %get3A_702 = tpu.vector_load %arg7[%get3A_701] {strides = array<i32>} : memref<62976xf32, #tpu.memory_space<vmem>>, vector<16xf32>,
      %get3A_703 = vector.shape_cast %get3A_702 : vector<16xf32> to vector<16xf32>
      %sub3A_704 = arith.subf %get3A_693, %get3A_174 : vector<16xf32>
      %mul3A_705 = arith.mulf %sub3A_704, %broadcast_in_dim3A_215 : vector<16xf32>
      %convert_element_type3A_706 = arith.fptosi %mul3A_705 : vector<16xf32> to vector<16xi32>
      %sub3A_707 = arith.subf %get3A_696, %get3A_179 : vector<16xf32>
      %mul3A_708 = arith.mulf %sub3A_707, %broadcast_in_dim3A_215 : vector<16xf32>
      %convert_element_type3A_709 = arith.fptosi %mul3A_708 : vector<16xf32> to vector<16xi32>
      %sub3A_710 = arith.subf %get3A_703, %get3A_184 : vector<16xf32>
      %mul3A_711 = arith.mulf %sub3A_710, %broadcast_in_dim3A_215 : vector<16xf32>
      %convert_element_type3A_712 = arith.fptosi %mul3A_711 : vector<16xf32> to vector<16xi32>
      %mul3A_713 = arith.constant 65536 : i32
      %mul3A_714 = vector.broadcast %mul3A_713 : i32 to vector<16xi32>
      %mul3A_715 = arith.muli %convert_element_type3A_706, %mul3A_714 : vector<16xi32>
      %mul3A_716 = arith.constant 256 : i32
      %mul3A_717 = vector.broadcast %mul3A_716 : i32 to vector<16xi32>
      %mul3A_718 = arith.muli %convert_element_type3A_709, %mul3A_717 : vector<16xi32>
      %add3A_719 = arith.addi %mul3A_715, %mul3A_718 : vector<16xi32>
      %add3A_720 = arith.addi %add3A_719, %convert_element_type3A_712 : vector<16xi32>
      %sub3A_721 = arith.constant 1 : i32
      %sub3A_722 = vector.broadcast %sub3A_721 : i32 to vector<16xi32>
      %sub3A_723 = arith.subi %convert_element_type3A_706, %sub3A_722 : vector<16xi32>
      %bitcast_convert_type3A_724 = tpu.bitcast %sub3A_723 : vector<16xi32> -> vector<16xi32>
      %lt3A_725 = arith.cmpi ult, %bitcast_convert_type3A_724, %broadcast_in_dim3A_221 : vector<16xi32>
      %sub3A_726 = arith.constant 1 : i32
      %sub3A_727 = vector.broadcast %sub3A_726 : i32 to vector<16xi32>
      %sub3A_728 = arith.subi %convert_element_type3A_709, %sub3A_727 : vector<16xi32>
      %bitcast_convert_type3A_729 = tpu.bitcast %sub3A_728 : vector<16xi32> -> vector<16xi32>
      %lt3A_730 = arith.cmpi ult, %bitcast_convert_type3A_729, %broadcast_in_dim3A_221 : vector<16xi32>
      %and3A_731 = arith.andi %lt3A_725, %lt3A_730 : vector<16xi1>
      %sub3A_732 = arith.constant 1 : i32
      %sub3A_733 = vector.broadcast %sub3A_732 : i32 to vector<16xi32>
      %sub3A_734 = arith.subi %convert_element_type3A_712, %sub3A_733 : vector<16xi32>
      %bitcast_convert_type3A_735 = tpu.bitcast %sub3A_734 : vector<16xi32> -> vector<16xi32>
      %lt3A_736 = arith.cmpi ult, %bitcast_convert_type3A_735, %broadcast_in_dim3A_221 : vector<16xi32>
      %and3A_737 = arith.andi %and3A_731, %lt3A_736 : vector<16xi1>
      %select_n3A_738 = arith.select %and3A_737, %add3A_720, %broadcast_in_dim3A_217 : vector<16xi1>, vector<16xi32>
      %swap3A_739 = arith.index_cast %mul3A_690 : i32 to index
      %swap3A_740 = tpu.vector_load %arg8[%swap3A_739] {strides = array<i32>} : memref<31488xi32, #tpu.memory_space<vmem>>, vector<16xi32>,
      %swap3A_741 = vector.shape_cast %swap3A_740 : vector<16xi32> to vector<16xi32>
      %swap3A_742 = vector.shape_cast %select_n3A_738 : vector<16xi32> to vector<16xi32>
      tpu.vector_store %arg8[%swap3A_739], %swap3A_742 {strides = array<i32>} : memref<31488xi32, #tpu.memory_space<vmem>>, vector<16xi32>,
      %swap3A_743 = arith.index_cast %mul3A_690 : i32 to index
      %swap3A_744 = tpu.vector_load %arg7[%swap3A_743] {strides = array<i32>} : memref<62976xf32, #tpu.memory_space<vmem>>, vector<16xf32>,
      %swap3A_745 = vector.shape_cast %swap3A_744 : vector<16xf32> to vector<16xf32>
      %swap3A_746 = vector.shape_cast %broadcast_in_dim3A_219 : vector<16xf32> to vector<16xf32>
      tpu.vector_store %arg7[%swap3A_743], %swap3A_746 {strides = array<i32>} : memref<62976xf32, #tpu.memory_space<vmem>>, vector<16xf32>,
      %mul3A_747 = arith.constant 8 : i32
      %mul3A_748 = arith.muli %scan3A_318, %mul3A_747 : i32
      %add3A_749 = arith.constant 7 : i32
      %add3A_750 = arith.addi %mul3A_748, %add3A_749 : i32
      %mul3A_751 = arith.constant 16 : i32
      %mul3A_752 = arith.muli %add3A_750, %mul3A_751 : i32
      %get3A_753 = arith.index_cast %mul3A_752 : i32 to index
      %get3A_754 = tpu.vector_load %arg6[%get3A_753] {strides = array<i32>} : memref<31488xf32, #tpu.memory_space<vmem>>, vector<16xf32>,
      %get3A_755 = vector.shape_cast %get3A_754 : vector<16xf32> to vector<16xf32>
      %get3A_756 = arith.index_cast %mul3A_752 : i32 to index
      %get3A_757 = tpu.vector_load %arg7[%get3A_756] {strides = array<i32>} : memref<62976xf32, #tpu.memory_space<vmem>>, vector<16xf32>,
      %get3A_758 = vector.shape_cast %get3A_757 : vector<16xf32> to vector<16xf32>
      %mul3A_759 = arith.constant 16 : i32
      %mul3A_760 = arith.muli %add3A_750, %mul3A_759 : i32
      %add3A_761 = arith.constant 31488 : i32
      %add3A_762 = arith.addi %add3A_761, %mul3A_760 : i32
      %get3A_763 = arith.index_cast %add3A_762 : i32 to index
      %get3A_764 = tpu.vector_load %arg7[%get3A_763] {strides = array<i32>} : memref<62976xf32, #tpu.memory_space<vmem>>, vector<16xf32>,
      %get3A_765 = vector.shape_cast %get3A_764 : vector<16xf32> to vector<16xf32>
      %sub3A_766 = arith.subf %get3A_755, %get3A_174 : vector<16xf32>
      %mul3A_767 = arith.mulf %sub3A_766, %broadcast_in_dim3A_215 : vector<16xf32>
      %convert_element_type3A_768 = arith.fptosi %mul3A_767 : vector<16xf32> to vector<16xi32>
      %sub3A_769 = arith.subf %get3A_758, %get3A_179 : vector<16xf32>
      %mul3A_770 = arith.mulf %sub3A_769, %broadcast_in_dim3A_215 : vector<16xf32>
      %convert_element_type3A_771 = arith.fptosi %mul3A_770 : vector<16xf32> to vector<16xi32>
      %sub3A_772 = arith.subf %get3A_765, %get3A_184 : vector<16xf32>
      %mul3A_773 = arith.mulf %sub3A_772, %broadcast_in_dim3A_215 : vector<16xf32>
      %convert_element_type3A_774 = arith.fptosi %mul3A_773 : vector<16xf32> to vector<16xi32>
      %mul3A_775 = arith.constant 65536 : i32
      %mul3A_776 = vector.broadcast %mul3A_775 : i32 to vector<16xi32>
      %mul3A_777 = arith.muli %convert_element_type3A_768, %mul3A_776 : vector<16xi32>
      %mul3A_778 = arith.constant 256 : i32
      %mul3A_779 = vector.broadcast %mul3A_778 : i32 to vector<16xi32>
      %mul3A_780 = arith.muli %convert_element_type3A_771, %mul3A_779 : vector<16xi32>
      %add3A_781 = arith.addi %mul3A_777, %mul3A_780 : vector<16xi32>
      %add3A_782 = arith.addi %add3A_781, %convert_element_type3A_774 : vector<16xi32>
      %sub3A_783 = arith.constant 1 : i32
      %sub3A_784 = vector.broadcast %sub3A_783 : i32 to vector<16xi32>
      %sub3A_785 = arith.subi %convert_element_type3A_768, %sub3A_784 : vector<16xi32>
      %bitcast_convert_type3A_786 = tpu.bitcast %sub3A_785 : vector<16xi32> -> vector<16xi32>
      %lt3A_787 = arith.cmpi ult, %bitcast_convert_type3A_786, %broadcast_in_dim3A_221 : vector<16xi32>
      %sub3A_788 = arith.constant 1 : i32
      %sub3A_789 = vector.broadcast %sub3A_788 : i32 to vector<16xi32>
      %sub3A_790 = arith.subi %convert_element_type3A_771, %sub3A_789 : vector<16xi32>
      %bitcast_convert_type3A_791 = tpu.bitcast %sub3A_790 : vector<16xi32> -> vector<16xi32>
      %lt3A_792 = arith.cmpi ult, %bitcast_convert_type3A_791, %broadcast_in_dim3A_221 : vector<16xi32>
      %and3A_793 = arith.andi %lt3A_787, %lt3A_792 : vector<16xi1>
      %sub3A_794 = arith.constant 1 : i32
      %sub3A_795 = vector.broadcast %sub3A_794 : i32 to vector<16xi32>
      %sub3A_796 = arith.subi %convert_element_type3A_774, %sub3A_795 : vector<16xi32>
      %bitcast_convert_type3A_797 = tpu.bitcast %sub3A_796 : vector<16xi32> -> vector<16xi32>
      %lt3A_798 = arith.cmpi ult, %bitcast_convert_type3A_797, %broadcast_in_dim3A_221 : vector<16xi32>
      %and3A_799 = arith.andi %and3A_793, %lt3A_798 : vector<16xi1>
      %select_n3A_800 = arith.select %and3A_799, %add3A_782, %broadcast_in_dim3A_217 : vector<16xi1>, vector<16xi32>
      %swap3A_801 = arith.index_cast %mul3A_752 : i32 to index
      %swap3A_802 = tpu.vector_load %arg8[%swap3A_801] {strides = array<i32>} : memref<31488xi32, #tpu.memory_space<vmem>>, vector<16xi32>,
      %swap3A_803 = vector.shape_cast %swap3A_802 : vector<16xi32> to vector<16xi32>
      %swap3A_804 = vector.shape_cast %select_n3A_800 : vector<16xi32> to vector<16xi32>
      tpu.vector_store %arg8[%swap3A_801], %swap3A_804 {strides = array<i32>} : memref<31488xi32, #tpu.memory_space<vmem>>, vector<16xi32>,
      %swap3A_805 = arith.index_cast %mul3A_752 : i32 to index
      %swap3A_806 = tpu.vector_load %arg7[%swap3A_805] {strides = array<i32>} : memref<62976xf32, #tpu.memory_space<vmem>>, vector<16xf32>,
      %swap3A_807 = vector.shape_cast %swap3A_806 : vector<16xf32> to vector<16xf32>
      %swap3A_808 = vector.shape_cast %broadcast_in_dim3A_219 : vector<16xf32> to vector<16xf32>
      tpu.vector_store %arg7[%swap3A_805], %swap3A_808 {strides = array<i32>} : memref<62976xf32, #tpu.memory_space<vmem>>, vector<16xf32>,
      %mul3A_809 = arith.constant 128 : i32
      %mul3A_810 = arith.muli %scan3A_318, %mul3A_809 : i32
      %dma_start3A_811 = tpu.memref_slice %arg7[%mul3A_810] : memref<62976xf32, #tpu.memory_space<vmem>> -> memref<128xf32, #tpu.memory_space<vmem>>
      %dma_start3A_812 = tpu.memref_slice %arg8[%mul3A_810] : memref<31488xi32, #tpu.memory_space<vmem>> -> memref<128xi32, #tpu.memory_space<vmem>>
      %dma_start3A_813 = arith.constant 0 : i32
      %dma_start3A_814 = tpu.memref_slice %arg4[%dma_start3A_813] : memref<16777216xf32, #tpu.memory_space<hbm>> -> memref<16777216xf32, #tpu.memory_space<hbm>>
      %dma_start3A_815 = arith.constant -1 : i32
      tpu.enqueue_indirect_dma source(%dma_start3A_814 : memref<16777216xf32, #tpu.memory_space<hbm>>) target(%dma_start3A_811 : memref<128xf32, #tpu.memory_space<vmem>>) offsets(%dma_start3A_812 : memref<128xi32, #tpu.memory_space<vmem>>) offset_filter(%dma_start3A_815) semaphore(%arg11 : memref<!tpu.dma_semaphore, #tpu.memory_space<semaphore_mem>>)
      %scan3A_816 = arith.constant 0 : i32
      scf.yield %scan3A_816 : i32
    }
    %scan3A_264 = arith.constant 41 : i32
    %dma_wait3A_265 = arith.constant 0 : i32
    %dma_wait3A_266 = tpu.memref_slice %arg7[%dma_wait3A_265] : memref<62976xf32, #tpu.memory_space<vmem>> -> memref<15744xf32, #tpu.memory_space<vmem>>
    %dma_wait3A_267 = arith.constant 0 : i32
    %dma_wait3A_268 = tpu.memref_slice %arg2[%dma_wait3A_267] : memref<3000000xf32, #tpu.memory_space<hbm>> -> memref<15744xf32, #tpu.memory_space<hbm>>
    %dma_wait3A_269 = arith.constant 0 : i32
    %dma_wait3A_270 = tpu.memref_slice %arg7[%dma_wait3A_269] : memref<62976xf32, #tpu.memory_space<vmem>> -> memref<15744xf32, #tpu.memory_space<vmem>>
    %dma_wait3A_271 = arith.constant 0 : i32
    %dma_wait3A_272 = tpu.memref_slice %arg2[%dma_wait3A_271] : memref<3000000xf32, #tpu.memory_space<hbm>> -> memref<15744xf32, #tpu.memory_space<hbm>>
    tpu.wait_dma2 semaphore(%arg10 : memref<!tpu.dma_semaphore, #tpu.memory_space<semaphore_mem>>) src(%dma_wait3A_272 : memref<15744xf32, #tpu.memory_space<hbm>>) dst(%dma_wait3A_270 : memref<15744xf32, #tpu.memory_space<vmem>>)
    %scan3A_273 = arith.constant 0 : i32
    %scan3A_274 = arith.constant 123 : i32
    %scan3A_275 = arith.constant 41 : i32
    %scan3A_276 = arith.addi %scan3A_274, %scan3A_275 : i32
    %scan3A_277 = arith.constant 1 : i32
    %scan3A_278 = scf.for %scan3A_318 = %scan3A_274 to %scan3A_276 step %scan3A_277 iter_args(%scan3A_319 = %scan3A_273) -> (i32)  : i32 {
      %mul3A_320 = arith.constant 8 : i32
      %mul3A_321 = arith.muli %scan3A_318, %mul3A_320 : i32
      %add3A_322 = arith.constant 0 : i32
      %add3A_323 = arith.addi %mul3A_321, %add3A_322 : i32
      %mul3A_324 = arith.constant 16 : i32
      %mul3A_325 = arith.muli %add3A_323, %mul3A_324 : i32
      %get3A_326 = arith.index_cast %mul3A_325 : i32 to index
      %get3A_327 = tpu.vector_load %arg6[%get3A_326] {strides = array<i32>} : memref<31488xf32, #tpu.memory_space<vmem>>, vector<16xf32>,
      %get3A_328 = vector.shape_cast %get3A_327 : vector<16xf32> to vector<16xf32>
      %get3A_329 = arith.index_cast %mul3A_325 : i32 to index
      %get3A_330 = tpu.vector_load %arg7[%get3A_329] {strides = array<i32>} : memref<62976xf32, #tpu.memory_space<vmem>>, vector<16xf32>,
      %get3A_331 = vector.shape_cast %get3A_330 : vector<16xf32> to vector<16xf32>
      %mul3A_332 = arith.constant 16 : i32
      %mul3A_333 = arith.muli %add3A_323, %mul3A_332 : i32
      %add3A_334 = arith.constant 31488 : i32
      %add3A_335 = arith.addi %add3A_334, %mul3A_333 : i32
      %get3A_336 = arith.index_cast %add3A_335 : i32 to index
      %get3A_337 = tpu.vector_load %arg7[%get3A_336] {strides = array<i32>} : memref<62976xf32, #tpu.memory_space<vmem>>, vector<16xf32>,
      %get3A_338 = vector.shape_cast %get3A_337 : vector<16xf32> to vector<16xf32>
      %sub3A = arith.subf %get3A_328, %get3A_174 : vector<16xf32>
      %mul3A_339 = arith.mulf %sub3A, %broadcast_in_dim3A_215 : vector<16xf32>
      %convert_element_type3A = arith.fptosi %mul3A_339 : vector<16xf32> to vector<16xi32>
      %sub3A_340 = arith.subf %get3A_331, %get3A_179 : vector<16xf32>
      %mul3A_341 = arith.mulf %sub3A_340, %broadcast_in_dim3A_215 : vector<16xf32>
      %convert_element_type3A_342 = arith.fptosi %mul3A_341 : vector<16xf32> to vector<16xi32>
      %sub3A_343 = arith.subf %get3A_338, %get3A_184 : vector<16xf32>
      %mul3A_344 = arith.mulf %sub3A_343, %broadcast_in_dim3A_215 : vector<16xf32>
      %convert_element_type3A_345 = arith.fptosi %mul3A_344 : vector<16xf32> to vector<16xi32>
      %mul3A_346 = arith.constant 65536 : i32
      %mul3A_347 = vector.broadcast %mul3A_346 : i32 to vector<16xi32>
      %mul3A_348 = arith.muli %convert_element_type3A, %mul3A_347 : vector<16xi32>
      %mul3A_349 = arith.constant 256 : i32
      %mul3A_350 = vector.broadcast %mul3A_349 : i32 to vector<16xi32>
      %mul3A_351 = arith.muli %convert_element_type3A_342, %mul3A_350 : vector<16xi32>
      %add3A_352 = arith.addi %mul3A_348, %mul3A_351 : vector<16xi32>
      %add3A_353 = arith.addi %add3A_352, %convert_element_type3A_345 : vector<16xi32>
      %sub3A_354 = arith.constant 1 : i32
      %sub3A_355 = vector.broadcast %sub3A_354 : i32 to vector<16xi32>
      %sub3A_356 = arith.subi %convert_element_type3A, %sub3A_355 : vector<16xi32>
      %bitcast_convert_type3A = tpu.bitcast %sub3A_356 : vector<16xi32> -> vector<16xi32>
      %lt3A = arith.cmpi ult, %bitcast_convert_type3A, %broadcast_in_dim3A_221 : vector<16xi32>
      %sub3A_357 = arith.constant 1 : i32
      %sub3A_358 = vector.broadcast %sub3A_357 : i32 to vector<16xi32>
      %sub3A_359 = arith.subi %convert_element_type3A_342, %sub3A_358 : vector<16xi32>
      %bitcast_convert_type3A_360 = tpu.bitcast %sub3A_359 : vector<16xi32> -> vector<16xi32>
      %lt3A_361 = arith.cmpi ult, %bitcast_convert_type3A_360, %broadcast_in_dim3A_221 : vector<16xi32>
      %and3A = arith.andi %lt3A, %lt3A_361 : vector<16xi1>
      %sub3A_362 = arith.constant 1 : i32
      %sub3A_363 = vector.broadcast %sub3A_362 : i32 to vector<16xi32>
      %sub3A_364 = arith.subi %convert_element_type3A_345, %sub3A_363 : vector<16xi32>
      %bitcast_convert_type3A_365 = tpu.bitcast %sub3A_364 : vector<16xi32> -> vector<16xi32>
      %lt3A_366 = arith.cmpi ult, %bitcast_convert_type3A_365, %broadcast_in_dim3A_221 : vector<16xi32>
      %and3A_367 = arith.andi %and3A, %lt3A_366 : vector<16xi1>
      %select_n3A = arith.select %and3A_367, %add3A_353, %broadcast_in_dim3A_217 : vector<16xi1>, vector<16xi32>
      %swap3A = arith.index_cast %mul3A_325 : i32 to index
      %swap3A_368 = tpu.vector_load %arg8[%swap3A] {strides = array<i32>} : memref<31488xi32, #tpu.memory_space<vmem>>, vector<16xi32>,
      %swap3A_369 = vector.shape_cast %swap3A_368 : vector<16xi32> to vector<16xi32>
      %swap3A_370 = vector.shape_cast %select_n3A : vector<16xi32> to vector<16xi32>
      tpu.vector_store %arg8[%swap3A], %swap3A_370 {strides = array<i32>} : memref<31488xi32, #tpu.memory_space<vmem>>, vector<16xi32>,
      %swap3A_371 = arith.index_cast %mul3A_325 : i32 to index
      %swap3A_372 = tpu.vector_load %arg7[%swap3A_371] {strides = array<i32>} : memref<62976xf32, #tpu.memory_space<vmem>>, vector<16xf32>,
      %swap3A_373 = vector.shape_cast %swap3A_372 : vector<16xf32> to vector<16xf32>
      %swap3A_374 = vector.shape_cast %broadcast_in_dim3A_219 : vector<16xf32> to vector<16xf32>
      tpu.vector_store %arg7[%swap3A_371], %swap3A_374 {strides = array<i32>} : memref<62976xf32, #tpu.memory_space<vmem>>, vector<16xf32>,
      %mul3A_375 = arith.constant 8 : i32
      %mul3A_376 = arith.muli %scan3A_318, %mul3A_375 : i32
      %add3A_377 = arith.constant 1 : i32
      %add3A_378 = arith.addi %mul3A_376, %add3A_377 : i32
      %mul3A_379 = arith.constant 16 : i32
      %mul3A_380 = arith.muli %add3A_378, %mul3A_379 : i32
      %get3A_381 = arith.index_cast %mul3A_380 : i32 to index
      %get3A_382 = tpu.vector_load %arg6[%get3A_381] {strides = array<i32>} : memref<31488xf32, #tpu.memory_space<vmem>>, vector<16xf32>,
      %get3A_383 = vector.shape_cast %get3A_382 : vector<16xf32> to vector<16xf32>
      %get3A_384 = arith.index_cast %mul3A_380 : i32 to index
      %get3A_385 = tpu.vector_load %arg7[%get3A_384] {strides = array<i32>} : memref<62976xf32, #tpu.memory_space<vmem>>, vector<16xf32>,
      %get3A_386 = vector.shape_cast %get3A_385 : vector<16xf32> to vector<16xf32>
      %mul3A_387 = arith.constant 16 : i32
      %mul3A_388 = arith.muli %add3A_378, %mul3A_387 : i32
      %add3A_389 = arith.constant 31488 : i32
      %add3A_390 = arith.addi %add3A_389, %mul3A_388 : i32
      %get3A_391 = arith.index_cast %add3A_390 : i32 to index
      %get3A_392 = tpu.vector_load %arg7[%get3A_391] {strides = array<i32>} : memref<62976xf32, #tpu.memory_space<vmem>>, vector<16xf32>,
      %get3A_393 = vector.shape_cast %get3A_392 : vector<16xf32> to vector<16xf32>
      %sub3A_394 = arith.subf %get3A_383, %get3A_174 : vector<16xf32>
      %mul3A_395 = arith.mulf %sub3A_394, %broadcast_in_dim3A_215 : vector<16xf32>
      %convert_element_type3A_396 = arith.fptosi %mul3A_395 : vector<16xf32> to vector<16xi32>
      %sub3A_397 = arith.subf %get3A_386, %get3A_179 : vector<16xf32>
      %mul3A_398 = arith.mulf %sub3A_397, %broadcast_in_dim3A_215 : vector<16xf32>
      %convert_element_type3A_399 = arith.fptosi %mul3A_398 : vector<16xf32> to vector<16xi32>
      %sub3A_400 = arith.subf %get3A_393, %get3A_184 : vector<16xf32>
      %mul3A_401 = arith.mulf %sub3A_400, %broadcast_in_dim3A_215 : vector<16xf32>
      %convert_element_type3A_402 = arith.fptosi %mul3A_401 : vector<16xf32> to vector<16xi32>
      %mul3A_403 = arith.constant 65536 : i32
      %mul3A_404 = vector.broadcast %mul3A_403 : i32 to vector<16xi32>
      %mul3A_405 = arith.muli %convert_element_type3A_396, %mul3A_404 : vector<16xi32>
      %mul3A_406 = arith.constant 256 : i32
      %mul3A_407 = vector.broadcast %mul3A_406 : i32 to vector<16xi32>
      %mul3A_408 = arith.muli %convert_element_type3A_399, %mul3A_407 : vector<16xi32>
      %add3A_409 = arith.addi %mul3A_405, %mul3A_408 : vector<16xi32>
      %add3A_410 = arith.addi %add3A_409, %convert_element_type3A_402 : vector<16xi32>
      %sub3A_411 = arith.constant 1 : i32
      %sub3A_412 = vector.broadcast %sub3A_411 : i32 to vector<16xi32>
      %sub3A_413 = arith.subi %convert_element_type3A_396, %sub3A_412 : vector<16xi32>
      %bitcast_convert_type3A_414 = tpu.bitcast %sub3A_413 : vector<16xi32> -> vector<16xi32>
      %lt3A_415 = arith.cmpi ult, %bitcast_convert_type3A_414, %broadcast_in_dim3A_221 : vector<16xi32>
      %sub3A_416 = arith.constant 1 : i32
      %sub3A_417 = vector.broadcast %sub3A_416 : i32 to vector<16xi32>
      %sub3A_418 = arith.subi %convert_element_type3A_399, %sub3A_417 : vector<16xi32>
      %bitcast_convert_type3A_419 = tpu.bitcast %sub3A_418 : vector<16xi32> -> vector<16xi32>
      %lt3A_420 = arith.cmpi ult, %bitcast_convert_type3A_419, %broadcast_in_dim3A_221 : vector<16xi32>
      %and3A_421 = arith.andi %lt3A_415, %lt3A_420 : vector<16xi1>
      %sub3A_422 = arith.constant 1 : i32
      %sub3A_423 = vector.broadcast %sub3A_422 : i32 to vector<16xi32>
      %sub3A_424 = arith.subi %convert_element_type3A_402, %sub3A_423 : vector<16xi32>
      %bitcast_convert_type3A_425 = tpu.bitcast %sub3A_424 : vector<16xi32> -> vector<16xi32>
      %lt3A_426 = arith.cmpi ult, %bitcast_convert_type3A_425, %broadcast_in_dim3A_221 : vector<16xi32>
      %and3A_427 = arith.andi %and3A_421, %lt3A_426 : vector<16xi1>
      %select_n3A_428 = arith.select %and3A_427, %add3A_410, %broadcast_in_dim3A_217 : vector<16xi1>, vector<16xi32>
      %swap3A_429 = arith.index_cast %mul3A_380 : i32 to index
      %swap3A_430 = tpu.vector_load %arg8[%swap3A_429] {strides = array<i32>} : memref<31488xi32, #tpu.memory_space<vmem>>, vector<16xi32>,
      %swap3A_431 = vector.shape_cast %swap3A_430 : vector<16xi32> to vector<16xi32>
      %swap3A_432 = vector.shape_cast %select_n3A_428 : vector<16xi32> to vector<16xi32>
      tpu.vector_store %arg8[%swap3A_429], %swap3A_432 {strides = array<i32>} : memref<31488xi32, #tpu.memory_space<vmem>>, vector<16xi32>,
      %swap3A_433 = arith.index_cast %mul3A_380 : i32 to index
      %swap3A_434 = tpu.vector_load %arg7[%swap3A_433] {strides = array<i32>} : memref<62976xf32, #tpu.memory_space<vmem>>, vector<16xf32>,
      %swap3A_435 = vector.shape_cast %swap3A_434 : vector<16xf32> to vector<16xf32>
      %swap3A_436 = vector.shape_cast %broadcast_in_dim3A_219 : vector<16xf32> to vector<16xf32>
      tpu.vector_store %arg7[%swap3A_433], %swap3A_436 {strides = array<i32>} : memref<62976xf32, #tpu.memory_space<vmem>>, vector<16xf32>,
      %mul3A_437 = arith.constant 8 : i32
      %mul3A_438 = arith.muli %scan3A_318, %mul3A_437 : i32
      %add3A_439 = arith.constant 2 : i32
      %add3A_440 = arith.addi %mul3A_438, %add3A_439 : i32
      %mul3A_441 = arith.constant 16 : i32
      %mul3A_442 = arith.muli %add3A_440, %mul3A_441 : i32
      %get3A_443 = arith.index_cast %mul3A_442 : i32 to index
      %get3A_444 = tpu.vector_load %arg6[%get3A_443] {strides = array<i32>} : memref<31488xf32, #tpu.memory_space<vmem>>, vector<16xf32>,
      %get3A_445 = vector.shape_cast %get3A_444 : vector<16xf32> to vector<16xf32>
      %get3A_446 = arith.index_cast %mul3A_442 : i32 to index
      %get3A_447 = tpu.vector_load %arg7[%get3A_446] {strides = array<i32>} : memref<62976xf32, #tpu.memory_space<vmem>>, vector<16xf32>,
      %get3A_448 = vector.shape_cast %get3A_447 : vector<16xf32> to vector<16xf32>
      %mul3A_449 = arith.constant 16 : i32
      %mul3A_450 = arith.muli %add3A_440, %mul3A_449 : i32
      %add3A_451 = arith.constant 31488 : i32
      %add3A_452 = arith.addi %add3A_451, %mul3A_450 : i32
      %get3A_453 = arith.index_cast %add3A_452 : i32 to index
      %get3A_454 = tpu.vector_load %arg7[%get3A_453] {strides = array<i32>} : memref<62976xf32, #tpu.memory_space<vmem>>, vector<16xf32>,
      %get3A_455 = vector.shape_cast %get3A_454 : vector<16xf32> to vector<16xf32>
      %sub3A_456 = arith.subf %get3A_445, %get3A_174 : vector<16xf32>
      %mul3A_457 = arith.mulf %sub3A_456, %broadcast_in_dim3A_215 : vector<16xf32>
      %convert_element_type3A_458 = arith.fptosi %mul3A_457 : vector<16xf32> to vector<16xi32>
      %sub3A_459 = arith.subf %get3A_448, %get3A_179 : vector<16xf32>
      %mul3A_460 = arith.mulf %sub3A_459, %broadcast_in_dim3A_215 : vector<16xf32>
      %convert_element_type3A_461 = arith.fptosi %mul3A_460 : vector<16xf32> to vector<16xi32>
      %sub3A_462 = arith.subf %get3A_455, %get3A_184 : vector<16xf32>
      %mul3A_463 = arith.mulf %sub3A_462, %broadcast_in_dim3A_215 : vector<16xf32>
      %convert_element_type3A_464 = arith.fptosi %mul3A_463 : vector<16xf32> to vector<16xi32>
      %mul3A_465 = arith.constant 65536 : i32
      %mul3A_466 = vector.broadcast %mul3A_465 : i32 to vector<16xi32>
      %mul3A_467 = arith.muli %convert_element_type3A_458, %mul3A_466 : vector<16xi32>
      %mul3A_468 = arith.constant 256 : i32
      %mul3A_469 = vector.broadcast %mul3A_468 : i32 to vector<16xi32>
      %mul3A_470 = arith.muli %convert_element_type3A_461, %mul3A_469 : vector<16xi32>
      %add3A_471 = arith.addi %mul3A_467, %mul3A_470 : vector<16xi32>
      %add3A_472 = arith.addi %add3A_471, %convert_element_type3A_464 : vector<16xi32>
      %sub3A_473 = arith.constant 1 : i32
      %sub3A_474 = vector.broadcast %sub3A_473 : i32 to vector<16xi32>
      %sub3A_475 = arith.subi %convert_element_type3A_458, %sub3A_474 : vector<16xi32>
      %bitcast_convert_type3A_476 = tpu.bitcast %sub3A_475 : vector<16xi32> -> vector<16xi32>
      %lt3A_477 = arith.cmpi ult, %bitcast_convert_type3A_476, %broadcast_in_dim3A_221 : vector<16xi32>
      %sub3A_478 = arith.constant 1 : i32
      %sub3A_479 = vector.broadcast %sub3A_478 : i32 to vector<16xi32>
      %sub3A_480 = arith.subi %convert_element_type3A_461, %sub3A_479 : vector<16xi32>
      %bitcast_convert_type3A_481 = tpu.bitcast %sub3A_480 : vector<16xi32> -> vector<16xi32>
      %lt3A_482 = arith.cmpi ult, %bitcast_convert_type3A_481, %broadcast_in_dim3A_221 : vector<16xi32>
      %and3A_483 = arith.andi %lt3A_477, %lt3A_482 : vector<16xi1>
      %sub3A_484 = arith.constant 1 : i32
      %sub3A_485 = vector.broadcast %sub3A_484 : i32 to vector<16xi32>
      %sub3A_486 = arith.subi %convert_element_type3A_464, %sub3A_485 : vector<16xi32>
      %bitcast_convert_type3A_487 = tpu.bitcast %sub3A_486 : vector<16xi32> -> vector<16xi32>
      %lt3A_488 = arith.cmpi ult, %bitcast_convert_type3A_487, %broadcast_in_dim3A_221 : vector<16xi32>
      %and3A_489 = arith.andi %and3A_483, %lt3A_488 : vector<16xi1>
      %select_n3A_490 = arith.select %and3A_489, %add3A_472, %broadcast_in_dim3A_217 : vector<16xi1>, vector<16xi32>
      %swap3A_491 = arith.index_cast %mul3A_442 : i32 to index
      %swap3A_492 = tpu.vector_load %arg8[%swap3A_491] {strides = array<i32>} : memref<31488xi32, #tpu.memory_space<vmem>>, vector<16xi32>,
      %swap3A_493 = vector.shape_cast %swap3A_492 : vector<16xi32> to vector<16xi32>
      %swap3A_494 = vector.shape_cast %select_n3A_490 : vector<16xi32> to vector<16xi32>
      tpu.vector_store %arg8[%swap3A_491], %swap3A_494 {strides = array<i32>} : memref<31488xi32, #tpu.memory_space<vmem>>, vector<16xi32>,
      %swap3A_495 = arith.index_cast %mul3A_442 : i32 to index
      %swap3A_496 = tpu.vector_load %arg7[%swap3A_495] {strides = array<i32>} : memref<62976xf32, #tpu.memory_space<vmem>>, vector<16xf32>,
      %swap3A_497 = vector.shape_cast %swap3A_496 : vector<16xf32> to vector<16xf32>
      %swap3A_498 = vector.shape_cast %broadcast_in_dim3A_219 : vector<16xf32> to vector<16xf32>
      tpu.vector_store %arg7[%swap3A_495], %swap3A_498 {strides = array<i32>} : memref<62976xf32, #tpu.memory_space<vmem>>, vector<16xf32>,
      %mul3A_499 = arith.constant 8 : i32
      %mul3A_500 = arith.muli %scan3A_318, %mul3A_499 : i32
      %add3A_501 = arith.constant 3 : i32
      %add3A_502 = arith.addi %mul3A_500, %add3A_501 : i32
      %mul3A_503 = arith.constant 16 : i32
      %mul3A_504 = arith.muli %add3A_502, %mul3A_503 : i32
      %get3A_505 = arith.index_cast %mul3A_504 : i32 to index
      %get3A_506 = tpu.vector_load %arg6[%get3A_505] {strides = array<i32>} : memref<31488xf32, #tpu.memory_space<vmem>>, vector<16xf32>,
      %get3A_507 = vector.shape_cast %get3A_506 : vector<16xf32> to vector<16xf32>
      %get3A_508 = arith.index_cast %mul3A_504 : i32 to index
      %get3A_509 = tpu.vector_load %arg7[%get3A_508] {strides = array<i32>} : memref<62976xf32, #tpu.memory_space<vmem>>, vector<16xf32>,
      %get3A_510 = vector.shape_cast %get3A_509 : vector<16xf32> to vector<16xf32>
      %mul3A_511 = arith.constant 16 : i32
      %mul3A_512 = arith.muli %add3A_502, %mul3A_511 : i32
      %add3A_513 = arith.constant 31488 : i32
      %add3A_514 = arith.addi %add3A_513, %mul3A_512 : i32
      %get3A_515 = arith.index_cast %add3A_514 : i32 to index
      %get3A_516 = tpu.vector_load %arg7[%get3A_515] {strides = array<i32>} : memref<62976xf32, #tpu.memory_space<vmem>>, vector<16xf32>,
      %get3A_517 = vector.shape_cast %get3A_516 : vector<16xf32> to vector<16xf32>
      %sub3A_518 = arith.subf %get3A_507, %get3A_174 : vector<16xf32>
      %mul3A_519 = arith.mulf %sub3A_518, %broadcast_in_dim3A_215 : vector<16xf32>
      %convert_element_type3A_520 = arith.fptosi %mul3A_519 : vector<16xf32> to vector<16xi32>
      %sub3A_521 = arith.subf %get3A_510, %get3A_179 : vector<16xf32>
      %mul3A_522 = arith.mulf %sub3A_521, %broadcast_in_dim3A_215 : vector<16xf32>
      %convert_element_type3A_523 = arith.fptosi %mul3A_522 : vector<16xf32> to vector<16xi32>
      %sub3A_524 = arith.subf %get3A_517, %get3A_184 : vector<16xf32>
      %mul3A_525 = arith.mulf %sub3A_524, %broadcast_in_dim3A_215 : vector<16xf32>
      %convert_element_type3A_526 = arith.fptosi %mul3A_525 : vector<16xf32> to vector<16xi32>
      %mul3A_527 = arith.constant 65536 : i32
      %mul3A_528 = vector.broadcast %mul3A_527 : i32 to vector<16xi32>
      %mul3A_529 = arith.muli %convert_element_type3A_520, %mul3A_528 : vector<16xi32>
      %mul3A_530 = arith.constant 256 : i32
      %mul3A_531 = vector.broadcast %mul3A_530 : i32 to vector<16xi32>
      %mul3A_532 = arith.muli %convert_element_type3A_523, %mul3A_531 : vector<16xi32>
      %add3A_533 = arith.addi %mul3A_529, %mul3A_532 : vector<16xi32>
      %add3A_534 = arith.addi %add3A_533, %convert_element_type3A_526 : vector<16xi32>
      %sub3A_535 = arith.constant 1 : i32
      %sub3A_536 = vector.broadcast %sub3A_535 : i32 to vector<16xi32>
      %sub3A_537 = arith.subi %convert_element_type3A_520, %sub3A_536 : vector<16xi32>
      %bitcast_convert_type3A_538 = tpu.bitcast %sub3A_537 : vector<16xi32> -> vector<16xi32>
      %lt3A_539 = arith.cmpi ult, %bitcast_convert_type3A_538, %broadcast_in_dim3A_221 : vector<16xi32>
      %sub3A_540 = arith.constant 1 : i32
      %sub3A_541 = vector.broadcast %sub3A_540 : i32 to vector<16xi32>
      %sub3A_542 = arith.subi %convert_element_type3A_523, %sub3A_541 : vector<16xi32>
      %bitcast_convert_type3A_543 = tpu.bitcast %sub3A_542 : vector<16xi32> -> vector<16xi32>
      %lt3A_544 = arith.cmpi ult, %bitcast_convert_type3A_543, %broadcast_in_dim3A_221 : vector<16xi32>
      %and3A_545 = arith.andi %lt3A_539, %lt3A_544 : vector<16xi1>
      %sub3A_546 = arith.constant 1 : i32
      %sub3A_547 = vector.broadcast %sub3A_546 : i32 to vector<16xi32>
      %sub3A_548 = arith.subi %convert_element_type3A_526, %sub3A_547 : vector<16xi32>
      %bitcast_convert_type3A_549 = tpu.bitcast %sub3A_548 : vector<16xi32> -> vector<16xi32>
      %lt3A_550 = arith.cmpi ult, %bitcast_convert_type3A_549, %broadcast_in_dim3A_221 : vector<16xi32>
      %and3A_551 = arith.andi %and3A_545, %lt3A_550 : vector<16xi1>
      %select_n3A_552 = arith.select %and3A_551, %add3A_534, %broadcast_in_dim3A_217 : vector<16xi1>, vector<16xi32>
      %swap3A_553 = arith.index_cast %mul3A_504 : i32 to index
      %swap3A_554 = tpu.vector_load %arg8[%swap3A_553] {strides = array<i32>} : memref<31488xi32, #tpu.memory_space<vmem>>, vector<16xi32>,
      %swap3A_555 = vector.shape_cast %swap3A_554 : vector<16xi32> to vector<16xi32>
      %swap3A_556 = vector.shape_cast %select_n3A_552 : vector<16xi32> to vector<16xi32>
      tpu.vector_store %arg8[%swap3A_553], %swap3A_556 {strides = array<i32>} : memref<31488xi32, #tpu.memory_space<vmem>>, vector<16xi32>,
      %swap3A_557 = arith.index_cast %mul3A_504 : i32 to index
      %swap3A_558 = tpu.vector_load %arg7[%swap3A_557] {strides = array<i32>} : memref<62976xf32, #tpu.memory_space<vmem>>, vector<16xf32>,
      %swap3A_559 = vector.shape_cast %swap3A_558 : vector<16xf32> to vector<16xf32>
      %swap3A_560 = vector.shape_cast %broadcast_in_dim3A_219 : vector<16xf32> to vector<16xf32>
      tpu.vector_store %arg7[%swap3A_557], %swap3A_560 {strides = array<i32>} : memref<62976xf32, #tpu.memory_space<vmem>>, vector<16xf32>,
      %mul3A_561 = arith.constant 8 : i32
      %mul3A_562 = arith.muli %scan3A_318, %mul3A_561 : i32
      %add3A_563 = arith.constant 4 : i32
      %add3A_564 = arith.addi %mul3A_562, %add3A_563 : i32
      %mul3A_565 = arith.constant 16 : i32
      %mul3A_566 = arith.muli %add3A_564, %mul3A_565 : i32
      %get3A_567 = arith.index_cast %mul3A_566 : i32 to index
      %get3A_568 = tpu.vector_load %arg6[%get3A_567] {strides = array<i32>} : memref<31488xf32, #tpu.memory_space<vmem>>, vector<16xf32>,
      %get3A_569 = vector.shape_cast %get3A_568 : vector<16xf32> to vector<16xf32>
      %get3A_570 = arith.index_cast %mul3A_566 : i32 to index
      %get3A_571 = tpu.vector_load %arg7[%get3A_570] {strides = array<i32>} : memref<62976xf32, #tpu.memory_space<vmem>>, vector<16xf32>,
      %get3A_572 = vector.shape_cast %get3A_571 : vector<16xf32> to vector<16xf32>
      %mul3A_573 = arith.constant 16 : i32
      %mul3A_574 = arith.muli %add3A_564, %mul3A_573 : i32
      %add3A_575 = arith.constant 31488 : i32
      %add3A_576 = arith.addi %add3A_575, %mul3A_574 : i32
      %get3A_577 = arith.index_cast %add3A_576 : i32 to index
      %get3A_578 = tpu.vector_load %arg7[%get3A_577] {strides = array<i32>} : memref<62976xf32, #tpu.memory_space<vmem>>, vector<16xf32>,
      %get3A_579 = vector.shape_cast %get3A_578 : vector<16xf32> to vector<16xf32>
      %sub3A_580 = arith.subf %get3A_569, %get3A_174 : vector<16xf32>
      %mul3A_581 = arith.mulf %sub3A_580, %broadcast_in_dim3A_215 : vector<16xf32>
      %convert_element_type3A_582 = arith.fptosi %mul3A_581 : vector<16xf32> to vector<16xi32>
      %sub3A_583 = arith.subf %get3A_572, %get3A_179 : vector<16xf32>
      %mul3A_584 = arith.mulf %sub3A_583, %broadcast_in_dim3A_215 : vector<16xf32>
      %convert_element_type3A_585 = arith.fptosi %mul3A_584 : vector<16xf32> to vector<16xi32>
      %sub3A_586 = arith.subf %get3A_579, %get3A_184 : vector<16xf32>
      %mul3A_587 = arith.mulf %sub3A_586, %broadcast_in_dim3A_215 : vector<16xf32>
      %convert_element_type3A_588 = arith.fptosi %mul3A_587 : vector<16xf32> to vector<16xi32>
      %mul3A_589 = arith.constant 65536 : i32
      %mul3A_590 = vector.broadcast %mul3A_589 : i32 to vector<16xi32>
      %mul3A_591 = arith.muli %convert_element_type3A_582, %mul3A_590 : vector<16xi32>
      %mul3A_592 = arith.constant 256 : i32
      %mul3A_593 = vector.broadcast %mul3A_592 : i32 to vector<16xi32>
      %mul3A_594 = arith.muli %convert_element_type3A_585, %mul3A_593 : vector<16xi32>
      %add3A_595 = arith.addi %mul3A_591, %mul3A_594 : vector<16xi32>
      %add3A_596 = arith.addi %add3A_595, %convert_element_type3A_588 : vector<16xi32>
      %sub3A_597 = arith.constant 1 : i32
      %sub3A_598 = vector.broadcast %sub3A_597 : i32 to vector<16xi32>
      %sub3A_599 = arith.subi %convert_element_type3A_582, %sub3A_598 : vector<16xi32>
      %bitcast_convert_type3A_600 = tpu.bitcast %sub3A_599 : vector<16xi32> -> vector<16xi32>
      %lt3A_601 = arith.cmpi ult, %bitcast_convert_type3A_600, %broadcast_in_dim3A_221 : vector<16xi32>
      %sub3A_602 = arith.constant 1 : i32
      %sub3A_603 = vector.broadcast %sub3A_602 : i32 to vector<16xi32>
      %sub3A_604 = arith.subi %convert_element_type3A_585, %sub3A_603 : vector<16xi32>
      %bitcast_convert_type3A_605 = tpu.bitcast %sub3A_604 : vector<16xi32> -> vector<16xi32>
      %lt3A_606 = arith.cmpi ult, %bitcast_convert_type3A_605, %broadcast_in_dim3A_221 : vector<16xi32>
      %and3A_607 = arith.andi %lt3A_601, %lt3A_606 : vector<16xi1>
      %sub3A_608 = arith.constant 1 : i32
      %sub3A_609 = vector.broadcast %sub3A_608 : i32 to vector<16xi32>
      %sub3A_610 = arith.subi %convert_element_type3A_588, %sub3A_609 : vector<16xi32>
      %bitcast_convert_type3A_611 = tpu.bitcast %sub3A_610 : vector<16xi32> -> vector<16xi32>
      %lt3A_612 = arith.cmpi ult, %bitcast_convert_type3A_611, %broadcast_in_dim3A_221 : vector<16xi32>
      %and3A_613 = arith.andi %and3A_607, %lt3A_612 : vector<16xi1>
      %select_n3A_614 = arith.select %and3A_613, %add3A_596, %broadcast_in_dim3A_217 : vector<16xi1>, vector<16xi32>
      %swap3A_615 = arith.index_cast %mul3A_566 : i32 to index
      %swap3A_616 = tpu.vector_load %arg8[%swap3A_615] {strides = array<i32>} : memref<31488xi32, #tpu.memory_space<vmem>>, vector<16xi32>,
      %swap3A_617 = vector.shape_cast %swap3A_616 : vector<16xi32> to vector<16xi32>
      %swap3A_618 = vector.shape_cast %select_n3A_614 : vector<16xi32> to vector<16xi32>
      tpu.vector_store %arg8[%swap3A_615], %swap3A_618 {strides = array<i32>} : memref<31488xi32, #tpu.memory_space<vmem>>, vector<16xi32>,
      %swap3A_619 = arith.index_cast %mul3A_566 : i32 to index
      %swap3A_620 = tpu.vector_load %arg7[%swap3A_619] {strides = array<i32>} : memref<62976xf32, #tpu.memory_space<vmem>>, vector<16xf32>,
      %swap3A_621 = vector.shape_cast %swap3A_620 : vector<16xf32> to vector<16xf32>
      %swap3A_622 = vector.shape_cast %broadcast_in_dim3A_219 : vector<16xf32> to vector<16xf32>
      tpu.vector_store %arg7[%swap3A_619], %swap3A_622 {strides = array<i32>} : memref<62976xf32, #tpu.memory_space<vmem>>, vector<16xf32>,
      %mul3A_623 = arith.constant 8 : i32
      %mul3A_624 = arith.muli %scan3A_318, %mul3A_623 : i32
      %add3A_625 = arith.constant 5 : i32
      %add3A_626 = arith.addi %mul3A_624, %add3A_625 : i32
      %mul3A_627 = arith.constant 16 : i32
      %mul3A_628 = arith.muli %add3A_626, %mul3A_627 : i32
      %get3A_629 = arith.index_cast %mul3A_628 : i32 to index
      %get3A_630 = tpu.vector_load %arg6[%get3A_629] {strides = array<i32>} : memref<31488xf32, #tpu.memory_space<vmem>>, vector<16xf32>,
      %get3A_631 = vector.shape_cast %get3A_630 : vector<16xf32> to vector<16xf32>
      %get3A_632 = arith.index_cast %mul3A_628 : i32 to index
      %get3A_633 = tpu.vector_load %arg7[%get3A_632] {strides = array<i32>} : memref<62976xf32, #tpu.memory_space<vmem>>, vector<16xf32>,
      %get3A_634 = vector.shape_cast %get3A_633 : vector<16xf32> to vector<16xf32>
      %mul3A_635 = arith.constant 16 : i32
      %mul3A_636 = arith.muli %add3A_626, %mul3A_635 : i32
      %add3A_637 = arith.constant 31488 : i32
      %add3A_638 = arith.addi %add3A_637, %mul3A_636 : i32
      %get3A_639 = arith.index_cast %add3A_638 : i32 to index
      %get3A_640 = tpu.vector_load %arg7[%get3A_639] {strides = array<i32>} : memref<62976xf32, #tpu.memory_space<vmem>>, vector<16xf32>,
      %get3A_641 = vector.shape_cast %get3A_640 : vector<16xf32> to vector<16xf32>
      %sub3A_642 = arith.subf %get3A_631, %get3A_174 : vector<16xf32>
      %mul3A_643 = arith.mulf %sub3A_642, %broadcast_in_dim3A_215 : vector<16xf32>
      %convert_element_type3A_644 = arith.fptosi %mul3A_643 : vector<16xf32> to vector<16xi32>
      %sub3A_645 = arith.subf %get3A_634, %get3A_179 : vector<16xf32>
      %mul3A_646 = arith.mulf %sub3A_645, %broadcast_in_dim3A_215 : vector<16xf32>
      %convert_element_type3A_647 = arith.fptosi %mul3A_646 : vector<16xf32> to vector<16xi32>
      %sub3A_648 = arith.subf %get3A_641, %get3A_184 : vector<16xf32>
      %mul3A_649 = arith.mulf %sub3A_648, %broadcast_in_dim3A_215 : vector<16xf32>
      %convert_element_type3A_650 = arith.fptosi %mul3A_649 : vector<16xf32> to vector<16xi32>
      %mul3A_651 = arith.constant 65536 : i32
      %mul3A_652 = vector.broadcast %mul3A_651 : i32 to vector<16xi32>
      %mul3A_653 = arith.muli %convert_element_type3A_644, %mul3A_652 : vector<16xi32>
      %mul3A_654 = arith.constant 256 : i32
      %mul3A_655 = vector.broadcast %mul3A_654 : i32 to vector<16xi32>
      %mul3A_656 = arith.muli %convert_element_type3A_647, %mul3A_655 : vector<16xi32>
      %add3A_657 = arith.addi %mul3A_653, %mul3A_656 : vector<16xi32>
      %add3A_658 = arith.addi %add3A_657, %convert_element_type3A_650 : vector<16xi32>
      %sub3A_659 = arith.constant 1 : i32
      %sub3A_660 = vector.broadcast %sub3A_659 : i32 to vector<16xi32>
      %sub3A_661 = arith.subi %convert_element_type3A_644, %sub3A_660 : vector<16xi32>
      %bitcast_convert_type3A_662 = tpu.bitcast %sub3A_661 : vector<16xi32> -> vector<16xi32>
      %lt3A_663 = arith.cmpi ult, %bitcast_convert_type3A_662, %broadcast_in_dim3A_221 : vector<16xi32>
      %sub3A_664 = arith.constant 1 : i32
      %sub3A_665 = vector.broadcast %sub3A_664 : i32 to vector<16xi32>
      %sub3A_666 = arith.subi %convert_element_type3A_647, %sub3A_665 : vector<16xi32>
      %bitcast_convert_type3A_667 = tpu.bitcast %sub3A_666 : vector<16xi32> -> vector<16xi32>
      %lt3A_668 = arith.cmpi ult, %bitcast_convert_type3A_667, %broadcast_in_dim3A_221 : vector<16xi32>
      %and3A_669 = arith.andi %lt3A_663, %lt3A_668 : vector<16xi1>
      %sub3A_670 = arith.constant 1 : i32
      %sub3A_671 = vector.broadcast %sub3A_670 : i32 to vector<16xi32>
      %sub3A_672 = arith.subi %convert_element_type3A_650, %sub3A_671 : vector<16xi32>
      %bitcast_convert_type3A_673 = tpu.bitcast %sub3A_672 : vector<16xi32> -> vector<16xi32>
      %lt3A_674 = arith.cmpi ult, %bitcast_convert_type3A_673, %broadcast_in_dim3A_221 : vector<16xi32>
      %and3A_675 = arith.andi %and3A_669, %lt3A_674 : vector<16xi1>
      %select_n3A_676 = arith.select %and3A_675, %add3A_658, %broadcast_in_dim3A_217 : vector<16xi1>, vector<16xi32>
      %swap3A_677 = arith.index_cast %mul3A_628 : i32 to index
      %swap3A_678 = tpu.vector_load %arg8[%swap3A_677] {strides = array<i32>} : memref<31488xi32, #tpu.memory_space<vmem>>, vector<16xi32>,
      %swap3A_679 = vector.shape_cast %swap3A_678 : vector<16xi32> to vector<16xi32>
      %swap3A_680 = vector.shape_cast %select_n3A_676 : vector<16xi32> to vector<16xi32>
      tpu.vector_store %arg8[%swap3A_677], %swap3A_680 {strides = array<i32>} : memref<31488xi32, #tpu.memory_space<vmem>>, vector<16xi32>,
      %swap3A_681 = arith.index_cast %mul3A_628 : i32 to index
      %swap3A_682 = tpu.vector_load %arg7[%swap3A_681] {strides = array<i32>} : memref<62976xf32, #tpu.memory_space<vmem>>, vector<16xf32>,
      %swap3A_683 = vector.shape_cast %swap3A_682 : vector<16xf32> to vector<16xf32>
      %swap3A_684 = vector.shape_cast %broadcast_in_dim3A_219 : vector<16xf32> to vector<16xf32>
      tpu.vector_store %arg7[%swap3A_681], %swap3A_684 {strides = array<i32>} : memref<62976xf32, #tpu.memory_space<vmem>>, vector<16xf32>,
      %mul3A_685 = arith.constant 8 : i32
      %mul3A_686 = arith.muli %scan3A_318, %mul3A_685 : i32
      %add3A_687 = arith.constant 6 : i32
      %add3A_688 = arith.addi %mul3A_686, %add3A_687 : i32
      %mul3A_689 = arith.constant 16 : i32
      %mul3A_690 = arith.muli %add3A_688, %mul3A_689 : i32
      %get3A_691 = arith.index_cast %mul3A_690 : i32 to index
      %get3A_692 = tpu.vector_load %arg6[%get3A_691] {strides = array<i32>} : memref<31488xf32, #tpu.memory_space<vmem>>, vector<16xf32>,
      %get3A_693 = vector.shape_cast %get3A_692 : vector<16xf32> to vector<16xf32>
      %get3A_694 = arith.index_cast %mul3A_690 : i32 to index
      %get3A_695 = tpu.vector_load %arg7[%get3A_694] {strides = array<i32>} : memref<62976xf32, #tpu.memory_space<vmem>>, vector<16xf32>,
      %get3A_696 = vector.shape_cast %get3A_695 : vector<16xf32> to vector<16xf32>
      %mul3A_697 = arith.constant 16 : i32
      %mul3A_698 = arith.muli %add3A_688, %mul3A_697 : i32
      %add3A_699 = arith.constant 31488 : i32
      %add3A_700 = arith.addi %add3A_699, %mul3A_698 : i32
      %get3A_701 = arith.index_cast %add3A_700 : i32 to index
      %get3A_702 = tpu.vector_load %arg7[%get3A_701] {strides = array<i32>} : memref<62976xf32, #tpu.memory_space<vmem>>, vector<16xf32>,
      %get3A_703 = vector.shape_cast %get3A_702 : vector<16xf32> to vector<16xf32>
      %sub3A_704 = arith.subf %get3A_693, %get3A_174 : vector<16xf32>
      %mul3A_705 = arith.mulf %sub3A_704, %broadcast_in_dim3A_215 : vector<16xf32>
      %convert_element_type3A_706 = arith.fptosi %mul3A_705 : vector<16xf32> to vector<16xi32>
      %sub3A_707 = arith.subf %get3A_696, %get3A_179 : vector<16xf32>
      %mul3A_708 = arith.mulf %sub3A_707, %broadcast_in_dim3A_215 : vector<16xf32>
      %convert_element_type3A_709 = arith.fptosi %mul3A_708 : vector<16xf32> to vector<16xi32>
      %sub3A_710 = arith.subf %get3A_703, %get3A_184 : vector<16xf32>
      %mul3A_711 = arith.mulf %sub3A_710, %broadcast_in_dim3A_215 : vector<16xf32>
      %convert_element_type3A_712 = arith.fptosi %mul3A_711 : vector<16xf32> to vector<16xi32>
      %mul3A_713 = arith.constant 65536 : i32
      %mul3A_714 = vector.broadcast %mul3A_713 : i32 to vector<16xi32>
      %mul3A_715 = arith.muli %convert_element_type3A_706, %mul3A_714 : vector<16xi32>
      %mul3A_716 = arith.constant 256 : i32
      %mul3A_717 = vector.broadcast %mul3A_716 : i32 to vector<16xi32>
      %mul3A_718 = arith.muli %convert_element_type3A_709, %mul3A_717 : vector<16xi32>
      %add3A_719 = arith.addi %mul3A_715, %mul3A_718 : vector<16xi32>
      %add3A_720 = arith.addi %add3A_719, %convert_element_type3A_712 : vector<16xi32>
      %sub3A_721 = arith.constant 1 : i32
      %sub3A_722 = vector.broadcast %sub3A_721 : i32 to vector<16xi32>
      %sub3A_723 = arith.subi %convert_element_type3A_706, %sub3A_722 : vector<16xi32>
      %bitcast_convert_type3A_724 = tpu.bitcast %sub3A_723 : vector<16xi32> -> vector<16xi32>
      %lt3A_725 = arith.cmpi ult, %bitcast_convert_type3A_724, %broadcast_in_dim3A_221 : vector<16xi32>
      %sub3A_726 = arith.constant 1 : i32
      %sub3A_727 = vector.broadcast %sub3A_726 : i32 to vector<16xi32>
      %sub3A_728 = arith.subi %convert_element_type3A_709, %sub3A_727 : vector<16xi32>
      %bitcast_convert_type3A_729 = tpu.bitcast %sub3A_728 : vector<16xi32> -> vector<16xi32>
      %lt3A_730 = arith.cmpi ult, %bitcast_convert_type3A_729, %broadcast_in_dim3A_221 : vector<16xi32>
      %and3A_731 = arith.andi %lt3A_725, %lt3A_730 : vector<16xi1>
      %sub3A_732 = arith.constant 1 : i32
      %sub3A_733 = vector.broadcast %sub3A_732 : i32 to vector<16xi32>
      %sub3A_734 = arith.subi %convert_element_type3A_712, %sub3A_733 : vector<16xi32>
      %bitcast_convert_type3A_735 = tpu.bitcast %sub3A_734 : vector<16xi32> -> vector<16xi32>
      %lt3A_736 = arith.cmpi ult, %bitcast_convert_type3A_735, %broadcast_in_dim3A_221 : vector<16xi32>
      %and3A_737 = arith.andi %and3A_731, %lt3A_736 : vector<16xi1>
      %select_n3A_738 = arith.select %and3A_737, %add3A_720, %broadcast_in_dim3A_217 : vector<16xi1>, vector<16xi32>
      %swap3A_739 = arith.index_cast %mul3A_690 : i32 to index
      %swap3A_740 = tpu.vector_load %arg8[%swap3A_739] {strides = array<i32>} : memref<31488xi32, #tpu.memory_space<vmem>>, vector<16xi32>,
      %swap3A_741 = vector.shape_cast %swap3A_740 : vector<16xi32> to vector<16xi32>
      %swap3A_742 = vector.shape_cast %select_n3A_738 : vector<16xi32> to vector<16xi32>
      tpu.vector_store %arg8[%swap3A_739], %swap3A_742 {strides = array<i32>} : memref<31488xi32, #tpu.memory_space<vmem>>, vector<16xi32>,
      %swap3A_743 = arith.index_cast %mul3A_690 : i32 to index
      %swap3A_744 = tpu.vector_load %arg7[%swap3A_743] {strides = array<i32>} : memref<62976xf32, #tpu.memory_space<vmem>>, vector<16xf32>,
      %swap3A_745 = vector.shape_cast %swap3A_744 : vector<16xf32> to vector<16xf32>
      %swap3A_746 = vector.shape_cast %broadcast_in_dim3A_219 : vector<16xf32> to vector<16xf32>
      tpu.vector_store %arg7[%swap3A_743], %swap3A_746 {strides = array<i32>} : memref<62976xf32, #tpu.memory_space<vmem>>, vector<16xf32>,
      %mul3A_747 = arith.constant 8 : i32
      %mul3A_748 = arith.muli %scan3A_318, %mul3A_747 : i32
      %add3A_749 = arith.constant 7 : i32
      %add3A_750 = arith.addi %mul3A_748, %add3A_749 : i32
      %mul3A_751 = arith.constant 16 : i32
      %mul3A_752 = arith.muli %add3A_750, %mul3A_751 : i32
      %get3A_753 = arith.index_cast %mul3A_752 : i32 to index
      %get3A_754 = tpu.vector_load %arg6[%get3A_753] {strides = array<i32>} : memref<31488xf32, #tpu.memory_space<vmem>>, vector<16xf32>,
      %get3A_755 = vector.shape_cast %get3A_754 : vector<16xf32> to vector<16xf32>
      %get3A_756 = arith.index_cast %mul3A_752 : i32 to index
      %get3A_757 = tpu.vector_load %arg7[%get3A_756] {strides = array<i32>} : memref<62976xf32, #tpu.memory_space<vmem>>, vector<16xf32>,
      %get3A_758 = vector.shape_cast %get3A_757 : vector<16xf32> to vector<16xf32>
      %mul3A_759 = arith.constant 16 : i32
      %mul3A_760 = arith.muli %add3A_750, %mul3A_759 : i32
      %add3A_761 = arith.constant 31488 : i32
      %add3A_762 = arith.addi %add3A_761, %mul3A_760 : i32
      %get3A_763 = arith.index_cast %add3A_762 : i32 to index
      %get3A_764 = tpu.vector_load %arg7[%get3A_763] {strides = array<i32>} : memref<62976xf32, #tpu.memory_space<vmem>>, vector<16xf32>,
      %get3A_765 = vector.shape_cast %get3A_764 : vector<16xf32> to vector<16xf32>
      %sub3A_766 = arith.subf %get3A_755, %get3A_174 : vector<16xf32>
      %mul3A_767 = arith.mulf %sub3A_766, %broadcast_in_dim3A_215 : vector<16xf32>
      %convert_element_type3A_768 = arith.fptosi %mul3A_767 : vector<16xf32> to vector<16xi32>
      %sub3A_769 = arith.subf %get3A_758, %get3A_179 : vector<16xf32>
      %mul3A_770 = arith.mulf %sub3A_769, %broadcast_in_dim3A_215 : vector<16xf32>
      %convert_element_type3A_771 = arith.fptosi %mul3A_770 : vector<16xf32> to vector<16xi32>
      %sub3A_772 = arith.subf %get3A_765, %get3A_184 : vector<16xf32>
      %mul3A_773 = arith.mulf %sub3A_772, %broadcast_in_dim3A_215 : vector<16xf32>
      %convert_element_type3A_774 = arith.fptosi %mul3A_773 : vector<16xf32> to vector<16xi32>
      %mul3A_775 = arith.constant 65536 : i32
      %mul3A_776 = vector.broadcast %mul3A_775 : i32 to vector<16xi32>
      %mul3A_777 = arith.muli %convert_element_type3A_768, %mul3A_776 : vector<16xi32>
      %mul3A_778 = arith.constant 256 : i32
      %mul3A_779 = vector.broadcast %mul3A_778 : i32 to vector<16xi32>
      %mul3A_780 = arith.muli %convert_element_type3A_771, %mul3A_779 : vector<16xi32>
      %add3A_781 = arith.addi %mul3A_777, %mul3A_780 : vector<16xi32>
      %add3A_782 = arith.addi %add3A_781, %convert_element_type3A_774 : vector<16xi32>
      %sub3A_783 = arith.constant 1 : i32
      %sub3A_784 = vector.broadcast %sub3A_783 : i32 to vector<16xi32>
      %sub3A_785 = arith.subi %convert_element_type3A_768, %sub3A_784 : vector<16xi32>
      %bitcast_convert_type3A_786 = tpu.bitcast %sub3A_785 : vector<16xi32> -> vector<16xi32>
      %lt3A_787 = arith.cmpi ult, %bitcast_convert_type3A_786, %broadcast_in_dim3A_221 : vector<16xi32>
      %sub3A_788 = arith.constant 1 : i32
      %sub3A_789 = vector.broadcast %sub3A_788 : i32 to vector<16xi32>
      %sub3A_790 = arith.subi %convert_element_type3A_771, %sub3A_789 : vector<16xi32>
      %bitcast_convert_type3A_791 = tpu.bitcast %sub3A_790 : vector<16xi32> -> vector<16xi32>
      %lt3A_792 = arith.cmpi ult, %bitcast_convert_type3A_791, %broadcast_in_dim3A_221 : vector<16xi32>
      %and3A_793 = arith.andi %lt3A_787, %lt3A_792 : vector<16xi1>
      %sub3A_794 = arith.constant 1 : i32
      %sub3A_795 = vector.broadcast %sub3A_794 : i32 to vector<16xi32>
      %sub3A_796 = arith.subi %convert_element_type3A_774, %sub3A_795 : vector<16xi32>
      %bitcast_convert_type3A_797 = tpu.bitcast %sub3A_796 : vector<16xi32> -> vector<16xi32>
      %lt3A_798 = arith.cmpi ult, %bitcast_convert_type3A_797, %broadcast_in_dim3A_221 : vector<16xi32>
      %and3A_799 = arith.andi %and3A_793, %lt3A_798 : vector<16xi1>
      %select_n3A_800 = arith.select %and3A_799, %add3A_782, %broadcast_in_dim3A_217 : vector<16xi1>, vector<16xi32>
      %swap3A_801 = arith.index_cast %mul3A_752 : i32 to index
      %swap3A_802 = tpu.vector_load %arg8[%swap3A_801] {strides = array<i32>} : memref<31488xi32, #tpu.memory_space<vmem>>, vector<16xi32>,
      %swap3A_803 = vector.shape_cast %swap3A_802 : vector<16xi32> to vector<16xi32>
      %swap3A_804 = vector.shape_cast %select_n3A_800 : vector<16xi32> to vector<16xi32>
      tpu.vector_store %arg8[%swap3A_801], %swap3A_804 {strides = array<i32>} : memref<31488xi32, #tpu.memory_space<vmem>>, vector<16xi32>,
      %swap3A_805 = arith.index_cast %mul3A_752 : i32 to index
      %swap3A_806 = tpu.vector_load %arg7[%swap3A_805] {strides = array<i32>} : memref<62976xf32, #tpu.memory_space<vmem>>, vector<16xf32>,
      %swap3A_807 = vector.shape_cast %swap3A_806 : vector<16xf32> to vector<16xf32>
      %swap3A_808 = vector.shape_cast %broadcast_in_dim3A_219 : vector<16xf32> to vector<16xf32>
      tpu.vector_store %arg7[%swap3A_805], %swap3A_808 {strides = array<i32>} : memref<62976xf32, #tpu.memory_space<vmem>>, vector<16xf32>,
      %mul3A_809 = arith.constant 128 : i32
      %mul3A_810 = arith.muli %scan3A_318, %mul3A_809 : i32
      %dma_start3A_811 = tpu.memref_slice %arg7[%mul3A_810] : memref<62976xf32, #tpu.memory_space<vmem>> -> memref<128xf32, #tpu.memory_space<vmem>>
      %dma_start3A_812 = tpu.memref_slice %arg8[%mul3A_810] : memref<31488xi32, #tpu.memory_space<vmem>> -> memref<128xi32, #tpu.memory_space<vmem>>
      %dma_start3A_813 = arith.constant 0 : i32
      %dma_start3A_814 = tpu.memref_slice %arg4[%dma_start3A_813] : memref<16777216xf32, #tpu.memory_space<hbm>> -> memref<16777216xf32, #tpu.memory_space<hbm>>
      %dma_start3A_815 = arith.constant -1 : i32
      tpu.enqueue_indirect_dma source(%dma_start3A_814 : memref<16777216xf32, #tpu.memory_space<hbm>>) target(%dma_start3A_811 : memref<128xf32, #tpu.memory_space<vmem>>) offsets(%dma_start3A_812 : memref<128xi32, #tpu.memory_space<vmem>>) offset_filter(%dma_start3A_815) semaphore(%arg11 : memref<!tpu.dma_semaphore, #tpu.memory_space<semaphore_mem>>)
      %scan3A_816 = arith.constant 0 : i32
      scf.yield %scan3A_816 : i32
    }
    %scan3A_279 = arith.constant 41 : i32
    %dma_wait3A_280 = arith.constant 0 : i32
    %dma_wait3A_281 = tpu.memref_slice %arg7[%dma_wait3A_280] : memref<62976xf32, #tpu.memory_space<vmem>> -> memref<15744xf32, #tpu.memory_space<vmem>>
    %dma_wait3A_282 = arith.constant 0 : i32
    %dma_wait3A_283 = tpu.memref_slice %arg2[%dma_wait3A_282] : memref<3000000xf32, #tpu.memory_space<hbm>> -> memref<15744xf32, #tpu.memory_space<hbm>>
    %dma_wait3A_284 = arith.constant 0 : i32
    %dma_wait3A_285 = tpu.memref_slice %arg7[%dma_wait3A_284] : memref<62976xf32, #tpu.memory_space<vmem>> -> memref<15744xf32, #tpu.memory_space<vmem>>
    %dma_wait3A_286 = arith.constant 0 : i32
    %dma_wait3A_287 = tpu.memref_slice %arg2[%dma_wait3A_286] : memref<3000000xf32, #tpu.memory_space<hbm>> -> memref<15744xf32, #tpu.memory_space<hbm>>
    tpu.wait_dma2 semaphore(%arg10 : memref<!tpu.dma_semaphore, #tpu.memory_space<semaphore_mem>>) src(%dma_wait3A_287 : memref<15744xf32, #tpu.memory_space<hbm>>) dst(%dma_wait3A_285 : memref<15744xf32, #tpu.memory_space<vmem>>)
    %scan3A_288 = arith.constant 0 : i32
    %scan3A_289 = arith.constant 164 : i32
    %scan3A_290 = arith.constant 41 : i32
    %scan3A_291 = arith.addi %scan3A_289, %scan3A_290 : i32
    %scan3A_292 = arith.constant 1 : i32
    %scan3A_293 = scf.for %scan3A_318 = %scan3A_289 to %scan3A_291 step %scan3A_292 iter_args(%scan3A_319 = %scan3A_288) -> (i32)  : i32 {
      %mul3A_320 = arith.constant 8 : i32
      %mul3A_321 = arith.muli %scan3A_318, %mul3A_320 : i32
      %add3A_322 = arith.constant 0 : i32
      %add3A_323 = arith.addi %mul3A_321, %add3A_322 : i32
      %mul3A_324 = arith.constant 16 : i32
      %mul3A_325 = arith.muli %add3A_323, %mul3A_324 : i32
      %get3A_326 = arith.index_cast %mul3A_325 : i32 to index
      %get3A_327 = tpu.vector_load %arg6[%get3A_326] {strides = array<i32>} : memref<31488xf32, #tpu.memory_space<vmem>>, vector<16xf32>,
      %get3A_328 = vector.shape_cast %get3A_327 : vector<16xf32> to vector<16xf32>
      %get3A_329 = arith.index_cast %mul3A_325 : i32 to index
      %get3A_330 = tpu.vector_load %arg7[%get3A_329] {strides = array<i32>} : memref<62976xf32, #tpu.memory_space<vmem>>, vector<16xf32>,
      %get3A_331 = vector.shape_cast %get3A_330 : vector<16xf32> to vector<16xf32>
      %mul3A_332 = arith.constant 16 : i32
      %mul3A_333 = arith.muli %add3A_323, %mul3A_332 : i32
      %add3A_334 = arith.constant 31488 : i32
      %add3A_335 = arith.addi %add3A_334, %mul3A_333 : i32
      %get3A_336 = arith.index_cast %add3A_335 : i32 to index
      %get3A_337 = tpu.vector_load %arg7[%get3A_336] {strides = array<i32>} : memref<62976xf32, #tpu.memory_space<vmem>>, vector<16xf32>,
      %get3A_338 = vector.shape_cast %get3A_337 : vector<16xf32> to vector<16xf32>
      %sub3A = arith.subf %get3A_328, %get3A_174 : vector<16xf32>
      %mul3A_339 = arith.mulf %sub3A, %broadcast_in_dim3A_215 : vector<16xf32>
      %convert_element_type3A = arith.fptosi %mul3A_339 : vector<16xf32> to vector<16xi32>
      %sub3A_340 = arith.subf %get3A_331, %get3A_179 : vector<16xf32>
      %mul3A_341 = arith.mulf %sub3A_340, %broadcast_in_dim3A_215 : vector<16xf32>
      %convert_element_type3A_342 = arith.fptosi %mul3A_341 : vector<16xf32> to vector<16xi32>
      %sub3A_343 = arith.subf %get3A_338, %get3A_184 : vector<16xf32>
      %mul3A_344 = arith.mulf %sub3A_343, %broadcast_in_dim3A_215 : vector<16xf32>
      %convert_element_type3A_345 = arith.fptosi %mul3A_344 : vector<16xf32> to vector<16xi32>
      %mul3A_346 = arith.constant 65536 : i32
      %mul3A_347 = vector.broadcast %mul3A_346 : i32 to vector<16xi32>
      %mul3A_348 = arith.muli %convert_element_type3A, %mul3A_347 : vector<16xi32>
      %mul3A_349 = arith.constant 256 : i32
      %mul3A_350 = vector.broadcast %mul3A_349 : i32 to vector<16xi32>
      %mul3A_351 = arith.muli %convert_element_type3A_342, %mul3A_350 : vector<16xi32>
      %add3A_352 = arith.addi %mul3A_348, %mul3A_351 : vector<16xi32>
      %add3A_353 = arith.addi %add3A_352, %convert_element_type3A_345 : vector<16xi32>
      %sub3A_354 = arith.constant 1 : i32
      %sub3A_355 = vector.broadcast %sub3A_354 : i32 to vector<16xi32>
      %sub3A_356 = arith.subi %convert_element_type3A, %sub3A_355 : vector<16xi32>
      %bitcast_convert_type3A = tpu.bitcast %sub3A_356 : vector<16xi32> -> vector<16xi32>
      %lt3A = arith.cmpi ult, %bitcast_convert_type3A, %broadcast_in_dim3A_221 : vector<16xi32>
      %sub3A_357 = arith.constant 1 : i32
      %sub3A_358 = vector.broadcast %sub3A_357 : i32 to vector<16xi32>
      %sub3A_359 = arith.subi %convert_element_type3A_342, %sub3A_358 : vector<16xi32>
      %bitcast_convert_type3A_360 = tpu.bitcast %sub3A_359 : vector<16xi32> -> vector<16xi32>
      %lt3A_361 = arith.cmpi ult, %bitcast_convert_type3A_360, %broadcast_in_dim3A_221 : vector<16xi32>
      %and3A = arith.andi %lt3A, %lt3A_361 : vector<16xi1>
      %sub3A_362 = arith.constant 1 : i32
      %sub3A_363 = vector.broadcast %sub3A_362 : i32 to vector<16xi32>
      %sub3A_364 = arith.subi %convert_element_type3A_345, %sub3A_363 : vector<16xi32>
      %bitcast_convert_type3A_365 = tpu.bitcast %sub3A_364 : vector<16xi32> -> vector<16xi32>
      %lt3A_366 = arith.cmpi ult, %bitcast_convert_type3A_365, %broadcast_in_dim3A_221 : vector<16xi32>
      %and3A_367 = arith.andi %and3A, %lt3A_366 : vector<16xi1>
      %select_n3A = arith.select %and3A_367, %add3A_353, %broadcast_in_dim3A_217 : vector<16xi1>, vector<16xi32>
      %swap3A = arith.index_cast %mul3A_325 : i32 to index
      %swap3A_368 = tpu.vector_load %arg8[%swap3A] {strides = array<i32>} : memref<31488xi32, #tpu.memory_space<vmem>>, vector<16xi32>,
      %swap3A_369 = vector.shape_cast %swap3A_368 : vector<16xi32> to vector<16xi32>
      %swap3A_370 = vector.shape_cast %select_n3A : vector<16xi32> to vector<16xi32>
      tpu.vector_store %arg8[%swap3A], %swap3A_370 {strides = array<i32>} : memref<31488xi32, #tpu.memory_space<vmem>>, vector<16xi32>,
      %swap3A_371 = arith.index_cast %mul3A_325 : i32 to index
      %swap3A_372 = tpu.vector_load %arg7[%swap3A_371] {strides = array<i32>} : memref<62976xf32, #tpu.memory_space<vmem>>, vector<16xf32>,
      %swap3A_373 = vector.shape_cast %swap3A_372 : vector<16xf32> to vector<16xf32>
      %swap3A_374 = vector.shape_cast %broadcast_in_dim3A_219 : vector<16xf32> to vector<16xf32>
      tpu.vector_store %arg7[%swap3A_371], %swap3A_374 {strides = array<i32>} : memref<62976xf32, #tpu.memory_space<vmem>>, vector<16xf32>,
      %mul3A_375 = arith.constant 8 : i32
      %mul3A_376 = arith.muli %scan3A_318, %mul3A_375 : i32
      %add3A_377 = arith.constant 1 : i32
      %add3A_378 = arith.addi %mul3A_376, %add3A_377 : i32
      %mul3A_379 = arith.constant 16 : i32
      %mul3A_380 = arith.muli %add3A_378, %mul3A_379 : i32
      %get3A_381 = arith.index_cast %mul3A_380 : i32 to index
      %get3A_382 = tpu.vector_load %arg6[%get3A_381] {strides = array<i32>} : memref<31488xf32, #tpu.memory_space<vmem>>, vector<16xf32>,
      %get3A_383 = vector.shape_cast %get3A_382 : vector<16xf32> to vector<16xf32>
      %get3A_384 = arith.index_cast %mul3A_380 : i32 to index
      %get3A_385 = tpu.vector_load %arg7[%get3A_384] {strides = array<i32>} : memref<62976xf32, #tpu.memory_space<vmem>>, vector<16xf32>,
      %get3A_386 = vector.shape_cast %get3A_385 : vector<16xf32> to vector<16xf32>
      %mul3A_387 = arith.constant 16 : i32
      %mul3A_388 = arith.muli %add3A_378, %mul3A_387 : i32
      %add3A_389 = arith.constant 31488 : i32
      %add3A_390 = arith.addi %add3A_389, %mul3A_388 : i32
      %get3A_391 = arith.index_cast %add3A_390 : i32 to index
      %get3A_392 = tpu.vector_load %arg7[%get3A_391] {strides = array<i32>} : memref<62976xf32, #tpu.memory_space<vmem>>, vector<16xf32>,
      %get3A_393 = vector.shape_cast %get3A_392 : vector<16xf32> to vector<16xf32>
      %sub3A_394 = arith.subf %get3A_383, %get3A_174 : vector<16xf32>
      %mul3A_395 = arith.mulf %sub3A_394, %broadcast_in_dim3A_215 : vector<16xf32>
      %convert_element_type3A_396 = arith.fptosi %mul3A_395 : vector<16xf32> to vector<16xi32>
      %sub3A_397 = arith.subf %get3A_386, %get3A_179 : vector<16xf32>
      %mul3A_398 = arith.mulf %sub3A_397, %broadcast_in_dim3A_215 : vector<16xf32>
      %convert_element_type3A_399 = arith.fptosi %mul3A_398 : vector<16xf32> to vector<16xi32>
      %sub3A_400 = arith.subf %get3A_393, %get3A_184 : vector<16xf32>
      %mul3A_401 = arith.mulf %sub3A_400, %broadcast_in_dim3A_215 : vector<16xf32>
      %convert_element_type3A_402 = arith.fptosi %mul3A_401 : vector<16xf32> to vector<16xi32>
      %mul3A_403 = arith.constant 65536 : i32
      %mul3A_404 = vector.broadcast %mul3A_403 : i32 to vector<16xi32>
      %mul3A_405 = arith.muli %convert_element_type3A_396, %mul3A_404 : vector<16xi32>
      %mul3A_406 = arith.constant 256 : i32
      %mul3A_407 = vector.broadcast %mul3A_406 : i32 to vector<16xi32>
      %mul3A_408 = arith.muli %convert_element_type3A_399, %mul3A_407 : vector<16xi32>
      %add3A_409 = arith.addi %mul3A_405, %mul3A_408 : vector<16xi32>
      %add3A_410 = arith.addi %add3A_409, %convert_element_type3A_402 : vector<16xi32>
      %sub3A_411 = arith.constant 1 : i32
      %sub3A_412 = vector.broadcast %sub3A_411 : i32 to vector<16xi32>
      %sub3A_413 = arith.subi %convert_element_type3A_396, %sub3A_412 : vector<16xi32>
      %bitcast_convert_type3A_414 = tpu.bitcast %sub3A_413 : vector<16xi32> -> vector<16xi32>
      %lt3A_415 = arith.cmpi ult, %bitcast_convert_type3A_414, %broadcast_in_dim3A_221 : vector<16xi32>
      %sub3A_416 = arith.constant 1 : i32
      %sub3A_417 = vector.broadcast %sub3A_416 : i32 to vector<16xi32>
      %sub3A_418 = arith.subi %convert_element_type3A_399, %sub3A_417 : vector<16xi32>
      %bitcast_convert_type3A_419 = tpu.bitcast %sub3A_418 : vector<16xi32> -> vector<16xi32>
      %lt3A_420 = arith.cmpi ult, %bitcast_convert_type3A_419, %broadcast_in_dim3A_221 : vector<16xi32>
      %and3A_421 = arith.andi %lt3A_415, %lt3A_420 : vector<16xi1>
      %sub3A_422 = arith.constant 1 : i32
      %sub3A_423 = vector.broadcast %sub3A_422 : i32 to vector<16xi32>
      %sub3A_424 = arith.subi %convert_element_type3A_402, %sub3A_423 : vector<16xi32>
      %bitcast_convert_type3A_425 = tpu.bitcast %sub3A_424 : vector<16xi32> -> vector<16xi32>
      %lt3A_426 = arith.cmpi ult, %bitcast_convert_type3A_425, %broadcast_in_dim3A_221 : vector<16xi32>
      %and3A_427 = arith.andi %and3A_421, %lt3A_426 : vector<16xi1>
      %select_n3A_428 = arith.select %and3A_427, %add3A_410, %broadcast_in_dim3A_217 : vector<16xi1>, vector<16xi32>
      %swap3A_429 = arith.index_cast %mul3A_380 : i32 to index
      %swap3A_430 = tpu.vector_load %arg8[%swap3A_429] {strides = array<i32>} : memref<31488xi32, #tpu.memory_space<vmem>>, vector<16xi32>,
      %swap3A_431 = vector.shape_cast %swap3A_430 : vector<16xi32> to vector<16xi32>
      %swap3A_432 = vector.shape_cast %select_n3A_428 : vector<16xi32> to vector<16xi32>
      tpu.vector_store %arg8[%swap3A_429], %swap3A_432 {strides = array<i32>} : memref<31488xi32, #tpu.memory_space<vmem>>, vector<16xi32>,
      %swap3A_433 = arith.index_cast %mul3A_380 : i32 to index
      %swap3A_434 = tpu.vector_load %arg7[%swap3A_433] {strides = array<i32>} : memref<62976xf32, #tpu.memory_space<vmem>>, vector<16xf32>,
      %swap3A_435 = vector.shape_cast %swap3A_434 : vector<16xf32> to vector<16xf32>
      %swap3A_436 = vector.shape_cast %broadcast_in_dim3A_219 : vector<16xf32> to vector<16xf32>
      tpu.vector_store %arg7[%swap3A_433], %swap3A_436 {strides = array<i32>} : memref<62976xf32, #tpu.memory_space<vmem>>, vector<16xf32>,
      %mul3A_437 = arith.constant 8 : i32
      %mul3A_438 = arith.muli %scan3A_318, %mul3A_437 : i32
      %add3A_439 = arith.constant 2 : i32
      %add3A_440 = arith.addi %mul3A_438, %add3A_439 : i32
      %mul3A_441 = arith.constant 16 : i32
      %mul3A_442 = arith.muli %add3A_440, %mul3A_441 : i32
      %get3A_443 = arith.index_cast %mul3A_442 : i32 to index
      %get3A_444 = tpu.vector_load %arg6[%get3A_443] {strides = array<i32>} : memref<31488xf32, #tpu.memory_space<vmem>>, vector<16xf32>,
      %get3A_445 = vector.shape_cast %get3A_444 : vector<16xf32> to vector<16xf32>
      %get3A_446 = arith.index_cast %mul3A_442 : i32 to index
      %get3A_447 = tpu.vector_load %arg7[%get3A_446] {strides = array<i32>} : memref<62976xf32, #tpu.memory_space<vmem>>, vector<16xf32>,
      %get3A_448 = vector.shape_cast %get3A_447 : vector<16xf32> to vector<16xf32>
      %mul3A_449 = arith.constant 16 : i32
      %mul3A_450 = arith.muli %add3A_440, %mul3A_449 : i32
      %add3A_451 = arith.constant 31488 : i32
      %add3A_452 = arith.addi %add3A_451, %mul3A_450 : i32
      %get3A_453 = arith.index_cast %add3A_452 : i32 to index
      %get3A_454 = tpu.vector_load %arg7[%get3A_453] {strides = array<i32>} : memref<62976xf32, #tpu.memory_space<vmem>>, vector<16xf32>,
      %get3A_455 = vector.shape_cast %get3A_454 : vector<16xf32> to vector<16xf32>
      %sub3A_456 = arith.subf %get3A_445, %get3A_174 : vector<16xf32>
      %mul3A_457 = arith.mulf %sub3A_456, %broadcast_in_dim3A_215 : vector<16xf32>
      %convert_element_type3A_458 = arith.fptosi %mul3A_457 : vector<16xf32> to vector<16xi32>
      %sub3A_459 = arith.subf %get3A_448, %get3A_179 : vector<16xf32>
      %mul3A_460 = arith.mulf %sub3A_459, %broadcast_in_dim3A_215 : vector<16xf32>
      %convert_element_type3A_461 = arith.fptosi %mul3A_460 : vector<16xf32> to vector<16xi32>
      %sub3A_462 = arith.subf %get3A_455, %get3A_184 : vector<16xf32>
      %mul3A_463 = arith.mulf %sub3A_462, %broadcast_in_dim3A_215 : vector<16xf32>
      %convert_element_type3A_464 = arith.fptosi %mul3A_463 : vector<16xf32> to vector<16xi32>
      %mul3A_465 = arith.constant 65536 : i32
      %mul3A_466 = vector.broadcast %mul3A_465 : i32 to vector<16xi32>
      %mul3A_467 = arith.muli %convert_element_type3A_458, %mul3A_466 : vector<16xi32>
      %mul3A_468 = arith.constant 256 : i32
      %mul3A_469 = vector.broadcast %mul3A_468 : i32 to vector<16xi32>
      %mul3A_470 = arith.muli %convert_element_type3A_461, %mul3A_469 : vector<16xi32>
      %add3A_471 = arith.addi %mul3A_467, %mul3A_470 : vector<16xi32>
      %add3A_472 = arith.addi %add3A_471, %convert_element_type3A_464 : vector<16xi32>
      %sub3A_473 = arith.constant 1 : i32
      %sub3A_474 = vector.broadcast %sub3A_473 : i32 to vector<16xi32>
      %sub3A_475 = arith.subi %convert_element_type3A_458, %sub3A_474 : vector<16xi32>
      %bitcast_convert_type3A_476 = tpu.bitcast %sub3A_475 : vector<16xi32> -> vector<16xi32>
      %lt3A_477 = arith.cmpi ult, %bitcast_convert_type3A_476, %broadcast_in_dim3A_221 : vector<16xi32>
      %sub3A_478 = arith.constant 1 : i32
      %sub3A_479 = vector.broadcast %sub3A_478 : i32 to vector<16xi32>
      %sub3A_480 = arith.subi %convert_element_type3A_461, %sub3A_479 : vector<16xi32>
      %bitcast_convert_type3A_481 = tpu.bitcast %sub3A_480 : vector<16xi32> -> vector<16xi32>
      %lt3A_482 = arith.cmpi ult, %bitcast_convert_type3A_481, %broadcast_in_dim3A_221 : vector<16xi32>
      %and3A_483 = arith.andi %lt3A_477, %lt3A_482 : vector<16xi1>
      %sub3A_484 = arith.constant 1 : i32
      %sub3A_485 = vector.broadcast %sub3A_484 : i32 to vector<16xi32>
      %sub3A_486 = arith.subi %convert_element_type3A_464, %sub3A_485 : vector<16xi32>
      %bitcast_convert_type3A_487 = tpu.bitcast %sub3A_486 : vector<16xi32> -> vector<16xi32>
      %lt3A_488 = arith.cmpi ult, %bitcast_convert_type3A_487, %broadcast_in_dim3A_221 : vector<16xi32>
      %and3A_489 = arith.andi %and3A_483, %lt3A_488 : vector<16xi1>
      %select_n3A_490 = arith.select %and3A_489, %add3A_472, %broadcast_in_dim3A_217 : vector<16xi1>, vector<16xi32>
      %swap3A_491 = arith.index_cast %mul3A_442 : i32 to index
      %swap3A_492 = tpu.vector_load %arg8[%swap3A_491] {strides = array<i32>} : memref<31488xi32, #tpu.memory_space<vmem>>, vector<16xi32>,
      %swap3A_493 = vector.shape_cast %swap3A_492 : vector<16xi32> to vector<16xi32>
      %swap3A_494 = vector.shape_cast %select_n3A_490 : vector<16xi32> to vector<16xi32>
      tpu.vector_store %arg8[%swap3A_491], %swap3A_494 {strides = array<i32>} : memref<31488xi32, #tpu.memory_space<vmem>>, vector<16xi32>,
      %swap3A_495 = arith.index_cast %mul3A_442 : i32 to index
      %swap3A_496 = tpu.vector_load %arg7[%swap3A_495] {strides = array<i32>} : memref<62976xf32, #tpu.memory_space<vmem>>, vector<16xf32>,
      %swap3A_497 = vector.shape_cast %swap3A_496 : vector<16xf32> to vector<16xf32>
      %swap3A_498 = vector.shape_cast %broadcast_in_dim3A_219 : vector<16xf32> to vector<16xf32>
      tpu.vector_store %arg7[%swap3A_495], %swap3A_498 {strides = array<i32>} : memref<62976xf32, #tpu.memory_space<vmem>>, vector<16xf32>,
      %mul3A_499 = arith.constant 8 : i32
      %mul3A_500 = arith.muli %scan3A_318, %mul3A_499 : i32
      %add3A_501 = arith.constant 3 : i32
      %add3A_502 = arith.addi %mul3A_500, %add3A_501 : i32
      %mul3A_503 = arith.constant 16 : i32
      %mul3A_504 = arith.muli %add3A_502, %mul3A_503 : i32
      %get3A_505 = arith.index_cast %mul3A_504 : i32 to index
      %get3A_506 = tpu.vector_load %arg6[%get3A_505] {strides = array<i32>} : memref<31488xf32, #tpu.memory_space<vmem>>, vector<16xf32>,
      %get3A_507 = vector.shape_cast %get3A_506 : vector<16xf32> to vector<16xf32>
      %get3A_508 = arith.index_cast %mul3A_504 : i32 to index
      %get3A_509 = tpu.vector_load %arg7[%get3A_508] {strides = array<i32>} : memref<62976xf32, #tpu.memory_space<vmem>>, vector<16xf32>,
      %get3A_510 = vector.shape_cast %get3A_509 : vector<16xf32> to vector<16xf32>
      %mul3A_511 = arith.constant 16 : i32
      %mul3A_512 = arith.muli %add3A_502, %mul3A_511 : i32
      %add3A_513 = arith.constant 31488 : i32
      %add3A_514 = arith.addi %add3A_513, %mul3A_512 : i32
      %get3A_515 = arith.index_cast %add3A_514 : i32 to index
      %get3A_516 = tpu.vector_load %arg7[%get3A_515] {strides = array<i32>} : memref<62976xf32, #tpu.memory_space<vmem>>, vector<16xf32>,
      %get3A_517 = vector.shape_cast %get3A_516 : vector<16xf32> to vector<16xf32>
      %sub3A_518 = arith.subf %get3A_507, %get3A_174 : vector<16xf32>
      %mul3A_519 = arith.mulf %sub3A_518, %broadcast_in_dim3A_215 : vector<16xf32>
      %convert_element_type3A_520 = arith.fptosi %mul3A_519 : vector<16xf32> to vector<16xi32>
      %sub3A_521 = arith.subf %get3A_510, %get3A_179 : vector<16xf32>
      %mul3A_522 = arith.mulf %sub3A_521, %broadcast_in_dim3A_215 : vector<16xf32>
      %convert_element_type3A_523 = arith.fptosi %mul3A_522 : vector<16xf32> to vector<16xi32>
      %sub3A_524 = arith.subf %get3A_517, %get3A_184 : vector<16xf32>
      %mul3A_525 = arith.mulf %sub3A_524, %broadcast_in_dim3A_215 : vector<16xf32>
      %convert_element_type3A_526 = arith.fptosi %mul3A_525 : vector<16xf32> to vector<16xi32>
      %mul3A_527 = arith.constant 65536 : i32
      %mul3A_528 = vector.broadcast %mul3A_527 : i32 to vector<16xi32>
      %mul3A_529 = arith.muli %convert_element_type3A_520, %mul3A_528 : vector<16xi32>
      %mul3A_530 = arith.constant 256 : i32
      %mul3A_531 = vector.broadcast %mul3A_530 : i32 to vector<16xi32>
      %mul3A_532 = arith.muli %convert_element_type3A_523, %mul3A_531 : vector<16xi32>
      %add3A_533 = arith.addi %mul3A_529, %mul3A_532 : vector<16xi32>
      %add3A_534 = arith.addi %add3A_533, %convert_element_type3A_526 : vector<16xi32>
      %sub3A_535 = arith.constant 1 : i32
      %sub3A_536 = vector.broadcast %sub3A_535 : i32 to vector<16xi32>
      %sub3A_537 = arith.subi %convert_element_type3A_520, %sub3A_536 : vector<16xi32>
      %bitcast_convert_type3A_538 = tpu.bitcast %sub3A_537 : vector<16xi32> -> vector<16xi32>
      %lt3A_539 = arith.cmpi ult, %bitcast_convert_type3A_538, %broadcast_in_dim3A_221 : vector<16xi32>
      %sub3A_540 = arith.constant 1 : i32
      %sub3A_541 = vector.broadcast %sub3A_540 : i32 to vector<16xi32>
      %sub3A_542 = arith.subi %convert_element_type3A_523, %sub3A_541 : vector<16xi32>
      %bitcast_convert_type3A_543 = tpu.bitcast %sub3A_542 : vector<16xi32> -> vector<16xi32>
      %lt3A_544 = arith.cmpi ult, %bitcast_convert_type3A_543, %broadcast_in_dim3A_221 : vector<16xi32>
      %and3A_545 = arith.andi %lt3A_539, %lt3A_544 : vector<16xi1>
      %sub3A_546 = arith.constant 1 : i32
      %sub3A_547 = vector.broadcast %sub3A_546 : i32 to vector<16xi32>
      %sub3A_548 = arith.subi %convert_element_type3A_526, %sub3A_547 : vector<16xi32>
      %bitcast_convert_type3A_549 = tpu.bitcast %sub3A_548 : vector<16xi32> -> vector<16xi32>
      %lt3A_550 = arith.cmpi ult, %bitcast_convert_type3A_549, %broadcast_in_dim3A_221 : vector<16xi32>
      %and3A_551 = arith.andi %and3A_545, %lt3A_550 : vector<16xi1>
      %select_n3A_552 = arith.select %and3A_551, %add3A_534, %broadcast_in_dim3A_217 : vector<16xi1>, vector<16xi32>
      %swap3A_553 = arith.index_cast %mul3A_504 : i32 to index
      %swap3A_554 = tpu.vector_load %arg8[%swap3A_553] {strides = array<i32>} : memref<31488xi32, #tpu.memory_space<vmem>>, vector<16xi32>,
      %swap3A_555 = vector.shape_cast %swap3A_554 : vector<16xi32> to vector<16xi32>
      %swap3A_556 = vector.shape_cast %select_n3A_552 : vector<16xi32> to vector<16xi32>
      tpu.vector_store %arg8[%swap3A_553], %swap3A_556 {strides = array<i32>} : memref<31488xi32, #tpu.memory_space<vmem>>, vector<16xi32>,
      %swap3A_557 = arith.index_cast %mul3A_504 : i32 to index
      %swap3A_558 = tpu.vector_load %arg7[%swap3A_557] {strides = array<i32>} : memref<62976xf32, #tpu.memory_space<vmem>>, vector<16xf32>,
      %swap3A_559 = vector.shape_cast %swap3A_558 : vector<16xf32> to vector<16xf32>
      %swap3A_560 = vector.shape_cast %broadcast_in_dim3A_219 : vector<16xf32> to vector<16xf32>
      tpu.vector_store %arg7[%swap3A_557], %swap3A_560 {strides = array<i32>} : memref<62976xf32, #tpu.memory_space<vmem>>, vector<16xf32>,
      %mul3A_561 = arith.constant 8 : i32
      %mul3A_562 = arith.muli %scan3A_318, %mul3A_561 : i32
      %add3A_563 = arith.constant 4 : i32
      %add3A_564 = arith.addi %mul3A_562, %add3A_563 : i32
      %mul3A_565 = arith.constant 16 : i32
      %mul3A_566 = arith.muli %add3A_564, %mul3A_565 : i32
      %get3A_567 = arith.index_cast %mul3A_566 : i32 to index
      %get3A_568 = tpu.vector_load %arg6[%get3A_567] {strides = array<i32>} : memref<31488xf32, #tpu.memory_space<vmem>>, vector<16xf32>,
      %get3A_569 = vector.shape_cast %get3A_568 : vector<16xf32> to vector<16xf32>
      %get3A_570 = arith.index_cast %mul3A_566 : i32 to index
      %get3A_571 = tpu.vector_load %arg7[%get3A_570] {strides = array<i32>} : memref<62976xf32, #tpu.memory_space<vmem>>, vector<16xf32>,
      %get3A_572 = vector.shape_cast %get3A_571 : vector<16xf32> to vector<16xf32>
      %mul3A_573 = arith.constant 16 : i32
      %mul3A_574 = arith.muli %add3A_564, %mul3A_573 : i32
      %add3A_575 = arith.constant 31488 : i32
      %add3A_576 = arith.addi %add3A_575, %mul3A_574 : i32
      %get3A_577 = arith.index_cast %add3A_576 : i32 to index
      %get3A_578 = tpu.vector_load %arg7[%get3A_577] {strides = array<i32>} : memref<62976xf32, #tpu.memory_space<vmem>>, vector<16xf32>,
      %get3A_579 = vector.shape_cast %get3A_578 : vector<16xf32> to vector<16xf32>
      %sub3A_580 = arith.subf %get3A_569, %get3A_174 : vector<16xf32>
      %mul3A_581 = arith.mulf %sub3A_580, %broadcast_in_dim3A_215 : vector<16xf32>
      %convert_element_type3A_582 = arith.fptosi %mul3A_581 : vector<16xf32> to vector<16xi32>
      %sub3A_583 = arith.subf %get3A_572, %get3A_179 : vector<16xf32>
      %mul3A_584 = arith.mulf %sub3A_583, %broadcast_in_dim3A_215 : vector<16xf32>
      %convert_element_type3A_585 = arith.fptosi %mul3A_584 : vector<16xf32> to vector<16xi32>
      %sub3A_586 = arith.subf %get3A_579, %get3A_184 : vector<16xf32>
      %mul3A_587 = arith.mulf %sub3A_586, %broadcast_in_dim3A_215 : vector<16xf32>
      %convert_element_type3A_588 = arith.fptosi %mul3A_587 : vector<16xf32> to vector<16xi32>
      %mul3A_589 = arith.constant 65536 : i32
      %mul3A_590 = vector.broadcast %mul3A_589 : i32 to vector<16xi32>
      %mul3A_591 = arith.muli %convert_element_type3A_582, %mul3A_590 : vector<16xi32>
      %mul3A_592 = arith.constant 256 : i32
      %mul3A_593 = vector.broadcast %mul3A_592 : i32 to vector<16xi32>
      %mul3A_594 = arith.muli %convert_element_type3A_585, %mul3A_593 : vector<16xi32>
      %add3A_595 = arith.addi %mul3A_591, %mul3A_594 : vector<16xi32>
      %add3A_596 = arith.addi %add3A_595, %convert_element_type3A_588 : vector<16xi32>
      %sub3A_597 = arith.constant 1 : i32
      %sub3A_598 = vector.broadcast %sub3A_597 : i32 to vector<16xi32>
      %sub3A_599 = arith.subi %convert_element_type3A_582, %sub3A_598 : vector<16xi32>
      %bitcast_convert_type3A_600 = tpu.bitcast %sub3A_599 : vector<16xi32> -> vector<16xi32>
      %lt3A_601 = arith.cmpi ult, %bitcast_convert_type3A_600, %broadcast_in_dim3A_221 : vector<16xi32>
      %sub3A_602 = arith.constant 1 : i32
      %sub3A_603 = vector.broadcast %sub3A_602 : i32 to vector<16xi32>
      %sub3A_604 = arith.subi %convert_element_type3A_585, %sub3A_603 : vector<16xi32>
      %bitcast_convert_type3A_605 = tpu.bitcast %sub3A_604 : vector<16xi32> -> vector<16xi32>
      %lt3A_606 = arith.cmpi ult, %bitcast_convert_type3A_605, %broadcast_in_dim3A_221 : vector<16xi32>
      %and3A_607 = arith.andi %lt3A_601, %lt3A_606 : vector<16xi1>
      %sub3A_608 = arith.constant 1 : i32
      %sub3A_609 = vector.broadcast %sub3A_608 : i32 to vector<16xi32>
      %sub3A_610 = arith.subi %convert_element_type3A_588, %sub3A_609 : vector<16xi32>
      %bitcast_convert_type3A_611 = tpu.bitcast %sub3A_610 : vector<16xi32> -> vector<16xi32>
      %lt3A_612 = arith.cmpi ult, %bitcast_convert_type3A_611, %broadcast_in_dim3A_221 : vector<16xi32>
      %and3A_613 = arith.andi %and3A_607, %lt3A_612 : vector<16xi1>
      %select_n3A_614 = arith.select %and3A_613, %add3A_596, %broadcast_in_dim3A_217 : vector<16xi1>, vector<16xi32>
      %swap3A_615 = arith.index_cast %mul3A_566 : i32 to index
      %swap3A_616 = tpu.vector_load %arg8[%swap3A_615] {strides = array<i32>} : memref<31488xi32, #tpu.memory_space<vmem>>, vector<16xi32>,
      %swap3A_617 = vector.shape_cast %swap3A_616 : vector<16xi32> to vector<16xi32>
      %swap3A_618 = vector.shape_cast %select_n3A_614 : vector<16xi32> to vector<16xi32>
      tpu.vector_store %arg8[%swap3A_615], %swap3A_618 {strides = array<i32>} : memref<31488xi32, #tpu.memory_space<vmem>>, vector<16xi32>,
      %swap3A_619 = arith.index_cast %mul3A_566 : i32 to index
      %swap3A_620 = tpu.vector_load %arg7[%swap3A_619] {strides = array<i32>} : memref<62976xf32, #tpu.memory_space<vmem>>, vector<16xf32>,
      %swap3A_621 = vector.shape_cast %swap3A_620 : vector<16xf32> to vector<16xf32>
      %swap3A_622 = vector.shape_cast %broadcast_in_dim3A_219 : vector<16xf32> to vector<16xf32>
      tpu.vector_store %arg7[%swap3A_619], %swap3A_622 {strides = array<i32>} : memref<62976xf32, #tpu.memory_space<vmem>>, vector<16xf32>,
      %mul3A_623 = arith.constant 8 : i32
      %mul3A_624 = arith.muli %scan3A_318, %mul3A_623 : i32
      %add3A_625 = arith.constant 5 : i32
      %add3A_626 = arith.addi %mul3A_624, %add3A_625 : i32
      %mul3A_627 = arith.constant 16 : i32
      %mul3A_628 = arith.muli %add3A_626, %mul3A_627 : i32
      %get3A_629 = arith.index_cast %mul3A_628 : i32 to index
      %get3A_630 = tpu.vector_load %arg6[%get3A_629] {strides = array<i32>} : memref<31488xf32, #tpu.memory_space<vmem>>, vector<16xf32>,
      %get3A_631 = vector.shape_cast %get3A_630 : vector<16xf32> to vector<16xf32>
      %get3A_632 = arith.index_cast %mul3A_628 : i32 to index
      %get3A_633 = tpu.vector_load %arg7[%get3A_632] {strides = array<i32>} : memref<62976xf32, #tpu.memory_space<vmem>>, vector<16xf32>,
      %get3A_634 = vector.shape_cast %get3A_633 : vector<16xf32> to vector<16xf32>
      %mul3A_635 = arith.constant 16 : i32
      %mul3A_636 = arith.muli %add3A_626, %mul3A_635 : i32
      %add3A_637 = arith.constant 31488 : i32
      %add3A_638 = arith.addi %add3A_637, %mul3A_636 : i32
      %get3A_639 = arith.index_cast %add3A_638 : i32 to index
      %get3A_640 = tpu.vector_load %arg7[%get3A_639] {strides = array<i32>} : memref<62976xf32, #tpu.memory_space<vmem>>, vector<16xf32>,
      %get3A_641 = vector.shape_cast %get3A_640 : vector<16xf32> to vector<16xf32>
      %sub3A_642 = arith.subf %get3A_631, %get3A_174 : vector<16xf32>
      %mul3A_643 = arith.mulf %sub3A_642, %broadcast_in_dim3A_215 : vector<16xf32>
      %convert_element_type3A_644 = arith.fptosi %mul3A_643 : vector<16xf32> to vector<16xi32>
      %sub3A_645 = arith.subf %get3A_634, %get3A_179 : vector<16xf32>
      %mul3A_646 = arith.mulf %sub3A_645, %broadcast_in_dim3A_215 : vector<16xf32>
      %convert_element_type3A_647 = arith.fptosi %mul3A_646 : vector<16xf32> to vector<16xi32>
      %sub3A_648 = arith.subf %get3A_641, %get3A_184 : vector<16xf32>
      %mul3A_649 = arith.mulf %sub3A_648, %broadcast_in_dim3A_215 : vector<16xf32>
      %convert_element_type3A_650 = arith.fptosi %mul3A_649 : vector<16xf32> to vector<16xi32>
      %mul3A_651 = arith.constant 65536 : i32
      %mul3A_652 = vector.broadcast %mul3A_651 : i32 to vector<16xi32>
      %mul3A_653 = arith.muli %convert_element_type3A_644, %mul3A_652 : vector<16xi32>
      %mul3A_654 = arith.constant 256 : i32
      %mul3A_655 = vector.broadcast %mul3A_654 : i32 to vector<16xi32>
      %mul3A_656 = arith.muli %convert_element_type3A_647, %mul3A_655 : vector<16xi32>
      %add3A_657 = arith.addi %mul3A_653, %mul3A_656 : vector<16xi32>
      %add3A_658 = arith.addi %add3A_657, %convert_element_type3A_650 : vector<16xi32>
      %sub3A_659 = arith.constant 1 : i32
      %sub3A_660 = vector.broadcast %sub3A_659 : i32 to vector<16xi32>
      %sub3A_661 = arith.subi %convert_element_type3A_644, %sub3A_660 : vector<16xi32>
      %bitcast_convert_type3A_662 = tpu.bitcast %sub3A_661 : vector<16xi32> -> vector<16xi32>
      %lt3A_663 = arith.cmpi ult, %bitcast_convert_type3A_662, %broadcast_in_dim3A_221 : vector<16xi32>
      %sub3A_664 = arith.constant 1 : i32
      %sub3A_665 = vector.broadcast %sub3A_664 : i32 to vector<16xi32>
      %sub3A_666 = arith.subi %convert_element_type3A_647, %sub3A_665 : vector<16xi32>
      %bitcast_convert_type3A_667 = tpu.bitcast %sub3A_666 : vector<16xi32> -> vector<16xi32>
      %lt3A_668 = arith.cmpi ult, %bitcast_convert_type3A_667, %broadcast_in_dim3A_221 : vector<16xi32>
      %and3A_669 = arith.andi %lt3A_663, %lt3A_668 : vector<16xi1>
      %sub3A_670 = arith.constant 1 : i32
      %sub3A_671 = vector.broadcast %sub3A_670 : i32 to vector<16xi32>
      %sub3A_672 = arith.subi %convert_element_type3A_650, %sub3A_671 : vector<16xi32>
      %bitcast_convert_type3A_673 = tpu.bitcast %sub3A_672 : vector<16xi32> -> vector<16xi32>
      %lt3A_674 = arith.cmpi ult, %bitcast_convert_type3A_673, %broadcast_in_dim3A_221 : vector<16xi32>
      %and3A_675 = arith.andi %and3A_669, %lt3A_674 : vector<16xi1>
      %select_n3A_676 = arith.select %and3A_675, %add3A_658, %broadcast_in_dim3A_217 : vector<16xi1>, vector<16xi32>
      %swap3A_677 = arith.index_cast %mul3A_628 : i32 to index
      %swap3A_678 = tpu.vector_load %arg8[%swap3A_677] {strides = array<i32>} : memref<31488xi32, #tpu.memory_space<vmem>>, vector<16xi32>,
      %swap3A_679 = vector.shape_cast %swap3A_678 : vector<16xi32> to vector<16xi32>
      %swap3A_680 = vector.shape_cast %select_n3A_676 : vector<16xi32> to vector<16xi32>
      tpu.vector_store %arg8[%swap3A_677], %swap3A_680 {strides = array<i32>} : memref<31488xi32, #tpu.memory_space<vmem>>, vector<16xi32>,
      %swap3A_681 = arith.index_cast %mul3A_628 : i32 to index
      %swap3A_682 = tpu.vector_load %arg7[%swap3A_681] {strides = array<i32>} : memref<62976xf32, #tpu.memory_space<vmem>>, vector<16xf32>,
      %swap3A_683 = vector.shape_cast %swap3A_682 : vector<16xf32> to vector<16xf32>
      %swap3A_684 = vector.shape_cast %broadcast_in_dim3A_219 : vector<16xf32> to vector<16xf32>
      tpu.vector_store %arg7[%swap3A_681], %swap3A_684 {strides = array<i32>} : memref<62976xf32, #tpu.memory_space<vmem>>, vector<16xf32>,
      %mul3A_685 = arith.constant 8 : i32
      %mul3A_686 = arith.muli %scan3A_318, %mul3A_685 : i32
      %add3A_687 = arith.constant 6 : i32
      %add3A_688 = arith.addi %mul3A_686, %add3A_687 : i32
      %mul3A_689 = arith.constant 16 : i32
      %mul3A_690 = arith.muli %add3A_688, %mul3A_689 : i32
      %get3A_691 = arith.index_cast %mul3A_690 : i32 to index
      %get3A_692 = tpu.vector_load %arg6[%get3A_691] {strides = array<i32>} : memref<31488xf32, #tpu.memory_space<vmem>>, vector<16xf32>,
      %get3A_693 = vector.shape_cast %get3A_692 : vector<16xf32> to vector<16xf32>
      %get3A_694 = arith.index_cast %mul3A_690 : i32 to index
      %get3A_695 = tpu.vector_load %arg7[%get3A_694] {strides = array<i32>} : memref<62976xf32, #tpu.memory_space<vmem>>, vector<16xf32>,
      %get3A_696 = vector.shape_cast %get3A_695 : vector<16xf32> to vector<16xf32>
      %mul3A_697 = arith.constant 16 : i32
      %mul3A_698 = arith.muli %add3A_688, %mul3A_697 : i32
      %add3A_699 = arith.constant 31488 : i32
      %add3A_700 = arith.addi %add3A_699, %mul3A_698 : i32
      %get3A_701 = arith.index_cast %add3A_700 : i32 to index
      %get3A_702 = tpu.vector_load %arg7[%get3A_701] {strides = array<i32>} : memref<62976xf32, #tpu.memory_space<vmem>>, vector<16xf32>,
      %get3A_703 = vector.shape_cast %get3A_702 : vector<16xf32> to vector<16xf32>
      %sub3A_704 = arith.subf %get3A_693, %get3A_174 : vector<16xf32>
      %mul3A_705 = arith.mulf %sub3A_704, %broadcast_in_dim3A_215 : vector<16xf32>
      %convert_element_type3A_706 = arith.fptosi %mul3A_705 : vector<16xf32> to vector<16xi32>
      %sub3A_707 = arith.subf %get3A_696, %get3A_179 : vector<16xf32>
      %mul3A_708 = arith.mulf %sub3A_707, %broadcast_in_dim3A_215 : vector<16xf32>
      %convert_element_type3A_709 = arith.fptosi %mul3A_708 : vector<16xf32> to vector<16xi32>
      %sub3A_710 = arith.subf %get3A_703, %get3A_184 : vector<16xf32>
      %mul3A_711 = arith.mulf %sub3A_710, %broadcast_in_dim3A_215 : vector<16xf32>
      %convert_element_type3A_712 = arith.fptosi %mul3A_711 : vector<16xf32> to vector<16xi32>
      %mul3A_713 = arith.constant 65536 : i32
      %mul3A_714 = vector.broadcast %mul3A_713 : i32 to vector<16xi32>
      %mul3A_715 = arith.muli %convert_element_type3A_706, %mul3A_714 : vector<16xi32>
      %mul3A_716 = arith.constant 256 : i32
      %mul3A_717 = vector.broadcast %mul3A_716 : i32 to vector<16xi32>
      %mul3A_718 = arith.muli %convert_element_type3A_709, %mul3A_717 : vector<16xi32>
      %add3A_719 = arith.addi %mul3A_715, %mul3A_718 : vector<16xi32>
      %add3A_720 = arith.addi %add3A_719, %convert_element_type3A_712 : vector<16xi32>
      %sub3A_721 = arith.constant 1 : i32
      %sub3A_722 = vector.broadcast %sub3A_721 : i32 to vector<16xi32>
      %sub3A_723 = arith.subi %convert_element_type3A_706, %sub3A_722 : vector<16xi32>
      %bitcast_convert_type3A_724 = tpu.bitcast %sub3A_723 : vector<16xi32> -> vector<16xi32>
      %lt3A_725 = arith.cmpi ult, %bitcast_convert_type3A_724, %broadcast_in_dim3A_221 : vector<16xi32>
      %sub3A_726 = arith.constant 1 : i32
      %sub3A_727 = vector.broadcast %sub3A_726 : i32 to vector<16xi32>
      %sub3A_728 = arith.subi %convert_element_type3A_709, %sub3A_727 : vector<16xi32>
      %bitcast_convert_type3A_729 = tpu.bitcast %sub3A_728 : vector<16xi32> -> vector<16xi32>
      %lt3A_730 = arith.cmpi ult, %bitcast_convert_type3A_729, %broadcast_in_dim3A_221 : vector<16xi32>
      %and3A_731 = arith.andi %lt3A_725, %lt3A_730 : vector<16xi1>
      %sub3A_732 = arith.constant 1 : i32
      %sub3A_733 = vector.broadcast %sub3A_732 : i32 to vector<16xi32>
      %sub3A_734 = arith.subi %convert_element_type3A_712, %sub3A_733 : vector<16xi32>
      %bitcast_convert_type3A_735 = tpu.bitcast %sub3A_734 : vector<16xi32> -> vector<16xi32>
      %lt3A_736 = arith.cmpi ult, %bitcast_convert_type3A_735, %broadcast_in_dim3A_221 : vector<16xi32>
      %and3A_737 = arith.andi %and3A_731, %lt3A_736 : vector<16xi1>
      %select_n3A_738 = arith.select %and3A_737, %add3A_720, %broadcast_in_dim3A_217 : vector<16xi1>, vector<16xi32>
      %swap3A_739 = arith.index_cast %mul3A_690 : i32 to index
      %swap3A_740 = tpu.vector_load %arg8[%swap3A_739] {strides = array<i32>} : memref<31488xi32, #tpu.memory_space<vmem>>, vector<16xi32>,
      %swap3A_741 = vector.shape_cast %swap3A_740 : vector<16xi32> to vector<16xi32>
      %swap3A_742 = vector.shape_cast %select_n3A_738 : vector<16xi32> to vector<16xi32>
      tpu.vector_store %arg8[%swap3A_739], %swap3A_742 {strides = array<i32>} : memref<31488xi32, #tpu.memory_space<vmem>>, vector<16xi32>,
      %swap3A_743 = arith.index_cast %mul3A_690 : i32 to index
      %swap3A_744 = tpu.vector_load %arg7[%swap3A_743] {strides = array<i32>} : memref<62976xf32, #tpu.memory_space<vmem>>, vector<16xf32>,
      %swap3A_745 = vector.shape_cast %swap3A_744 : vector<16xf32> to vector<16xf32>
      %swap3A_746 = vector.shape_cast %broadcast_in_dim3A_219 : vector<16xf32> to vector<16xf32>
      tpu.vector_store %arg7[%swap3A_743], %swap3A_746 {strides = array<i32>} : memref<62976xf32, #tpu.memory_space<vmem>>, vector<16xf32>,
      %mul3A_747 = arith.constant 8 : i32
      %mul3A_748 = arith.muli %scan3A_318, %mul3A_747 : i32
      %add3A_749 = arith.constant 7 : i32
      %add3A_750 = arith.addi %mul3A_748, %add3A_749 : i32
      %mul3A_751 = arith.constant 16 : i32
      %mul3A_752 = arith.muli %add3A_750, %mul3A_751 : i32
      %get3A_753 = arith.index_cast %mul3A_752 : i32 to index
      %get3A_754 = tpu.vector_load %arg6[%get3A_753] {strides = array<i32>} : memref<31488xf32, #tpu.memory_space<vmem>>, vector<16xf32>,
      %get3A_755 = vector.shape_cast %get3A_754 : vector<16xf32> to vector<16xf32>
      %get3A_756 = arith.index_cast %mul3A_752 : i32 to index
      %get3A_757 = tpu.vector_load %arg7[%get3A_756] {strides = array<i32>} : memref<62976xf32, #tpu.memory_space<vmem>>, vector<16xf32>,
      %get3A_758 = vector.shape_cast %get3A_757 : vector<16xf32> to vector<16xf32>
      %mul3A_759 = arith.constant 16 : i32
      %mul3A_760 = arith.muli %add3A_750, %mul3A_759 : i32
      %add3A_761 = arith.constant 31488 : i32
      %add3A_762 = arith.addi %add3A_761, %mul3A_760 : i32
      %get3A_763 = arith.index_cast %add3A_762 : i32 to index
      %get3A_764 = tpu.vector_load %arg7[%get3A_763] {strides = array<i32>} : memref<62976xf32, #tpu.memory_space<vmem>>, vector<16xf32>,
      %get3A_765 = vector.shape_cast %get3A_764 : vector<16xf32> to vector<16xf32>
      %sub3A_766 = arith.subf %get3A_755, %get3A_174 : vector<16xf32>
      %mul3A_767 = arith.mulf %sub3A_766, %broadcast_in_dim3A_215 : vector<16xf32>
      %convert_element_type3A_768 = arith.fptosi %mul3A_767 : vector<16xf32> to vector<16xi32>
      %sub3A_769 = arith.subf %get3A_758, %get3A_179 : vector<16xf32>
      %mul3A_770 = arith.mulf %sub3A_769, %broadcast_in_dim3A_215 : vector<16xf32>
      %convert_element_type3A_771 = arith.fptosi %mul3A_770 : vector<16xf32> to vector<16xi32>
      %sub3A_772 = arith.subf %get3A_765, %get3A_184 : vector<16xf32>
      %mul3A_773 = arith.mulf %sub3A_772, %broadcast_in_dim3A_215 : vector<16xf32>
      %convert_element_type3A_774 = arith.fptosi %mul3A_773 : vector<16xf32> to vector<16xi32>
      %mul3A_775 = arith.constant 65536 : i32
      %mul3A_776 = vector.broadcast %mul3A_775 : i32 to vector<16xi32>
      %mul3A_777 = arith.muli %convert_element_type3A_768, %mul3A_776 : vector<16xi32>
      %mul3A_778 = arith.constant 256 : i32
      %mul3A_779 = vector.broadcast %mul3A_778 : i32 to vector<16xi32>
      %mul3A_780 = arith.muli %convert_element_type3A_771, %mul3A_779 : vector<16xi32>
      %add3A_781 = arith.addi %mul3A_777, %mul3A_780 : vector<16xi32>
      %add3A_782 = arith.addi %add3A_781, %convert_element_type3A_774 : vector<16xi32>
      %sub3A_783 = arith.constant 1 : i32
      %sub3A_784 = vector.broadcast %sub3A_783 : i32 to vector<16xi32>
      %sub3A_785 = arith.subi %convert_element_type3A_768, %sub3A_784 : vector<16xi32>
      %bitcast_convert_type3A_786 = tpu.bitcast %sub3A_785 : vector<16xi32> -> vector<16xi32>
      %lt3A_787 = arith.cmpi ult, %bitcast_convert_type3A_786, %broadcast_in_dim3A_221 : vector<16xi32>
      %sub3A_788 = arith.constant 1 : i32
      %sub3A_789 = vector.broadcast %sub3A_788 : i32 to vector<16xi32>
      %sub3A_790 = arith.subi %convert_element_type3A_771, %sub3A_789 : vector<16xi32>
      %bitcast_convert_type3A_791 = tpu.bitcast %sub3A_790 : vector<16xi32> -> vector<16xi32>
      %lt3A_792 = arith.cmpi ult, %bitcast_convert_type3A_791, %broadcast_in_dim3A_221 : vector<16xi32>
      %and3A_793 = arith.andi %lt3A_787, %lt3A_792 : vector<16xi1>
      %sub3A_794 = arith.constant 1 : i32
      %sub3A_795 = vector.broadcast %sub3A_794 : i32 to vector<16xi32>
      %sub3A_796 = arith.subi %convert_element_type3A_774, %sub3A_795 : vector<16xi32>
      %bitcast_convert_type3A_797 = tpu.bitcast %sub3A_796 : vector<16xi32> -> vector<16xi32>
      %lt3A_798 = arith.cmpi ult, %bitcast_convert_type3A_797, %broadcast_in_dim3A_221 : vector<16xi32>
      %and3A_799 = arith.andi %and3A_793, %lt3A_798 : vector<16xi1>
      %select_n3A_800 = arith.select %and3A_799, %add3A_782, %broadcast_in_dim3A_217 : vector<16xi1>, vector<16xi32>
      %swap3A_801 = arith.index_cast %mul3A_752 : i32 to index
      %swap3A_802 = tpu.vector_load %arg8[%swap3A_801] {strides = array<i32>} : memref<31488xi32, #tpu.memory_space<vmem>>, vector<16xi32>,
      %swap3A_803 = vector.shape_cast %swap3A_802 : vector<16xi32> to vector<16xi32>
      %swap3A_804 = vector.shape_cast %select_n3A_800 : vector<16xi32> to vector<16xi32>
      tpu.vector_store %arg8[%swap3A_801], %swap3A_804 {strides = array<i32>} : memref<31488xi32, #tpu.memory_space<vmem>>, vector<16xi32>,
      %swap3A_805 = arith.index_cast %mul3A_752 : i32 to index
      %swap3A_806 = tpu.vector_load %arg7[%swap3A_805] {strides = array<i32>} : memref<62976xf32, #tpu.memory_space<vmem>>, vector<16xf32>,
      %swap3A_807 = vector.shape_cast %swap3A_806 : vector<16xf32> to vector<16xf32>
      %swap3A_808 = vector.shape_cast %broadcast_in_dim3A_219 : vector<16xf32> to vector<16xf32>
      tpu.vector_store %arg7[%swap3A_805], %swap3A_808 {strides = array<i32>} : memref<62976xf32, #tpu.memory_space<vmem>>, vector<16xf32>,
      %mul3A_809 = arith.constant 128 : i32
      %mul3A_810 = arith.muli %scan3A_318, %mul3A_809 : i32
      %dma_start3A_811 = tpu.memref_slice %arg7[%mul3A_810] : memref<62976xf32, #tpu.memory_space<vmem>> -> memref<128xf32, #tpu.memory_space<vmem>>
      %dma_start3A_812 = tpu.memref_slice %arg8[%mul3A_810] : memref<31488xi32, #tpu.memory_space<vmem>> -> memref<128xi32, #tpu.memory_space<vmem>>
      %dma_start3A_813 = arith.constant 0 : i32
      %dma_start3A_814 = tpu.memref_slice %arg4[%dma_start3A_813] : memref<16777216xf32, #tpu.memory_space<hbm>> -> memref<16777216xf32, #tpu.memory_space<hbm>>
      %dma_start3A_815 = arith.constant -1 : i32
      tpu.enqueue_indirect_dma source(%dma_start3A_814 : memref<16777216xf32, #tpu.memory_space<hbm>>) target(%dma_start3A_811 : memref<128xf32, #tpu.memory_space<vmem>>) offsets(%dma_start3A_812 : memref<128xi32, #tpu.memory_space<vmem>>) offset_filter(%dma_start3A_815) semaphore(%arg11 : memref<!tpu.dma_semaphore, #tpu.memory_space<semaphore_mem>>)
      %scan3A_816 = arith.constant 0 : i32
      scf.yield %scan3A_816 : i32
    }
    %scan3A_294 = arith.constant 41 : i32
    %dma_wait3A_295 = arith.constant 0 : i32
    %dma_wait3A_296 = tpu.memref_slice %arg7[%dma_wait3A_295] : memref<62976xf32, #tpu.memory_space<vmem>> -> memref<15744xf32, #tpu.memory_space<vmem>>
    %dma_wait3A_297 = arith.constant 0 : i32
    %dma_wait3A_298 = tpu.memref_slice %arg2[%dma_wait3A_297] : memref<3000000xf32, #tpu.memory_space<hbm>> -> memref<15744xf32, #tpu.memory_space<hbm>>
    %dma_wait3A_299 = arith.constant 0 : i32
    %dma_wait3A_300 = tpu.memref_slice %arg7[%dma_wait3A_299] : memref<62976xf32, #tpu.memory_space<vmem>> -> memref<15744xf32, #tpu.memory_space<vmem>>
    %dma_wait3A_301 = arith.constant 0 : i32
    %dma_wait3A_302 = tpu.memref_slice %arg2[%dma_wait3A_301] : memref<3000000xf32, #tpu.memory_space<hbm>> -> memref<15744xf32, #tpu.memory_space<hbm>>
    tpu.wait_dma2 semaphore(%arg10 : memref<!tpu.dma_semaphore, #tpu.memory_space<semaphore_mem>>) src(%dma_wait3A_302 : memref<15744xf32, #tpu.memory_space<hbm>>) dst(%dma_wait3A_300 : memref<15744xf32, #tpu.memory_space<vmem>>)
    %scan3A_303 = arith.constant 0 : i32
    %scan3A_304 = arith.constant 205 : i32
    %scan3A_305 = arith.constant 41 : i32
    %scan3A_306 = arith.addi %scan3A_304, %scan3A_305 : i32
    %scan3A_307 = arith.constant 1 : i32
    %scan3A_308 = scf.for %scan3A_318 = %scan3A_304 to %scan3A_306 step %scan3A_307 iter_args(%scan3A_319 = %scan3A_303) -> (i32)  : i32 {
      %mul3A_320 = arith.constant 8 : i32
      %mul3A_321 = arith.muli %scan3A_318, %mul3A_320 : i32
      %add3A_322 = arith.constant 0 : i32
      %add3A_323 = arith.addi %mul3A_321, %add3A_322 : i32
      %mul3A_324 = arith.constant 16 : i32
      %mul3A_325 = arith.muli %add3A_323, %mul3A_324 : i32
      %get3A_326 = arith.index_cast %mul3A_325 : i32 to index
      %get3A_327 = tpu.vector_load %arg6[%get3A_326] {strides = array<i32>} : memref<31488xf32, #tpu.memory_space<vmem>>, vector<16xf32>,
      %get3A_328 = vector.shape_cast %get3A_327 : vector<16xf32> to vector<16xf32>
      %get3A_329 = arith.index_cast %mul3A_325 : i32 to index
      %get3A_330 = tpu.vector_load %arg7[%get3A_329] {strides = array<i32>} : memref<62976xf32, #tpu.memory_space<vmem>>, vector<16xf32>,
      %get3A_331 = vector.shape_cast %get3A_330 : vector<16xf32> to vector<16xf32>
      %mul3A_332 = arith.constant 16 : i32
      %mul3A_333 = arith.muli %add3A_323, %mul3A_332 : i32
      %add3A_334 = arith.constant 31488 : i32
      %add3A_335 = arith.addi %add3A_334, %mul3A_333 : i32
      %get3A_336 = arith.index_cast %add3A_335 : i32 to index
      %get3A_337 = tpu.vector_load %arg7[%get3A_336] {strides = array<i32>} : memref<62976xf32, #tpu.memory_space<vmem>>, vector<16xf32>,
      %get3A_338 = vector.shape_cast %get3A_337 : vector<16xf32> to vector<16xf32>
      %sub3A = arith.subf %get3A_328, %get3A_174 : vector<16xf32>
      %mul3A_339 = arith.mulf %sub3A, %broadcast_in_dim3A_215 : vector<16xf32>
      %convert_element_type3A = arith.fptosi %mul3A_339 : vector<16xf32> to vector<16xi32>
      %sub3A_340 = arith.subf %get3A_331, %get3A_179 : vector<16xf32>
      %mul3A_341 = arith.mulf %sub3A_340, %broadcast_in_dim3A_215 : vector<16xf32>
      %convert_element_type3A_342 = arith.fptosi %mul3A_341 : vector<16xf32> to vector<16xi32>
      %sub3A_343 = arith.subf %get3A_338, %get3A_184 : vector<16xf32>
      %mul3A_344 = arith.mulf %sub3A_343, %broadcast_in_dim3A_215 : vector<16xf32>
      %convert_element_type3A_345 = arith.fptosi %mul3A_344 : vector<16xf32> to vector<16xi32>
      %mul3A_346 = arith.constant 65536 : i32
      %mul3A_347 = vector.broadcast %mul3A_346 : i32 to vector<16xi32>
      %mul3A_348 = arith.muli %convert_element_type3A, %mul3A_347 : vector<16xi32>
      %mul3A_349 = arith.constant 256 : i32
      %mul3A_350 = vector.broadcast %mul3A_349 : i32 to vector<16xi32>
      %mul3A_351 = arith.muli %convert_element_type3A_342, %mul3A_350 : vector<16xi32>
      %add3A_352 = arith.addi %mul3A_348, %mul3A_351 : vector<16xi32>
      %add3A_353 = arith.addi %add3A_352, %convert_element_type3A_345 : vector<16xi32>
      %sub3A_354 = arith.constant 1 : i32
      %sub3A_355 = vector.broadcast %sub3A_354 : i32 to vector<16xi32>
      %sub3A_356 = arith.subi %convert_element_type3A, %sub3A_355 : vector<16xi32>
      %bitcast_convert_type3A = tpu.bitcast %sub3A_356 : vector<16xi32> -> vector<16xi32>
      %lt3A = arith.cmpi ult, %bitcast_convert_type3A, %broadcast_in_dim3A_221 : vector<16xi32>
      %sub3A_357 = arith.constant 1 : i32
      %sub3A_358 = vector.broadcast %sub3A_357 : i32 to vector<16xi32>
      %sub3A_359 = arith.subi %convert_element_type3A_342, %sub3A_358 : vector<16xi32>
      %bitcast_convert_type3A_360 = tpu.bitcast %sub3A_359 : vector<16xi32> -> vector<16xi32>
      %lt3A_361 = arith.cmpi ult, %bitcast_convert_type3A_360, %broadcast_in_dim3A_221 : vector<16xi32>
      %and3A = arith.andi %lt3A, %lt3A_361 : vector<16xi1>
      %sub3A_362 = arith.constant 1 : i32
      %sub3A_363 = vector.broadcast %sub3A_362 : i32 to vector<16xi32>
      %sub3A_364 = arith.subi %convert_element_type3A_345, %sub3A_363 : vector<16xi32>
      %bitcast_convert_type3A_365 = tpu.bitcast %sub3A_364 : vector<16xi32> -> vector<16xi32>
      %lt3A_366 = arith.cmpi ult, %bitcast_convert_type3A_365, %broadcast_in_dim3A_221 : vector<16xi32>
      %and3A_367 = arith.andi %and3A, %lt3A_366 : vector<16xi1>
      %select_n3A = arith.select %and3A_367, %add3A_353, %broadcast_in_dim3A_217 : vector<16xi1>, vector<16xi32>
      %swap3A = arith.index_cast %mul3A_325 : i32 to index
      %swap3A_368 = tpu.vector_load %arg8[%swap3A] {strides = array<i32>} : memref<31488xi32, #tpu.memory_space<vmem>>, vector<16xi32>,
      %swap3A_369 = vector.shape_cast %swap3A_368 : vector<16xi32> to vector<16xi32>
      %swap3A_370 = vector.shape_cast %select_n3A : vector<16xi32> to vector<16xi32>
      tpu.vector_store %arg8[%swap3A], %swap3A_370 {strides = array<i32>} : memref<31488xi32, #tpu.memory_space<vmem>>, vector<16xi32>,
      %swap3A_371 = arith.index_cast %mul3A_325 : i32 to index
      %swap3A_372 = tpu.vector_load %arg7[%swap3A_371] {strides = array<i32>} : memref<62976xf32, #tpu.memory_space<vmem>>, vector<16xf32>,
      %swap3A_373 = vector.shape_cast %swap3A_372 : vector<16xf32> to vector<16xf32>
      %swap3A_374 = vector.shape_cast %broadcast_in_dim3A_219 : vector<16xf32> to vector<16xf32>
      tpu.vector_store %arg7[%swap3A_371], %swap3A_374 {strides = array<i32>} : memref<62976xf32, #tpu.memory_space<vmem>>, vector<16xf32>,
      %mul3A_375 = arith.constant 8 : i32
      %mul3A_376 = arith.muli %scan3A_318, %mul3A_375 : i32
      %add3A_377 = arith.constant 1 : i32
      %add3A_378 = arith.addi %mul3A_376, %add3A_377 : i32
      %mul3A_379 = arith.constant 16 : i32
      %mul3A_380 = arith.muli %add3A_378, %mul3A_379 : i32
      %get3A_381 = arith.index_cast %mul3A_380 : i32 to index
      %get3A_382 = tpu.vector_load %arg6[%get3A_381] {strides = array<i32>} : memref<31488xf32, #tpu.memory_space<vmem>>, vector<16xf32>,
      %get3A_383 = vector.shape_cast %get3A_382 : vector<16xf32> to vector<16xf32>
      %get3A_384 = arith.index_cast %mul3A_380 : i32 to index
      %get3A_385 = tpu.vector_load %arg7[%get3A_384] {strides = array<i32>} : memref<62976xf32, #tpu.memory_space<vmem>>, vector<16xf32>,
      %get3A_386 = vector.shape_cast %get3A_385 : vector<16xf32> to vector<16xf32>
      %mul3A_387 = arith.constant 16 : i32
      %mul3A_388 = arith.muli %add3A_378, %mul3A_387 : i32
      %add3A_389 = arith.constant 31488 : i32
      %add3A_390 = arith.addi %add3A_389, %mul3A_388 : i32
      %get3A_391 = arith.index_cast %add3A_390 : i32 to index
      %get3A_392 = tpu.vector_load %arg7[%get3A_391] {strides = array<i32>} : memref<62976xf32, #tpu.memory_space<vmem>>, vector<16xf32>,
      %get3A_393 = vector.shape_cast %get3A_392 : vector<16xf32> to vector<16xf32>
      %sub3A_394 = arith.subf %get3A_383, %get3A_174 : vector<16xf32>
      %mul3A_395 = arith.mulf %sub3A_394, %broadcast_in_dim3A_215 : vector<16xf32>
      %convert_element_type3A_396 = arith.fptosi %mul3A_395 : vector<16xf32> to vector<16xi32>
      %sub3A_397 = arith.subf %get3A_386, %get3A_179 : vector<16xf32>
      %mul3A_398 = arith.mulf %sub3A_397, %broadcast_in_dim3A_215 : vector<16xf32>
      %convert_element_type3A_399 = arith.fptosi %mul3A_398 : vector<16xf32> to vector<16xi32>
      %sub3A_400 = arith.subf %get3A_393, %get3A_184 : vector<16xf32>
      %mul3A_401 = arith.mulf %sub3A_400, %broadcast_in_dim3A_215 : vector<16xf32>
      %convert_element_type3A_402 = arith.fptosi %mul3A_401 : vector<16xf32> to vector<16xi32>
      %mul3A_403 = arith.constant 65536 : i32
      %mul3A_404 = vector.broadcast %mul3A_403 : i32 to vector<16xi32>
      %mul3A_405 = arith.muli %convert_element_type3A_396, %mul3A_404 : vector<16xi32>
      %mul3A_406 = arith.constant 256 : i32
      %mul3A_407 = vector.broadcast %mul3A_406 : i32 to vector<16xi32>
      %mul3A_408 = arith.muli %convert_element_type3A_399, %mul3A_407 : vector<16xi32>
      %add3A_409 = arith.addi %mul3A_405, %mul3A_408 : vector<16xi32>
      %add3A_410 = arith.addi %add3A_409, %convert_element_type3A_402 : vector<16xi32>
      %sub3A_411 = arith.constant 1 : i32
      %sub3A_412 = vector.broadcast %sub3A_411 : i32 to vector<16xi32>
      %sub3A_413 = arith.subi %convert_element_type3A_396, %sub3A_412 : vector<16xi32>
      %bitcast_convert_type3A_414 = tpu.bitcast %sub3A_413 : vector<16xi32> -> vector<16xi32>
      %lt3A_415 = arith.cmpi ult, %bitcast_convert_type3A_414, %broadcast_in_dim3A_221 : vector<16xi32>
      %sub3A_416 = arith.constant 1 : i32
      %sub3A_417 = vector.broadcast %sub3A_416 : i32 to vector<16xi32>
      %sub3A_418 = arith.subi %convert_element_type3A_399, %sub3A_417 : vector<16xi32>
      %bitcast_convert_type3A_419 = tpu.bitcast %sub3A_418 : vector<16xi32> -> vector<16xi32>
      %lt3A_420 = arith.cmpi ult, %bitcast_convert_type3A_419, %broadcast_in_dim3A_221 : vector<16xi32>
      %and3A_421 = arith.andi %lt3A_415, %lt3A_420 : vector<16xi1>
      %sub3A_422 = arith.constant 1 : i32
      %sub3A_423 = vector.broadcast %sub3A_422 : i32 to vector<16xi32>
      %sub3A_424 = arith.subi %convert_element_type3A_402, %sub3A_423 : vector<16xi32>
      %bitcast_convert_type3A_425 = tpu.bitcast %sub3A_424 : vector<16xi32> -> vector<16xi32>
      %lt3A_426 = arith.cmpi ult, %bitcast_convert_type3A_425, %broadcast_in_dim3A_221 : vector<16xi32>
      %and3A_427 = arith.andi %and3A_421, %lt3A_426 : vector<16xi1>
      %select_n3A_428 = arith.select %and3A_427, %add3A_410, %broadcast_in_dim3A_217 : vector<16xi1>, vector<16xi32>
      %swap3A_429 = arith.index_cast %mul3A_380 : i32 to index
      %swap3A_430 = tpu.vector_load %arg8[%swap3A_429] {strides = array<i32>} : memref<31488xi32, #tpu.memory_space<vmem>>, vector<16xi32>,
      %swap3A_431 = vector.shape_cast %swap3A_430 : vector<16xi32> to vector<16xi32>
      %swap3A_432 = vector.shape_cast %select_n3A_428 : vector<16xi32> to vector<16xi32>
      tpu.vector_store %arg8[%swap3A_429], %swap3A_432 {strides = array<i32>} : memref<31488xi32, #tpu.memory_space<vmem>>, vector<16xi32>,
      %swap3A_433 = arith.index_cast %mul3A_380 : i32 to index
      %swap3A_434 = tpu.vector_load %arg7[%swap3A_433] {strides = array<i32>} : memref<62976xf32, #tpu.memory_space<vmem>>, vector<16xf32>,
      %swap3A_435 = vector.shape_cast %swap3A_434 : vector<16xf32> to vector<16xf32>
      %swap3A_436 = vector.shape_cast %broadcast_in_dim3A_219 : vector<16xf32> to vector<16xf32>
      tpu.vector_store %arg7[%swap3A_433], %swap3A_436 {strides = array<i32>} : memref<62976xf32, #tpu.memory_space<vmem>>, vector<16xf32>,
      %mul3A_437 = arith.constant 8 : i32
      %mul3A_438 = arith.muli %scan3A_318, %mul3A_437 : i32
      %add3A_439 = arith.constant 2 : i32
      %add3A_440 = arith.addi %mul3A_438, %add3A_439 : i32
      %mul3A_441 = arith.constant 16 : i32
      %mul3A_442 = arith.muli %add3A_440, %mul3A_441 : i32
      %get3A_443 = arith.index_cast %mul3A_442 : i32 to index
      %get3A_444 = tpu.vector_load %arg6[%get3A_443] {strides = array<i32>} : memref<31488xf32, #tpu.memory_space<vmem>>, vector<16xf32>,
      %get3A_445 = vector.shape_cast %get3A_444 : vector<16xf32> to vector<16xf32>
      %get3A_446 = arith.index_cast %mul3A_442 : i32 to index
      %get3A_447 = tpu.vector_load %arg7[%get3A_446] {strides = array<i32>} : memref<62976xf32, #tpu.memory_space<vmem>>, vector<16xf32>,
      %get3A_448 = vector.shape_cast %get3A_447 : vector<16xf32> to vector<16xf32>
      %mul3A_449 = arith.constant 16 : i32
      %mul3A_450 = arith.muli %add3A_440, %mul3A_449 : i32
      %add3A_451 = arith.constant 31488 : i32
      %add3A_452 = arith.addi %add3A_451, %mul3A_450 : i32
      %get3A_453 = arith.index_cast %add3A_452 : i32 to index
      %get3A_454 = tpu.vector_load %arg7[%get3A_453] {strides = array<i32>} : memref<62976xf32, #tpu.memory_space<vmem>>, vector<16xf32>,
      %get3A_455 = vector.shape_cast %get3A_454 : vector<16xf32> to vector<16xf32>
      %sub3A_456 = arith.subf %get3A_445, %get3A_174 : vector<16xf32>
      %mul3A_457 = arith.mulf %sub3A_456, %broadcast_in_dim3A_215 : vector<16xf32>
      %convert_element_type3A_458 = arith.fptosi %mul3A_457 : vector<16xf32> to vector<16xi32>
      %sub3A_459 = arith.subf %get3A_448, %get3A_179 : vector<16xf32>
      %mul3A_460 = arith.mulf %sub3A_459, %broadcast_in_dim3A_215 : vector<16xf32>
      %convert_element_type3A_461 = arith.fptosi %mul3A_460 : vector<16xf32> to vector<16xi32>
      %sub3A_462 = arith.subf %get3A_455, %get3A_184 : vector<16xf32>
      %mul3A_463 = arith.mulf %sub3A_462, %broadcast_in_dim3A_215 : vector<16xf32>
      %convert_element_type3A_464 = arith.fptosi %mul3A_463 : vector<16xf32> to vector<16xi32>
      %mul3A_465 = arith.constant 65536 : i32
      %mul3A_466 = vector.broadcast %mul3A_465 : i32 to vector<16xi32>
      %mul3A_467 = arith.muli %convert_element_type3A_458, %mul3A_466 : vector<16xi32>
      %mul3A_468 = arith.constant 256 : i32
      %mul3A_469 = vector.broadcast %mul3A_468 : i32 to vector<16xi32>
      %mul3A_470 = arith.muli %convert_element_type3A_461, %mul3A_469 : vector<16xi32>
      %add3A_471 = arith.addi %mul3A_467, %mul3A_470 : vector<16xi32>
      %add3A_472 = arith.addi %add3A_471, %convert_element_type3A_464 : vector<16xi32>
      %sub3A_473 = arith.constant 1 : i32
      %sub3A_474 = vector.broadcast %sub3A_473 : i32 to vector<16xi32>
      %sub3A_475 = arith.subi %convert_element_type3A_458, %sub3A_474 : vector<16xi32>
      %bitcast_convert_type3A_476 = tpu.bitcast %sub3A_475 : vector<16xi32> -> vector<16xi32>
      %lt3A_477 = arith.cmpi ult, %bitcast_convert_type3A_476, %broadcast_in_dim3A_221 : vector<16xi32>
      %sub3A_478 = arith.constant 1 : i32
      %sub3A_479 = vector.broadcast %sub3A_478 : i32 to vector<16xi32>
      %sub3A_480 = arith.subi %convert_element_type3A_461, %sub3A_479 : vector<16xi32>
      %bitcast_convert_type3A_481 = tpu.bitcast %sub3A_480 : vector<16xi32> -> vector<16xi32>
      %lt3A_482 = arith.cmpi ult, %bitcast_convert_type3A_481, %broadcast_in_dim3A_221 : vector<16xi32>
      %and3A_483 = arith.andi %lt3A_477, %lt3A_482 : vector<16xi1>
      %sub3A_484 = arith.constant 1 : i32
      %sub3A_485 = vector.broadcast %sub3A_484 : i32 to vector<16xi32>
      %sub3A_486 = arith.subi %convert_element_type3A_464, %sub3A_485 : vector<16xi32>
      %bitcast_convert_type3A_487 = tpu.bitcast %sub3A_486 : vector<16xi32> -> vector<16xi32>
      %lt3A_488 = arith.cmpi ult, %bitcast_convert_type3A_487, %broadcast_in_dim3A_221 : vector<16xi32>
      %and3A_489 = arith.andi %and3A_483, %lt3A_488 : vector<16xi1>
      %select_n3A_490 = arith.select %and3A_489, %add3A_472, %broadcast_in_dim3A_217 : vector<16xi1>, vector<16xi32>
      %swap3A_491 = arith.index_cast %mul3A_442 : i32 to index
      %swap3A_492 = tpu.vector_load %arg8[%swap3A_491] {strides = array<i32>} : memref<31488xi32, #tpu.memory_space<vmem>>, vector<16xi32>,
      %swap3A_493 = vector.shape_cast %swap3A_492 : vector<16xi32> to vector<16xi32>
      %swap3A_494 = vector.shape_cast %select_n3A_490 : vector<16xi32> to vector<16xi32>
      tpu.vector_store %arg8[%swap3A_491], %swap3A_494 {strides = array<i32>} : memref<31488xi32, #tpu.memory_space<vmem>>, vector<16xi32>,
      %swap3A_495 = arith.index_cast %mul3A_442 : i32 to index
      %swap3A_496 = tpu.vector_load %arg7[%swap3A_495] {strides = array<i32>} : memref<62976xf32, #tpu.memory_space<vmem>>, vector<16xf32>,
      %swap3A_497 = vector.shape_cast %swap3A_496 : vector<16xf32> to vector<16xf32>
      %swap3A_498 = vector.shape_cast %broadcast_in_dim3A_219 : vector<16xf32> to vector<16xf32>
      tpu.vector_store %arg7[%swap3A_495], %swap3A_498 {strides = array<i32>} : memref<62976xf32, #tpu.memory_space<vmem>>, vector<16xf32>,
      %mul3A_499 = arith.constant 8 : i32
      %mul3A_500 = arith.muli %scan3A_318, %mul3A_499 : i32
      %add3A_501 = arith.constant 3 : i32
      %add3A_502 = arith.addi %mul3A_500, %add3A_501 : i32
      %mul3A_503 = arith.constant 16 : i32
      %mul3A_504 = arith.muli %add3A_502, %mul3A_503 : i32
      %get3A_505 = arith.index_cast %mul3A_504 : i32 to index
      %get3A_506 = tpu.vector_load %arg6[%get3A_505] {strides = array<i32>} : memref<31488xf32, #tpu.memory_space<vmem>>, vector<16xf32>,
      %get3A_507 = vector.shape_cast %get3A_506 : vector<16xf32> to vector<16xf32>
      %get3A_508 = arith.index_cast %mul3A_504 : i32 to index
      %get3A_509 = tpu.vector_load %arg7[%get3A_508] {strides = array<i32>} : memref<62976xf32, #tpu.memory_space<vmem>>, vector<16xf32>,
      %get3A_510 = vector.shape_cast %get3A_509 : vector<16xf32> to vector<16xf32>
      %mul3A_511 = arith.constant 16 : i32
      %mul3A_512 = arith.muli %add3A_502, %mul3A_511 : i32
      %add3A_513 = arith.constant 31488 : i32
      %add3A_514 = arith.addi %add3A_513, %mul3A_512 : i32
      %get3A_515 = arith.index_cast %add3A_514 : i32 to index
      %get3A_516 = tpu.vector_load %arg7[%get3A_515] {strides = array<i32>} : memref<62976xf32, #tpu.memory_space<vmem>>, vector<16xf32>,
      %get3A_517 = vector.shape_cast %get3A_516 : vector<16xf32> to vector<16xf32>
      %sub3A_518 = arith.subf %get3A_507, %get3A_174 : vector<16xf32>
      %mul3A_519 = arith.mulf %sub3A_518, %broadcast_in_dim3A_215 : vector<16xf32>
      %convert_element_type3A_520 = arith.fptosi %mul3A_519 : vector<16xf32> to vector<16xi32>
      %sub3A_521 = arith.subf %get3A_510, %get3A_179 : vector<16xf32>
      %mul3A_522 = arith.mulf %sub3A_521, %broadcast_in_dim3A_215 : vector<16xf32>
      %convert_element_type3A_523 = arith.fptosi %mul3A_522 : vector<16xf32> to vector<16xi32>
      %sub3A_524 = arith.subf %get3A_517, %get3A_184 : vector<16xf32>
      %mul3A_525 = arith.mulf %sub3A_524, %broadcast_in_dim3A_215 : vector<16xf32>
      %convert_element_type3A_526 = arith.fptosi %mul3A_525 : vector<16xf32> to vector<16xi32>
      %mul3A_527 = arith.constant 65536 : i32
      %mul3A_528 = vector.broadcast %mul3A_527 : i32 to vector<16xi32>
      %mul3A_529 = arith.muli %convert_element_type3A_520, %mul3A_528 : vector<16xi32>
      %mul3A_530 = arith.constant 256 : i32
      %mul3A_531 = vector.broadcast %mul3A_530 : i32 to vector<16xi32>
      %mul3A_532 = arith.muli %convert_element_type3A_523, %mul3A_531 : vector<16xi32>
      %add3A_533 = arith.addi %mul3A_529, %mul3A_532 : vector<16xi32>
      %add3A_534 = arith.addi %add3A_533, %convert_element_type3A_526 : vector<16xi32>
      %sub3A_535 = arith.constant 1 : i32
      %sub3A_536 = vector.broadcast %sub3A_535 : i32 to vector<16xi32>
      %sub3A_537 = arith.subi %convert_element_type3A_520, %sub3A_536 : vector<16xi32>
      %bitcast_convert_type3A_538 = tpu.bitcast %sub3A_537 : vector<16xi32> -> vector<16xi32>
      %lt3A_539 = arith.cmpi ult, %bitcast_convert_type3A_538, %broadcast_in_dim3A_221 : vector<16xi32>
      %sub3A_540 = arith.constant 1 : i32
      %sub3A_541 = vector.broadcast %sub3A_540 : i32 to vector<16xi32>
      %sub3A_542 = arith.subi %convert_element_type3A_523, %sub3A_541 : vector<16xi32>
      %bitcast_convert_type3A_543 = tpu.bitcast %sub3A_542 : vector<16xi32> -> vector<16xi32>
      %lt3A_544 = arith.cmpi ult, %bitcast_convert_type3A_543, %broadcast_in_dim3A_221 : vector<16xi32>
      %and3A_545 = arith.andi %lt3A_539, %lt3A_544 : vector<16xi1>
      %sub3A_546 = arith.constant 1 : i32
      %sub3A_547 = vector.broadcast %sub3A_546 : i32 to vector<16xi32>
      %sub3A_548 = arith.subi %convert_element_type3A_526, %sub3A_547 : vector<16xi32>
      %bitcast_convert_type3A_549 = tpu.bitcast %sub3A_548 : vector<16xi32> -> vector<16xi32>
      %lt3A_550 = arith.cmpi ult, %bitcast_convert_type3A_549, %broadcast_in_dim3A_221 : vector<16xi32>
      %and3A_551 = arith.andi %and3A_545, %lt3A_550 : vector<16xi1>
      %select_n3A_552 = arith.select %and3A_551, %add3A_534, %broadcast_in_dim3A_217 : vector<16xi1>, vector<16xi32>
      %swap3A_553 = arith.index_cast %mul3A_504 : i32 to index
      %swap3A_554 = tpu.vector_load %arg8[%swap3A_553] {strides = array<i32>} : memref<31488xi32, #tpu.memory_space<vmem>>, vector<16xi32>,
      %swap3A_555 = vector.shape_cast %swap3A_554 : vector<16xi32> to vector<16xi32>
      %swap3A_556 = vector.shape_cast %select_n3A_552 : vector<16xi32> to vector<16xi32>
      tpu.vector_store %arg8[%swap3A_553], %swap3A_556 {strides = array<i32>} : memref<31488xi32, #tpu.memory_space<vmem>>, vector<16xi32>,
      %swap3A_557 = arith.index_cast %mul3A_504 : i32 to index
      %swap3A_558 = tpu.vector_load %arg7[%swap3A_557] {strides = array<i32>} : memref<62976xf32, #tpu.memory_space<vmem>>, vector<16xf32>,
      %swap3A_559 = vector.shape_cast %swap3A_558 : vector<16xf32> to vector<16xf32>
      %swap3A_560 = vector.shape_cast %broadcast_in_dim3A_219 : vector<16xf32> to vector<16xf32>
      tpu.vector_store %arg7[%swap3A_557], %swap3A_560 {strides = array<i32>} : memref<62976xf32, #tpu.memory_space<vmem>>, vector<16xf32>,
      %mul3A_561 = arith.constant 8 : i32
      %mul3A_562 = arith.muli %scan3A_318, %mul3A_561 : i32
      %add3A_563 = arith.constant 4 : i32
      %add3A_564 = arith.addi %mul3A_562, %add3A_563 : i32
      %mul3A_565 = arith.constant 16 : i32
      %mul3A_566 = arith.muli %add3A_564, %mul3A_565 : i32
      %get3A_567 = arith.index_cast %mul3A_566 : i32 to index
      %get3A_568 = tpu.vector_load %arg6[%get3A_567] {strides = array<i32>} : memref<31488xf32, #tpu.memory_space<vmem>>, vector<16xf32>,
      %get3A_569 = vector.shape_cast %get3A_568 : vector<16xf32> to vector<16xf32>
      %get3A_570 = arith.index_cast %mul3A_566 : i32 to index
      %get3A_571 = tpu.vector_load %arg7[%get3A_570] {strides = array<i32>} : memref<62976xf32, #tpu.memory_space<vmem>>, vector<16xf32>,
      %get3A_572 = vector.shape_cast %get3A_571 : vector<16xf32> to vector<16xf32>
      %mul3A_573 = arith.constant 16 : i32
      %mul3A_574 = arith.muli %add3A_564, %mul3A_573 : i32
      %add3A_575 = arith.constant 31488 : i32
      %add3A_576 = arith.addi %add3A_575, %mul3A_574 : i32
      %get3A_577 = arith.index_cast %add3A_576 : i32 to index
      %get3A_578 = tpu.vector_load %arg7[%get3A_577] {strides = array<i32>} : memref<62976xf32, #tpu.memory_space<vmem>>, vector<16xf32>,
      %get3A_579 = vector.shape_cast %get3A_578 : vector<16xf32> to vector<16xf32>
      %sub3A_580 = arith.subf %get3A_569, %get3A_174 : vector<16xf32>
      %mul3A_581 = arith.mulf %sub3A_580, %broadcast_in_dim3A_215 : vector<16xf32>
      %convert_element_type3A_582 = arith.fptosi %mul3A_581 : vector<16xf32> to vector<16xi32>
      %sub3A_583 = arith.subf %get3A_572, %get3A_179 : vector<16xf32>
      %mul3A_584 = arith.mulf %sub3A_583, %broadcast_in_dim3A_215 : vector<16xf32>
      %convert_element_type3A_585 = arith.fptosi %mul3A_584 : vector<16xf32> to vector<16xi32>
      %sub3A_586 = arith.subf %get3A_579, %get3A_184 : vector<16xf32>
      %mul3A_587 = arith.mulf %sub3A_586, %broadcast_in_dim3A_215 : vector<16xf32>
      %convert_element_type3A_588 = arith.fptosi %mul3A_587 : vector<16xf32> to vector<16xi32>
      %mul3A_589 = arith.constant 65536 : i32
      %mul3A_590 = vector.broadcast %mul3A_589 : i32 to vector<16xi32>
      %mul3A_591 = arith.muli %convert_element_type3A_582, %mul3A_590 : vector<16xi32>
      %mul3A_592 = arith.constant 256 : i32
      %mul3A_593 = vector.broadcast %mul3A_592 : i32 to vector<16xi32>
      %mul3A_594 = arith.muli %convert_element_type3A_585, %mul3A_593 : vector<16xi32>
      %add3A_595 = arith.addi %mul3A_591, %mul3A_594 : vector<16xi32>
      %add3A_596 = arith.addi %add3A_595, %convert_element_type3A_588 : vector<16xi32>
      %sub3A_597 = arith.constant 1 : i32
      %sub3A_598 = vector.broadcast %sub3A_597 : i32 to vector<16xi32>
      %sub3A_599 = arith.subi %convert_element_type3A_582, %sub3A_598 : vector<16xi32>
      %bitcast_convert_type3A_600 = tpu.bitcast %sub3A_599 : vector<16xi32> -> vector<16xi32>
      %lt3A_601 = arith.cmpi ult, %bitcast_convert_type3A_600, %broadcast_in_dim3A_221 : vector<16xi32>
      %sub3A_602 = arith.constant 1 : i32
      %sub3A_603 = vector.broadcast %sub3A_602 : i32 to vector<16xi32>
      %sub3A_604 = arith.subi %convert_element_type3A_585, %sub3A_603 : vector<16xi32>
      %bitcast_convert_type3A_605 = tpu.bitcast %sub3A_604 : vector<16xi32> -> vector<16xi32>
      %lt3A_606 = arith.cmpi ult, %bitcast_convert_type3A_605, %broadcast_in_dim3A_221 : vector<16xi32>
      %and3A_607 = arith.andi %lt3A_601, %lt3A_606 : vector<16xi1>
      %sub3A_608 = arith.constant 1 : i32
      %sub3A_609 = vector.broadcast %sub3A_608 : i32 to vector<16xi32>
      %sub3A_610 = arith.subi %convert_element_type3A_588, %sub3A_609 : vector<16xi32>
      %bitcast_convert_type3A_611 = tpu.bitcast %sub3A_610 : vector<16xi32> -> vector<16xi32>
      %lt3A_612 = arith.cmpi ult, %bitcast_convert_type3A_611, %broadcast_in_dim3A_221 : vector<16xi32>
      %and3A_613 = arith.andi %and3A_607, %lt3A_612 : vector<16xi1>
      %select_n3A_614 = arith.select %and3A_613, %add3A_596, %broadcast_in_dim3A_217 : vector<16xi1>, vector<16xi32>
      %swap3A_615 = arith.index_cast %mul3A_566 : i32 to index
      %swap3A_616 = tpu.vector_load %arg8[%swap3A_615] {strides = array<i32>} : memref<31488xi32, #tpu.memory_space<vmem>>, vector<16xi32>,
      %swap3A_617 = vector.shape_cast %swap3A_616 : vector<16xi32> to vector<16xi32>
      %swap3A_618 = vector.shape_cast %select_n3A_614 : vector<16xi32> to vector<16xi32>
      tpu.vector_store %arg8[%swap3A_615], %swap3A_618 {strides = array<i32>} : memref<31488xi32, #tpu.memory_space<vmem>>, vector<16xi32>,
      %swap3A_619 = arith.index_cast %mul3A_566 : i32 to index
      %swap3A_620 = tpu.vector_load %arg7[%swap3A_619] {strides = array<i32>} : memref<62976xf32, #tpu.memory_space<vmem>>, vector<16xf32>,
      %swap3A_621 = vector.shape_cast %swap3A_620 : vector<16xf32> to vector<16xf32>
      %swap3A_622 = vector.shape_cast %broadcast_in_dim3A_219 : vector<16xf32> to vector<16xf32>
      tpu.vector_store %arg7[%swap3A_619], %swap3A_622 {strides = array<i32>} : memref<62976xf32, #tpu.memory_space<vmem>>, vector<16xf32>,
      %mul3A_623 = arith.constant 8 : i32
      %mul3A_624 = arith.muli %scan3A_318, %mul3A_623 : i32
      %add3A_625 = arith.constant 5 : i32
      %add3A_626 = arith.addi %mul3A_624, %add3A_625 : i32
      %mul3A_627 = arith.constant 16 : i32
      %mul3A_628 = arith.muli %add3A_626, %mul3A_627 : i32
      %get3A_629 = arith.index_cast %mul3A_628 : i32 to index
      %get3A_630 = tpu.vector_load %arg6[%get3A_629] {strides = array<i32>} : memref<31488xf32, #tpu.memory_space<vmem>>, vector<16xf32>,
      %get3A_631 = vector.shape_cast %get3A_630 : vector<16xf32> to vector<16xf32>
      %get3A_632 = arith.index_cast %mul3A_628 : i32 to index
      %get3A_633 = tpu.vector_load %arg7[%get3A_632] {strides = array<i32>} : memref<62976xf32, #tpu.memory_space<vmem>>, vector<16xf32>,
      %get3A_634 = vector.shape_cast %get3A_633 : vector<16xf32> to vector<16xf32>
      %mul3A_635 = arith.constant 16 : i32
      %mul3A_636 = arith.muli %add3A_626, %mul3A_635 : i32
      %add3A_637 = arith.constant 31488 : i32
      %add3A_638 = arith.addi %add3A_637, %mul3A_636 : i32
      %get3A_639 = arith.index_cast %add3A_638 : i32 to index
      %get3A_640 = tpu.vector_load %arg7[%get3A_639] {strides = array<i32>} : memref<62976xf32, #tpu.memory_space<vmem>>, vector<16xf32>,
      %get3A_641 = vector.shape_cast %get3A_640 : vector<16xf32> to vector<16xf32>
      %sub3A_642 = arith.subf %get3A_631, %get3A_174 : vector<16xf32>
      %mul3A_643 = arith.mulf %sub3A_642, %broadcast_in_dim3A_215 : vector<16xf32>
      %convert_element_type3A_644 = arith.fptosi %mul3A_643 : vector<16xf32> to vector<16xi32>
      %sub3A_645 = arith.subf %get3A_634, %get3A_179 : vector<16xf32>
      %mul3A_646 = arith.mulf %sub3A_645, %broadcast_in_dim3A_215 : vector<16xf32>
      %convert_element_type3A_647 = arith.fptosi %mul3A_646 : vector<16xf32> to vector<16xi32>
      %sub3A_648 = arith.subf %get3A_641, %get3A_184 : vector<16xf32>
      %mul3A_649 = arith.mulf %sub3A_648, %broadcast_in_dim3A_215 : vector<16xf32>
      %convert_element_type3A_650 = arith.fptosi %mul3A_649 : vector<16xf32> to vector<16xi32>
      %mul3A_651 = arith.constant 65536 : i32
      %mul3A_652 = vector.broadcast %mul3A_651 : i32 to vector<16xi32>
      %mul3A_653 = arith.muli %convert_element_type3A_644, %mul3A_652 : vector<16xi32>
      %mul3A_654 = arith.constant 256 : i32
      %mul3A_655 = vector.broadcast %mul3A_654 : i32 to vector<16xi32>
      %mul3A_656 = arith.muli %convert_element_type3A_647, %mul3A_655 : vector<16xi32>
      %add3A_657 = arith.addi %mul3A_653, %mul3A_656 : vector<16xi32>
      %add3A_658 = arith.addi %add3A_657, %convert_element_type3A_650 : vector<16xi32>
      %sub3A_659 = arith.constant 1 : i32
      %sub3A_660 = vector.broadcast %sub3A_659 : i32 to vector<16xi32>
      %sub3A_661 = arith.subi %convert_element_type3A_644, %sub3A_660 : vector<16xi32>
      %bitcast_convert_type3A_662 = tpu.bitcast %sub3A_661 : vector<16xi32> -> vector<16xi32>
      %lt3A_663 = arith.cmpi ult, %bitcast_convert_type3A_662, %broadcast_in_dim3A_221 : vector<16xi32>
      %sub3A_664 = arith.constant 1 : i32
      %sub3A_665 = vector.broadcast %sub3A_664 : i32 to vector<16xi32>
      %sub3A_666 = arith.subi %convert_element_type3A_647, %sub3A_665 : vector<16xi32>
      %bitcast_convert_type3A_667 = tpu.bitcast %sub3A_666 : vector<16xi32> -> vector<16xi32>
      %lt3A_668 = arith.cmpi ult, %bitcast_convert_type3A_667, %broadcast_in_dim3A_221 : vector<16xi32>
      %and3A_669 = arith.andi %lt3A_663, %lt3A_668 : vector<16xi1>
      %sub3A_670 = arith.constant 1 : i32
      %sub3A_671 = vector.broadcast %sub3A_670 : i32 to vector<16xi32>
      %sub3A_672 = arith.subi %convert_element_type3A_650, %sub3A_671 : vector<16xi32>
      %bitcast_convert_type3A_673 = tpu.bitcast %sub3A_672 : vector<16xi32> -> vector<16xi32>
      %lt3A_674 = arith.cmpi ult, %bitcast_convert_type3A_673, %broadcast_in_dim3A_221 : vector<16xi32>
      %and3A_675 = arith.andi %and3A_669, %lt3A_674 : vector<16xi1>
      %select_n3A_676 = arith.select %and3A_675, %add3A_658, %broadcast_in_dim3A_217 : vector<16xi1>, vector<16xi32>
      %swap3A_677 = arith.index_cast %mul3A_628 : i32 to index
      %swap3A_678 = tpu.vector_load %arg8[%swap3A_677] {strides = array<i32>} : memref<31488xi32, #tpu.memory_space<vmem>>, vector<16xi32>,
      %swap3A_679 = vector.shape_cast %swap3A_678 : vector<16xi32> to vector<16xi32>
      %swap3A_680 = vector.shape_cast %select_n3A_676 : vector<16xi32> to vector<16xi32>
      tpu.vector_store %arg8[%swap3A_677], %swap3A_680 {strides = array<i32>} : memref<31488xi32, #tpu.memory_space<vmem>>, vector<16xi32>,
      %swap3A_681 = arith.index_cast %mul3A_628 : i32 to index
      %swap3A_682 = tpu.vector_load %arg7[%swap3A_681] {strides = array<i32>} : memref<62976xf32, #tpu.memory_space<vmem>>, vector<16xf32>,
      %swap3A_683 = vector.shape_cast %swap3A_682 : vector<16xf32> to vector<16xf32>
      %swap3A_684 = vector.shape_cast %broadcast_in_dim3A_219 : vector<16xf32> to vector<16xf32>
      tpu.vector_store %arg7[%swap3A_681], %swap3A_684 {strides = array<i32>} : memref<62976xf32, #tpu.memory_space<vmem>>, vector<16xf32>,
      %mul3A_685 = arith.constant 8 : i32
      %mul3A_686 = arith.muli %scan3A_318, %mul3A_685 : i32
      %add3A_687 = arith.constant 6 : i32
      %add3A_688 = arith.addi %mul3A_686, %add3A_687 : i32
      %mul3A_689 = arith.constant 16 : i32
      %mul3A_690 = arith.muli %add3A_688, %mul3A_689 : i32
      %get3A_691 = arith.index_cast %mul3A_690 : i32 to index
      %get3A_692 = tpu.vector_load %arg6[%get3A_691] {strides = array<i32>} : memref<31488xf32, #tpu.memory_space<vmem>>, vector<16xf32>,
      %get3A_693 = vector.shape_cast %get3A_692 : vector<16xf32> to vector<16xf32>
      %get3A_694 = arith.index_cast %mul3A_690 : i32 to index
      %get3A_695 = tpu.vector_load %arg7[%get3A_694] {strides = array<i32>} : memref<62976xf32, #tpu.memory_space<vmem>>, vector<16xf32>,
      %get3A_696 = vector.shape_cast %get3A_695 : vector<16xf32> to vector<16xf32>
      %mul3A_697 = arith.constant 16 : i32
      %mul3A_698 = arith.muli %add3A_688, %mul3A_697 : i32
      %add3A_699 = arith.constant 31488 : i32
      %add3A_700 = arith.addi %add3A_699, %mul3A_698 : i32
      %get3A_701 = arith.index_cast %add3A_700 : i32 to index
      %get3A_702 = tpu.vector_load %arg7[%get3A_701] {strides = array<i32>} : memref<62976xf32, #tpu.memory_space<vmem>>, vector<16xf32>,
      %get3A_703 = vector.shape_cast %get3A_702 : vector<16xf32> to vector<16xf32>
      %sub3A_704 = arith.subf %get3A_693, %get3A_174 : vector<16xf32>
      %mul3A_705 = arith.mulf %sub3A_704, %broadcast_in_dim3A_215 : vector<16xf32>
      %convert_element_type3A_706 = arith.fptosi %mul3A_705 : vector<16xf32> to vector<16xi32>
      %sub3A_707 = arith.subf %get3A_696, %get3A_179 : vector<16xf32>
      %mul3A_708 = arith.mulf %sub3A_707, %broadcast_in_dim3A_215 : vector<16xf32>
      %convert_element_type3A_709 = arith.fptosi %mul3A_708 : vector<16xf32> to vector<16xi32>
      %sub3A_710 = arith.subf %get3A_703, %get3A_184 : vector<16xf32>
      %mul3A_711 = arith.mulf %sub3A_710, %broadcast_in_dim3A_215 : vector<16xf32>
      %convert_element_type3A_712 = arith.fptosi %mul3A_711 : vector<16xf32> to vector<16xi32>
      %mul3A_713 = arith.constant 65536 : i32
      %mul3A_714 = vector.broadcast %mul3A_713 : i32 to vector<16xi32>
      %mul3A_715 = arith.muli %convert_element_type3A_706, %mul3A_714 : vector<16xi32>
      %mul3A_716 = arith.constant 256 : i32
      %mul3A_717 = vector.broadcast %mul3A_716 : i32 to vector<16xi32>
      %mul3A_718 = arith.muli %convert_element_type3A_709, %mul3A_717 : vector<16xi32>
      %add3A_719 = arith.addi %mul3A_715, %mul3A_718 : vector<16xi32>
      %add3A_720 = arith.addi %add3A_719, %convert_element_type3A_712 : vector<16xi32>
      %sub3A_721 = arith.constant 1 : i32
      %sub3A_722 = vector.broadcast %sub3A_721 : i32 to vector<16xi32>
      %sub3A_723 = arith.subi %convert_element_type3A_706, %sub3A_722 : vector<16xi32>
      %bitcast_convert_type3A_724 = tpu.bitcast %sub3A_723 : vector<16xi32> -> vector<16xi32>
      %lt3A_725 = arith.cmpi ult, %bitcast_convert_type3A_724, %broadcast_in_dim3A_221 : vector<16xi32>
      %sub3A_726 = arith.constant 1 : i32
      %sub3A_727 = vector.broadcast %sub3A_726 : i32 to vector<16xi32>
      %sub3A_728 = arith.subi %convert_element_type3A_709, %sub3A_727 : vector<16xi32>
      %bitcast_convert_type3A_729 = tpu.bitcast %sub3A_728 : vector<16xi32> -> vector<16xi32>
      %lt3A_730 = arith.cmpi ult, %bitcast_convert_type3A_729, %broadcast_in_dim3A_221 : vector<16xi32>
      %and3A_731 = arith.andi %lt3A_725, %lt3A_730 : vector<16xi1>
      %sub3A_732 = arith.constant 1 : i32
      %sub3A_733 = vector.broadcast %sub3A_732 : i32 to vector<16xi32>
      %sub3A_734 = arith.subi %convert_element_type3A_712, %sub3A_733 : vector<16xi32>
      %bitcast_convert_type3A_735 = tpu.bitcast %sub3A_734 : vector<16xi32> -> vector<16xi32>
      %lt3A_736 = arith.cmpi ult, %bitcast_convert_type3A_735, %broadcast_in_dim3A_221 : vector<16xi32>
      %and3A_737 = arith.andi %and3A_731, %lt3A_736 : vector<16xi1>
      %select_n3A_738 = arith.select %and3A_737, %add3A_720, %broadcast_in_dim3A_217 : vector<16xi1>, vector<16xi32>
      %swap3A_739 = arith.index_cast %mul3A_690 : i32 to index
      %swap3A_740 = tpu.vector_load %arg8[%swap3A_739] {strides = array<i32>} : memref<31488xi32, #tpu.memory_space<vmem>>, vector<16xi32>,
      %swap3A_741 = vector.shape_cast %swap3A_740 : vector<16xi32> to vector<16xi32>
      %swap3A_742 = vector.shape_cast %select_n3A_738 : vector<16xi32> to vector<16xi32>
      tpu.vector_store %arg8[%swap3A_739], %swap3A_742 {strides = array<i32>} : memref<31488xi32, #tpu.memory_space<vmem>>, vector<16xi32>,
      %swap3A_743 = arith.index_cast %mul3A_690 : i32 to index
      %swap3A_744 = tpu.vector_load %arg7[%swap3A_743] {strides = array<i32>} : memref<62976xf32, #tpu.memory_space<vmem>>, vector<16xf32>,
      %swap3A_745 = vector.shape_cast %swap3A_744 : vector<16xf32> to vector<16xf32>
      %swap3A_746 = vector.shape_cast %broadcast_in_dim3A_219 : vector<16xf32> to vector<16xf32>
      tpu.vector_store %arg7[%swap3A_743], %swap3A_746 {strides = array<i32>} : memref<62976xf32, #tpu.memory_space<vmem>>, vector<16xf32>,
      %mul3A_747 = arith.constant 8 : i32
      %mul3A_748 = arith.muli %scan3A_318, %mul3A_747 : i32
      %add3A_749 = arith.constant 7 : i32
      %add3A_750 = arith.addi %mul3A_748, %add3A_749 : i32
      %mul3A_751 = arith.constant 16 : i32
      %mul3A_752 = arith.muli %add3A_750, %mul3A_751 : i32
      %get3A_753 = arith.index_cast %mul3A_752 : i32 to index
      %get3A_754 = tpu.vector_load %arg6[%get3A_753] {strides = array<i32>} : memref<31488xf32, #tpu.memory_space<vmem>>, vector<16xf32>,
      %get3A_755 = vector.shape_cast %get3A_754 : vector<16xf32> to vector<16xf32>
      %get3A_756 = arith.index_cast %mul3A_752 : i32 to index
      %get3A_757 = tpu.vector_load %arg7[%get3A_756] {strides = array<i32>} : memref<62976xf32, #tpu.memory_space<vmem>>, vector<16xf32>,
      %get3A_758 = vector.shape_cast %get3A_757 : vector<16xf32> to vector<16xf32>
      %mul3A_759 = arith.constant 16 : i32
      %mul3A_760 = arith.muli %add3A_750, %mul3A_759 : i32
      %add3A_761 = arith.constant 31488 : i32
      %add3A_762 = arith.addi %add3A_761, %mul3A_760 : i32
      %get3A_763 = arith.index_cast %add3A_762 : i32 to index
      %get3A_764 = tpu.vector_load %arg7[%get3A_763] {strides = array<i32>} : memref<62976xf32, #tpu.memory_space<vmem>>, vector<16xf32>,
      %get3A_765 = vector.shape_cast %get3A_764 : vector<16xf32> to vector<16xf32>
      %sub3A_766 = arith.subf %get3A_755, %get3A_174 : vector<16xf32>
      %mul3A_767 = arith.mulf %sub3A_766, %broadcast_in_dim3A_215 : vector<16xf32>
      %convert_element_type3A_768 = arith.fptosi %mul3A_767 : vector<16xf32> to vector<16xi32>
      %sub3A_769 = arith.subf %get3A_758, %get3A_179 : vector<16xf32>
      %mul3A_770 = arith.mulf %sub3A_769, %broadcast_in_dim3A_215 : vector<16xf32>
      %convert_element_type3A_771 = arith.fptosi %mul3A_770 : vector<16xf32> to vector<16xi32>
      %sub3A_772 = arith.subf %get3A_765, %get3A_184 : vector<16xf32>
      %mul3A_773 = arith.mulf %sub3A_772, %broadcast_in_dim3A_215 : vector<16xf32>
      %convert_element_type3A_774 = arith.fptosi %mul3A_773 : vector<16xf32> to vector<16xi32>
      %mul3A_775 = arith.constant 65536 : i32
      %mul3A_776 = vector.broadcast %mul3A_775 : i32 to vector<16xi32>
      %mul3A_777 = arith.muli %convert_element_type3A_768, %mul3A_776 : vector<16xi32>
      %mul3A_778 = arith.constant 256 : i32
      %mul3A_779 = vector.broadcast %mul3A_778 : i32 to vector<16xi32>
      %mul3A_780 = arith.muli %convert_element_type3A_771, %mul3A_779 : vector<16xi32>
      %add3A_781 = arith.addi %mul3A_777, %mul3A_780 : vector<16xi32>
      %add3A_782 = arith.addi %add3A_781, %convert_element_type3A_774 : vector<16xi32>
      %sub3A_783 = arith.constant 1 : i32
      %sub3A_784 = vector.broadcast %sub3A_783 : i32 to vector<16xi32>
      %sub3A_785 = arith.subi %convert_element_type3A_768, %sub3A_784 : vector<16xi32>
      %bitcast_convert_type3A_786 = tpu.bitcast %sub3A_785 : vector<16xi32> -> vector<16xi32>
      %lt3A_787 = arith.cmpi ult, %bitcast_convert_type3A_786, %broadcast_in_dim3A_221 : vector<16xi32>
      %sub3A_788 = arith.constant 1 : i32
      %sub3A_789 = vector.broadcast %sub3A_788 : i32 to vector<16xi32>
      %sub3A_790 = arith.subi %convert_element_type3A_771, %sub3A_789 : vector<16xi32>
      %bitcast_convert_type3A_791 = tpu.bitcast %sub3A_790 : vector<16xi32> -> vector<16xi32>
      %lt3A_792 = arith.cmpi ult, %bitcast_convert_type3A_791, %broadcast_in_dim3A_221 : vector<16xi32>
      %and3A_793 = arith.andi %lt3A_787, %lt3A_792 : vector<16xi1>
      %sub3A_794 = arith.constant 1 : i32
      %sub3A_795 = vector.broadcast %sub3A_794 : i32 to vector<16xi32>
      %sub3A_796 = arith.subi %convert_element_type3A_774, %sub3A_795 : vector<16xi32>
      %bitcast_convert_type3A_797 = tpu.bitcast %sub3A_796 : vector<16xi32> -> vector<16xi32>
      %lt3A_798 = arith.cmpi ult, %bitcast_convert_type3A_797, %broadcast_in_dim3A_221 : vector<16xi32>
      %and3A_799 = arith.andi %and3A_793, %lt3A_798 : vector<16xi1>
      %select_n3A_800 = arith.select %and3A_799, %add3A_782, %broadcast_in_dim3A_217 : vector<16xi1>, vector<16xi32>
      %swap3A_801 = arith.index_cast %mul3A_752 : i32 to index
      %swap3A_802 = tpu.vector_load %arg8[%swap3A_801] {strides = array<i32>} : memref<31488xi32, #tpu.memory_space<vmem>>, vector<16xi32>,
      %swap3A_803 = vector.shape_cast %swap3A_802 : vector<16xi32> to vector<16xi32>
      %swap3A_804 = vector.shape_cast %select_n3A_800 : vector<16xi32> to vector<16xi32>
      tpu.vector_store %arg8[%swap3A_801], %swap3A_804 {strides = array<i32>} : memref<31488xi32, #tpu.memory_space<vmem>>, vector<16xi32>,
      %swap3A_805 = arith.index_cast %mul3A_752 : i32 to index
      %swap3A_806 = tpu.vector_load %arg7[%swap3A_805] {strides = array<i32>} : memref<62976xf32, #tpu.memory_space<vmem>>, vector<16xf32>,
      %swap3A_807 = vector.shape_cast %swap3A_806 : vector<16xf32> to vector<16xf32>
      %swap3A_808 = vector.shape_cast %broadcast_in_dim3A_219 : vector<16xf32> to vector<16xf32>
      tpu.vector_store %arg7[%swap3A_805], %swap3A_808 {strides = array<i32>} : memref<62976xf32, #tpu.memory_space<vmem>>, vector<16xf32>,
      %mul3A_809 = arith.constant 128 : i32
      %mul3A_810 = arith.muli %scan3A_318, %mul3A_809 : i32
      %dma_start3A_811 = tpu.memref_slice %arg7[%mul3A_810] : memref<62976xf32, #tpu.memory_space<vmem>> -> memref<128xf32, #tpu.memory_space<vmem>>
      %dma_start3A_812 = tpu.memref_slice %arg8[%mul3A_810] : memref<31488xi32, #tpu.memory_space<vmem>> -> memref<128xi32, #tpu.memory_space<vmem>>
      %dma_start3A_813 = arith.constant 0 : i32
      %dma_start3A_814 = tpu.memref_slice %arg4[%dma_start3A_813] : memref<16777216xf32, #tpu.memory_space<hbm>> -> memref<16777216xf32, #tpu.memory_space<hbm>>
      %dma_start3A_815 = arith.constant -1 : i32
      tpu.enqueue_indirect_dma source(%dma_start3A_814 : memref<16777216xf32, #tpu.memory_space<hbm>>) target(%dma_start3A_811 : memref<128xf32, #tpu.memory_space<vmem>>) offsets(%dma_start3A_812 : memref<128xi32, #tpu.memory_space<vmem>>) offset_filter(%dma_start3A_815) semaphore(%arg11 : memref<!tpu.dma_semaphore, #tpu.memory_space<semaphore_mem>>)
      %scan3A_816 = arith.constant 0 : i32
      scf.yield %scan3A_816 : i32
    }
    %scan3A_309 = arith.constant 41 : i32
    %dma_wait3A_310 = arith.constant 0 : i32
    %dma_wait3A_311 = tpu.memref_slice %arg7[%dma_wait3A_310] : memref<62976xf32, #tpu.memory_space<vmem>> -> memref<31488xf32, #tpu.memory_space<vmem>>
    %dma_wait3A_312 = arith.constant 0 : i32
    %dma_wait3A_313 = tpu.memref_slice %arg4[%dma_wait3A_312] : memref<16777216xf32, #tpu.memory_space<hbm>> -> memref<31488xf32, #tpu.memory_space<hbm>>
    %dma_wait3A_314 = arith.constant 0 : i32
    %dma_wait3A_315 = tpu.memref_slice %arg7[%dma_wait3A_314] : memref<62976xf32, #tpu.memory_space<vmem>> -> memref<31488xf32, #tpu.memory_space<vmem>>
    %dma_wait3A_316 = arith.constant 0 : i32
    %dma_wait3A_317 = tpu.memref_slice %arg4[%dma_wait3A_316] : memref<16777216xf32, #tpu.memory_space<hbm>> -> memref<31488xf32, #tpu.memory_space<hbm>>
    tpu.wait_dma2 semaphore(%arg11 : memref<!tpu.dma_semaphore, #tpu.memory_space<semaphore_mem>>) src(%dma_wait3A_317 : memref<31488xf32, #tpu.memory_space<hbm>>) dst(%dma_wait3A_315 : memref<31488xf32, #tpu.memory_space<vmem>>)
    "tpu.region"() ({
      %run_scoped3A = tpu.sem_alloc : memref<!tpu.dma_semaphore, #tpu.memory_space<semaphore_mem>>
      %dma_start3A_318 = arith.constant 0 : i32
      %dma_start3A_319 = tpu.memref_slice %arg7[%dma_start3A_318] : memref<62976xf32, #tpu.memory_space<vmem>> -> memref<31488xf32, #tpu.memory_space<vmem>>
      %dma_start3A_320 = tpu.memref_slice %arg5[%min3A_3] : memref<1000000xf32, #tpu.memory_space<hbm>> -> memref<31488xf32, #tpu.memory_space<hbm>>
      %dma_start3A_321 = tpu.memref_slice %arg5[%min3A_3] : memref<1000000xf32, #tpu.memory_space<hbm>> -> memref<31488xf32, #tpu.memory_space<hbm>>
      %dma_start3A_322 = arith.constant 0 : i32
      %dma_start3A_323 = tpu.memref_slice %arg7[%dma_start3A_322] : memref<62976xf32, #tpu.memory_space<vmem>> -> memref<31488xf32, #tpu.memory_space<vmem>>
      tpu.enqueue_dma source(%dma_start3A_323 : memref<31488xf32, #tpu.memory_space<vmem>>) target(%dma_start3A_321 : memref<31488xf32, #tpu.memory_space<hbm>>) target_semaphore(%run_scoped3A : memref<!tpu.dma_semaphore, #tpu.memory_space<semaphore_mem>>)
      %dma_wait3A_324 = arith.constant 0 : i32
      %dma_wait3A_325 = tpu.memref_slice %arg7[%dma_wait3A_324] : memref<62976xf32, #tpu.memory_space<vmem>> -> memref<31488xf32, #tpu.memory_space<vmem>>
      %dma_wait3A_326 = tpu.memref_slice %arg5[%min3A_3] : memref<1000000xf32, #tpu.memory_space<hbm>> -> memref<31488xf32, #tpu.memory_space<hbm>>
      %dma_wait3A_327 = tpu.memref_slice %arg5[%min3A_3] : memref<1000000xf32, #tpu.memory_space<hbm>> -> memref<31488xf32, #tpu.memory_space<hbm>>
      %dma_wait3A_328 = arith.constant 0 : i32
      %dma_wait3A_329 = tpu.memref_slice %arg7[%dma_wait3A_328] : memref<62976xf32, #tpu.memory_space<vmem>> -> memref<31488xf32, #tpu.memory_space<vmem>>
      tpu.wait_dma2 semaphore(%run_scoped3A : memref<!tpu.dma_semaphore, #tpu.memory_space<semaphore_mem>>) src(%dma_wait3A_329 : memref<31488xf32, #tpu.memory_space<vmem>>) dst(%dma_wait3A_327 : memref<31488xf32, #tpu.memory_space<hbm>>)
      tpu.yield
    }) : () -> ()
    return
  }
}

</mosaic_0001>

<sc_bundles>
// kernel: kernel.3.cloned.1.call-start
scs
__scs_entry_jumppad:
0x0: {  	(pc) =	sbr.rel $0x88, $3  }
0x1: {  	(tag) =	ssettag $0x0;
	lr =	simm.s32 $0x1  }
0x2: {  	[smem:$0x3F9E] =	sst lr;
	_ =	strace $0xD0000000  }
0x3: {  	_ = 	snop  }
0x4: {  	_ = 	snop  }
0x5: {  	_ = 	snop  }
0x6: {  	_ = 	snop  }
0x7: {  	_ = 	snop  }
__scs_overlays_trampoline_lowered:
0x8: {  	[smem:$0x3FAD] =	sst s0  }
0x9: {  	[smem:$0x3FAE] =	sst s1  }
0xa: {  	[smem:$0x3FAF] =	sst s2  }
0xb: {  	[smem:$0x3FB0] =	sst s3  }
0xc: {  	[smem:$0x3FB1] =	sst s4  }
0xd: {  	[smem:$0x3FB2] =	sst s5  }
0xe: {  	[smem:$0x3FB3] =	sst s6  }
0xf: {  	[smem:$0x3FB4] =	sst s7  }
0x10: {  	[smem:$0x3FB5] =	sst s8  }
0x11: {  	[smem:$0x3FB6] =	sst s9;
	s0 =	simm.s32 @!p0 $0x0  }
0x12: {  	s1 =	sld [smem:$0x3F9C];
	s0 =	simm.s32 @p0 $0x1  }
0x13: {  	[smem:$0x3FB7] =	sst s0;
	s0 =	simm.s32 @!p1 $0x0  }
0x14: {  	s2 =	sld [smem:$0x3F9B];
	s0 =	simm.s32 @p1 $0x1  }
0x15: {  	[smem:$0x3FB8] =	sst s0;
	s0 =	simm.s32 @!p2 $0x0  }
0x16: {  	s3 =	sld [smem:$0x3FDB];
	s0 =	simm.s32 @p2 $0x1  }
0x17: {  	s4 =	simm.s32 $0x1BF5;
	[smem:$0x3FBA] =	sst s0  }
0x18: {  	s0 =	sld [smem:$0x3F9D];
	_ =	swait.ge [sflag:s4], $0x0  }
0x19: {  	s7 =	sld [smem:$0x3F9E]  }
0x1a: {  	s8 =	sadd.s32 $0xFFFFE003, lr  }
0x1b: {  	s9 =	sadd.s32 $0xFFFFFEF7, lr;
	s5 =	simm.s32 $0xFFFFFFFF;
	p2 =	slt.u32 s8, $0xFFFFF086  }
0x1c: {  	p1 =	slt.u32 s9, $0xF7A;
	s5 =	simm.s32 @!p2 $0x0  }
0x1d: {  	s5 =	simm.s32 @p1 $0x1;
	p0 =	seq.s32 s7, s2  }
0x1e: {  	s7 =	smul.u32 @!p0 $0xF7A, s2;
	p2 =	seq.s32 @!p0 s5, $0x0  }
0x1f: {  	s9 =	smul.u32 $0xF7A, s1;
	s8 =	simm.s32 @!p0 $0x1BF5;
	p2 =	por !p2, p0  }
0x20: {  	[sflag:s8] =	ssyncset.s32 @!p0 $0xFFFFF086;
	s6 =	sadd.s32 @!p0 s3, s7;
	s7 =	simm.s32 @!p0 $0x108  }
0x21: {  	s3 =	sadd.s32 s3, s9;
	s6 =	sadd.s32 @!p0 $0x88, s6;
	s7 =	simm.s32 @p2 $0x1082  }
0x22: {  	[simem:s7], [sflag:s8] =	dma.local @!p0 [hbm:s6], $0xF7A  }
0x23: {  	s9 =	sor.u32 $0xD0000000, s2;
	s6 =	simm.s32 $0x108;
	_ =	swait.ge @!p0 [sflag:s8], $0x0  }
0x24: {  	s3 =	sadd.s32 $0x88, s3;
	s6 =	simm.s32 @!p1 $0x1082;
	[sflag:s4] =	ssyncset.s32 $0xFFFFF086  }
0x25: {  	[simem:s6], [sflag:s4] =	dma.local [hbm:s3], $0xF7A  }
0x26: {  	[smem:$0x3F9E] =	sst s1;
	(tag) =	ssettag s2;
	_ =	strace s9  }
0x27: {  	s1 =	sld [smem:$0x3FAE]  }
0x28: {  	s2 =	sld [smem:$0x3FAF]  }
0x29: {  	s4 =	sld [smem:$0x3FB1]  }
0x2a: {  	p0 =	seq.s32 s5, $0x0;
	s5 =	sld [smem:$0x3FB2]  }
0x2b: {  	s6 =	sld [smem:$0x3FB3]  }
0x2c: {  	s7 =	sld [smem:$0x3FB4]  }
0x2d: {  	s3 =	simm.s32 $0x108;
	s8 =	sld [smem:$0x3FB5]  }
0x2e: {  	s3 =	simm.s32 @!p0 $0x1082;
	s9 =	sld [smem:$0x3FB6]  }
0x2f: {  	lr =	sadd.s32 s0, s3;
	s0 =	sld [smem:$0x3FAD]  }
0x30: {  	s3 =	sld [smem:$0x3FB0]  }
0x31: {  	[smem:$0x3FB9] =	sst s10  }
0x32: {  	s10 =	sld [smem:$0x3FB7];
	_ =	sdelay $0x3  }
0x33: {  	p0 =	seq.s32 s10, $0x1;
	s10 =	sld [smem:$0x3FB9];
	_ =	sdelay $0x3  }
0x34: {  	[smem:$0x3FB9] =	sst s10  }
0x35: {  	s10 =	sld [smem:$0x3FB8];
	_ =	sdelay $0x3  }
0x36: {  	p1 =	seq.s32 s10, $0x1;
	s10 =	sld [smem:$0x3FB9];
	_ =	sdelay $0x3  }
0x37: {  	[smem:$0x3FB9] =	sst s10  }
0x38: {  	s10 =	sld [smem:$0x3FBA]  }
0x39: {  	_ = 	snop;
	(pc) =	sbr.ind lr, $3  }
0x3a: {  	_ = 	snop  }
0x3b: {  	_ = 	snop  }
0x3c: {  	p2 =	seq.s32 s10, $0x1;
	s10 =	sld [smem:$0x3FB9]  }
0x3d: {  	_ =	shalt  }
0x3e: {  	_ =	shalt  }
0x3f: {  	_ =	shalt  }
0x40: {  	_ =	shalt  }
0x41: {  	_ =	shalt  }
0x42: {  	_ =	shalt  }
0x43: {  	_ =	shalt  }
0x44: {  	_ =	shalt  }
0x45: {  	_ =	shalt  }
0x46: {  	_ =	shalt  }
0x47: {  	_ =	shalt  }
0x48: {  	_ =	shalt  }
0x49: {  	_ =	shalt  }
0x4a: {  	_ =	shalt  }
0x4b: {  	_ =	shalt  }
0x4c: {  	_ =	shalt  }
0x4d: {  	_ =	shalt  }
0x4e: {  	_ =	shalt  }
0x4f: {  	_ =	shalt  }
0x50: {  	_ =	shalt  }
0x51: {  	_ =	shalt  }
0x52: {  	_ =	shalt  }
0x53: {  	_ =	shalt  }
0x54: {  	_ =	shalt  }
0x55: {  	_ =	shalt  }
0x56: {  	_ =	shalt  }
0x57: {  	_ =	shalt  }
0x58: {  	_ =	shalt  }
0x59: {  	_ =	shalt  }
0x5a: {  	_ =	shalt  }
0x5b: {  	_ =	shalt  }
0x5c: {  	_ =	shalt  }
0x5d: {  	_ =	shalt  }
0x5e: {  	_ =	shalt  }
0x5f: {  	_ =	shalt  }
0x60: {  	_ =	shalt  }
0x61: {  	_ =	shalt  }
0x62: {  	_ =	shalt  }
0x63: {  	_ =	shalt  }
0x64: {  	_ =	shalt  }
0x65: {  	_ =	shalt  }
0x66: {  	_ =	shalt  }
0x67: {  	_ =	shalt  }
0x68: {  	_ =	shalt  }
0x69: {  	_ =	shalt  }
0x6a: {  	_ =	shalt  }
0x6b: {  	_ =	shalt  }
0x6c: {  	_ =	shalt  }
0x6d: {  	_ =	shalt  }
0x6e: {  	_ =	shalt  }
0x6f: {  	_ =	shalt  }
0x70: {  	_ =	shalt  }
0x71: {  	_ =	shalt  }
0x72: {  	_ =	shalt  }
0x73: {  	_ =	shalt  }
0x74: {  	_ =	shalt  }
0x75: {  	_ =	shalt  }
0x76: {  	_ =	shalt  }
0x77: {  	_ =	shalt  }
0x78: {  	_ =	shalt  }
0x79: {  	_ =	shalt  }
0x7a: {  	_ =	shalt  }
0x7b: {  	_ =	shalt  }
0x7c: {  	_ =	shalt  }
0x7d: {  	_ =	shalt  }
0x7e: {  	_ =	shalt  }
0x7f: {  	_ =	shalt  }
0x80: {  	_ =	shalt  }
0x81: {  	_ =	shalt  }
0x82: {  	_ =	shalt  }
0x83: {  	_ =	shalt  }
0x84: {  	_ =	shalt  }
0x85: {  	_ =	shalt  }
0x86: {  	_ =	shalt  }
0x87: {  	_ =	shalt  }
.Lfunc_end0:
.L_simem_size_0:
called_computation_lowered:
.L_overlay_start_0:
0x88: {  	s2 =	sld [smem:$0x3FD9]  }
0x89: {  	s3 =	sld [smem:$0x3FFE];
	_ =	sdelay $0x1  }
0x8a: {  	s1 =	srdreg.scid  }
0x8b: {  	s0 =	sand.u32 $0x1, s1  }
0x8c: {  	s17 =	sshll.u32 s0, $0xA;
	s2 =	sadd.s32 s3, s2  }
0x8d: {  	s2 =	sadd.s32 s2, s17  }
0x8e: {  	[smem:$0x3FC5] =	sst s2  }
0x8f: {  	_ = 	snop  }
0x90: {  	s2 =	sld [smem:$0x3FC8]  }
0x91: {  	s18 =	sld [smem:$0x3FD0];
	(tm) =	ssettm $0x1  }
0x92: {  	s4 =	sld [smem:$0x3FFB];
	_ =	sdelay $0x3  }
0x93: {  	_ =	strace s4  }
0x94: {  	s4 =	sld [smem:$0x3FFC];
	_ =	sdelay $0x3  }
0x95: {  	_ =	strace s4  }
0x96: {  	s4 =	sld [smem:$0x3FFD];
	_ =	sdelay $0x3  }
0x97: {  	_ =	strace s4  }
0x98: {  	_ =	strace $0x8FFFFFFF  }
0x99: {  	s19 =	sld [smem:$0x3FDB];
	_ =	sdelay $0x1  }
0x9a: {  	s5 =	simm.s32 $_scs_section_size  }
0x9b: {  	s6 =	simm.s32 $_size__tile_overlayer_lowered;
	s7 =	simm.s32 $_tile_overlayer_lowered  }
0x9c: {  	s22 =	simm.s32 $0x1BFF;
	s21 =	sshll.u32 s7, $0x1;
	s4 =	sadd.s32 s5, s19  }
0x9d: {  	s8 =	simm.s32 $0x0;
	s20 =	sshll.u32 s6, $0x1;
	s6 =	sadd.s32 s21, s4  }
0x9e: {  	[timem:s8], [sflag:s22] =	dma.local [hbm:s6], s20  }
0x9f: {  	_ =	swait.ge [sflag:s22], s20  }
0xa0: {  	s5 =	ssub.s32 $0x0, s20;
	[sflag:s22] =	ssyncset.done $0x0  }
0xa1: {  	[sflag:s22] =	ssyncadd.s32 s5;
	_ =	sdelay $0x1  }
0xa2: {  	s23 =	simm.s32 $0x1B8B  }
0xa3: {  	_ =	swait.ge [sflag:s23], $0x1  }
0xa4: {  	[sflag:s23] =	ssyncset.done $0x0  }
0xa5: {  	s25 =	simm.s32 $0x1B8E;
	s24 =	sld [smem:$0x3FFE];
	[sflag:s23] =	ssyncadd.s32 $0xFFFFFFFF  }
0xa6: {  	s26 =	simm.s32 $execute0_lowered;
	[smem:$0x3FD2] =	sst s25  }
0xa7: {  	s6 =	sshll.u32 s26, $0x1;
	_ =	strace $0x80000046;
	[dreg:$0x1] =	wrdreg $0xFFFFFFFF  }
0xa8: {  	s28 =	simm.s32 $_size_execute0_lowered;
	s4 =	sadd.s32 s4, s6;
	[dreg:$0x0] =	wrdreg $0x0  }
0xa9: {  	s6 =	sshll.u32 s28, $0x1;
	[dreg:$0x2] =	wrdreg s4  }
0xaa: {  	[dreg:$0x3] =	wrdreg s6  }
0xab: {  	[dreg:$0x4] =	wrdreg $0xC0  }
0xac: {  	_ =	task [dreg:s8], $0x5FFFF  }
0xad: {  	[dreg:$0x1] =	wrdreg $0xFFFFFFFF  }
0xae: {  	[dreg:$0x0] =	wrdreg $0x60  }
0xaf: {  	[dreg:$0x2] =	wrdreg s24  }
0xb0: {  	[dreg:$0x3] =	wrdreg s2  }
0xb1: {  	[dreg:$0x4] =	wrdreg s18  }
0xb2: {  	[dreg:$0x5] =	wrdreg $0x9  }
0xb3: {  	_ =	task.clear_ibuf [dreg:s8], $0x6FFFF;
	_ =	strace $0x90000046  }
0xb4: {  	s29 =	simm.s32 $0x9;
	_ =	strace $0x80000048  }
0xb5: {  	_ =	swait.ge [sflag:s29], $0x1  }
0xb6: {  	[sflag:s29] =	ssyncadd.s32 $0xFFFFFFFF  }
0xb7: {  	_ =	strace $0x90000048  }
0xb8: {  	_ =	sfence  }
0xb9: {  	s30 =	sld [smem:$0x0];
	_ =	sdelay $0x2  }
0xba: {  	s31 =	sshll.u32 s1, $0xD;
	s1 =	sshrl.u32 s1, $0x2  }
0xbb: {  	s3 =	sand.u32 $0x4000, s31;
	s1 =	sadd.s32 s1, s30  }
0xbc: {  	s0 =	sor.u32 s3, s0;
	s1 =	sshll.u32 s1, $0x11  }
0xbd: {  	s0 =	sor.u32 s1, s0  }
0xbe: {  	s0 =	sadd.s32 $0x8F2B, s0  }
0xbf: {  	[sflag:s0] =	ssyncadd.remote.s32 $0x1  }
0xc0: {  	_ =	sfence.sel $0xFFFF  }
0xc1: {  	[dreg:$0x0] =	wrdreg $0xFFFFFFFF;
	(pc) =	sbr.abs _section_cstart, $3  }
0xc2: {  	[dreg:$0x1] =	wrdreg $0xFFFFFFFF  }
0xc3: {  	_ =	task.clear_ibuf [dreg:s8], $0x2FFFF;
	_ =	strace $0x9FFFFFFF  }
0xc4: {  	(tm) =	ssettm $0x7FFFFFFF  }
0xc5: {  	_ =	shalt  }
tec
execute0_lowered:
.L_overlay_start_1:
0x0: {  	(tag) =	ssettag $0x1  }
0x1: {  	s0 =	srdreg.scid;
	s4 =	rddreg [dreg:$0x0]  }
0x2: {  	s1 =	stileid.u32;
	s2 =	rddreg [dreg:$0x1]  }
0x3: {  	s23 =	rddreg [dreg:$0x2];
	s0 =	sand.u32 $0x1, s0;
	s1 =	sshll.u32 s1, $0x1  }
0x4: {  	s3 =	simm.s32 $0x0;
	s30 =	simm.s32 $0x3;
	s1 =	sor.u32 s0, s1  }
0x5: {  	s31 =	simm.s32 $0x1;
	s0 =	ssub.s32 $0x2, s0;
	s1 =	smul.u32 $0x7A10, s1  }
0x6: {  	s26 =	simm.s32 $0x0;
	[smem:$0x7FF] =	sst s3;
	s5 =	sshrl.u32 s0, $0x1  }
0x7: {  	_ =	strace $0x80000047;
	s0 =	ssub.s32 s0, s5;
	s1 =	smin.u32 s1, $0xEC740  }
0x8: {  	s24 =	smax.u32 s0, $0x1;
	s0 =	simm.s32 $0x2;
	s1 =	sshrl.u32 s1, $0x3  }
0x9: {  	s22 =	sadd.s32 s1, s4;
	s4 =	sadd.s32 $0x5C000, s4;
	s23 =	sadd.s32 s23, s1  }
0xa: {  	s1 =	simm.s32 $0x80;
	[dreg:$0x4] =	wrdreg s4;
	s5 =	sadd.s32 $0x600, s22  }
0xb: {  	s6 =	sadd.s32 $0x1EE48, s22;
	s7 =	sadd.s32 $0x3D690, s22;
	s8 =	sadd.s32 $0x890, s22  }
0xc: {  	s9 =	sadd.s32 $0x1F0D8, s22;
	s10 =	sadd.s32 $0x3D920, s22;
	s11 =	sadd.s32 $0xB20, s22  }
0xd: {  	s12 =	sadd.s32 $0x1F368, s22;
	s13 =	sadd.s32 $0x3DBB0, s22;
	s14 =	sadd.s32 $0xDB0, s22  }
0xe: {  	s15 =	sadd.s32 $0x1F5F8, s22;
	s16 =	sadd.s32 $0x3DE40, s22;
	s17 =	sadd.s32 $0x1040, s22  }
0xf: {  	s18 =	sadd.s32 $0x1F888, s22;
	s19 =	sadd.s32 $0x3E0D0, s22;
	s20 =	sadd.s32 $0x12D0, s22  }
0x10: {  	v0 =	vimm.f32 $-1.000000000e+01;
	s21 =	sadd.s32 $0x1FB18, s22;
	s22 =	sadd.s32 $0x3E360, s22;
	s4 =	simm.s32 $0x7B00  }
.LBB2_1:
0x11: {  	[tilespmem:s3], [sflag:$0x1] =	stream.linear.gather [hbm4b:s5+s3], $0x1480, $0x38;
	[tilespmem:$0x1F400] =	vst v63  }
0x12: {  	_ = 	snop  }
0x13: {  	[tilespmem:s4], [sflag:$0x1] =	stream.linear.gather [hbm4b:s6+s3], $0x1480, $0x38;
	[tilespmem:$0x1F400] =	vst v63  }
0x14: {  	s25 =	simm.s32 $0xF600  }
0x15: {  	[tilespmem:s25], [sflag:$0x1] =	stream.linear.gather [hbm4b:s7+s3], $0x1480, $0x38;
	[tilespmem:$0x1F400] =	vst v63  }
0x16: {  	s25 =	simm.s32 $0x1480  }
0x17: {  	[tilespmem:s25], [sflag:$0x1] =	stream.linear.gather [hbm4b:s8+s3], $0x1480, $0x38;
	[tilespmem:$0x1F400] =	vst v63  }
0x18: {  	s25 =	simm.s32 $0x8F80  }
0x19: {  	[tilespmem:s25], [sflag:$0x1] =	stream.linear.gather [hbm4b:s9+s3], $0x1480, $0x38;
	[tilespmem:$0x1F400] =	vst v63  }
0x1a: {  	s25 =	simm.s32 $0x10A80  }
0x1b: {  	[tilespmem:s25], [sflag:$0x1] =	stream.linear.gather [hbm4b:s10+s3], $0x1480, $0x38;
	[tilespmem:$0x1F400] =	vst v63  }
0x1c: {  	s25 =	simm.s32 $0x2900  }
0x1d: {  	[tilespmem:s25], [sflag:$0x1] =	stream.linear.gather [hbm4b:s11+s3], $0x1480, $0x38;
	[tilespmem:$0x1F400] =	vst v63  }
0x1e: {  	s25 =	simm.s32 $0xA400  }
0x1f: {  	[tilespmem:s25], [sflag:$0x1] =	stream.linear.gather [hbm4b:s12+s3], $0x1480, $0x38;
	[tilespmem:$0x1F400] =	vst v63  }
0x20: {  	s25 =	simm.s32 $0x11F00  }
0x21: {  	[tilespmem:s25], [sflag:$0x1] =	stream.linear.gather [hbm4b:s13+s3], $0x1480, $0x38;
	[tilespmem:$0x1F400] =	vst v63  }
0x22: {  	s25 =	simm.s32 $0x3D80  }
0x23: {  	[tilespmem:s25], [sflag:$0x1] =	stream.linear.gather [hbm4b:s14+s3], $0x1480, $0x38;
	[tilespmem:$0x1F400] =	vst v63  }
0x24: {  	s25 =	simm.s32 $0xB880  }
0x25: {  	[tilespmem:s25], [sflag:$0x1] =	stream.linear.gather [hbm4b:s15+s3], $0x1480, $0x38;
	[tilespmem:$0x1F400] =	vst v63  }
0x26: {  	s25 =	simm.s32 $0x13380  }
0x27: {  	[tilespmem:s25], [sflag:$0x1] =	stream.linear.gather [hbm4b:s16+s3], $0x1480, $0x38;
	[tilespmem:$0x1F400] =	vst v63  }
0x28: {  	s25 =	simm.s32 $0x5200  }
0x29: {  	[tilespmem:s25], [sflag:$0x1] =	stream.linear.gather [hbm4b:s17+s3], $0x1480, $0x38;
	[tilespmem:$0x1F400] =	vst v63  }
0x2a: {  	s25 =	simm.s32 $0xCD00  }
0x2b: {  	[tilespmem:s25], [sflag:$0x1] =	stream.linear.gather [hbm4b:s18+s3], $0x1480, $0x38;
	[tilespmem:$0x1F400] =	vst v63  }
0x2c: {  	s25 =	simm.s32 $0x14800  }
0x2d: {  	[tilespmem:s25], [sflag:$0x1] =	stream.linear.gather [hbm4b:s19+s3], $0x1480, $0x38;
	[tilespmem:$0x1F400] =	vst v63  }
0x2e: {  	s25 =	simm.s32 $0x6680  }
0x2f: {  	[tilespmem:s25], [sflag:$0x1] =	stream.linear.gather [hbm4b:s20+s3], $0x1480, $0x38;
	[tilespmem:$0x1F400] =	vst v63  }
0x30: {  	s25 =	simm.s32 $0xE180  }
0x31: {  	[tilespmem:s25], [sflag:$0x1] =	stream.linear.gather [hbm4b:s21+s3], $0x1480, $0x38;
	[tilespmem:$0x1F400] =	vst v63  }
0x32: {  	s25 =	simm.s32 $0x15C80  }
0x33: {  	[tilespmem:s25], [sflag:$0x1] =	stream.linear.gather [hbm4b:s22+s3], $0x1480, $0x38;
	[tilespmem:$0x1F400] =	vst v63  }
0x34: {  	s4 =	rddreg [dreg:$0x4];
	s25 =	simm.s32 $0x1EC00  }
0x35: {  	[tilespmem:s25], [sflag:$0x3] =	stream.linear.gather [hbm4b:s4+s3], $0x480, $0x38;
	[tilespmem:$0x1F400] =	vst v63  }
0x36: {  	_ =	swait.ge [sflag:s30], $0x480  }
0x37: {  	[sflag:s30] =	ssyncset.done $0x0  }
0x38: {  	[sflag:s30] =	ssyncadd.s32 $0xFFFFFB80  }
0x39: {  	v1 =	vld [tilespmem:$0x1EC00]  }
0x3a: {  	v2 =	vld [tilespmem:$0x1EC80]  }
0x3b: {  	v3 =	vld [tilespmem:$0x1ED00];
	_ =	swait.ge [sflag:s31], $0x3D80  }
0x3c: {  	[sflag:s31] =	ssyncset.done $0x0  }
0x3d: {  	s28 =	simm.s32 $0x0;
	[sflag:s31] =	ssyncadd.s32 $0xFFFFC280  }
0x3e: {  	v4 =	vld [tilespmem:s28+$0xF600]  }
0x3f: {  	v5 =	vld [tilespmem:s28+$0xF610]  }
0x40: {  	v6 =	vld [tilespmem:s28+$0xF620];
	_ =	sdelay $0x2  }
0x41: {  	v7 =	vld [tilespmem:s28+$0xF630];
	v4 =	vsub.f32 v4, v3  }
0x42: {  	v8 =	vld [tilespmem:s28+$0xF640];
	v5 =	vsub.f32 v5, v3  }
0x43: {  	v6 =	vsub.f32 v6, v3;
	v4 =	vmul.f32 $2.560000000e+02, v4  }
0x44: {  	v5 =	vmul.f32 $2.560000000e+02, v5  }
0x45: {  	v6 =	vmul.f32 $2.560000000e+02, v6;
	v4 =	vtrunc.f32 v4  }
0x46: {  	v9 =	vcvt.f32.s32 v4;
	v4 =	vtrunc.f32 v5;
	v5 =	vsub.f32 v7, v3;
	v7 =	vld [tilespmem:s28+$0xF650]  }
0x47: {  	v13 =	vld [tilespmem:s28+$0x0];
	v11 =	vcvt.f32.s32 v4;
	v4 =	vtrunc.f32 v6;
	v6 =	vsub.f32 v8, v3  }
0x48: {  	v8 =	vld [tilespmem:s28+$0xF660];
	v10 =	vadd.s32 $0xFFFFFFFF, v9;
	v12 =	vcvt.f32.s32 v4;
	v4 =	vmul.f32 $2.560000000e+02, v5  }
0x49: {  	v5 =	vld [tilespmem:s28+$0xF670];
	vm7 =	vlt.u32 v10, $0xFE;
	v10 =	vadd.s32 $0xFFFFFFFF, v11;
	v6 =	vmul.f32 $2.560000000e+02, v6  }
0x4a: {  	vm6 =	vlt.u32 v10, $0xFE;
	v10 =	vadd.s32 $0xFFFFFFFF, v12;
	v4 =	vtrunc.f32 v4  }
0x4b: {  	v14 =	vcvt.f32.s32 v4;
	v4 =	vtrunc.f32 v6;
	v6 =	vsub.f32 v7, v3  }
0x4c: {  	vm5 =	vlt.u32 v10, $0xFE;
	v10 =	vcvt.f32.s32 v4  }
0x4d: {  	v7 =	vld [tilespmem:s28+$0x7B00];
	v4 =	vsub.f32 v8, v3;
	v8 =	vadd.s32 $0xFFFFFFFF, v14;
	v6 =	vmul.f32 $2.560000000e+02, v6  }
0x4e: {  	v13 =	vsub.f32 v13, v1;
	v5 =	vsub.f32 v5, v3;
	vm4 =	vlt.u32 v8, $0xFE  }
0x4f: {  	v8 =	vadd.s32 $0xFFFFFFFF, v10;
	v4 =	vmul.f32 $2.560000000e+02, v4;
	v6 =	vtrunc.f32 v6  }
0x50: {  	v5 =	vmul.f32 $2.560000000e+02, v5;
	vm3 =	vlt.u32 v8, $0xFE;
	v8 =	vmul.f32 $2.560000000e+02, v13  }
0x51: {  	v6 =	vcvt.f32.s32 v6;
	v4 =	vtrunc.f32 v4  }
0x52: {  	v13 =	vld [tilespmem:s28+$0x10];
	v7 =	vsub.f32 v7, v2;
	v15 =	vtrunc.f32 v5;
	v5 =	vcvt.f32.s32 v4  }
0x53: {  	v16 =	vld [tilespmem:s28+$0x7B10];
	v8 =	vtrunc.f32 v8;
	v4 =	vcvt.f32.s32 v15  }
0x54: {  	v17 =	vadd.s32 $0xFFFFFFFF, v6;
	v7 =	vmul.f32 $2.560000000e+02, v7;
	v8 =	vcvt.f32.s32 v8  }
0x55: {  	vm2 =	vlt.u32 v17, $0xFE;
	v15 =	vadd.s32 $0xFFFFFFFF, v5;
	v17 =	vadd.s32 $0xFFFFFFFF, v4  }
0x56: {  	v7 =	vtrunc.f32 v7;
	vm1 =	vlt.u32 v15, $0xFE;
	v15 =	vadd.s32 $0xFFFFFFFF, v8  }
0x57: {  	v13 =	vsub.f32 v13, v1;
	vm0 =	vlt.u32 v17, $0xFE;
	v7 =	vcvt.f32.s32 v7;
	v17 =	vld [tilespmem:s28+$0x20]  }
0x58: {  	v8 =	vshll.u32 v8, $0x10;
	vm8 =	vlt.u32 v15, $0xFE;
	v15 =	vsub.f32 v16, v2;
	v16 =	vld [tilespmem:s28+$0x7B20]  }
0x59: {  	v13 =	vmul.f32 $2.560000000e+02, v13;
	v18 =	vshll.u32 v7, $0x8;
	v7 =	vadd.s32 $0xFFFFFFFF, v7  }
0x5a: {  	v8 =	vadd.s32 v8, v18;
	vm9 =	vlt.u32 v7, $0xFE;
	v7 =	vmul.f32 $2.560000000e+02, v15  }
0x5b: {  	v8 =	vadd.s32 v9, v8;
	vm8 =	vmand vm8, vm9;
	v9 =	vtrunc.f32 v13  }
0x5c: {  	vm7 =	vmand vm8, vm7;
	v9 =	vcvt.f32.s32 v9  }
0x5d: {  	v7 =	vtrunc.f32 v7;
	v15 =	vsub.f32 v17, v1;
	v16 =	vsub.f32 v16, v2  }
0x5e: {  	v17 =	vld [tilespmem:s28+$0x30];
	v13 =	vcvt.f32.s32 v7;
	v7 =	vnsel vm7, $0xFFFFFFFF, v8;
	v8 =	vshll.u32 v9, $0x10  }
0x5f: {  	v9 =	vadd.s32 $0xFFFFFFFF, v9;
	v15 =	vmul.f32 $2.560000000e+02, v15;
	v16 =	vmul.f32 $2.560000000e+02, v16  }
0x60: {  	v18 =	vshll.u32 v13, $0x8;
	vm12 =	vlt.u32 v9, $0xFE;
	v9 =	vadd.s32 $0xFFFFFFFF, v13;
	v13 =	vld [tilespmem:s28+$0x7B30]  }
0x61: {  	vm13 =	vlt.u32 v9, $0xFE;
	v9 =	vtrunc.f32 v15;
	v15 =	vtrunc.f32 v16  }
0x62: {  	v8 =	vadd.s32 v8, v18;
	v9 =	vcvt.f32.s32 v9;
	v15 =	vcvt.f32.s32 v15  }
0x63: {  	v8 =	vadd.s32 v11, v8;
	v11 =	vsub.f32 v17, v1  }
0x64: {  	v18 =	vld [tilespmem:s28+$0x40];
	vm7 =	vmand vm12, vm13;
	v16 =	vshll.u32 v9, $0x10;
	v17 =	vshll.u32 v15, $0x8  }
0x65: {  	v9 =	vadd.s32 $0xFFFFFFFF, v9;
	v11 =	vmul.f32 $2.560000000e+02, v11;
	v13 =	vsub.f32 v13, v2  }
0x66: {  	v15 =	vadd.s32 $0xFFFFFFFF, v15;
	v16 =	vadd.s32 v16, v17;
	vm14 =	vlt.u32 v9, $0xFE  }
0x67: {  	vm15 =	vlt.u32 v15, $0xFE;
	v15 =	vld [tilespmem:s28+$0x7B40];
	v9 =	vtrunc.f32 v11;
	v11 =	vmul.f32 $2.560000000e+02, v13  }
0x68: {  	vm6 =	vmand vm7, vm6;
	vm7 =	vmand vm14, vm15;
	v12 =	vadd.s32 v12, v16  }
0x69: {  	v16 =	vsub.f32 v18, v1;
	v13 =	vcvt.f32.s32 v9;
	v11 =	vtrunc.f32 v11  }
0x6a: {  	v18 =	vld [tilespmem:s28+$0x7B50];
	vm5 =	vmand vm7, vm5;
	v9 =	vnsel vm6, $0xFFFFFFFF, v8;
	v11 =	vcvt.f32.s32 v11  }
0x6b: {  	v8 =	vnsel vm5, $0xFFFFFFFF, v12;
	v12 =	vadd.s32 $0xFFFFFFFF, v13;
	v13 =	vshll.u32 v13, $0x10  }
0x6c: {  	vm12 =	vlt.u32 v12, $0xFE;
	v12 =	vsub.f32 v15, v2;
	v15 =	vld [tilespmem:s28+$0x50];
	v17 =	vshll.u32 v11, $0x8  }
0x6d: {  	v16 =	vmul.f32 $2.560000000e+02, v16;
	v11 =	vadd.s32 $0xFFFFFFFF, v11;
	v13 =	vadd.s32 v13, v17  }
0x6e: {  	vm13 =	vlt.u32 v11, $0xFE;
	v11 =	vmul.f32 $2.560000000e+02, v12;
	v12 =	vadd.s32 v14, v13  }
0x6f: {  	vm5 =	vmand vm12, vm13;
	v13 =	vtrunc.f32 v16;
	v16 =	vsub.f32 v18, v2  }
0x70: {  	vm4 =	vmand vm5, vm4;
	v13 =	vcvt.f32.s32 v13;
	v14 =	vtrunc.f32 v11  }
0x71: {  	[tilespmem:s28+$0x7B10] =	vst v0;
	v11 =	vnsel vm4, $0xFFFFFFFF, v12;
	v12 =	vcvt.f32.s32 v14;
	v14 =	vsub.f32 v15, v1  }
0x72: {  	[tilespmem:s28+$0x7B00] =	vst v0;
	v17 =	vld [tilespmem:s28+$0x60];
	v16 =	vmul.f32 $2.560000000e+02, v16;
	v15 =	vshll.u32 v13, $0x10  }
0x73: {  	[tilespmem:s28+$0x7B20] =	vst v0;
	v13 =	vadd.s32 $0xFFFFFFFF, v13;
	v18 =	vshll.u32 v12, $0x8;
	v14 =	vmul.f32 $2.560000000e+02, v14  }
0x74: {  	[tilespmem:s28+$0x7B30] =	vst v0;
	vm14 =	vlt.u32 v13, $0xFE;
	v12 =	vadd.s32 $0xFFFFFFFF, v12;
	v13 =	vld [tilespmem:s28+$0x7B60];
	v15 =	vadd.s32 v15, v18  }
0x75: {  	[tilespmem:s28+$0x7B40] =	vst v0;
	vm15 =	vlt.u32 v12, $0xFE;
	v10 =	vadd.s32 v10, v15;
	v12 =	vtrunc.f32 v14  }
0x76: {  	[tilespmem:s28+$0x7B50] =	vst v0;
	vm4 =	vmand vm14, vm15;
	v14 =	vtrunc.f32 v16;
	v18 =	vcvt.f32.s32 v12  }
0x77: {  	[tilespmem:s28+$0x7B60] =	vst v0;
	v16 =	vsub.f32 v17, v1;
	v12 =	vld [tilespmem:s28+$0x70];
	vm3 =	vmand vm4, vm3;
	v15 =	vcvt.f32.s32 v14  }
0x78: {  	s29 =	simm.s32 $0x200;
	v14 =	vld [tilespmem:s28+$0x7B70];
	[tilespmem:s28+$0x7B70] =	vst v0;
	v10 =	vnsel vm3, $0xFFFFFFFF, v10;
	v17 =	vshll.u32 v18, $0x10;
	v18 =	vadd.s32 $0xFFFFFFFF, v18  }
.LBB2_2:
0x79: {  	p0 =	sne.s32 s29, $0x5000;
	v19 =	vshll.u32 v15, $0x8;
	v16 =	vmul.f32 $2.560000000e+02, v16;
	v13 =	vsub.f32 v13, v2  }
0x7a: {  	vm3 =	vlt.u32 v18, $0xFE;
	v15 =	vadd.s32 $0xFFFFFFFF, v15;
	v17 =	vadd.s32 v17, v19  }
0x7b: {  	vm4 =	vlt.u32 v15, $0xFE;
	v15 =	vtrunc.f32 v16;
	v13 =	vmul.f32 $2.560000000e+02, v13  }
0x7c: {  	v6 =	vadd.s32 v6, v17;
	vm3 =	vmand vm3, vm4;
	v15 =	vcvt.f32.s32 v15  }
0x7d: {  	v12 =	vsub.f32 v12, v1;
	v13 =	vtrunc.f32 v13;
	v14 =	vsub.f32 v14, v2  }
0x7e: {  	vm2 =	vmand vm3, vm2;
	v13 =	vcvt.f32.s32 v13;
	v16 =	vshll.u32 v15, $0x10  }
0x7f: {  	v15 =	vadd.s32 $0xFFFFFFFF, v15;
	v12 =	vmul.f32 $2.560000000e+02, v12;
	v14 =	vmul.f32 $2.560000000e+02, v14  }
0x80: {  	vm3 =	vlt.u32 v15, $0xFE;
	v17 =	vshll.u32 v13, $0x8;
	v13 =	vadd.s32 $0xFFFFFFFF, v13  }
0x81: {  	v12 =	vtrunc.f32 v12;
	v15 =	vadd.s32 v16, v17;
	v14 =	vtrunc.f32 v14  }
0x82: {  	vm4 =	vlt.u32 v13, $0xFE;
	[tilespmem:s28+$0x17100] =	vst v7;
	v7 =	vcvt.f32.s32 v12;
	v12 =	vcvt.f32.s32 v14  }
0x83: {  	v6 =	vnsel vm2, $0xFFFFFFFF, v6;
	v5 =	vadd.s32 v5, v15;
	vm2 =	vmand vm3, vm4;
	[tilespmem:s28+$0x17110] =	vst v9  }
0x84: {  	[tilespmem:s28+$0x17120] =	vst v8;
	v8 =	vshll.u32 v7, $0x10;
	v7 =	vadd.s32 $0xFFFFFFFF, v7;
	v9 =	vadd.s32 $0xFFFFFFFF, v12  }
0x85: {  	[tilespmem:s28+$0x17130] =	vst v11;
	v11 =	vshll.u32 v12, $0x8;
	vm3 =	vlt.u32 v7, $0xFE;
	vm4 =	vlt.u32 v9, $0xFE  }
0x86: {  	vm1 =	vmand vm2, vm1;
	[tilespmem:s28+$0x17140] =	vst v10;
	v7 =	vadd.s32 v8, v11;
	vm2 =	vmand vm3, vm4  }
0x87: {  	v5 =	vnsel vm1, $0xFFFFFFFF, v5;
	[tilespmem:s28+$0x17150] =	vst v6;
	v4 =	vadd.s32 v4, v7;
	vm0 =	vmand vm2, vm0  }
0x88: {  	[tilespmem:s28+$0x17160] =	vst v5;
	v4 =	vnsel vm0, $0xFFFFFFFF, v4  }
0x89: {  	s25 =	sshra.s32 s29, $0x2;
	[tilespmem:s28+$0x17170] =	vst v4;
	(ifvalue) =	ssetifvalue $0xFFFFFFFF  }
0x8a: {  	s4 =	sadd.s32 $0x7B00, s28;
	s28 =	sadd.s32 $0x17100, s28;
	(ifvalue) =	ssetifvalue $0xFFFFFFFF  }
0x8b: {  	[tilespmem:s4], [sflag:$0x2] =	stream.indirect.gather [hbm4b:s2+s1], $0x1, s28, s1, $0x40b8;
	[tilespmem:$0x1F400] =	vst v63  }
0x8c: {  	s28 =	smov.u32 s25;
	v4 =	vld [tilespmem:s25+$0xF600]  }
0x8d: {  	v5 =	vld [tilespmem:s28+$0xF610]  }
0x8e: {  	v6 =	vld [tilespmem:s28+$0xF620];
	_ =	sdelay $0x2  }
0x8f: {  	v4 =	vsub.f32 v4, v3;
	v7 =	vld [tilespmem:s28+$0xF630]  }
0x90: {  	v5 =	vsub.f32 v5, v3;
	v8 =	vld [tilespmem:s28+$0xF640]  }
0x91: {  	v4 =	vmul.f32 $2.560000000e+02, v4;
	v6 =	vsub.f32 v6, v3  }
0x92: {  	v5 =	vmul.f32 $2.560000000e+02, v5  }
0x93: {  	v4 =	vtrunc.f32 v4;
	v6 =	vmul.f32 $2.560000000e+02, v6  }
0x94: {  	v9 =	vcvt.f32.s32 v4;
	v4 =	vtrunc.f32 v5;
	v5 =	vsub.f32 v7, v3;
	v7 =	vld [tilespmem:s28+$0xF650]  }
0x95: {  	v12 =	vcvt.f32.s32 v4;
	v4 =	vtrunc.f32 v6;
	v6 =	vsub.f32 v8, v3;
	v13 =	vld [tilespmem:s28+$0xF660]  }
0x96: {  	v10 =	vadd.s32 $0xFFFFFFFF, v9;
	v8 =	vcvt.f32.s32 v4;
	v4 =	vmul.f32 $2.560000000e+02, v5;
	v5 =	vld [tilespmem:s28+$0xF670]  }
0x97: {  	vm7 =	vlt.u32 v10, $0xFE;
	v10 =	vadd.s32 $0xFFFFFFFF, v12;
	v6 =	vmul.f32 $2.560000000e+02, v6  }
0x98: {  	v14 =	vld [tilespmem:s28+$0x0];
	vm6 =	vlt.u32 v10, $0xFE;
	v10 =	vadd.s32 $0xFFFFFFFF, v8;
	v4 =	vtrunc.f32 v4  }
0x99: {  	v11 =	vcvt.f32.s32 v4;
	v4 =	vtrunc.f32 v6;
	v6 =	vsub.f32 v7, v3  }
0x9a: {  	vm5 =	vlt.u32 v10, $0xFE;
	v7 =	vld [tilespmem:s28+$0x7B00];
	[tilespmem:s28+$0x7B00] =	vst v0;
	v10 =	vcvt.f32.s32 v4;
	v4 =	vsub.f32 v13, v3  }
0x9b: {  	v13 =	vadd.s32 $0xFFFFFFFF, v11;
	v6 =	vmul.f32 $2.560000000e+02, v6;
	v5 =	vsub.f32 v5, v3  }
0x9c: {  	vm4 =	vlt.u32 v13, $0xFE;
	v13 =	vadd.s32 $0xFFFFFFFF, v10;
	v4 =	vmul.f32 $2.560000000e+02, v4  }
0x9d: {  	v14 =	vsub.f32 v14, v1;
	v6 =	vtrunc.f32 v6;
	v5 =	vmul.f32 $2.560000000e+02, v5  }
0x9e: {  	vm3 =	vlt.u32 v13, $0xFE;
	v6 =	vcvt.f32.s32 v6;
	v4 =	vtrunc.f32 v4  }
0x9f: {  	v13 =	vmul.f32 $2.560000000e+02, v14;
	v7 =	vsub.f32 v7, v2;
	v14 =	vld [tilespmem:s28+$0x10];
	v15 =	vtrunc.f32 v5  }
0xa0: {  	v5 =	vcvt.f32.s32 v4;
	v16 =	vld [tilespmem:s28+$0x7B10];
	[tilespmem:s28+$0x7B10] =	vst v0;
	v17 =	vadd.s32 $0xFFFFFFFF, v6;
	v4 =	vcvt.f32.s32 v15  }
0xa1: {  	v13 =	vtrunc.f32 v13;
	v7 =	vmul.f32 $2.560000000e+02, v7;
	vm2 =	vlt.u32 v17, $0xFE  }
0xa2: {  	v15 =	vadd.s32 $0xFFFFFFFF, v5;
	v13 =	vcvt.f32.s32 v13;
	v17 =	vadd.s32 $0xFFFFFFFF, v4  }
0xa3: {  	vm1 =	vlt.u32 v15, $0xFE;
	v7 =	vtrunc.f32 v7;
	vm0 =	vlt.u32 v17, $0xFE  }
0xa4: {  	v7 =	vcvt.f32.s32 v7;
	v15 =	vadd.s32 $0xFFFFFFFF, v13;
	v14 =	vsub.f32 v14, v1;
	v17 =	vld [tilespmem:s28+$0x20]  }
0xa5: {  	v13 =	vshll.u32 v13, $0x10;
	vm8 =	vlt.u32 v15, $0xFE;
	v15 =	vsub.f32 v16, v2;
	v16 =	vld [tilespmem:s28+$0x7B20];
	[tilespmem:s28+$0x7B20] =	vst v0  }
0xa6: {  	v18 =	vshll.u32 v7, $0x8;
	v7 =	vadd.s32 $0xFFFFFFFF, v7;
	v14 =	vmul.f32 $2.560000000e+02, v14  }
0xa7: {  	v13 =	vadd.s32 v13, v18;
	vm9 =	vlt.u32 v7, $0xFE;
	v7 =	vmul.f32 $2.560000000e+02, v15  }
0xa8: {  	v9 =	vadd.s32 v9, v13;
	vm8 =	vmand vm8, vm9;
	v13 =	vtrunc.f32 v14  }
0xa9: {  	vm7 =	vmand vm8, vm7;
	v13 =	vcvt.f32.s32 v13;
	v7 =	vtrunc.f32 v7  }
0xaa: {  	v15 =	vsub.f32 v17, v1;
	v14 =	vcvt.f32.s32 v7;
	v16 =	vsub.f32 v16, v2  }
0xab: {  	v7 =	vnsel vm7, $0xFFFFFFFF, v9;
	v9 =	vshll.u32 v13, $0x10;
	v13 =	vadd.s32 $0xFFFFFFFF, v13;
	v17 =	vld [tilespmem:s28+$0x30]  }
0xac: {  	v15 =	vmul.f32 $2.560000000e+02, v15;
	v18 =	vshll.u32 v14, $0x8;
	v16 =	vmul.f32 $2.560000000e+02, v16  }
0xad: {  	vm7 =	vlt.u32 v13, $0xFE;
	v13 =	vadd.s32 $0xFFFFFFFF, v14;
	v9 =	vadd.s32 v9, v18;
	v14 =	vld [tilespmem:s28+$0x7B30];
	[tilespmem:s28+$0x7B30] =	vst v0  }
0xae: {  	vm8 =	vlt.u32 v13, $0xFE;
	v13 =	vtrunc.f32 v15;
	v15 =	vtrunc.f32 v16  }
0xaf: {  	vm7 =	vmand vm7, vm8;
	v13 =	vcvt.f32.s32 v13;
	v15 =	vcvt.f32.s32 v15  }
0xb0: {  	v9 =	vadd.s32 v12, v9;
	vm6 =	vmand vm7, vm6;
	v12 =	vsub.f32 v17, v1  }
0xb1: {  	v16 =	vshll.u32 v13, $0x10;
	v13 =	vadd.s32 $0xFFFFFFFF, v13;
	v17 =	vshll.u32 v15, $0x8  }
0xb2: {  	v15 =	vadd.s32 $0xFFFFFFFF, v15;
	v12 =	vmul.f32 $2.560000000e+02, v12;
	v14 =	vsub.f32 v14, v2;
	v18 =	vld [tilespmem:s28+$0x40]  }
0xb3: {  	vm7 =	vlt.u32 v13, $0xFE;
	v16 =	vadd.s32 v16, v17;
	vm8 =	vlt.u32 v15, $0xFE;
	v13 =	vld [tilespmem:s28+$0x7B40];
	[tilespmem:s28+$0x7B40] =	vst v0  }
0xb4: {  	vm7 =	vmand vm7, vm8;
	v12 =	vtrunc.f32 v12;
	v14 =	vmul.f32 $2.560000000e+02, v14  }
0xb5: {  	v8 =	vadd.s32 v8, v16;
	vm5 =	vmand vm7, vm5;
	v12 =	vcvt.f32.s32 v12  }
0xb6: {  	v9 =	vnsel vm6, $0xFFFFFFFF, v9;
	v8 =	vnsel vm5, $0xFFFFFFFF, v8;
	v14 =	vtrunc.f32 v14  }
0xb7: {  	v14 =	vcvt.f32.s32 v14;
	v15 =	vadd.s32 $0xFFFFFFFF, v12;
	v16 =	vsub.f32 v18, v1  }
0xb8: {  	v12 =	vshll.u32 v12, $0x10;
	vm5 =	vlt.u32 v15, $0xFE;
	v13 =	vsub.f32 v13, v2;
	v15 =	vld [tilespmem:s28+$0x50]  }
0xb9: {  	v17 =	vshll.u32 v14, $0x8;
	v14 =	vadd.s32 $0xFFFFFFFF, v14;
	v16 =	vmul.f32 $2.560000000e+02, v16;
	v18 =	vld [tilespmem:s28+$0x7B50];
	[tilespmem:s28+$0x7B50] =	vst v0  }
0xba: {  	v12 =	vadd.s32 v12, v17;
	vm6 =	vlt.u32 v14, $0xFE;
	v13 =	vmul.f32 $2.560000000e+02, v13  }
0xbb: {  	v11 =	vadd.s32 v11, v12;
	vm5 =	vmand vm5, vm6;
	v12 =	vtrunc.f32 v16  }
0xbc: {  	vm4 =	vmand vm5, vm4;
	v12 =	vcvt.f32.s32 v12;
	v13 =	vtrunc.f32 v13  }
0xbd: {  	v11 =	vnsel vm4, $0xFFFFFFFF, v11;
	v13 =	vcvt.f32.s32 v13;
	v14 =	vsub.f32 v15, v1  }
0xbe: {  	v15 =	vshll.u32 v12, $0x10;
	v12 =	vadd.s32 $0xFFFFFFFF, v12;
	v16 =	vsub.f32 v18, v2;
	v17 =	vld [tilespmem:s28+$0x60]  }
0xbf: {  	v18 =	vshll.u32 v13, $0x8;
	vm4 =	vlt.u32 v12, $0xFE;
	v12 =	vmul.f32 $2.560000000e+02, v14  }
.Ltmp0:
0xc0: {  	v14 =	vadd.s32 v15, v18;
	v15 =	vadd.s32 $0xFFFFFFFF, v13;
	v16 =	vmul.f32 $2.560000000e+02, v16;
	v13 =	vld [tilespmem:s28+$0x7B60];
	[tilespmem:s28+$0x7B60] =	vst v0;
	(pc) =	sbr.rel @p0 .LBB2_2-.Ltmp0, $4  }
0xc1: {  	v10 =	vadd.s32 v10, v14;
	vm5 =	vlt.u32 v15, $0xFE;
	v12 =	vtrunc.f32 v12  }
0xc2: {  	vm4 =	vmand vm4, vm5;
	v14 =	vcvt.f32.s32 v12;
	v12 =	vtrunc.f32 v16  }
0xc3: {  	vm3 =	vmand vm4, vm3;
	v15 =	vcvt.f32.s32 v12;
	v16 =	vsub.f32 v17, v1;
	v12 =	vld [tilespmem:s28+$0x70]  }
0xc4: {  	s29 =	sadd.s32 $0x200, s29;
	v10 =	vnsel vm3, $0xFFFFFFFF, v10;
	v17 =	vshll.u32 v14, $0x10;
	v18 =	vadd.s32 $0xFFFFFFFF, v14;
	v14 =	vld [tilespmem:s28+$0x7B70];
	[tilespmem:s28+$0x7B70] =	vst v0  }
0xc5: {  	v19 =	vshll.u32 v15, $0x8;
	v16 =	vmul.f32 $2.560000000e+02, v16;
	v13 =	vsub.f32 v13, v2  }
0xc6: {  	vm3 =	vlt.u32 v18, $0xFE;
	v15 =	vadd.s32 $0xFFFFFFFF, v15;
	v17 =	vadd.s32 v17, v19  }
0xc7: {  	vm4 =	vlt.u32 v15, $0xFE;
	v15 =	vtrunc.f32 v16;
	v13 =	vmul.f32 $2.560000000e+02, v13  }
0xc8: {  	v6 =	vadd.s32 v6, v17;
	vm3 =	vmand vm3, vm4;
	v15 =	vcvt.f32.s32 v15  }
0xc9: {  	v12 =	vsub.f32 v12, v1;
	v13 =	vtrunc.f32 v13;
	v14 =	vsub.f32 v14, v2  }
0xca: {  	vm2 =	vmand vm3, vm2;
	v13 =	vcvt.f32.s32 v13;
	v16 =	vshll.u32 v15, $0x10  }
0xcb: {  	v15 =	vadd.s32 $0xFFFFFFFF, v15;
	v12 =	vmul.f32 $2.560000000e+02, v12;
	v14 =	vmul.f32 $2.560000000e+02, v14  }
0xcc: {  	vm3 =	vlt.u32 v15, $0xFE;
	v17 =	vshll.u32 v13, $0x8;
	v13 =	vadd.s32 $0xFFFFFFFF, v13  }
0xcd: {  	v12 =	vtrunc.f32 v12;
	v15 =	vadd.s32 v16, v17;
	v14 =	vtrunc.f32 v14  }
0xce: {  	[tilespmem:s28+$0x17100] =	vst v7;
	vm10 =	vlt.u32 v13, $0xFE;
	v7 =	vcvt.f32.s32 v12;
	v12 =	vcvt.f32.s32 v14  }
0xcf: {  	[tilespmem:s28+$0x17110] =	vst v9;
	v6 =	vnsel vm2, $0xFFFFFFFF, v6;
	v5 =	vadd.s32 v5, v15;
	vm2 =	vmand vm3, vm10  }
0xd0: {  	[tilespmem:s28+$0x17120] =	vst v8;
	v8 =	vshll.u32 v7, $0x10;
	v7 =	vadd.s32 $0xFFFFFFFF, v7;
	v9 =	vadd.s32 $0xFFFFFFFF, v12  }
0xd1: {  	[tilespmem:s28+$0x17130] =	vst v11;
	v11 =	vshll.u32 v12, $0x8;
	vm3 =	vlt.u32 v7, $0xFE;
	vm11 =	vlt.u32 v9, $0xFE  }
0xd2: {  	[tilespmem:s28+$0x17140] =	vst v10;
	vm1 =	vmand vm2, vm1;
	v7 =	vadd.s32 v8, v11;
	vm2 =	vmand vm3, vm11  }
0xd3: {  	[tilespmem:s28+$0x17150] =	vst v6;
	v5 =	vnsel vm1, $0xFFFFFFFF, v5;
	v4 =	vadd.s32 v4, v7;
	vm0 =	vmand vm2, vm0  }
0xd4: {  	[tilespmem:s28+$0x17160] =	vst v5;
	v4 =	vnsel vm0, $0xFFFFFFFF, v4  }
0xd5: {  	[tilespmem:s28+$0x17170] =	vst v4;
	(ifvalue) =	ssetifvalue $0xFFFFFFFF  }
0xd6: {  	s4 =	sadd.s32 $0x7B00, s28;
	s25 =	sadd.s32 $0x17100, s28;
	(ifvalue) =	ssetifvalue $0xFFFFFFFF  }
0xd7: {  	[tilespmem:s4], [sflag:$0x2] =	stream.indirect.gather [hbm4b:s2+s1], $0x1, s25, s1, $0x40b8;
	[tilespmem:$0x1F400] =	vst v63  }
0xd8: {  	_ =	swait.ge [sflag:s31], $0x3D80  }
0xd9: {  	[sflag:s31] =	ssyncset.done $0x0  }
0xda: {  	s28 =	simm.s32 $0x0;
	[sflag:s31] =	ssyncadd.s32 $0xFFFFC280  }
0xdb: {  	v4 =	vld [tilespmem:s28+$0x10A80]  }
0xdc: {  	v5 =	vld [tilespmem:s28+$0x10A90]  }
0xdd: {  	v6 =	vld [tilespmem:s28+$0x10AA0];
	_ =	sdelay $0x2  }
0xde: {  	v7 =	vld [tilespmem:s28+$0x10AB0];
	v4 =	vsub.f32 v4, v3  }
0xdf: {  	v8 =	vld [tilespmem:s28+$0x10AC0];
	v5 =	vsub.f32 v5, v3  }
0xe0: {  	v6 =	vsub.f32 v6, v3;
	v4 =	vmul.f32 $2.560000000e+02, v4  }
0xe1: {  	v5 =	vmul.f32 $2.560000000e+02, v5  }
0xe2: {  	v6 =	vmul.f32 $2.560000000e+02, v6;
	v4 =	vtrunc.f32 v4  }
0xe3: {  	v9 =	vcvt.f32.s32 v4;
	v4 =	vtrunc.f32 v5;
	v5 =	vsub.f32 v7, v3;
	v7 =	vld [tilespmem:s28+$0x10AD0]  }
0xe4: {  	v13 =	vld [tilespmem:s28+$0x1480];
	v11 =	vcvt.f32.s32 v4;
	v4 =	vtrunc.f32 v6;
	v6 =	vsub.f32 v8, v3  }
0xe5: {  	v8 =	vld [tilespmem:s28+$0x10AE0];
	v10 =	vadd.s32 $0xFFFFFFFF, v9;
	v12 =	vcvt.f32.s32 v4;
	v4 =	vmul.f32 $2.560000000e+02, v5  }
0xe6: {  	v5 =	vld [tilespmem:s28+$0x10AF0];
	vm7 =	vlt.u32 v10, $0xFE;
	v10 =	vadd.s32 $0xFFFFFFFF, v11;
	v6 =	vmul.f32 $2.560000000e+02, v6  }
0xe7: {  	vm6 =	vlt.u32 v10, $0xFE;
	v10 =	vadd.s32 $0xFFFFFFFF, v12;
	v4 =	vtrunc.f32 v4  }
0xe8: {  	v14 =	vcvt.f32.s32 v4;
	v4 =	vtrunc.f32 v6;
	v6 =	vsub.f32 v7, v3  }
0xe9: {  	vm5 =	vlt.u32 v10, $0xFE;
	v10 =	vcvt.f32.s32 v4  }
0xea: {  	v7 =	vld [tilespmem:s28+$0x8F80];
	v4 =	vsub.f32 v8, v3;
	v8 =	vadd.s32 $0xFFFFFFFF, v14;
	v6 =	vmul.f32 $2.560000000e+02, v6  }
0xeb: {  	v13 =	vsub.f32 v13, v1;
	v5 =	vsub.f32 v5, v3;
	vm4 =	vlt.u32 v8, $0xFE  }
0xec: {  	v8 =	vadd.s32 $0xFFFFFFFF, v10;
	v4 =	vmul.f32 $2.560000000e+02, v4;
	v6 =	vtrunc.f32 v6  }
0xed: {  	v5 =	vmul.f32 $2.560000000e+02, v5;
	vm3 =	vlt.u32 v8, $0xFE;
	v8 =	vmul.f32 $2.560000000e+02, v13  }
0xee: {  	v6 =	vcvt.f32.s32 v6;
	v4 =	vtrunc.f32 v4  }
0xef: {  	v13 =	vld [tilespmem:s28+$0x1490];
	v7 =	vsub.f32 v7, v2;
	v15 =	vtrunc.f32 v5;
	v5 =	vcvt.f32.s32 v4  }
0xf0: {  	v16 =	vld [tilespmem:s28+$0x8F90];
	v8 =	vtrunc.f32 v8;
	v4 =	vcvt.f32.s32 v15  }
0xf1: {  	v17 =	vadd.s32 $0xFFFFFFFF, v6;
	v7 =	vmul.f32 $2.560000000e+02, v7;
	v8 =	vcvt.f32.s32 v8  }
0xf2: {  	vm2 =	vlt.u32 v17, $0xFE;
	v15 =	vadd.s32 $0xFFFFFFFF, v5;
	v17 =	vadd.s32 $0xFFFFFFFF, v4  }
0xf3: {  	v7 =	vtrunc.f32 v7;
	vm1 =	vlt.u32 v15, $0xFE;
	v15 =	vadd.s32 $0xFFFFFFFF, v8  }
0xf4: {  	v13 =	vsub.f32 v13, v1;
	vm0 =	vlt.u32 v17, $0xFE;
	v7 =	vcvt.f32.s32 v7;
	v17 =	vld [tilespmem:s28+$0x14A0]  }
0xf5: {  	v8 =	vshll.u32 v8, $0x10;
	vm8 =	vlt.u32 v15, $0xFE;
	v15 =	vsub.f32 v16, v2;
	v16 =	vld [tilespmem:s28+$0x8FA0]  }
0xf6: {  	v13 =	vmul.f32 $2.560000000e+02, v13;
	v18 =	vshll.u32 v7, $0x8;
	v7 =	vadd.s32 $0xFFFFFFFF, v7  }
0xf7: {  	v8 =	vadd.s32 v8, v18;
	vm9 =	vlt.u32 v7, $0xFE;
	v7 =	vmul.f32 $2.560000000e+02, v15  }
0xf8: {  	v8 =	vadd.s32 v9, v8;
	vm8 =	vmand vm8, vm9;
	v9 =	vtrunc.f32 v13  }
0xf9: {  	vm7 =	vmand vm8, vm7;
	v9 =	vcvt.f32.s32 v9  }
0xfa: {  	v7 =	vtrunc.f32 v7;
	v15 =	vsub.f32 v17, v1;
	v16 =	vsub.f32 v16, v2  }
0xfb: {  	v17 =	vld [tilespmem:s28+$0x14B0];
	v13 =	vcvt.f32.s32 v7;
	v7 =	vnsel vm7, $0xFFFFFFFF, v8;
	v8 =	vshll.u32 v9, $0x10  }
0xfc: {  	v9 =	vadd.s32 $0xFFFFFFFF, v9;
	v15 =	vmul.f32 $2.560000000e+02, v15;
	v16 =	vmul.f32 $2.560000000e+02, v16  }
0xfd: {  	v18 =	vshll.u32 v13, $0x8;
	vm12 =	vlt.u32 v9, $0xFE;
	v9 =	vadd.s32 $0xFFFFFFFF, v13;
	v13 =	vld [tilespmem:s28+$0x8FB0]  }
0xfe: {  	vm13 =	vlt.u32 v9, $0xFE;
	v9 =	vtrunc.f32 v15;
	v15 =	vtrunc.f32 v16  }
0xff: {  	v8 =	vadd.s32 v8, v18;
	v9 =	vcvt.f32.s32 v9;
	v15 =	vcvt.f32.s32 v15  }
0x100: {  	v8 =	vadd.s32 v11, v8;
	v11 =	vsub.f32 v17, v1  }
0x101: {  	v18 =	vld [tilespmem:s28+$0x14C0];
	vm7 =	vmand vm12, vm13;
	v16 =	vshll.u32 v9, $0x10;
	v17 =	vshll.u32 v15, $0x8  }
0x102: {  	v9 =	vadd.s32 $0xFFFFFFFF, v9;
	v11 =	vmul.f32 $2.560000000e+02, v11;
	v13 =	vsub.f32 v13, v2  }
0x103: {  	v15 =	vadd.s32 $0xFFFFFFFF, v15;
	v16 =	vadd.s32 v16, v17;
	vm14 =	vlt.u32 v9, $0xFE  }
0x104: {  	vm15 =	vlt.u32 v15, $0xFE;
	v15 =	vld [tilespmem:s28+$0x8FC0];
	v9 =	vtrunc.f32 v11;
	v11 =	vmul.f32 $2.560000000e+02, v13  }
0x105: {  	vm6 =	vmand vm7, vm6;
	vm7 =	vmand vm14, vm15;
	v12 =	vadd.s32 v12, v16  }
0x106: {  	v16 =	vsub.f32 v18, v1;
	v13 =	vcvt.f32.s32 v9;
	v11 =	vtrunc.f32 v11  }
0x107: {  	v18 =	vld [tilespmem:s28+$0x8FD0];
	vm5 =	vmand vm7, vm5;
	v9 =	vnsel vm6, $0xFFFFFFFF, v8;
	v11 =	vcvt.f32.s32 v11  }
0x108: {  	v8 =	vnsel vm5, $0xFFFFFFFF, v12;
	v12 =	vadd.s32 $0xFFFFFFFF, v13;
	v13 =	vshll.u32 v13, $0x10  }
0x109: {  	vm12 =	vlt.u32 v12, $0xFE;
	v12 =	vsub.f32 v15, v2;
	v15 =	vld [tilespmem:s28+$0x14D0];
	v17 =	vshll.u32 v11, $0x8  }
0x10a: {  	v16 =	vmul.f32 $2.560000000e+02, v16;
	v11 =	vadd.s32 $0xFFFFFFFF, v11;
	v13 =	vadd.s32 v13, v17  }
0x10b: {  	vm13 =	vlt.u32 v11, $0xFE;
	v11 =	vmul.f32 $2.560000000e+02, v12;
	v12 =	vadd.s32 v14, v13  }
0x10c: {  	vm5 =	vmand vm12, vm13;
	v13 =	vtrunc.f32 v16;
	v16 =	vsub.f32 v18, v2  }
0x10d: {  	vm4 =	vmand vm5, vm4;
	v13 =	vcvt.f32.s32 v13;
	v14 =	vtrunc.f32 v11  }
0x10e: {  	[tilespmem:s28+$0x8F90] =	vst v0;
	v11 =	vnsel vm4, $0xFFFFFFFF, v12;
	v12 =	vcvt.f32.s32 v14;
	v14 =	vsub.f32 v15, v1  }
0x10f: {  	[tilespmem:s28+$0x8F80] =	vst v0;
	v17 =	vld [tilespmem:s28+$0x14E0];
	v16 =	vmul.f32 $2.560000000e+02, v16;
	v15 =	vshll.u32 v13, $0x10  }
0x110: {  	[tilespmem:s28+$0x8FA0] =	vst v0;
	v13 =	vadd.s32 $0xFFFFFFFF, v13;
	v18 =	vshll.u32 v12, $0x8;
	v14 =	vmul.f32 $2.560000000e+02, v14  }
0x111: {  	[tilespmem:s28+$0x8FB0] =	vst v0;
	vm14 =	vlt.u32 v13, $0xFE;
	v12 =	vadd.s32 $0xFFFFFFFF, v12;
	v13 =	vld [tilespmem:s28+$0x8FE0];
	v15 =	vadd.s32 v15, v18  }
0x112: {  	[tilespmem:s28+$0x8FC0] =	vst v0;
	vm15 =	vlt.u32 v12, $0xFE;
	v10 =	vadd.s32 v10, v15;
	v12 =	vtrunc.f32 v14  }
0x113: {  	[tilespmem:s28+$0x8FD0] =	vst v0;
	vm4 =	vmand vm14, vm15;
	v14 =	vtrunc.f32 v16;
	v18 =	vcvt.f32.s32 v12  }
0x114: {  	[tilespmem:s28+$0x8FE0] =	vst v0;
	v16 =	vsub.f32 v17, v1;
	v12 =	vld [tilespmem:s28+$0x14F0];
	vm3 =	vmand vm4, vm3;
	v15 =	vcvt.f32.s32 v14  }
0x115: {  	s29 =	simm.s32 $0x200;
	v14 =	vld [tilespmem:s28+$0x8FF0];
	[tilespmem:s28+$0x8FF0] =	vst v0;
	v10 =	vnsel vm3, $0xFFFFFFFF, v10;
	v17 =	vshll.u32 v18, $0x10;
	v18 =	vadd.s32 $0xFFFFFFFF, v18  }
.LBB2_4:
0x116: {  	p0 =	sne.s32 s29, $0x5000;
	v19 =	vshll.u32 v15, $0x8;
	v16 =	vmul.f32 $2.560000000e+02, v16;
	v13 =	vsub.f32 v13, v2  }
0x117: {  	vm3 =	vlt.u32 v18, $0xFE;
	v15 =	vadd.s32 $0xFFFFFFFF, v15;
	v17 =	vadd.s32 v17, v19  }
0x118: {  	vm4 =	vlt.u32 v15, $0xFE;
	v15 =	vtrunc.f32 v16;
	v13 =	vmul.f32 $2.560000000e+02, v13  }
0x119: {  	v6 =	vadd.s32 v6, v17;
	vm3 =	vmand vm3, vm4;
	v15 =	vcvt.f32.s32 v15  }
0x11a: {  	v12 =	vsub.f32 v12, v1;
	v13 =	vtrunc.f32 v13;
	v14 =	vsub.f32 v14, v2  }
0x11b: {  	vm2 =	vmand vm3, vm2;
	v13 =	vcvt.f32.s32 v13;
	v16 =	vshll.u32 v15, $0x10  }
0x11c: {  	v15 =	vadd.s32 $0xFFFFFFFF, v15;
	v12 =	vmul.f32 $2.560000000e+02, v12;
	v14 =	vmul.f32 $2.560000000e+02, v14  }
0x11d: {  	vm3 =	vlt.u32 v15, $0xFE;
	v17 =	vshll.u32 v13, $0x8;
	v13 =	vadd.s32 $0xFFFFFFFF, v13  }
0x11e: {  	v12 =	vtrunc.f32 v12;
	v15 =	vadd.s32 v16, v17;
	v14 =	vtrunc.f32 v14  }
0x11f: {  	vm4 =	vlt.u32 v13, $0xFE;
	[tilespmem:s28+$0x18580] =	vst v7;
	v7 =	vcvt.f32.s32 v12;
	v12 =	vcvt.f32.s32 v14  }
0x120: {  	v6 =	vnsel vm2, $0xFFFFFFFF, v6;
	v5 =	vadd.s32 v5, v15;
	vm2 =	vmand vm3, vm4;
	[tilespmem:s28+$0x18590] =	vst v9  }
0x121: {  	[tilespmem:s28+$0x185A0] =	vst v8;
	v8 =	vshll.u32 v7, $0x10;
	v7 =	vadd.s32 $0xFFFFFFFF, v7;
	v9 =	vadd.s32 $0xFFFFFFFF, v12  }
0x122: {  	[tilespmem:s28+$0x185B0] =	vst v11;
	v11 =	vshll.u32 v12, $0x8;
	vm3 =	vlt.u32 v7, $0xFE;
	vm4 =	vlt.u32 v9, $0xFE  }
0x123: {  	vm1 =	vmand vm2, vm1;
	[tilespmem:s28+$0x185C0] =	vst v10;
	v7 =	vadd.s32 v8, v11;
	vm2 =	vmand vm3, vm4  }
0x124: {  	v5 =	vnsel vm1, $0xFFFFFFFF, v5;
	[tilespmem:s28+$0x185D0] =	vst v6;
	v4 =	vadd.s32 v4, v7;
	vm0 =	vmand vm2, vm0  }
0x125: {  	[tilespmem:s28+$0x185E0] =	vst v5;
	v4 =	vnsel vm0, $0xFFFFFFFF, v4  }
0x126: {  	s4 =	sshra.s32 s29, $0x2;
	[tilespmem:s28+$0x185F0] =	vst v4;
	(ifvalue) =	ssetifvalue $0xFFFFFFFF  }
0x127: {  	s25 =	sadd.s32 $0x8F80, s28;
	s28 =	sadd.s32 $0x18580, s28;
	(ifvalue) =	ssetifvalue $0xFFFFFFFF  }
0x128: {  	[tilespmem:s25], [sflag:$0x2] =	stream.indirect.gather [hbm4b:s2+s1], $0x1, s28, s1, $0x40b8;
	[tilespmem:$0x1F400] =	vst v63  }
0x129: {  	s28 =	smov.u32 s4;
	v4 =	vld [tilespmem:s4+$0x10A80]  }
0x12a: {  	v5 =	vld [tilespmem:s28+$0x10A90]  }
0x12b: {  	v6 =	vld [tilespmem:s28+$0x10AA0];
	_ =	sdelay $0x2  }
0x12c: {  	v4 =	vsub.f32 v4, v3;
	v7 =	vld [tilespmem:s28+$0x10AB0]  }
0x12d: {  	v5 =	vsub.f32 v5, v3;
	v8 =	vld [tilespmem:s28+$0x10AC0]  }
0x12e: {  	v4 =	vmul.f32 $2.560000000e+02, v4;
	v6 =	vsub.f32 v6, v3  }
0x12f: {  	v5 =	vmul.f32 $2.560000000e+02, v5  }
0x130: {  	v4 =	vtrunc.f32 v4;
	v6 =	vmul.f32 $2.560000000e+02, v6  }
0x131: {  	v9 =	vcvt.f32.s32 v4;
	v4 =	vtrunc.f32 v5;
	v5 =	vsub.f32 v7, v3;
	v7 =	vld [tilespmem:s28+$0x10AD0]  }
0x132: {  	v12 =	vcvt.f32.s32 v4;
	v4 =	vtrunc.f32 v6;
	v6 =	vsub.f32 v8, v3;
	v13 =	vld [tilespmem:s28+$0x10AE0]  }
0x133: {  	v10 =	vadd.s32 $0xFFFFFFFF, v9;
	v8 =	vcvt.f32.s32 v4;
	v4 =	vmul.f32 $2.560000000e+02, v5;
	v5 =	vld [tilespmem:s28+$0x10AF0]  }
0x134: {  	vm7 =	vlt.u32 v10, $0xFE;
	v10 =	vadd.s32 $0xFFFFFFFF, v12;
	v6 =	vmul.f32 $2.560000000e+02, v6  }
0x135: {  	v14 =	vld [tilespmem:s28+$0x1480];
	vm6 =	vlt.u32 v10, $0xFE;
	v10 =	vadd.s32 $0xFFFFFFFF, v8;
	v4 =	vtrunc.f32 v4  }
0x136: {  	v11 =	vcvt.f32.s32 v4;
	v4 =	vtrunc.f32 v6;
	v6 =	vsub.f32 v7, v3  }
0x137: {  	vm5 =	vlt.u32 v10, $0xFE;
	v7 =	vld [tilespmem:s28+$0x8F80];
	[tilespmem:s28+$0x8F80] =	vst v0;
	v10 =	vcvt.f32.s32 v4;
	v4 =	vsub.f32 v13, v3  }
0x138: {  	v13 =	vadd.s32 $0xFFFFFFFF, v11;
	v6 =	vmul.f32 $2.560000000e+02, v6;
	v5 =	vsub.f32 v5, v3  }
0x139: {  	vm4 =	vlt.u32 v13, $0xFE;
	v13 =	vadd.s32 $0xFFFFFFFF, v10;
	v4 =	vmul.f32 $2.560000000e+02, v4  }
0x13a: {  	v14 =	vsub.f32 v14, v1;
	v6 =	vtrunc.f32 v6;
	v5 =	vmul.f32 $2.560000000e+02, v5  }
0x13b: {  	vm3 =	vlt.u32 v13, $0xFE;
	v6 =	vcvt.f32.s32 v6;
	v4 =	vtrunc.f32 v4  }
0x13c: {  	v13 =	vmul.f32 $2.560000000e+02, v14;
	v7 =	vsub.f32 v7, v2;
	v14 =	vld [tilespmem:s28+$0x1490];
	v15 =	vtrunc.f32 v5  }
0x13d: {  	v5 =	vcvt.f32.s32 v4;
	v16 =	vld [tilespmem:s28+$0x8F90];
	[tilespmem:s28+$0x8F90] =	vst v0;
	v17 =	vadd.s32 $0xFFFFFFFF, v6;
	v4 =	vcvt.f32.s32 v15  }
0x13e: {  	v13 =	vtrunc.f32 v13;
	v7 =	vmul.f32 $2.560000000e+02, v7;
	vm2 =	vlt.u32 v17, $0xFE  }
0x13f: {  	v15 =	vadd.s32 $0xFFFFFFFF, v5;
	v13 =	vcvt.f32.s32 v13;
	v17 =	vadd.s32 $0xFFFFFFFF, v4  }
0x140: {  	vm1 =	vlt.u32 v15, $0xFE;
	v7 =	vtrunc.f32 v7;
	vm0 =	vlt.u32 v17, $0xFE  }
0x141: {  	v7 =	vcvt.f32.s32 v7;
	v15 =	vadd.s32 $0xFFFFFFFF, v13;
	v14 =	vsub.f32 v14, v1;
	v17 =	vld [tilespmem:s28+$0x14A0]  }
0x142: {  	v13 =	vshll.u32 v13, $0x10;
	vm8 =	vlt.u32 v15, $0xFE;
	v15 =	vsub.f32 v16, v2;
	v16 =	vld [tilespmem:s28+$0x8FA0];
	[tilespmem:s28+$0x8FA0] =	vst v0  }
0x143: {  	v18 =	vshll.u32 v7, $0x8;
	v7 =	vadd.s32 $0xFFFFFFFF, v7;
	v14 =	vmul.f32 $2.560000000e+02, v14  }
0x144: {  	v13 =	vadd.s32 v13, v18;
	vm9 =	vlt.u32 v7, $0xFE;
	v7 =	vmul.f32 $2.560000000e+02, v15  }
0x145: {  	v9 =	vadd.s32 v9, v13;
	vm8 =	vmand vm8, vm9;
	v13 =	vtrunc.f32 v14  }
0x146: {  	vm7 =	vmand vm8, vm7;
	v13 =	vcvt.f32.s32 v13;
	v7 =	vtrunc.f32 v7  }
0x147: {  	v15 =	vsub.f32 v17, v1;
	v14 =	vcvt.f32.s32 v7;
	v16 =	vsub.f32 v16, v2  }
0x148: {  	v7 =	vnsel vm7, $0xFFFFFFFF, v9;
	v9 =	vshll.u32 v13, $0x10;
	v13 =	vadd.s32 $0xFFFFFFFF, v13;
	v17 =	vld [tilespmem:s28+$0x14B0]  }
0x149: {  	v15 =	vmul.f32 $2.560000000e+02, v15;
	v18 =	vshll.u32 v14, $0x8;
	v16 =	vmul.f32 $2.560000000e+02, v16  }
0x14a: {  	vm7 =	vlt.u32 v13, $0xFE;
	v13 =	vadd.s32 $0xFFFFFFFF, v14;
	v9 =	vadd.s32 v9, v18;
	v14 =	vld [tilespmem:s28+$0x8FB0];
	[tilespmem:s28+$0x8FB0] =	vst v0  }
0x14b: {  	vm8 =	vlt.u32 v13, $0xFE;
	v13 =	vtrunc.f32 v15;
	v15 =	vtrunc.f32 v16  }
0x14c: {  	vm7 =	vmand vm7, vm8;
	v13 =	vcvt.f32.s32 v13;
	v15 =	vcvt.f32.s32 v15  }
0x14d: {  	v9 =	vadd.s32 v12, v9;
	vm6 =	vmand vm7, vm6;
	v12 =	vsub.f32 v17, v1  }
0x14e: {  	v16 =	vshll.u32 v13, $0x10;
	v13 =	vadd.s32 $0xFFFFFFFF, v13;
	v17 =	vshll.u32 v15, $0x8  }
0x14f: {  	v15 =	vadd.s32 $0xFFFFFFFF, v15;
	v12 =	vmul.f32 $2.560000000e+02, v12;
	v14 =	vsub.f32 v14, v2;
	v18 =	vld [tilespmem:s28+$0x14C0]  }
0x150: {  	vm7 =	vlt.u32 v13, $0xFE;
	v16 =	vadd.s32 v16, v17;
	vm8 =	vlt.u32 v15, $0xFE;
	v13 =	vld [tilespmem:s28+$0x8FC0];
	[tilespmem:s28+$0x8FC0] =	vst v0  }
0x151: {  	vm7 =	vmand vm7, vm8;
	v12 =	vtrunc.f32 v12;
	v14 =	vmul.f32 $2.560000000e+02, v14  }
0x152: {  	v8 =	vadd.s32 v8, v16;
	vm5 =	vmand vm7, vm5;
	v12 =	vcvt.f32.s32 v12  }
0x153: {  	v9 =	vnsel vm6, $0xFFFFFFFF, v9;
	v8 =	vnsel vm5, $0xFFFFFFFF, v8;
	v14 =	vtrunc.f32 v14  }
0x154: {  	v14 =	vcvt.f32.s32 v14;
	v15 =	vadd.s32 $0xFFFFFFFF, v12;
	v16 =	vsub.f32 v18, v1  }
0x155: {  	v12 =	vshll.u32 v12, $0x10;
	vm5 =	vlt.u32 v15, $0xFE;
	v13 =	vsub.f32 v13, v2;
	v15 =	vld [tilespmem:s28+$0x14D0]  }
0x156: {  	v17 =	vshll.u32 v14, $0x8;
	v14 =	vadd.s32 $0xFFFFFFFF, v14;
	v16 =	vmul.f32 $2.560000000e+02, v16;
	v18 =	vld [tilespmem:s28+$0x8FD0];
	[tilespmem:s28+$0x8FD0] =	vst v0  }
0x157: {  	v12 =	vadd.s32 v12, v17;
	vm6 =	vlt.u32 v14, $0xFE;
	v13 =	vmul.f32 $2.560000000e+02, v13  }
0x158: {  	v11 =	vadd.s32 v11, v12;
	vm5 =	vmand vm5, vm6;
	v12 =	vtrunc.f32 v16  }
0x159: {  	vm4 =	vmand vm5, vm4;
	v12 =	vcvt.f32.s32 v12;
	v13 =	vtrunc.f32 v13  }
0x15a: {  	v11 =	vnsel vm4, $0xFFFFFFFF, v11;
	v13 =	vcvt.f32.s32 v13;
	v14 =	vsub.f32 v15, v1  }
0x15b: {  	v15 =	vshll.u32 v12, $0x10;
	v12 =	vadd.s32 $0xFFFFFFFF, v12;
	v16 =	vsub.f32 v18, v2;
	v17 =	vld [tilespmem:s28+$0x14E0]  }
0x15c: {  	v18 =	vshll.u32 v13, $0x8;
	vm4 =	vlt.u32 v12, $0xFE;
	v12 =	vmul.f32 $2.560000000e+02, v14  }
.Ltmp1:
0x15d: {  	v14 =	vadd.s32 v15, v18;
	v15 =	vadd.s32 $0xFFFFFFFF, v13;
	v16 =	vmul.f32 $2.560000000e+02, v16;
	v13 =	vld [tilespmem:s28+$0x8FE0];
	[tilespmem:s28+$0x8FE0] =	vst v0;
	(pc) =	sbr.rel @p0 .LBB2_4-.Ltmp1, $4  }
0x15e: {  	v10 =	vadd.s32 v10, v14;
	vm5 =	vlt.u32 v15, $0xFE;
	v12 =	vtrunc.f32 v12  }
0x15f: {  	vm4 =	vmand vm4, vm5;
	v14 =	vcvt.f32.s32 v12;
	v12 =	vtrunc.f32 v16  }
0x160: {  	vm3 =	vmand vm4, vm3;
	v15 =	vcvt.f32.s32 v12;
	v16 =	vsub.f32 v17, v1;
	v12 =	vld [tilespmem:s28+$0x14F0]  }
0x161: {  	s29 =	sadd.s32 $0x200, s29;
	v10 =	vnsel vm3, $0xFFFFFFFF, v10;
	v17 =	vshll.u32 v14, $0x10;
	v18 =	vadd.s32 $0xFFFFFFFF, v14;
	v14 =	vld [tilespmem:s28+$0x8FF0];
	[tilespmem:s28+$0x8FF0] =	vst v0  }
0x162: {  	v19 =	vshll.u32 v15, $0x8;
	v16 =	vmul.f32 $2.560000000e+02, v16;
	v13 =	vsub.f32 v13, v2  }
0x163: {  	vm3 =	vlt.u32 v18, $0xFE;
	v15 =	vadd.s32 $0xFFFFFFFF, v15;
	v17 =	vadd.s32 v17, v19  }
0x164: {  	vm4 =	vlt.u32 v15, $0xFE;
	v15 =	vtrunc.f32 v16;
	v13 =	vmul.f32 $2.560000000e+02, v13  }
0x165: {  	v6 =	vadd.s32 v6, v17;
	vm3 =	vmand vm3, vm4;
	v15 =	vcvt.f32.s32 v15  }
0x166: {  	v12 =	vsub.f32 v12, v1;
	v13 =	vtrunc.f32 v13;
	v14 =	vsub.f32 v14, v2  }
0x167: {  	vm2 =	vmand vm3, vm2;
	v13 =	vcvt.f32.s32 v13;
	v16 =	vshll.u32 v15, $0x10  }
0x168: {  	v15 =	vadd.s32 $0xFFFFFFFF, v15;
	v12 =	vmul.f32 $2.560000000e+02, v12;
	v14 =	vmul.f32 $2.560000000e+02, v14  }
0x169: {  	vm3 =	vlt.u32 v15, $0xFE;
	v17 =	vshll.u32 v13, $0x8;
	v13 =	vadd.s32 $0xFFFFFFFF, v13  }
0x16a: {  	v12 =	vtrunc.f32 v12;
	v15 =	vadd.s32 v16, v17;
	v14 =	vtrunc.f32 v14  }
0x16b: {  	[tilespmem:s28+$0x18580] =	vst v7;
	vm10 =	vlt.u32 v13, $0xFE;
	v7 =	vcvt.f32.s32 v12;
	v12 =	vcvt.f32.s32 v14  }
0x16c: {  	[tilespmem:s28+$0x18590] =	vst v9;
	v6 =	vnsel vm2, $0xFFFFFFFF, v6;
	v5 =	vadd.s32 v5, v15;
	vm2 =	vmand vm3, vm10  }
0x16d: {  	[tilespmem:s28+$0x185A0] =	vst v8;
	v8 =	vshll.u32 v7, $0x10;
	v7 =	vadd.s32 $0xFFFFFFFF, v7;
	v9 =	vadd.s32 $0xFFFFFFFF, v12  }
0x16e: {  	[tilespmem:s28+$0x185B0] =	vst v11;
	v11 =	vshll.u32 v12, $0x8;
	vm3 =	vlt.u32 v7, $0xFE;
	vm11 =	vlt.u32 v9, $0xFE  }
0x16f: {  	[tilespmem:s28+$0x185C0] =	vst v10;
	vm1 =	vmand vm2, vm1;
	v7 =	vadd.s32 v8, v11;
	vm2 =	vmand vm3, vm11  }
0x170: {  	[tilespmem:s28+$0x185D0] =	vst v6;
	v5 =	vnsel vm1, $0xFFFFFFFF, v5;
	v4 =	vadd.s32 v4, v7;
	vm0 =	vmand vm2, vm0  }
0x171: {  	[tilespmem:s28+$0x185E0] =	vst v5;
	v4 =	vnsel vm0, $0xFFFFFFFF, v4  }
0x172: {  	[tilespmem:s28+$0x185F0] =	vst v4;
	(ifvalue) =	ssetifvalue $0xFFFFFFFF  }
0x173: {  	s4 =	sadd.s32 $0x8F80, s28;
	s25 =	sadd.s32 $0x18580, s28;
	(ifvalue) =	ssetifvalue $0xFFFFFFFF  }
0x174: {  	[tilespmem:s4], [sflag:$0x2] =	stream.indirect.gather [hbm4b:s2+s1], $0x1, s25, s1, $0x40b8;
	[tilespmem:$0x1F400] =	vst v63  }
0x175: {  	_ =	swait.ge [sflag:s31], $0x3D80  }
0x176: {  	[sflag:s31] =	ssyncset.done $0x0  }
0x177: {  	s28 =	simm.s32 $0x0;
	[sflag:s31] =	ssyncadd.s32 $0xFFFFC280  }
0x178: {  	v4 =	vld [tilespmem:s28+$0x11F00]  }
0x179: {  	v5 =	vld [tilespmem:s28+$0x11F10]  }
0x17a: {  	v6 =	vld [tilespmem:s28+$0x11F20];
	_ =	sdelay $0x2  }
0x17b: {  	v7 =	vld [tilespmem:s28+$0x11F30];
	v4 =	vsub.f32 v4, v3  }
0x17c: {  	v8 =	vld [tilespmem:s28+$0x11F40];
	v5 =	vsub.f32 v5, v3  }
0x17d: {  	v6 =	vsub.f32 v6, v3;
	v4 =	vmul.f32 $2.560000000e+02, v4  }
0x17e: {  	v5 =	vmul.f32 $2.560000000e+02, v5  }
0x17f: {  	v6 =	vmul.f32 $2.560000000e+02, v6;
	v4 =	vtrunc.f32 v4  }
0x180: {  	v9 =	vcvt.f32.s32 v4;
	v4 =	vtrunc.f32 v5;
	v5 =	vsub.f32 v7, v3;
	v7 =	vld [tilespmem:s28+$0x11F50]  }
0x181: {  	v13 =	vld [tilespmem:s28+$0x2900];
	v11 =	vcvt.f32.s32 v4;
	v4 =	vtrunc.f32 v6;
	v6 =	vsub.f32 v8, v3  }
0x182: {  	v8 =	vld [tilespmem:s28+$0x11F60];
	v10 =	vadd.s32 $0xFFFFFFFF, v9;
	v12 =	vcvt.f32.s32 v4;
	v4 =	vmul.f32 $2.560000000e+02, v5  }
0x183: {  	v5 =	vld [tilespmem:s28+$0x11F70];
	vm7 =	vlt.u32 v10, $0xFE;
	v10 =	vadd.s32 $0xFFFFFFFF, v11;
	v6 =	vmul.f32 $2.560000000e+02, v6  }
0x184: {  	vm6 =	vlt.u32 v10, $0xFE;
	v10 =	vadd.s32 $0xFFFFFFFF, v12;
	v4 =	vtrunc.f32 v4  }
0x185: {  	v14 =	vcvt.f32.s32 v4;
	v4 =	vtrunc.f32 v6;
	v6 =	vsub.f32 v7, v3  }
0x186: {  	vm5 =	vlt.u32 v10, $0xFE;
	v10 =	vcvt.f32.s32 v4  }
0x187: {  	v7 =	vld [tilespmem:s28+$0xA400];
	v4 =	vsub.f32 v8, v3;
	v8 =	vadd.s32 $0xFFFFFFFF, v14;
	v6 =	vmul.f32 $2.560000000e+02, v6  }
0x188: {  	v13 =	vsub.f32 v13, v1;
	v5 =	vsub.f32 v5, v3;
	vm4 =	vlt.u32 v8, $0xFE  }
0x189: {  	v8 =	vadd.s32 $0xFFFFFFFF, v10;
	v4 =	vmul.f32 $2.560000000e+02, v4;
	v6 =	vtrunc.f32 v6  }
0x18a: {  	v5 =	vmul.f32 $2.560000000e+02, v5;
	vm3 =	vlt.u32 v8, $0xFE;
	v8 =	vmul.f32 $2.560000000e+02, v13  }
0x18b: {  	v6 =	vcvt.f32.s32 v6;
	v4 =	vtrunc.f32 v4  }
0x18c: {  	v13 =	vld [tilespmem:s28+$0x2910];
	v7 =	vsub.f32 v7, v2;
	v15 =	vtrunc.f32 v5;
	v5 =	vcvt.f32.s32 v4  }
0x18d: {  	v16 =	vld [tilespmem:s28+$0xA410];
	v8 =	vtrunc.f32 v8;
	v4 =	vcvt.f32.s32 v15  }
0x18e: {  	v17 =	vadd.s32 $0xFFFFFFFF, v6;
	v7 =	vmul.f32 $2.560000000e+02, v7;
	v8 =	vcvt.f32.s32 v8  }
0x18f: {  	vm2 =	vlt.u32 v17, $0xFE;
	v15 =	vadd.s32 $0xFFFFFFFF, v5;
	v17 =	vadd.s32 $0xFFFFFFFF, v4  }
0x190: {  	v7 =	vtrunc.f32 v7;
	vm1 =	vlt.u32 v15, $0xFE;
	v15 =	vadd.s32 $0xFFFFFFFF, v8  }
0x191: {  	v13 =	vsub.f32 v13, v1;
	vm0 =	vlt.u32 v17, $0xFE;
	v7 =	vcvt.f32.s32 v7;
	v17 =	vld [tilespmem:s28+$0x2920]  }
0x192: {  	v8 =	vshll.u32 v8, $0x10;
	vm8 =	vlt.u32 v15, $0xFE;
	v15 =	vsub.f32 v16, v2;
	v16 =	vld [tilespmem:s28+$0xA420]  }
0x193: {  	v13 =	vmul.f32 $2.560000000e+02, v13;
	v18 =	vshll.u32 v7, $0x8;
	v7 =	vadd.s32 $0xFFFFFFFF, v7  }
0x194: {  	v8 =	vadd.s32 v8, v18;
	vm9 =	vlt.u32 v7, $0xFE;
	v7 =	vmul.f32 $2.560000000e+02, v15  }
0x195: {  	v8 =	vadd.s32 v9, v8;
	vm8 =	vmand vm8, vm9;
	v9 =	vtrunc.f32 v13  }
0x196: {  	vm7 =	vmand vm8, vm7;
	v9 =	vcvt.f32.s32 v9  }
0x197: {  	v7 =	vtrunc.f32 v7;
	v15 =	vsub.f32 v17, v1;
	v16 =	vsub.f32 v16, v2  }
0x198: {  	v17 =	vld [tilespmem:s28+$0x2930];
	v13 =	vcvt.f32.s32 v7;
	v7 =	vnsel vm7, $0xFFFFFFFF, v8;
	v8 =	vshll.u32 v9, $0x10  }
0x199: {  	v9 =	vadd.s32 $0xFFFFFFFF, v9;
	v15 =	vmul.f32 $2.560000000e+02, v15;
	v16 =	vmul.f32 $2.560000000e+02, v16  }
0x19a: {  	v18 =	vshll.u32 v13, $0x8;
	vm12 =	vlt.u32 v9, $0xFE;
	v9 =	vadd.s32 $0xFFFFFFFF, v13;
	v13 =	vld [tilespmem:s28+$0xA430]  }
0x19b: {  	vm13 =	vlt.u32 v9, $0xFE;
	v9 =	vtrunc.f32 v15;
	v15 =	vtrunc.f32 v16  }
0x19c: {  	v8 =	vadd.s32 v8, v18;
	v9 =	vcvt.f32.s32 v9;
	v15 =	vcvt.f32.s32 v15  }
0x19d: {  	v8 =	vadd.s32 v11, v8;
	v11 =	vsub.f32 v17, v1  }
0x19e: {  	v18 =	vld [tilespmem:s28+$0x2940];
	vm7 =	vmand vm12, vm13;
	v16 =	vshll.u32 v9, $0x10;
	v17 =	vshll.u32 v15, $0x8  }
0x19f: {  	v9 =	vadd.s32 $0xFFFFFFFF, v9;
	v11 =	vmul.f32 $2.560000000e+02, v11;
	v13 =	vsub.f32 v13, v2  }
0x1a0: {  	v15 =	vadd.s32 $0xFFFFFFFF, v15;
	v16 =	vadd.s32 v16, v17;
	vm14 =	vlt.u32 v9, $0xFE  }
0x1a1: {  	vm15 =	vlt.u32 v15, $0xFE;
	v15 =	vld [tilespmem:s28+$0xA440];
	v9 =	vtrunc.f32 v11;
	v11 =	vmul.f32 $2.560000000e+02, v13  }
0x1a2: {  	vm6 =	vmand vm7, vm6;
	vm7 =	vmand vm14, vm15;
	v12 =	vadd.s32 v12, v16  }
0x1a3: {  	v16 =	vsub.f32 v18, v1;
	v13 =	vcvt.f32.s32 v9;
	v11 =	vtrunc.f32 v11  }
0x1a4: {  	v18 =	vld [tilespmem:s28+$0xA450];
	vm5 =	vmand vm7, vm5;
	v9 =	vnsel vm6, $0xFFFFFFFF, v8;
	v11 =	vcvt.f32.s32 v11  }
0x1a5: {  	v8 =	vnsel vm5, $0xFFFFFFFF, v12;
	v12 =	vadd.s32 $0xFFFFFFFF, v13;
	v13 =	vshll.u32 v13, $0x10  }
0x1a6: {  	vm12 =	vlt.u32 v12, $0xFE;
	v12 =	vsub.f32 v15, v2;
	v15 =	vld [tilespmem:s28+$0x2950];
	v17 =	vshll.u32 v11, $0x8  }
0x1a7: {  	v16 =	vmul.f32 $2.560000000e+02, v16;
	v11 =	vadd.s32 $0xFFFFFFFF, v11;
	v13 =	vadd.s32 v13, v17  }
0x1a8: {  	vm13 =	vlt.u32 v11, $0xFE;
	v11 =	vmul.f32 $2.560000000e+02, v12;
	v12 =	vadd.s32 v14, v13  }
0x1a9: {  	vm5 =	vmand vm12, vm13;
	v13 =	vtrunc.f32 v16;
	v16 =	vsub.f32 v18, v2  }
0x1aa: {  	vm4 =	vmand vm5, vm4;
	v13 =	vcvt.f32.s32 v13;
	v14 =	vtrunc.f32 v11  }
0x1ab: {  	[tilespmem:s28+$0xA410] =	vst v0;
	v11 =	vnsel vm4, $0xFFFFFFFF, v12;
	v12 =	vcvt.f32.s32 v14;
	v14 =	vsub.f32 v15, v1  }
0x1ac: {  	[tilespmem:s28+$0xA400] =	vst v0;
	v17 =	vld [tilespmem:s28+$0x2960];
	v16 =	vmul.f32 $2.560000000e+02, v16;
	v15 =	vshll.u32 v13, $0x10  }
0x1ad: {  	[tilespmem:s28+$0xA420] =	vst v0;
	v13 =	vadd.s32 $0xFFFFFFFF, v13;
	v18 =	vshll.u32 v12, $0x8;
	v14 =	vmul.f32 $2.560000000e+02, v14  }
0x1ae: {  	[tilespmem:s28+$0xA430] =	vst v0;
	vm14 =	vlt.u32 v13, $0xFE;
	v12 =	vadd.s32 $0xFFFFFFFF, v12;
	v13 =	vld [tilespmem:s28+$0xA460];
	v15 =	vadd.s32 v15, v18  }
0x1af: {  	[tilespmem:s28+$0xA440] =	vst v0;
	vm15 =	vlt.u32 v12, $0xFE;
	v10 =	vadd.s32 v10, v15;
	v12 =	vtrunc.f32 v14  }
0x1b0: {  	[tilespmem:s28+$0xA450] =	vst v0;
	vm4 =	vmand vm14, vm15;
	v14 =	vtrunc.f32 v16;
	v18 =	vcvt.f32.s32 v12  }
0x1b1: {  	[tilespmem:s28+$0xA460] =	vst v0;
	v16 =	vsub.f32 v17, v1;
	v12 =	vld [tilespmem:s28+$0x2970];
	vm3 =	vmand vm4, vm3;
	v15 =	vcvt.f32.s32 v14  }
0x1b2: {  	s29 =	simm.s32 $0x200;
	v14 =	vld [tilespmem:s28+$0xA470];
	[tilespmem:s28+$0xA470] =	vst v0;
	v10 =	vnsel vm3, $0xFFFFFFFF, v10;
	v17 =	vshll.u32 v18, $0x10;
	v18 =	vadd.s32 $0xFFFFFFFF, v18  }
.LBB2_6:
0x1b3: {  	p0 =	sne.s32 s29, $0x5000;
	v19 =	vshll.u32 v15, $0x8;
	v16 =	vmul.f32 $2.560000000e+02, v16;
	v13 =	vsub.f32 v13, v2  }
0x1b4: {  	vm3 =	vlt.u32 v18, $0xFE;
	v15 =	vadd.s32 $0xFFFFFFFF, v15;
	v17 =	vadd.s32 v17, v19  }
0x1b5: {  	vm4 =	vlt.u32 v15, $0xFE;
	v15 =	vtrunc.f32 v16;
	v13 =	vmul.f32 $2.560000000e+02, v13  }
0x1b6: {  	v6 =	vadd.s32 v6, v17;
	vm3 =	vmand vm3, vm4;
	v15 =	vcvt.f32.s32 v15  }
0x1b7: {  	v12 =	vsub.f32 v12, v1;
	v13 =	vtrunc.f32 v13;
	v14 =	vsub.f32 v14, v2  }
0x1b8: {  	vm2 =	vmand vm3, vm2;
	v13 =	vcvt.f32.s32 v13;
	v16 =	vshll.u32 v15, $0x10  }
0x1b9: {  	v15 =	vadd.s32 $0xFFFFFFFF, v15;
	v12 =	vmul.f32 $2.560000000e+02, v12;
	v14 =	vmul.f32 $2.560000000e+02, v14  }
0x1ba: {  	vm3 =	vlt.u32 v15, $0xFE;
	v17 =	vshll.u32 v13, $0x8;
	v13 =	vadd.s32 $0xFFFFFFFF, v13  }
0x1bb: {  	v12 =	vtrunc.f32 v12;
	v15 =	vadd.s32 v16, v17;
	v14 =	vtrunc.f32 v14  }
0x1bc: {  	vm4 =	vlt.u32 v13, $0xFE;
	[tilespmem:s28+$0x19A00] =	vst v7;
	v7 =	vcvt.f32.s32 v12;
	v12 =	vcvt.f32.s32 v14  }
0x1bd: {  	v6 =	vnsel vm2, $0xFFFFFFFF, v6;
	v5 =	vadd.s32 v5, v15;
	vm2 =	vmand vm3, vm4;
	[tilespmem:s28+$0x19A10] =	vst v9  }
0x1be: {  	[tilespmem:s28+$0x19A20] =	vst v8;
	v8 =	vshll.u32 v7, $0x10;
	v7 =	vadd.s32 $0xFFFFFFFF, v7;
	v9 =	vadd.s32 $0xFFFFFFFF, v12  }
0x1bf: {  	[tilespmem:s28+$0x19A30] =	vst v11;
	v11 =	vshll.u32 v12, $0x8;
	vm3 =	vlt.u32 v7, $0xFE;
	vm4 =	vlt.u32 v9, $0xFE  }
0x1c0: {  	vm1 =	vmand vm2, vm1;
	[tilespmem:s28+$0x19A40] =	vst v10;
	v7 =	vadd.s32 v8, v11;
	vm2 =	vmand vm3, vm4  }
0x1c1: {  	v5 =	vnsel vm1, $0xFFFFFFFF, v5;
	[tilespmem:s28+$0x19A50] =	vst v6;
	v4 =	vadd.s32 v4, v7;
	vm0 =	vmand vm2, vm0  }
0x1c2: {  	[tilespmem:s28+$0x19A60] =	vst v5;
	v4 =	vnsel vm0, $0xFFFFFFFF, v4  }
0x1c3: {  	s4 =	sshra.s32 s29, $0x2;
	[tilespmem:s28+$0x19A70] =	vst v4;
	(ifvalue) =	ssetifvalue $0xFFFFFFFF  }
0x1c4: {  	s25 =	sadd.s32 $0xA400, s28;
	s28 =	sadd.s32 $0x19A00, s28;
	(ifvalue) =	ssetifvalue $0xFFFFFFFF  }
0x1c5: {  	[tilespmem:s25], [sflag:$0x2] =	stream.indirect.gather [hbm4b:s2+s1], $0x1, s28, s1, $0x40b8;
	[tilespmem:$0x1F400] =	vst v63  }
0x1c6: {  	s28 =	smov.u32 s4;
	v4 =	vld [tilespmem:s4+$0x11F00]  }
0x1c7: {  	v5 =	vld [tilespmem:s28+$0x11F10]  }
0x1c8: {  	v6 =	vld [tilespmem:s28+$0x11F20];
	_ =	sdelay $0x2  }
0x1c9: {  	v4 =	vsub.f32 v4, v3;
	v7 =	vld [tilespmem:s28+$0x11F30]  }
0x1ca: {  	v5 =	vsub.f32 v5, v3;
	v8 =	vld [tilespmem:s28+$0x11F40]  }
0x1cb: {  	v4 =	vmul.f32 $2.560000000e+02, v4;
	v6 =	vsub.f32 v6, v3  }
0x1cc: {  	v5 =	vmul.f32 $2.560000000e+02, v5  }
0x1cd: {  	v4 =	vtrunc.f32 v4;
	v6 =	vmul.f32 $2.560000000e+02, v6  }
0x1ce: {  	v9 =	vcvt.f32.s32 v4;
	v4 =	vtrunc.f32 v5;
	v5 =	vsub.f32 v7, v3;
	v7 =	vld [tilespmem:s28+$0x11F50]  }
0x1cf: {  	v12 =	vcvt.f32.s32 v4;
	v4 =	vtrunc.f32 v6;
	v6 =	vsub.f32 v8, v3;
	v13 =	vld [tilespmem:s28+$0x11F60]  }
0x1d0: {  	v10 =	vadd.s32 $0xFFFFFFFF, v9;
	v8 =	vcvt.f32.s32 v4;
	v4 =	vmul.f32 $2.560000000e+02, v5;
	v5 =	vld [tilespmem:s28+$0x11F70]  }
0x1d1: {  	vm7 =	vlt.u32 v10, $0xFE;
	v10 =	vadd.s32 $0xFFFFFFFF, v12;
	v6 =	vmul.f32 $2.560000000e+02, v6  }
0x1d2: {  	v14 =	vld [tilespmem:s28+$0x2900];
	vm6 =	vlt.u32 v10, $0xFE;
	v10 =	vadd.s32 $0xFFFFFFFF, v8;
	v4 =	vtrunc.f32 v4  }
0x1d3: {  	v11 =	vcvt.f32.s32 v4;
	v4 =	vtrunc.f32 v6;
	v6 =	vsub.f32 v7, v3  }
0x1d4: {  	vm5 =	vlt.u32 v10, $0xFE;
	v7 =	vld [tilespmem:s28+$0xA400];
	[tilespmem:s28+$0xA400] =	vst v0;
	v10 =	vcvt.f32.s32 v4;
	v4 =	vsub.f32 v13, v3  }
0x1d5: {  	v13 =	vadd.s32 $0xFFFFFFFF, v11;
	v6 =	vmul.f32 $2.560000000e+02, v6;
	v5 =	vsub.f32 v5, v3  }
0x1d6: {  	vm4 =	vlt.u32 v13, $0xFE;
	v13 =	vadd.s32 $0xFFFFFFFF, v10;
	v4 =	vmul.f32 $2.560000000e+02, v4  }
0x1d7: {  	v14 =	vsub.f32 v14, v1;
	v6 =	vtrunc.f32 v6;
	v5 =	vmul.f32 $2.560000000e+02, v5  }
0x1d8: {  	vm3 =	vlt.u32 v13, $0xFE;
	v6 =	vcvt.f32.s32 v6;
	v4 =	vtrunc.f32 v4  }
0x1d9: {  	v13 =	vmul.f32 $2.560000000e+02, v14;
	v7 =	vsub.f32 v7, v2;
	v14 =	vld [tilespmem:s28+$0x2910];
	v15 =	vtrunc.f32 v5  }
0x1da: {  	v5 =	vcvt.f32.s32 v4;
	v16 =	vld [tilespmem:s28+$0xA410];
	[tilespmem:s28+$0xA410] =	vst v0;
	v17 =	vadd.s32 $0xFFFFFFFF, v6;
	v4 =	vcvt.f32.s32 v15  }
0x1db: {  	v13 =	vtrunc.f32 v13;
	v7 =	vmul.f32 $2.560000000e+02, v7;
	vm2 =	vlt.u32 v17, $0xFE  }
0x1dc: {  	v15 =	vadd.s32 $0xFFFFFFFF, v5;
	v13 =	vcvt.f32.s32 v13;
	v17 =	vadd.s32 $0xFFFFFFFF, v4  }
0x1dd: {  	vm1 =	vlt.u32 v15, $0xFE;
	v7 =	vtrunc.f32 v7;
	vm0 =	vlt.u32 v17, $0xFE  }
0x1de: {  	v7 =	vcvt.f32.s32 v7;
	v15 =	vadd.s32 $0xFFFFFFFF, v13;
	v14 =	vsub.f32 v14, v1;
	v17 =	vld [tilespmem:s28+$0x2920]  }
0x1df: {  	v13 =	vshll.u32 v13, $0x10;
	vm8 =	vlt.u32 v15, $0xFE;
	v15 =	vsub.f32 v16, v2;
	v16 =	vld [tilespmem:s28+$0xA420];
	[tilespmem:s28+$0xA420] =	vst v0  }
0x1e0: {  	v18 =	vshll.u32 v7, $0x8;
	v7 =	vadd.s32 $0xFFFFFFFF, v7;
	v14 =	vmul.f32 $2.560000000e+02, v14  }
0x1e1: {  	v13 =	vadd.s32 v13, v18;
	vm9 =	vlt.u32 v7, $0xFE;
	v7 =	vmul.f32 $2.560000000e+02, v15  }
0x1e2: {  	v9 =	vadd.s32 v9, v13;
	vm8 =	vmand vm8, vm9;
	v13 =	vtrunc.f32 v14  }
0x1e3: {  	vm7 =	vmand vm8, vm7;
	v13 =	vcvt.f32.s32 v13;
	v7 =	vtrunc.f32 v7  }
0x1e4: {  	v15 =	vsub.f32 v17, v1;
	v14 =	vcvt.f32.s32 v7;
	v16 =	vsub.f32 v16, v2  }
0x1e5: {  	v7 =	vnsel vm7, $0xFFFFFFFF, v9;
	v9 =	vshll.u32 v13, $0x10;
	v13 =	vadd.s32 $0xFFFFFFFF, v13;
	v17 =	vld [tilespmem:s28+$0x2930]  }
0x1e6: {  	v15 =	vmul.f32 $2.560000000e+02, v15;
	v18 =	vshll.u32 v14, $0x8;
	v16 =	vmul.f32 $2.560000000e+02, v16  }
0x1e7: {  	vm7 =	vlt.u32 v13, $0xFE;
	v13 =	vadd.s32 $0xFFFFFFFF, v14;
	v9 =	vadd.s32 v9, v18;
	v14 =	vld [tilespmem:s28+$0xA430];
	[tilespmem:s28+$0xA430] =	vst v0  }
0x1e8: {  	vm8 =	vlt.u32 v13, $0xFE;
	v13 =	vtrunc.f32 v15;
	v15 =	vtrunc.f32 v16  }
0x1e9: {  	vm7 =	vmand vm7, vm8;
	v13 =	vcvt.f32.s32 v13;
	v15 =	vcvt.f32.s32 v15  }
0x1ea: {  	v9 =	vadd.s32 v12, v9;
	vm6 =	vmand vm7, vm6;
	v12 =	vsub.f32 v17, v1  }
0x1eb: {  	v16 =	vshll.u32 v13, $0x10;
	v13 =	vadd.s32 $0xFFFFFFFF, v13;
	v17 =	vshll.u32 v15, $0x8  }
0x1ec: {  	v15 =	vadd.s32 $0xFFFFFFFF, v15;
	v12 =	vmul.f32 $2.560000000e+02, v12;
	v14 =	vsub.f32 v14, v2;
	v18 =	vld [tilespmem:s28+$0x2940]  }
0x1ed: {  	vm7 =	vlt.u32 v13, $0xFE;
	v16 =	vadd.s32 v16, v17;
	vm8 =	vlt.u32 v15, $0xFE;
	v13 =	vld [tilespmem:s28+$0xA440];
	[tilespmem:s28+$0xA440] =	vst v0  }
0x1ee: {  	vm7 =	vmand vm7, vm8;
	v12 =	vtrunc.f32 v12;
	v14 =	vmul.f32 $2.560000000e+02, v14  }
0x1ef: {  	v8 =	vadd.s32 v8, v16;
	vm5 =	vmand vm7, vm5;
	v12 =	vcvt.f32.s32 v12  }
0x1f0: {  	v9 =	vnsel vm6, $0xFFFFFFFF, v9;
	v8 =	vnsel vm5, $0xFFFFFFFF, v8;
	v14 =	vtrunc.f32 v14  }
0x1f1: {  	v14 =	vcvt.f32.s32 v14;
	v15 =	vadd.s32 $0xFFFFFFFF, v12;
	v16 =	vsub.f32 v18, v1  }
0x1f2: {  	v12 =	vshll.u32 v12, $0x10;
	vm5 =	vlt.u32 v15, $0xFE;
	v13 =	vsub.f32 v13, v2;
	v15 =	vld [tilespmem:s28+$0x2950]  }
0x1f3: {  	v17 =	vshll.u32 v14, $0x8;
	v14 =	vadd.s32 $0xFFFFFFFF, v14;
	v16 =	vmul.f32 $2.560000000e+02, v16;
	v18 =	vld [tilespmem:s28+$0xA450];
	[tilespmem:s28+$0xA450] =	vst v0  }
0x1f4: {  	v12 =	vadd.s32 v12, v17;
	vm6 =	vlt.u32 v14, $0xFE;
	v13 =	vmul.f32 $2.560000000e+02, v13  }
0x1f5: {  	v11 =	vadd.s32 v11, v12;
	vm5 =	vmand vm5, vm6;
	v12 =	vtrunc.f32 v16  }
0x1f6: {  	vm4 =	vmand vm5, vm4;
	v12 =	vcvt.f32.s32 v12;
	v13 =	vtrunc.f32 v13  }
0x1f7: {  	v11 =	vnsel vm4, $0xFFFFFFFF, v11;
	v13 =	vcvt.f32.s32 v13;
	v14 =	vsub.f32 v15, v1  }
0x1f8: {  	v15 =	vshll.u32 v12, $0x10;
	v12 =	vadd.s32 $0xFFFFFFFF, v12;
	v16 =	vsub.f32 v18, v2;
	v17 =	vld [tilespmem:s28+$0x2960]  }
0x1f9: {  	v18 =	vshll.u32 v13, $0x8;
	vm4 =	vlt.u32 v12, $0xFE;
	v12 =	vmul.f32 $2.560000000e+02, v14  }
.Ltmp2:
0x1fa: {  	v14 =	vadd.s32 v15, v18;
	v15 =	vadd.s32 $0xFFFFFFFF, v13;
	v16 =	vmul.f32 $2.560000000e+02, v16;
	v13 =	vld [tilespmem:s28+$0xA460];
	[tilespmem:s28+$0xA460] =	vst v0;
	(pc) =	sbr.rel @p0 .LBB2_6-.Ltmp2, $4  }
0x1fb: {  	v10 =	vadd.s32 v10, v14;
	vm5 =	vlt.u32 v15, $0xFE;
	v12 =	vtrunc.f32 v12  }
0x1fc: {  	vm4 =	vmand vm4, vm5;
	v14 =	vcvt.f32.s32 v12;
	v12 =	vtrunc.f32 v16  }
0x1fd: {  	vm3 =	vmand vm4, vm3;
	v15 =	vcvt.f32.s32 v12;
	v16 =	vsub.f32 v17, v1;
	v12 =	vld [tilespmem:s28+$0x2970]  }
0x1fe: {  	s29 =	sadd.s32 $0x200, s29;
	v10 =	vnsel vm3, $0xFFFFFFFF, v10;
	v17 =	vshll.u32 v14, $0x10;
	v18 =	vadd.s32 $0xFFFFFFFF, v14;
	v14 =	vld [tilespmem:s28+$0xA470];
	[tilespmem:s28+$0xA470] =	vst v0  }
0x1ff: {  	v19 =	vshll.u32 v15, $0x8;
	v16 =	vmul.f32 $2.560000000e+02, v16;
	v13 =	vsub.f32 v13, v2  }
0x200: {  	vm3 =	vlt.u32 v18, $0xFE;
	v15 =	vadd.s32 $0xFFFFFFFF, v15;
	v17 =	vadd.s32 v17, v19  }
0x201: {  	vm4 =	vlt.u32 v15, $0xFE;
	v15 =	vtrunc.f32 v16;
	v13 =	vmul.f32 $2.560000000e+02, v13  }
0x202: {  	v6 =	vadd.s32 v6, v17;
	vm3 =	vmand vm3, vm4;
	v15 =	vcvt.f32.s32 v15  }
0x203: {  	v12 =	vsub.f32 v12, v1;
	v13 =	vtrunc.f32 v13;
	v14 =	vsub.f32 v14, v2  }
0x204: {  	vm2 =	vmand vm3, vm2;
	v13 =	vcvt.f32.s32 v13;
	v16 =	vshll.u32 v15, $0x10  }
0x205: {  	v15 =	vadd.s32 $0xFFFFFFFF, v15;
	v12 =	vmul.f32 $2.560000000e+02, v12;
	v14 =	vmul.f32 $2.560000000e+02, v14  }
0x206: {  	vm3 =	vlt.u32 v15, $0xFE;
	v17 =	vshll.u32 v13, $0x8;
	v13 =	vadd.s32 $0xFFFFFFFF, v13  }
0x207: {  	v12 =	vtrunc.f32 v12;
	v15 =	vadd.s32 v16, v17;
	v14 =	vtrunc.f32 v14  }
0x208: {  	[tilespmem:s28+$0x19A00] =	vst v7;
	vm10 =	vlt.u32 v13, $0xFE;
	v7 =	vcvt.f32.s32 v12;
	v12 =	vcvt.f32.s32 v14  }
0x209: {  	[tilespmem:s28+$0x19A10] =	vst v9;
	v6 =	vnsel vm2, $0xFFFFFFFF, v6;
	v5 =	vadd.s32 v5, v15;
	vm2 =	vmand vm3, vm10  }
0x20a: {  	[tilespmem:s28+$0x19A20] =	vst v8;
	v8 =	vshll.u32 v7, $0x10;
	v7 =	vadd.s32 $0xFFFFFFFF, v7;
	v9 =	vadd.s32 $0xFFFFFFFF, v12  }
0x20b: {  	[tilespmem:s28+$0x19A30] =	vst v11;
	v11 =	vshll.u32 v12, $0x8;
	vm3 =	vlt.u32 v7, $0xFE;
	vm11 =	vlt.u32 v9, $0xFE  }
0x20c: {  	[tilespmem:s28+$0x19A40] =	vst v10;
	vm1 =	vmand vm2, vm1;
	v7 =	vadd.s32 v8, v11;
	vm2 =	vmand vm3, vm11  }
0x20d: {  	[tilespmem:s28+$0x19A50] =	vst v6;
	v5 =	vnsel vm1, $0xFFFFFFFF, v5;
	v4 =	vadd.s32 v4, v7;
	vm0 =	vmand vm2, vm0  }
0x20e: {  	[tilespmem:s28+$0x19A60] =	vst v5;
	v4 =	vnsel vm0, $0xFFFFFFFF, v4  }
0x20f: {  	[tilespmem:s28+$0x19A70] =	vst v4;
	(ifvalue) =	ssetifvalue $0xFFFFFFFF  }
0x210: {  	s4 =	sadd.s32 $0xA400, s28;
	s25 =	sadd.s32 $0x19A00, s28;
	(ifvalue) =	ssetifvalue $0xFFFFFFFF  }
0x211: {  	[tilespmem:s4], [sflag:$0x2] =	stream.indirect.gather [hbm4b:s2+s1], $0x1, s25, s1, $0x40b8;
	[tilespmem:$0x1F400] =	vst v63  }
0x212: {  	_ =	swait.ge [sflag:s31], $0x3D80  }
0x213: {  	[sflag:s31] =	ssyncset.done $0x0  }
0x214: {  	s28 =	simm.s32 $0x0;
	[sflag:s31] =	ssyncadd.s32 $0xFFFFC280  }
0x215: {  	v4 =	vld [tilespmem:s28+$0x13380]  }
0x216: {  	v5 =	vld [tilespmem:s28+$0x13390]  }
0x217: {  	v6 =	vld [tilespmem:s28+$0x133A0];
	_ =	sdelay $0x2  }
0x218: {  	v7 =	vld [tilespmem:s28+$0x133B0];
	v4 =	vsub.f32 v4, v3  }
0x219: {  	v8 =	vld [tilespmem:s28+$0x133C0];
	v5 =	vsub.f32 v5, v3  }
0x21a: {  	v6 =	vsub.f32 v6, v3;
	v4 =	vmul.f32 $2.560000000e+02, v4  }
0x21b: {  	v5 =	vmul.f32 $2.560000000e+02, v5  }
0x21c: {  	v6 =	vmul.f32 $2.560000000e+02, v6;
	v4 =	vtrunc.f32 v4  }
0x21d: {  	v9 =	vcvt.f32.s32 v4;
	v4 =	vtrunc.f32 v5;
	v5 =	vsub.f32 v7, v3;
	v7 =	vld [tilespmem:s28+$0x133D0]  }
0x21e: {  	v13 =	vld [tilespmem:s28+$0x3D80];
	v11 =	vcvt.f32.s32 v4;
	v4 =	vtrunc.f32 v6;
	v6 =	vsub.f32 v8, v3  }
0x21f: {  	v8 =	vld [tilespmem:s28+$0x133E0];
	v10 =	vadd.s32 $0xFFFFFFFF, v9;
	v12 =	vcvt.f32.s32 v4;
	v4 =	vmul.f32 $2.560000000e+02, v5  }
0x220: {  	v5 =	vld [tilespmem:s28+$0x133F0];
	vm7 =	vlt.u32 v10, $0xFE;
	v10 =	vadd.s32 $0xFFFFFFFF, v11;
	v6 =	vmul.f32 $2.560000000e+02, v6  }
0x221: {  	vm6 =	vlt.u32 v10, $0xFE;
	v10 =	vadd.s32 $0xFFFFFFFF, v12;
	v4 =	vtrunc.f32 v4  }
0x222: {  	v14 =	vcvt.f32.s32 v4;
	v4 =	vtrunc.f32 v6;
	v6 =	vsub.f32 v7, v3  }
0x223: {  	vm5 =	vlt.u32 v10, $0xFE;
	v10 =	vcvt.f32.s32 v4  }
0x224: {  	v7 =	vld [tilespmem:s28+$0xB880];
	v4 =	vsub.f32 v8, v3;
	v8 =	vadd.s32 $0xFFFFFFFF, v14;
	v6 =	vmul.f32 $2.560000000e+02, v6  }
0x225: {  	v13 =	vsub.f32 v13, v1;
	v5 =	vsub.f32 v5, v3;
	vm4 =	vlt.u32 v8, $0xFE  }
0x226: {  	v8 =	vadd.s32 $0xFFFFFFFF, v10;
	v4 =	vmul.f32 $2.560000000e+02, v4;
	v6 =	vtrunc.f32 v6  }
0x227: {  	v5 =	vmul.f32 $2.560000000e+02, v5;
	vm3 =	vlt.u32 v8, $0xFE;
	v8 =	vmul.f32 $2.560000000e+02, v13  }
0x228: {  	v6 =	vcvt.f32.s32 v6;
	v4 =	vtrunc.f32 v4  }
0x229: {  	v13 =	vld [tilespmem:s28+$0x3D90];
	v7 =	vsub.f32 v7, v2;
	v15 =	vtrunc.f32 v5;
	v5 =	vcvt.f32.s32 v4  }
0x22a: {  	v16 =	vld [tilespmem:s28+$0xB890];
	v8 =	vtrunc.f32 v8;
	v4 =	vcvt.f32.s32 v15  }
0x22b: {  	v17 =	vadd.s32 $0xFFFFFFFF, v6;
	v7 =	vmul.f32 $2.560000000e+02, v7;
	v8 =	vcvt.f32.s32 v8  }
0x22c: {  	vm2 =	vlt.u32 v17, $0xFE;
	v15 =	vadd.s32 $0xFFFFFFFF, v5;
	v17 =	vadd.s32 $0xFFFFFFFF, v4  }
0x22d: {  	v7 =	vtrunc.f32 v7;
	vm1 =	vlt.u32 v15, $0xFE;
	v15 =	vadd.s32 $0xFFFFFFFF, v8  }
0x22e: {  	v13 =	vsub.f32 v13, v1;
	vm0 =	vlt.u32 v17, $0xFE;
	v7 =	vcvt.f32.s32 v7;
	v17 =	vld [tilespmem:s28+$0x3DA0]  }
0x22f: {  	v8 =	vshll.u32 v8, $0x10;
	vm8 =	vlt.u32 v15, $0xFE;
	v15 =	vsub.f32 v16, v2;
	v16 =	vld [tilespmem:s28+$0xB8A0]  }
0x230: {  	v13 =	vmul.f32 $2.560000000e+02, v13;
	v18 =	vshll.u32 v7, $0x8;
	v7 =	vadd.s32 $0xFFFFFFFF, v7  }
0x231: {  	v8 =	vadd.s32 v8, v18;
	vm9 =	vlt.u32 v7, $0xFE;
	v7 =	vmul.f32 $2.560000000e+02, v15  }
0x232: {  	v8 =	vadd.s32 v9, v8;
	vm8 =	vmand vm8, vm9;
	v9 =	vtrunc.f32 v13  }
0x233: {  	vm7 =	vmand vm8, vm7;
	v9 =	vcvt.f32.s32 v9  }
0x234: {  	v7 =	vtrunc.f32 v7;
	v15 =	vsub.f32 v17, v1;
	v16 =	vsub.f32 v16, v2  }
0x235: {  	v17 =	vld [tilespmem:s28+$0x3DB0];
	v13 =	vcvt.f32.s32 v7;
	v7 =	vnsel vm7, $0xFFFFFFFF, v8;
	v8 =	vshll.u32 v9, $0x10  }
0x236: {  	v9 =	vadd.s32 $0xFFFFFFFF, v9;
	v15 =	vmul.f32 $2.560000000e+02, v15;
	v16 =	vmul.f32 $2.560000000e+02, v16  }
0x237: {  	v18 =	vshll.u32 v13, $0x8;
	vm12 =	vlt.u32 v9, $0xFE;
	v9 =	vadd.s32 $0xFFFFFFFF, v13;
	v13 =	vld [tilespmem:s28+$0xB8B0]  }
0x238: {  	vm13 =	vlt.u32 v9, $0xFE;
	v9 =	vtrunc.f32 v15;
	v15 =	vtrunc.f32 v16  }
0x239: {  	v8 =	vadd.s32 v8, v18;
	v9 =	vcvt.f32.s32 v9;
	v15 =	vcvt.f32.s32 v15  }
0x23a: {  	v8 =	vadd.s32 v11, v8;
	v11 =	vsub.f32 v17, v1  }
0x23b: {  	v18 =	vld [tilespmem:s28+$0x3DC0];
	vm7 =	vmand vm12, vm13;
	v16 =	vshll.u32 v9, $0x10;
	v17 =	vshll.u32 v15, $0x8  }
0x23c: {  	v9 =	vadd.s32 $0xFFFFFFFF, v9;
	v11 =	vmul.f32 $2.560000000e+02, v11;
	v13 =	vsub.f32 v13, v2  }
0x23d: {  	v15 =	vadd.s32 $0xFFFFFFFF, v15;
	v16 =	vadd.s32 v16, v17;
	vm14 =	vlt.u32 v9, $0xFE  }
0x23e: {  	vm15 =	vlt.u32 v15, $0xFE;
	v15 =	vld [tilespmem:s28+$0xB8C0];
	v9 =	vtrunc.f32 v11;
	v11 =	vmul.f32 $2.560000000e+02, v13  }
0x23f: {  	vm6 =	vmand vm7, vm6;
	vm7 =	vmand vm14, vm15;
	v12 =	vadd.s32 v12, v16  }
0x240: {  	v16 =	vsub.f32 v18, v1;
	v13 =	vcvt.f32.s32 v9;
	v11 =	vtrunc.f32 v11  }
0x241: {  	v18 =	vld [tilespmem:s28+$0xB8D0];
	vm5 =	vmand vm7, vm5;
	v9 =	vnsel vm6, $0xFFFFFFFF, v8;
	v11 =	vcvt.f32.s32 v11  }
0x242: {  	v8 =	vnsel vm5, $0xFFFFFFFF, v12;
	v12 =	vadd.s32 $0xFFFFFFFF, v13;
	v13 =	vshll.u32 v13, $0x10  }
0x243: {  	vm12 =	vlt.u32 v12, $0xFE;
	v12 =	vsub.f32 v15, v2;
	v15 =	vld [tilespmem:s28+$0x3DD0];
	v17 =	vshll.u32 v11, $0x8  }
0x244: {  	v16 =	vmul.f32 $2.560000000e+02, v16;
	v11 =	vadd.s32 $0xFFFFFFFF, v11;
	v13 =	vadd.s32 v13, v17  }
0x245: {  	vm13 =	vlt.u32 v11, $0xFE;
	v11 =	vmul.f32 $2.560000000e+02, v12;
	v12 =	vadd.s32 v14, v13  }
0x246: {  	vm5 =	vmand vm12, vm13;
	v13 =	vtrunc.f32 v16;
	v16 =	vsub.f32 v18, v2  }
0x247: {  	vm4 =	vmand vm5, vm4;
	v13 =	vcvt.f32.s32 v13;
	v14 =	vtrunc.f32 v11  }
0x248: {  	[tilespmem:s28+$0xB890] =	vst v0;
	v11 =	vnsel vm4, $0xFFFFFFFF, v12;
	v12 =	vcvt.f32.s32 v14;
	v14 =	vsub.f32 v15, v1  }
0x249: {  	[tilespmem:s28+$0xB880] =	vst v0;
	v17 =	vld [tilespmem:s28+$0x3DE0];
	v16 =	vmul.f32 $2.560000000e+02, v16;
	v15 =	vshll.u32 v13, $0x10  }
0x24a: {  	[tilespmem:s28+$0xB8A0] =	vst v0;
	v13 =	vadd.s32 $0xFFFFFFFF, v13;
	v18 =	vshll.u32 v12, $0x8;
	v14 =	vmul.f32 $2.560000000e+02, v14  }
0x24b: {  	[tilespmem:s28+$0xB8B0] =	vst v0;
	vm14 =	vlt.u32 v13, $0xFE;
	v12 =	vadd.s32 $0xFFFFFFFF, v12;
	v13 =	vld [tilespmem:s28+$0xB8E0];
	v15 =	vadd.s32 v15, v18  }
0x24c: {  	[tilespmem:s28+$0xB8C0] =	vst v0;
	vm15 =	vlt.u32 v12, $0xFE;
	v10 =	vadd.s32 v10, v15;
	v12 =	vtrunc.f32 v14  }
0x24d: {  	[tilespmem:s28+$0xB8D0] =	vst v0;
	vm4 =	vmand vm14, vm15;
	v14 =	vtrunc.f32 v16;
	v18 =	vcvt.f32.s32 v12  }
0x24e: {  	[tilespmem:s28+$0xB8E0] =	vst v0;
	v16 =	vsub.f32 v17, v1;
	v12 =	vld [tilespmem:s28+$0x3DF0];
	vm3 =	vmand vm4, vm3;
	v15 =	vcvt.f32.s32 v14  }
0x24f: {  	s29 =	simm.s32 $0x200;
	v14 =	vld [tilespmem:s28+$0xB8F0];
	[tilespmem:s28+$0xB8F0] =	vst v0;
	v10 =	vnsel vm3, $0xFFFFFFFF, v10;
	v17 =	vshll.u32 v18, $0x10;
	v18 =	vadd.s32 $0xFFFFFFFF, v18  }
.LBB2_8:
0x250: {  	p0 =	sne.s32 s29, $0x5000;
	v19 =	vshll.u32 v15, $0x8;
	v16 =	vmul.f32 $2.560000000e+02, v16;
	v13 =	vsub.f32 v13, v2  }
0x251: {  	vm3 =	vlt.u32 v18, $0xFE;
	v15 =	vadd.s32 $0xFFFFFFFF, v15;
	v17 =	vadd.s32 v17, v19  }
0x252: {  	vm4 =	vlt.u32 v15, $0xFE;
	v15 =	vtrunc.f32 v16;
	v13 =	vmul.f32 $2.560000000e+02, v13  }
0x253: {  	v6 =	vadd.s32 v6, v17;
	vm3 =	vmand vm3, vm4;
	v15 =	vcvt.f32.s32 v15  }
0x254: {  	v12 =	vsub.f32 v12, v1;
	v13 =	vtrunc.f32 v13;
	v14 =	vsub.f32 v14, v2  }
0x255: {  	vm2 =	vmand vm3, vm2;
	v13 =	vcvt.f32.s32 v13;
	v16 =	vshll.u32 v15, $0x10  }
0x256: {  	v15 =	vadd.s32 $0xFFFFFFFF, v15;
	v12 =	vmul.f32 $2.560000000e+02, v12;
	v14 =	vmul.f32 $2.560000000e+02, v14  }
0x257: {  	vm3 =	vlt.u32 v15, $0xFE;
	v17 =	vshll.u32 v13, $0x8;
	v13 =	vadd.s32 $0xFFFFFFFF, v13  }
0x258: {  	v12 =	vtrunc.f32 v12;
	v15 =	vadd.s32 v16, v17;
	v14 =	vtrunc.f32 v14  }
0x259: {  	vm4 =	vlt.u32 v13, $0xFE;
	[tilespmem:s28+$0x1AE80] =	vst v7;
	v7 =	vcvt.f32.s32 v12;
	v12 =	vcvt.f32.s32 v14  }
0x25a: {  	v6 =	vnsel vm2, $0xFFFFFFFF, v6;
	v5 =	vadd.s32 v5, v15;
	vm2 =	vmand vm3, vm4;
	[tilespmem:s28+$0x1AE90] =	vst v9  }
0x25b: {  	[tilespmem:s28+$0x1AEA0] =	vst v8;
	v8 =	vshll.u32 v7, $0x10;
	v7 =	vadd.s32 $0xFFFFFFFF, v7;
	v9 =	vadd.s32 $0xFFFFFFFF, v12  }
0x25c: {  	[tilespmem:s28+$0x1AEB0] =	vst v11;
	v11 =	vshll.u32 v12, $0x8;
	vm3 =	vlt.u32 v7, $0xFE;
	vm4 =	vlt.u32 v9, $0xFE  }
0x25d: {  	vm1 =	vmand vm2, vm1;
	[tilespmem:s28+$0x1AEC0] =	vst v10;
	v7 =	vadd.s32 v8, v11;
	vm2 =	vmand vm3, vm4  }
0x25e: {  	v5 =	vnsel vm1, $0xFFFFFFFF, v5;
	[tilespmem:s28+$0x1AED0] =	vst v6;
	v4 =	vadd.s32 v4, v7;
	vm0 =	vmand vm2, vm0  }
0x25f: {  	[tilespmem:s28+$0x1AEE0] =	vst v5;
	v4 =	vnsel vm0, $0xFFFFFFFF, v4  }
0x260: {  	s4 =	sshra.s32 s29, $0x2;
	[tilespmem:s28+$0x1AEF0] =	vst v4;
	(ifvalue) =	ssetifvalue $0xFFFFFFFF  }
0x261: {  	s25 =	sadd.s32 $0xB880, s28;
	s28 =	sadd.s32 $0x1AE80, s28;
	(ifvalue) =	ssetifvalue $0xFFFFFFFF  }
0x262: {  	[tilespmem:s25], [sflag:$0x2] =	stream.indirect.gather [hbm4b:s2+s1], $0x1, s28, s1, $0x40b8;
	[tilespmem:$0x1F400] =	vst v63  }
0x263: {  	s28 =	smov.u32 s4;
	v4 =	vld [tilespmem:s4+$0x13380]  }
0x264: {  	v5 =	vld [tilespmem:s28+$0x13390]  }
0x265: {  	v6 =	vld [tilespmem:s28+$0x133A0];
	_ =	sdelay $0x2  }
0x266: {  	v4 =	vsub.f32 v4, v3;
	v7 =	vld [tilespmem:s28+$0x133B0]  }
0x267: {  	v5 =	vsub.f32 v5, v3;
	v8 =	vld [tilespmem:s28+$0x133C0]  }
0x268: {  	v4 =	vmul.f32 $2.560000000e+02, v4;
	v6 =	vsub.f32 v6, v3  }
0x269: {  	v5 =	vmul.f32 $2.560000000e+02, v5  }
0x26a: {  	v4 =	vtrunc.f32 v4;
	v6 =	vmul.f32 $2.560000000e+02, v6  }
0x26b: {  	v9 =	vcvt.f32.s32 v4;
	v4 =	vtrunc.f32 v5;
	v5 =	vsub.f32 v7, v3;
	v7 =	vld [tilespmem:s28+$0x133D0]  }
0x26c: {  	v12 =	vcvt.f32.s32 v4;
	v4 =	vtrunc.f32 v6;
	v6 =	vsub.f32 v8, v3;
	v13 =	vld [tilespmem:s28+$0x133E0]  }
0x26d: {  	v10 =	vadd.s32 $0xFFFFFFFF, v9;
	v8 =	vcvt.f32.s32 v4;
	v4 =	vmul.f32 $2.560000000e+02, v5;
	v5 =	vld [tilespmem:s28+$0x133F0]  }
0x26e: {  	vm7 =	vlt.u32 v10, $0xFE;
	v10 =	vadd.s32 $0xFFFFFFFF, v12;
	v6 =	vmul.f32 $2.560000000e+02, v6  }
0x26f: {  	v14 =	vld [tilespmem:s28+$0x3D80];
	vm6 =	vlt.u32 v10, $0xFE;
	v10 =	vadd.s32 $0xFFFFFFFF, v8;
	v4 =	vtrunc.f32 v4  }
0x270: {  	v11 =	vcvt.f32.s32 v4;
	v4 =	vtrunc.f32 v6;
	v6 =	vsub.f32 v7, v3  }
0x271: {  	vm5 =	vlt.u32 v10, $0xFE;
	v7 =	vld [tilespmem:s28+$0xB880];
	[tilespmem:s28+$0xB880] =	vst v0;
	v10 =	vcvt.f32.s32 v4;
	v4 =	vsub.f32 v13, v3  }
0x272: {  	v13 =	vadd.s32 $0xFFFFFFFF, v11;
	v6 =	vmul.f32 $2.560000000e+02, v6;
	v5 =	vsub.f32 v5, v3  }
0x273: {  	vm4 =	vlt.u32 v13, $0xFE;
	v13 =	vadd.s32 $0xFFFFFFFF, v10;
	v4 =	vmul.f32 $2.560000000e+02, v4  }
0x274: {  	v14 =	vsub.f32 v14, v1;
	v6 =	vtrunc.f32 v6;
	v5 =	vmul.f32 $2.560000000e+02, v5  }
0x275: {  	vm3 =	vlt.u32 v13, $0xFE;
	v6 =	vcvt.f32.s32 v6;
	v4 =	vtrunc.f32 v4  }
0x276: {  	v13 =	vmul.f32 $2.560000000e+02, v14;
	v7 =	vsub.f32 v7, v2;
	v14 =	vld [tilespmem:s28+$0x3D90];
	v15 =	vtrunc.f32 v5  }
0x277: {  	v5 =	vcvt.f32.s32 v4;
	v16 =	vld [tilespmem:s28+$0xB890];
	[tilespmem:s28+$0xB890] =	vst v0;
	v17 =	vadd.s32 $0xFFFFFFFF, v6;
	v4 =	vcvt.f32.s32 v15  }
0x278: {  	v13 =	vtrunc.f32 v13;
	v7 =	vmul.f32 $2.560000000e+02, v7;
	vm2 =	vlt.u32 v17, $0xFE  }
0x279: {  	v15 =	vadd.s32 $0xFFFFFFFF, v5;
	v13 =	vcvt.f32.s32 v13;
	v17 =	vadd.s32 $0xFFFFFFFF, v4  }
0x27a: {  	vm1 =	vlt.u32 v15, $0xFE;
	v7 =	vtrunc.f32 v7;
	vm0 =	vlt.u32 v17, $0xFE  }
0x27b: {  	v7 =	vcvt.f32.s32 v7;
	v15 =	vadd.s32 $0xFFFFFFFF, v13;
	v14 =	vsub.f32 v14, v1;
	v17 =	vld [tilespmem:s28+$0x3DA0]  }
0x27c: {  	v13 =	vshll.u32 v13, $0x10;
	vm8 =	vlt.u32 v15, $0xFE;
	v15 =	vsub.f32 v16, v2;
	v16 =	vld [tilespmem:s28+$0xB8A0];
	[tilespmem:s28+$0xB8A0] =	vst v0  }
0x27d: {  	v18 =	vshll.u32 v7, $0x8;
	v7 =	vadd.s32 $0xFFFFFFFF, v7;
	v14 =	vmul.f32 $2.560000000e+02, v14  }
0x27e: {  	v13 =	vadd.s32 v13, v18;
	vm9 =	vlt.u32 v7, $0xFE;
	v7 =	vmul.f32 $2.560000000e+02, v15  }
0x27f: {  	v9 =	vadd.s32 v9, v13;
	vm8 =	vmand vm8, vm9;
	v13 =	vtrunc.f32 v14  }
0x280: {  	vm7 =	vmand vm8, vm7;
	v13 =	vcvt.f32.s32 v13;
	v7 =	vtrunc.f32 v7  }
0x281: {  	v15 =	vsub.f32 v17, v1;
	v14 =	vcvt.f32.s32 v7;
	v16 =	vsub.f32 v16, v2  }
0x282: {  	v7 =	vnsel vm7, $0xFFFFFFFF, v9;
	v9 =	vshll.u32 v13, $0x10;
	v13 =	vadd.s32 $0xFFFFFFFF, v13;
	v17 =	vld [tilespmem:s28+$0x3DB0]  }
0x283: {  	v15 =	vmul.f32 $2.560000000e+02, v15;
	v18 =	vshll.u32 v14, $0x8;
	v16 =	vmul.f32 $2.560000000e+02, v16  }
0x284: {  	vm7 =	vlt.u32 v13, $0xFE;
	v13 =	vadd.s32 $0xFFFFFFFF, v14;
	v9 =	vadd.s32 v9, v18;
	v14 =	vld [tilespmem:s28+$0xB8B0];
	[tilespmem:s28+$0xB8B0] =	vst v0  }
0x285: {  	vm8 =	vlt.u32 v13, $0xFE;
	v13 =	vtrunc.f32 v15;
	v15 =	vtrunc.f32 v16  }
0x286: {  	vm7 =	vmand vm7, vm8;
	v13 =	vcvt.f32.s32 v13;
	v15 =	vcvt.f32.s32 v15  }
0x287: {  	v9 =	vadd.s32 v12, v9;
	vm6 =	vmand vm7, vm6;
	v12 =	vsub.f32 v17, v1  }
0x288: {  	v16 =	vshll.u32 v13, $0x10;
	v13 =	vadd.s32 $0xFFFFFFFF, v13;
	v17 =	vshll.u32 v15, $0x8  }
0x289: {  	v15 =	vadd.s32 $0xFFFFFFFF, v15;
	v12 =	vmul.f32 $2.560000000e+02, v12;
	v14 =	vsub.f32 v14, v2;
	v18 =	vld [tilespmem:s28+$0x3DC0]  }
0x28a: {  	vm7 =	vlt.u32 v13, $0xFE;
	v16 =	vadd.s32 v16, v17;
	vm8 =	vlt.u32 v15, $0xFE;
	v13 =	vld [tilespmem:s28+$0xB8C0];
	[tilespmem:s28+$0xB8C0] =	vst v0  }
0x28b: {  	vm7 =	vmand vm7, vm8;
	v12 =	vtrunc.f32 v12;
	v14 =	vmul.f32 $2.560000000e+02, v14  }
0x28c: {  	v8 =	vadd.s32 v8, v16;
	vm5 =	vmand vm7, vm5;
	v12 =	vcvt.f32.s32 v12  }
0x28d: {  	v9 =	vnsel vm6, $0xFFFFFFFF, v9;
	v8 =	vnsel vm5, $0xFFFFFFFF, v8;
	v14 =	vtrunc.f32 v14  }
0x28e: {  	v14 =	vcvt.f32.s32 v14;
	v15 =	vadd.s32 $0xFFFFFFFF, v12;
	v16 =	vsub.f32 v18, v1  }
0x28f: {  	v12 =	vshll.u32 v12, $0x10;
	vm5 =	vlt.u32 v15, $0xFE;
	v13 =	vsub.f32 v13, v2;
	v15 =	vld [tilespmem:s28+$0x3DD0]  }
0x290: {  	v17 =	vshll.u32 v14, $0x8;
	v14 =	vadd.s32 $0xFFFFFFFF, v14;
	v16 =	vmul.f32 $2.560000000e+02, v16;
	v18 =	vld [tilespmem:s28+$0xB8D0];
	[tilespmem:s28+$0xB8D0] =	vst v0  }
0x291: {  	v12 =	vadd.s32 v12, v17;
	vm6 =	vlt.u32 v14, $0xFE;
	v13 =	vmul.f32 $2.560000000e+02, v13  }
0x292: {  	v11 =	vadd.s32 v11, v12;
	vm5 =	vmand vm5, vm6;
	v12 =	vtrunc.f32 v16  }
0x293: {  	vm4 =	vmand vm5, vm4;
	v12 =	vcvt.f32.s32 v12;
	v13 =	vtrunc.f32 v13  }
0x294: {  	v11 =	vnsel vm4, $0xFFFFFFFF, v11;
	v13 =	vcvt.f32.s32 v13;
	v14 =	vsub.f32 v15, v1  }
0x295: {  	v15 =	vshll.u32 v12, $0x10;
	v12 =	vadd.s32 $0xFFFFFFFF, v12;
	v16 =	vsub.f32 v18, v2;
	v17 =	vld [tilespmem:s28+$0x3DE0]  }
0x296: {  	v18 =	vshll.u32 v13, $0x8;
	vm4 =	vlt.u32 v12, $0xFE;
	v12 =	vmul.f32 $2.560000000e+02, v14  }
.Ltmp3:
0x297: {  	v14 =	vadd.s32 v15, v18;
	v15 =	vadd.s32 $0xFFFFFFFF, v13;
	v16 =	vmul.f32 $2.560000000e+02, v16;
	v13 =	vld [tilespmem:s28+$0xB8E0];
	[tilespmem:s28+$0xB8E0] =	vst v0;
	(pc) =	sbr.rel @p0 .LBB2_8-.Ltmp3, $4  }
0x298: {  	v10 =	vadd.s32 v10, v14;
	vm5 =	vlt.u32 v15, $0xFE;
	v12 =	vtrunc.f32 v12  }
0x299: {  	vm4 =	vmand vm4, vm5;
	v14 =	vcvt.f32.s32 v12;
	v12 =	vtrunc.f32 v16  }
0x29a: {  	vm3 =	vmand vm4, vm3;
	v15 =	vcvt.f32.s32 v12;
	v16 =	vsub.f32 v17, v1;
	v12 =	vld [tilespmem:s28+$0x3DF0]  }
0x29b: {  	s29 =	sadd.s32 $0x200, s29;
	v10 =	vnsel vm3, $0xFFFFFFFF, v10;
	v17 =	vshll.u32 v14, $0x10;
	v18 =	vadd.s32 $0xFFFFFFFF, v14;
	v14 =	vld [tilespmem:s28+$0xB8F0];
	[tilespmem:s28+$0xB8F0] =	vst v0  }
0x29c: {  	v19 =	vshll.u32 v15, $0x8;
	v16 =	vmul.f32 $2.560000000e+02, v16;
	v13 =	vsub.f32 v13, v2  }
0x29d: {  	vm3 =	vlt.u32 v18, $0xFE;
	v15 =	vadd.s32 $0xFFFFFFFF, v15;
	v17 =	vadd.s32 v17, v19  }
0x29e: {  	vm4 =	vlt.u32 v15, $0xFE;
	v15 =	vtrunc.f32 v16;
	v13 =	vmul.f32 $2.560000000e+02, v13  }
0x29f: {  	v6 =	vadd.s32 v6, v17;
	vm3 =	vmand vm3, vm4;
	v15 =	vcvt.f32.s32 v15  }
0x2a0: {  	v12 =	vsub.f32 v12, v1;
	v13 =	vtrunc.f32 v13;
	v14 =	vsub.f32 v14, v2  }
0x2a1: {  	vm2 =	vmand vm3, vm2;
	v13 =	vcvt.f32.s32 v13;
	v16 =	vshll.u32 v15, $0x10  }
0x2a2: {  	v15 =	vadd.s32 $0xFFFFFFFF, v15;
	v12 =	vmul.f32 $2.560000000e+02, v12;
	v14 =	vmul.f32 $2.560000000e+02, v14  }
0x2a3: {  	vm3 =	vlt.u32 v15, $0xFE;
	v17 =	vshll.u32 v13, $0x8;
	v13 =	vadd.s32 $0xFFFFFFFF, v13  }
0x2a4: {  	v12 =	vtrunc.f32 v12;
	v15 =	vadd.s32 v16, v17;
	v14 =	vtrunc.f32 v14  }
0x2a5: {  	[tilespmem:s28+$0x1AE80] =	vst v7;
	vm10 =	vlt.u32 v13, $0xFE;
	v7 =	vcvt.f32.s32 v12;
	v12 =	vcvt.f32.s32 v14  }
0x2a6: {  	[tilespmem:s28+$0x1AE90] =	vst v9;
	v6 =	vnsel vm2, $0xFFFFFFFF, v6;
	v5 =	vadd.s32 v5, v15;
	vm2 =	vmand vm3, vm10  }
0x2a7: {  	[tilespmem:s28+$0x1AEA0] =	vst v8;
	v8 =	vshll.u32 v7, $0x10;
	v7 =	vadd.s32 $0xFFFFFFFF, v7;
	v9 =	vadd.s32 $0xFFFFFFFF, v12  }
0x2a8: {  	[tilespmem:s28+$0x1AEB0] =	vst v11;
	v11 =	vshll.u32 v12, $0x8;
	vm3 =	vlt.u32 v7, $0xFE;
	vm11 =	vlt.u32 v9, $0xFE  }
0x2a9: {  	[tilespmem:s28+$0x1AEC0] =	vst v10;
	vm1 =	vmand vm2, vm1;
	v7 =	vadd.s32 v8, v11;
	vm2 =	vmand vm3, vm11  }
0x2aa: {  	[tilespmem:s28+$0x1AED0] =	vst v6;
	v5 =	vnsel vm1, $0xFFFFFFFF, v5;
	v4 =	vadd.s32 v4, v7;
	vm0 =	vmand vm2, vm0  }
0x2ab: {  	[tilespmem:s28+$0x1AEE0] =	vst v5;
	v4 =	vnsel vm0, $0xFFFFFFFF, v4  }
0x2ac: {  	[tilespmem:s28+$0x1AEF0] =	vst v4;
	(ifvalue) =	ssetifvalue $0xFFFFFFFF  }
0x2ad: {  	s4 =	sadd.s32 $0xB880, s28;
	s25 =	sadd.s32 $0x1AE80, s28;
	(ifvalue) =	ssetifvalue $0xFFFFFFFF  }
0x2ae: {  	[tilespmem:s4], [sflag:$0x2] =	stream.indirect.gather [hbm4b:s2+s1], $0x1, s25, s1, $0x40b8;
	[tilespmem:$0x1F400] =	vst v63  }
0x2af: {  	_ =	swait.ge [sflag:s31], $0x3D80  }
0x2b0: {  	[sflag:s31] =	ssyncset.done $0x0  }
0x2b1: {  	s28 =	simm.s32 $0x0;
	[sflag:s31] =	ssyncadd.s32 $0xFFFFC280  }
0x2b2: {  	v4 =	vld [tilespmem:s28+$0x14800]  }
0x2b3: {  	v5 =	vld [tilespmem:s28+$0x14810]  }
0x2b4: {  	v6 =	vld [tilespmem:s28+$0x14820];
	_ =	sdelay $0x2  }
0x2b5: {  	v7 =	vld [tilespmem:s28+$0x14830];
	v4 =	vsub.f32 v4, v3  }
0x2b6: {  	v8 =	vld [tilespmem:s28+$0x14840];
	v5 =	vsub.f32 v5, v3  }
0x2b7: {  	v6 =	vsub.f32 v6, v3;
	v4 =	vmul.f32 $2.560000000e+02, v4  }
0x2b8: {  	v5 =	vmul.f32 $2.560000000e+02, v5  }
0x2b9: {  	v6 =	vmul.f32 $2.560000000e+02, v6;
	v4 =	vtrunc.f32 v4  }
0x2ba: {  	v9 =	vcvt.f32.s32 v4;
	v4 =	vtrunc.f32 v5;
	v5 =	vsub.f32 v7, v3;
	v7 =	vld [tilespmem:s28+$0x14850]  }
0x2bb: {  	v13 =	vld [tilespmem:s28+$0x5200];
	v11 =	vcvt.f32.s32 v4;
	v4 =	vtrunc.f32 v6;
	v6 =	vsub.f32 v8, v3  }
0x2bc: {  	v8 =	vld [tilespmem:s28+$0x14860];
	v10 =	vadd.s32 $0xFFFFFFFF, v9;
	v12 =	vcvt.f32.s32 v4;
	v4 =	vmul.f32 $2.560000000e+02, v5  }
0x2bd: {  	v5 =	vld [tilespmem:s28+$0x14870];
	vm7 =	vlt.u32 v10, $0xFE;
	v10 =	vadd.s32 $0xFFFFFFFF, v11;
	v6 =	vmul.f32 $2.560000000e+02, v6  }
0x2be: {  	vm6 =	vlt.u32 v10, $0xFE;
	v10 =	vadd.s32 $0xFFFFFFFF, v12;
	v4 =	vtrunc.f32 v4  }
0x2bf: {  	v14 =	vcvt.f32.s32 v4;
	v4 =	vtrunc.f32 v6;
	v6 =	vsub.f32 v7, v3  }
0x2c0: {  	vm5 =	vlt.u32 v10, $0xFE;
	v10 =	vcvt.f32.s32 v4  }
0x2c1: {  	v7 =	vld [tilespmem:s28+$0xCD00];
	v4 =	vsub.f32 v8, v3;
	v8 =	vadd.s32 $0xFFFFFFFF, v14;
	v6 =	vmul.f32 $2.560000000e+02, v6  }
0x2c2: {  	v13 =	vsub.f32 v13, v1;
	v5 =	vsub.f32 v5, v3;
	vm4 =	vlt.u32 v8, $0xFE  }
0x2c3: {  	v8 =	vadd.s32 $0xFFFFFFFF, v10;
	v4 =	vmul.f32 $2.560000000e+02, v4;
	v6 =	vtrunc.f32 v6  }
0x2c4: {  	v5 =	vmul.f32 $2.560000000e+02, v5;
	vm3 =	vlt.u32 v8, $0xFE;
	v8 =	vmul.f32 $2.560000000e+02, v13  }
0x2c5: {  	v6 =	vcvt.f32.s32 v6;
	v4 =	vtrunc.f32 v4  }
0x2c6: {  	v13 =	vld [tilespmem:s28+$0x5210];
	v7 =	vsub.f32 v7, v2;
	v15 =	vtrunc.f32 v5;
	v5 =	vcvt.f32.s32 v4  }
0x2c7: {  	v16 =	vld [tilespmem:s28+$0xCD10];
	v8 =	vtrunc.f32 v8;
	v4 =	vcvt.f32.s32 v15  }
0x2c8: {  	v17 =	vadd.s32 $0xFFFFFFFF, v6;
	v7 =	vmul.f32 $2.560000000e+02, v7;
	v8 =	vcvt.f32.s32 v8  }
0x2c9: {  	vm2 =	vlt.u32 v17, $0xFE;
	v15 =	vadd.s32 $0xFFFFFFFF, v5;
	v17 =	vadd.s32 $0xFFFFFFFF, v4  }
0x2ca: {  	v7 =	vtrunc.f32 v7;
	vm1 =	vlt.u32 v15, $0xFE;
	v15 =	vadd.s32 $0xFFFFFFFF, v8  }
0x2cb: {  	v13 =	vsub.f32 v13, v1;
	vm0 =	vlt.u32 v17, $0xFE;
	v7 =	vcvt.f32.s32 v7;
	v17 =	vld [tilespmem:s28+$0x5220]  }
0x2cc: {  	v8 =	vshll.u32 v8, $0x10;
	vm8 =	vlt.u32 v15, $0xFE;
	v15 =	vsub.f32 v16, v2;
	v16 =	vld [tilespmem:s28+$0xCD20]  }
0x2cd: {  	v13 =	vmul.f32 $2.560000000e+02, v13;
	v18 =	vshll.u32 v7, $0x8;
	v7 =	vadd.s32 $0xFFFFFFFF, v7  }
0x2ce: {  	v8 =	vadd.s32 v8, v18;
	vm9 =	vlt.u32 v7, $0xFE;
	v7 =	vmul.f32 $2.560000000e+02, v15  }
0x2cf: {  	v8 =	vadd.s32 v9, v8;
	vm8 =	vmand vm8, vm9;
	v9 =	vtrunc.f32 v13  }
0x2d0: {  	vm7 =	vmand vm8, vm7;
	v9 =	vcvt.f32.s32 v9  }
0x2d1: {  	v7 =	vtrunc.f32 v7;
	v15 =	vsub.f32 v17, v1;
	v16 =	vsub.f32 v16, v2  }
0x2d2: {  	v17 =	vld [tilespmem:s28+$0x5230];
	v13 =	vcvt.f32.s32 v7;
	v7 =	vnsel vm7, $0xFFFFFFFF, v8;
	v8 =	vshll.u32 v9, $0x10  }
0x2d3: {  	v9 =	vadd.s32 $0xFFFFFFFF, v9;
	v15 =	vmul.f32 $2.560000000e+02, v15;
	v16 =	vmul.f32 $2.560000000e+02, v16  }
0x2d4: {  	v18 =	vshll.u32 v13, $0x8;
	vm12 =	vlt.u32 v9, $0xFE;
	v9 =	vadd.s32 $0xFFFFFFFF, v13;
	v13 =	vld [tilespmem:s28+$0xCD30]  }
0x2d5: {  	vm13 =	vlt.u32 v9, $0xFE;
	v9 =	vtrunc.f32 v15;
	v15 =	vtrunc.f32 v16  }
0x2d6: {  	v8 =	vadd.s32 v8, v18;
	v9 =	vcvt.f32.s32 v9;
	v15 =	vcvt.f32.s32 v15  }
0x2d7: {  	v8 =	vadd.s32 v11, v8;
	v11 =	vsub.f32 v17, v1  }
0x2d8: {  	v18 =	vld [tilespmem:s28+$0x5240];
	vm7 =	vmand vm12, vm13;
	v16 =	vshll.u32 v9, $0x10;
	v17 =	vshll.u32 v15, $0x8  }
0x2d9: {  	v9 =	vadd.s32 $0xFFFFFFFF, v9;
	v11 =	vmul.f32 $2.560000000e+02, v11;
	v13 =	vsub.f32 v13, v2  }
0x2da: {  	v15 =	vadd.s32 $0xFFFFFFFF, v15;
	v16 =	vadd.s32 v16, v17;
	vm14 =	vlt.u32 v9, $0xFE  }
0x2db: {  	vm15 =	vlt.u32 v15, $0xFE;
	v15 =	vld [tilespmem:s28+$0xCD40];
	v9 =	vtrunc.f32 v11;
	v11 =	vmul.f32 $2.560000000e+02, v13  }
0x2dc: {  	vm6 =	vmand vm7, vm6;
	vm7 =	vmand vm14, vm15;
	v12 =	vadd.s32 v12, v16  }
0x2dd: {  	v16 =	vsub.f32 v18, v1;
	v13 =	vcvt.f32.s32 v9;
	v11 =	vtrunc.f32 v11  }
0x2de: {  	v18 =	vld [tilespmem:s28+$0xCD50];
	vm5 =	vmand vm7, vm5;
	v9 =	vnsel vm6, $0xFFFFFFFF, v8;
	v11 =	vcvt.f32.s32 v11  }
0x2df: {  	v8 =	vnsel vm5, $0xFFFFFFFF, v12;
	v12 =	vadd.s32 $0xFFFFFFFF, v13;
	v13 =	vshll.u32 v13, $0x10  }
0x2e0: {  	vm12 =	vlt.u32 v12, $0xFE;
	v12 =	vsub.f32 v15, v2;
	v15 =	vld [tilespmem:s28+$0x5250];
	v17 =	vshll.u32 v11, $0x8  }
0x2e1: {  	v16 =	vmul.f32 $2.560000000e+02, v16;
	v11 =	vadd.s32 $0xFFFFFFFF, v11;
	v13 =	vadd.s32 v13, v17  }
0x2e2: {  	vm13 =	vlt.u32 v11, $0xFE;
	v11 =	vmul.f32 $2.560000000e+02, v12;
	v12 =	vadd.s32 v14, v13  }
0x2e3: {  	vm5 =	vmand vm12, vm13;
	v13 =	vtrunc.f32 v16;
	v16 =	vsub.f32 v18, v2  }
0x2e4: {  	vm4 =	vmand vm5, vm4;
	v13 =	vcvt.f32.s32 v13;
	v14 =	vtrunc.f32 v11  }
0x2e5: {  	[tilespmem:s28+$0xCD10] =	vst v0;
	v11 =	vnsel vm4, $0xFFFFFFFF, v12;
	v12 =	vcvt.f32.s32 v14;
	v14 =	vsub.f32 v15, v1  }
0x2e6: {  	[tilespmem:s28+$0xCD00] =	vst v0;
	v17 =	vld [tilespmem:s28+$0x5260];
	v16 =	vmul.f32 $2.560000000e+02, v16;
	v15 =	vshll.u32 v13, $0x10  }
0x2e7: {  	[tilespmem:s28+$0xCD20] =	vst v0;
	v13 =	vadd.s32 $0xFFFFFFFF, v13;
	v18 =	vshll.u32 v12, $0x8;
	v14 =	vmul.f32 $2.560000000e+02, v14  }
0x2e8: {  	[tilespmem:s28+$0xCD30] =	vst v0;
	vm14 =	vlt.u32 v13, $0xFE;
	v12 =	vadd.s32 $0xFFFFFFFF, v12;
	v13 =	vld [tilespmem:s28+$0xCD60];
	v15 =	vadd.s32 v15, v18  }
0x2e9: {  	[tilespmem:s28+$0xCD40] =	vst v0;
	vm15 =	vlt.u32 v12, $0xFE;
	v10 =	vadd.s32 v10, v15;
	v12 =	vtrunc.f32 v14  }
0x2ea: {  	[tilespmem:s28+$0xCD50] =	vst v0;
	vm4 =	vmand vm14, vm15;
	v14 =	vtrunc.f32 v16;
	v18 =	vcvt.f32.s32 v12  }
0x2eb: {  	[tilespmem:s28+$0xCD60] =	vst v0;
	v16 =	vsub.f32 v17, v1;
	v12 =	vld [tilespmem:s28+$0x5270];
	vm3 =	vmand vm4, vm3;
	v15 =	vcvt.f32.s32 v14  }
0x2ec: {  	s29 =	simm.s32 $0x200;
	v14 =	vld [tilespmem:s28+$0xCD70];
	[tilespmem:s28+$0xCD70] =	vst v0;
	v10 =	vnsel vm3, $0xFFFFFFFF, v10;
	v17 =	vshll.u32 v18, $0x10;
	v18 =	vadd.s32 $0xFFFFFFFF, v18  }
.LBB2_10:
0x2ed: {  	p0 =	sne.s32 s29, $0x5000;
	v19 =	vshll.u32 v15, $0x8;
	v16 =	vmul.f32 $2.560000000e+02, v16;
	v13 =	vsub.f32 v13, v2  }
0x2ee: {  	vm3 =	vlt.u32 v18, $0xFE;
	v15 =	vadd.s32 $0xFFFFFFFF, v15;
	v17 =	vadd.s32 v17, v19  }
0x2ef: {  	vm4 =	vlt.u32 v15, $0xFE;
	v15 =	vtrunc.f32 v16;
	v13 =	vmul.f32 $2.560000000e+02, v13  }
0x2f0: {  	v6 =	vadd.s32 v6, v17;
	vm3 =	vmand vm3, vm4;
	v15 =	vcvt.f32.s32 v15  }
0x2f1: {  	v12 =	vsub.f32 v12, v1;
	v13 =	vtrunc.f32 v13;
	v14 =	vsub.f32 v14, v2  }
0x2f2: {  	vm2 =	vmand vm3, vm2;
	v13 =	vcvt.f32.s32 v13;
	v16 =	vshll.u32 v15, $0x10  }
0x2f3: {  	v15 =	vadd.s32 $0xFFFFFFFF, v15;
	v12 =	vmul.f32 $2.560000000e+02, v12;
	v14 =	vmul.f32 $2.560000000e+02, v14  }
0x2f4: {  	vm3 =	vlt.u32 v15, $0xFE;
	v17 =	vshll.u32 v13, $0x8;
	v13 =	vadd.s32 $0xFFFFFFFF, v13  }
0x2f5: {  	v12 =	vtrunc.f32 v12;
	v15 =	vadd.s32 v16, v17;
	v14 =	vtrunc.f32 v14  }
0x2f6: {  	vm4 =	vlt.u32 v13, $0xFE;
	[tilespmem:s28+$0x1C300] =	vst v7;
	v7 =	vcvt.f32.s32 v12;
	v12 =	vcvt.f32.s32 v14  }
0x2f7: {  	v6 =	vnsel vm2, $0xFFFFFFFF, v6;
	v5 =	vadd.s32 v5, v15;
	vm2 =	vmand vm3, vm4;
	[tilespmem:s28+$0x1C310] =	vst v9  }
0x2f8: {  	[tilespmem:s28+$0x1C320] =	vst v8;
	v8 =	vshll.u32 v7, $0x10;
	v7 =	vadd.s32 $0xFFFFFFFF, v7;
	v9 =	vadd.s32 $0xFFFFFFFF, v12  }
0x2f9: {  	[tilespmem:s28+$0x1C330] =	vst v11;
	v11 =	vshll.u32 v12, $0x8;
	vm3 =	vlt.u32 v7, $0xFE;
	vm4 =	vlt.u32 v9, $0xFE  }
0x2fa: {  	vm1 =	vmand vm2, vm1;
	[tilespmem:s28+$0x1C340] =	vst v10;
	v7 =	vadd.s32 v8, v11;
	vm2 =	vmand vm3, vm4  }
0x2fb: {  	v5 =	vnsel vm1, $0xFFFFFFFF, v5;
	[tilespmem:s28+$0x1C350] =	vst v6;
	v4 =	vadd.s32 v4, v7;
	vm0 =	vmand vm2, vm0  }
0x2fc: {  	[tilespmem:s28+$0x1C360] =	vst v5;
	v4 =	vnsel vm0, $0xFFFFFFFF, v4  }
0x2fd: {  	s4 =	sshra.s32 s29, $0x2;
	[tilespmem:s28+$0x1C370] =	vst v4;
	(ifvalue) =	ssetifvalue $0xFFFFFFFF  }
0x2fe: {  	s25 =	sadd.s32 $0xCD00, s28;
	s28 =	sadd.s32 $0x1C300, s28;
	(ifvalue) =	ssetifvalue $0xFFFFFFFF  }
0x2ff: {  	[tilespmem:s25], [sflag:$0x2] =	stream.indirect.gather [hbm4b:s2+s1], $0x1, s28, s1, $0x40b8;
	[tilespmem:$0x1F400] =	vst v63  }
0x300: {  	s28 =	smov.u32 s4;
	v4 =	vld [tilespmem:s4+$0x14800]  }
0x301: {  	v5 =	vld [tilespmem:s28+$0x14810]  }
0x302: {  	v6 =	vld [tilespmem:s28+$0x14820];
	_ =	sdelay $0x2  }
0x303: {  	v4 =	vsub.f32 v4, v3;
	v7 =	vld [tilespmem:s28+$0x14830]  }
0x304: {  	v5 =	vsub.f32 v5, v3;
	v8 =	vld [tilespmem:s28+$0x14840]  }
0x305: {  	v4 =	vmul.f32 $2.560000000e+02, v4;
	v6 =	vsub.f32 v6, v3  }
0x306: {  	v5 =	vmul.f32 $2.560000000e+02, v5  }
0x307: {  	v4 =	vtrunc.f32 v4;
	v6 =	vmul.f32 $2.560000000e+02, v6  }
0x308: {  	v9 =	vcvt.f32.s32 v4;
	v4 =	vtrunc.f32 v5;
	v5 =	vsub.f32 v7, v3;
	v7 =	vld [tilespmem:s28+$0x14850]  }
0x309: {  	v12 =	vcvt.f32.s32 v4;
	v4 =	vtrunc.f32 v6;
	v6 =	vsub.f32 v8, v3;
	v13 =	vld [tilespmem:s28+$0x14860]  }
0x30a: {  	v10 =	vadd.s32 $0xFFFFFFFF, v9;
	v8 =	vcvt.f32.s32 v4;
	v4 =	vmul.f32 $2.560000000e+02, v5;
	v5 =	vld [tilespmem:s28+$0x14870]  }
0x30b: {  	vm7 =	vlt.u32 v10, $0xFE;
	v10 =	vadd.s32 $0xFFFFFFFF, v12;
	v6 =	vmul.f32 $2.560000000e+02, v6  }
0x30c: {  	v14 =	vld [tilespmem:s28+$0x5200];
	vm6 =	vlt.u32 v10, $0xFE;
	v10 =	vadd.s32 $0xFFFFFFFF, v8;
	v4 =	vtrunc.f32 v4  }
0x30d: {  	v11 =	vcvt.f32.s32 v4;
	v4 =	vtrunc.f32 v6;
	v6 =	vsub.f32 v7, v3  }
0x30e: {  	vm5 =	vlt.u32 v10, $0xFE;
	v7 =	vld [tilespmem:s28+$0xCD00];
	[tilespmem:s28+$0xCD00] =	vst v0;
	v10 =	vcvt.f32.s32 v4;
	v4 =	vsub.f32 v13, v3  }
0x30f: {  	v13 =	vadd.s32 $0xFFFFFFFF, v11;
	v6 =	vmul.f32 $2.560000000e+02, v6;
	v5 =	vsub.f32 v5, v3  }
0x310: {  	vm4 =	vlt.u32 v13, $0xFE;
	v13 =	vadd.s32 $0xFFFFFFFF, v10;
	v4 =	vmul.f32 $2.560000000e+02, v4  }
0x311: {  	v14 =	vsub.f32 v14, v1;
	v6 =	vtrunc.f32 v6;
	v5 =	vmul.f32 $2.560000000e+02, v5  }
0x312: {  	vm3 =	vlt.u32 v13, $0xFE;
	v6 =	vcvt.f32.s32 v6;
	v4 =	vtrunc.f32 v4  }
0x313: {  	v13 =	vmul.f32 $2.560000000e+02, v14;
	v7 =	vsub.f32 v7, v2;
	v14 =	vld [tilespmem:s28+$0x5210];
	v15 =	vtrunc.f32 v5  }
0x314: {  	v5 =	vcvt.f32.s32 v4;
	v16 =	vld [tilespmem:s28+$0xCD10];
	[tilespmem:s28+$0xCD10] =	vst v0;
	v17 =	vadd.s32 $0xFFFFFFFF, v6;
	v4 =	vcvt.f32.s32 v15  }
0x315: {  	v13 =	vtrunc.f32 v13;
	v7 =	vmul.f32 $2.560000000e+02, v7;
	vm2 =	vlt.u32 v17, $0xFE  }
0x316: {  	v15 =	vadd.s32 $0xFFFFFFFF, v5;
	v13 =	vcvt.f32.s32 v13;
	v17 =	vadd.s32 $0xFFFFFFFF, v4  }
0x317: {  	vm1 =	vlt.u32 v15, $0xFE;
	v7 =	vtrunc.f32 v7;
	vm0 =	vlt.u32 v17, $0xFE  }
0x318: {  	v7 =	vcvt.f32.s32 v7;
	v15 =	vadd.s32 $0xFFFFFFFF, v13;
	v14 =	vsub.f32 v14, v1;
	v17 =	vld [tilespmem:s28+$0x5220]  }
0x319: {  	v13 =	vshll.u32 v13, $0x10;
	vm8 =	vlt.u32 v15, $0xFE;
	v15 =	vsub.f32 v16, v2;
	v16 =	vld [tilespmem:s28+$0xCD20];
	[tilespmem:s28+$0xCD20] =	vst v0  }
0x31a: {  	v18 =	vshll.u32 v7, $0x8;
	v7 =	vadd.s32 $0xFFFFFFFF, v7;
	v14 =	vmul.f32 $2.560000000e+02, v14  }
0x31b: {  	v13 =	vadd.s32 v13, v18;
	vm9 =	vlt.u32 v7, $0xFE;
	v7 =	vmul.f32 $2.560000000e+02, v15  }
0x31c: {  	v9 =	vadd.s32 v9, v13;
	vm8 =	vmand vm8, vm9;
	v13 =	vtrunc.f32 v14  }
0x31d: {  	vm7 =	vmand vm8, vm7;
	v13 =	vcvt.f32.s32 v13;
	v7 =	vtrunc.f32 v7  }
0x31e: {  	v15 =	vsub.f32 v17, v1;
	v14 =	vcvt.f32.s32 v7;
	v16 =	vsub.f32 v16, v2  }
0x31f: {  	v7 =	vnsel vm7, $0xFFFFFFFF, v9;
	v9 =	vshll.u32 v13, $0x10;
	v13 =	vadd.s32 $0xFFFFFFFF, v13;
	v17 =	vld [tilespmem:s28+$0x5230]  }
0x320: {  	v15 =	vmul.f32 $2.560000000e+02, v15;
	v18 =	vshll.u32 v14, $0x8;
	v16 =	vmul.f32 $2.560000000e+02, v16  }
0x321: {  	vm7 =	vlt.u32 v13, $0xFE;
	v13 =	vadd.s32 $0xFFFFFFFF, v14;
	v9 =	vadd.s32 v9, v18;
	v14 =	vld [tilespmem:s28+$0xCD30];
	[tilespmem:s28+$0xCD30] =	vst v0  }
0x322: {  	vm8 =	vlt.u32 v13, $0xFE;
	v13 =	vtrunc.f32 v15;
	v15 =	vtrunc.f32 v16  }
0x323: {  	vm7 =	vmand vm7, vm8;
	v13 =	vcvt.f32.s32 v13;
	v15 =	vcvt.f32.s32 v15  }
0x324: {  	v9 =	vadd.s32 v12, v9;
	vm6 =	vmand vm7, vm6;
	v12 =	vsub.f32 v17, v1  }
0x325: {  	v16 =	vshll.u32 v13, $0x10;
	v13 =	vadd.s32 $0xFFFFFFFF, v13;
	v17 =	vshll.u32 v15, $0x8  }
0x326: {  	v15 =	vadd.s32 $0xFFFFFFFF, v15;
	v12 =	vmul.f32 $2.560000000e+02, v12;
	v14 =	vsub.f32 v14, v2;
	v18 =	vld [tilespmem:s28+$0x5240]  }
0x327: {  	vm7 =	vlt.u32 v13, $0xFE;
	v16 =	vadd.s32 v16, v17;
	vm8 =	vlt.u32 v15, $0xFE;
	v13 =	vld [tilespmem:s28+$0xCD40];
	[tilespmem:s28+$0xCD40] =	vst v0  }
0x328: {  	vm7 =	vmand vm7, vm8;
	v12 =	vtrunc.f32 v12;
	v14 =	vmul.f32 $2.560000000e+02, v14  }
0x329: {  	v8 =	vadd.s32 v8, v16;
	vm5 =	vmand vm7, vm5;
	v12 =	vcvt.f32.s32 v12  }
0x32a: {  	v9 =	vnsel vm6, $0xFFFFFFFF, v9;
	v8 =	vnsel vm5, $0xFFFFFFFF, v8;
	v14 =	vtrunc.f32 v14  }
0x32b: {  	v14 =	vcvt.f32.s32 v14;
	v15 =	vadd.s32 $0xFFFFFFFF, v12;
	v16 =	vsub.f32 v18, v1  }
0x32c: {  	v12 =	vshll.u32 v12, $0x10;
	vm5 =	vlt.u32 v15, $0xFE;
	v13 =	vsub.f32 v13, v2;
	v15 =	vld [tilespmem:s28+$0x5250]  }
0x32d: {  	v17 =	vshll.u32 v14, $0x8;
	v14 =	vadd.s32 $0xFFFFFFFF, v14;
	v16 =	vmul.f32 $2.560000000e+02, v16;
	v18 =	vld [tilespmem:s28+$0xCD50];
	[tilespmem:s28+$0xCD50] =	vst v0  }
0x32e: {  	v12 =	vadd.s32 v12, v17;
	vm6 =	vlt.u32 v14, $0xFE;
	v13 =	vmul.f32 $2.560000000e+02, v13  }
0x32f: {  	v11 =	vadd.s32 v11, v12;
	vm5 =	vmand vm5, vm6;
	v12 =	vtrunc.f32 v16  }
0x330: {  	vm4 =	vmand vm5, vm4;
	v12 =	vcvt.f32.s32 v12;
	v13 =	vtrunc.f32 v13  }
0x331: {  	v11 =	vnsel vm4, $0xFFFFFFFF, v11;
	v13 =	vcvt.f32.s32 v13;
	v14 =	vsub.f32 v15, v1  }
0x332: {  	v15 =	vshll.u32 v12, $0x10;
	v12 =	vadd.s32 $0xFFFFFFFF, v12;
	v16 =	vsub.f32 v18, v2;
	v17 =	vld [tilespmem:s28+$0x5260]  }
0x333: {  	v18 =	vshll.u32 v13, $0x8;
	vm4 =	vlt.u32 v12, $0xFE;
	v12 =	vmul.f32 $2.560000000e+02, v14  }
.Ltmp4:
0x334: {  	v14 =	vadd.s32 v15, v18;
	v15 =	vadd.s32 $0xFFFFFFFF, v13;
	v16 =	vmul.f32 $2.560000000e+02, v16;
	v13 =	vld [tilespmem:s28+$0xCD60];
	[tilespmem:s28+$0xCD60] =	vst v0;
	(pc) =	sbr.rel @p0 .LBB2_10-.Ltmp4, $4  }
0x335: {  	v10 =	vadd.s32 v10, v14;
	vm5 =	vlt.u32 v15, $0xFE;
	v12 =	vtrunc.f32 v12  }
0x336: {  	vm4 =	vmand vm4, vm5;
	v14 =	vcvt.f32.s32 v12;
	v12 =	vtrunc.f32 v16  }
0x337: {  	vm3 =	vmand vm4, vm3;
	v15 =	vcvt.f32.s32 v12;
	v16 =	vsub.f32 v17, v1;
	v12 =	vld [tilespmem:s28+$0x5270]  }
0x338: {  	s29 =	sadd.s32 $0x200, s29;
	v10 =	vnsel vm3, $0xFFFFFFFF, v10;
	v17 =	vshll.u32 v14, $0x10;
	v18 =	vadd.s32 $0xFFFFFFFF, v14;
	v14 =	vld [tilespmem:s28+$0xCD70];
	[tilespmem:s28+$0xCD70] =	vst v0  }
0x339: {  	v19 =	vshll.u32 v15, $0x8;
	v16 =	vmul.f32 $2.560000000e+02, v16;
	v13 =	vsub.f32 v13, v2  }
0x33a: {  	vm3 =	vlt.u32 v18, $0xFE;
	v15 =	vadd.s32 $0xFFFFFFFF, v15;
	v17 =	vadd.s32 v17, v19  }
0x33b: {  	vm4 =	vlt.u32 v15, $0xFE;
	v15 =	vtrunc.f32 v16;
	v13 =	vmul.f32 $2.560000000e+02, v13  }
0x33c: {  	v6 =	vadd.s32 v6, v17;
	vm3 =	vmand vm3, vm4;
	v15 =	vcvt.f32.s32 v15  }
0x33d: {  	v12 =	vsub.f32 v12, v1;
	v13 =	vtrunc.f32 v13;
	v14 =	vsub.f32 v14, v2  }
0x33e: {  	vm2 =	vmand vm3, vm2;
	v13 =	vcvt.f32.s32 v13;
	v16 =	vshll.u32 v15, $0x10  }
0x33f: {  	v15 =	vadd.s32 $0xFFFFFFFF, v15;
	v12 =	vmul.f32 $2.560000000e+02, v12;
	v14 =	vmul.f32 $2.560000000e+02, v14  }
0x340: {  	vm3 =	vlt.u32 v15, $0xFE;
	v17 =	vshll.u32 v13, $0x8;
	v13 =	vadd.s32 $0xFFFFFFFF, v13  }
0x341: {  	v12 =	vtrunc.f32 v12;
	v15 =	vadd.s32 v16, v17;
	v14 =	vtrunc.f32 v14  }
0x342: {  	[tilespmem:s28+$0x1C300] =	vst v7;
	vm10 =	vlt.u32 v13, $0xFE;
	v7 =	vcvt.f32.s32 v12;
	v12 =	vcvt.f32.s32 v14  }
0x343: {  	[tilespmem:s28+$0x1C310] =	vst v9;
	v6 =	vnsel vm2, $0xFFFFFFFF, v6;
	v5 =	vadd.s32 v5, v15;
	vm2 =	vmand vm3, vm10  }
0x344: {  	[tilespmem:s28+$0x1C320] =	vst v8;
	v8 =	vshll.u32 v7, $0x10;
	v7 =	vadd.s32 $0xFFFFFFFF, v7;
	v9 =	vadd.s32 $0xFFFFFFFF, v12  }
0x345: {  	[tilespmem:s28+$0x1C330] =	vst v11;
	v11 =	vshll.u32 v12, $0x8;
	vm3 =	vlt.u32 v7, $0xFE;
	vm11 =	vlt.u32 v9, $0xFE  }
0x346: {  	[tilespmem:s28+$0x1C340] =	vst v10;
	vm1 =	vmand vm2, vm1;
	v7 =	vadd.s32 v8, v11;
	vm2 =	vmand vm3, vm11  }
0x347: {  	[tilespmem:s28+$0x1C350] =	vst v6;
	v5 =	vnsel vm1, $0xFFFFFFFF, v5;
	v4 =	vadd.s32 v4, v7;
	vm0 =	vmand vm2, vm0  }
0x348: {  	[tilespmem:s28+$0x1C360] =	vst v5;
	v4 =	vnsel vm0, $0xFFFFFFFF, v4  }
0x349: {  	[tilespmem:s28+$0x1C370] =	vst v4;
	(ifvalue) =	ssetifvalue $0xFFFFFFFF  }
0x34a: {  	s4 =	sadd.s32 $0xCD00, s28;
	s25 =	sadd.s32 $0x1C300, s28;
	(ifvalue) =	ssetifvalue $0xFFFFFFFF  }
0x34b: {  	[tilespmem:s4], [sflag:$0x2] =	stream.indirect.gather [hbm4b:s2+s1], $0x1, s25, s1, $0x40b8;
	[tilespmem:$0x1F400] =	vst v63  }
0x34c: {  	_ =	swait.ge [sflag:s31], $0x3D80  }
0x34d: {  	[sflag:s31] =	ssyncset.done $0x0  }
0x34e: {  	s28 =	simm.s32 $0x0;
	[sflag:s31] =	ssyncadd.s32 $0xFFFFC280  }
0x34f: {  	v4 =	vld [tilespmem:s28+$0x15C80]  }
0x350: {  	v5 =	vld [tilespmem:s28+$0x15C90]  }
0x351: {  	v6 =	vld [tilespmem:s28+$0x15CA0];
	_ =	sdelay $0x2  }
0x352: {  	v7 =	vld [tilespmem:s28+$0x15CB0];
	v4 =	vsub.f32 v4, v3  }
0x353: {  	v8 =	vld [tilespmem:s28+$0x15CC0];
	v5 =	vsub.f32 v5, v3  }
0x354: {  	v6 =	vsub.f32 v6, v3;
	v4 =	vmul.f32 $2.560000000e+02, v4  }
0x355: {  	v5 =	vmul.f32 $2.560000000e+02, v5  }
0x356: {  	v6 =	vmul.f32 $2.560000000e+02, v6;
	v4 =	vtrunc.f32 v4  }
0x357: {  	v9 =	vcvt.f32.s32 v4;
	v4 =	vtrunc.f32 v5;
	v5 =	vsub.f32 v7, v3;
	v7 =	vld [tilespmem:s28+$0x15CD0]  }
0x358: {  	v13 =	vld [tilespmem:s28+$0x6680];
	v11 =	vcvt.f32.s32 v4;
	v4 =	vtrunc.f32 v6;
	v6 =	vsub.f32 v8, v3  }
0x359: {  	v8 =	vld [tilespmem:s28+$0x15CE0];
	v10 =	vadd.s32 $0xFFFFFFFF, v9;
	v12 =	vcvt.f32.s32 v4;
	v4 =	vmul.f32 $2.560000000e+02, v5  }
0x35a: {  	v5 =	vld [tilespmem:s28+$0x15CF0];
	vm7 =	vlt.u32 v10, $0xFE;
	v10 =	vadd.s32 $0xFFFFFFFF, v11;
	v6 =	vmul.f32 $2.560000000e+02, v6  }
0x35b: {  	vm6 =	vlt.u32 v10, $0xFE;
	v10 =	vadd.s32 $0xFFFFFFFF, v12;
	v4 =	vtrunc.f32 v4  }
0x35c: {  	v14 =	vcvt.f32.s32 v4;
	v4 =	vtrunc.f32 v6;
	v6 =	vsub.f32 v7, v3  }
0x35d: {  	vm5 =	vlt.u32 v10, $0xFE;
	v10 =	vcvt.f32.s32 v4  }
0x35e: {  	v7 =	vld [tilespmem:s28+$0xE180];
	v4 =	vsub.f32 v8, v3;
	v8 =	vadd.s32 $0xFFFFFFFF, v14;
	v6 =	vmul.f32 $2.560000000e+02, v6  }
0x35f: {  	v13 =	vsub.f32 v13, v1;
	v5 =	vsub.f32 v5, v3;
	vm4 =	vlt.u32 v8, $0xFE  }
0x360: {  	v8 =	vadd.s32 $0xFFFFFFFF, v10;
	v4 =	vmul.f32 $2.560000000e+02, v4;
	v6 =	vtrunc.f32 v6  }
0x361: {  	v5 =	vmul.f32 $2.560000000e+02, v5;
	vm3 =	vlt.u32 v8, $0xFE;
	v8 =	vmul.f32 $2.560000000e+02, v13  }
0x362: {  	v6 =	vcvt.f32.s32 v6;
	v4 =	vtrunc.f32 v4  }
0x363: {  	v13 =	vld [tilespmem:s28+$0x6690];
	v7 =	vsub.f32 v7, v2;
	v15 =	vtrunc.f32 v5;
	v5 =	vcvt.f32.s32 v4  }
0x364: {  	v16 =	vld [tilespmem:s28+$0xE190];
	v8 =	vtrunc.f32 v8;
	v4 =	vcvt.f32.s32 v15  }
0x365: {  	v17 =	vadd.s32 $0xFFFFFFFF, v6;
	v7 =	vmul.f32 $2.560000000e+02, v7;
	v8 =	vcvt.f32.s32 v8  }
0x366: {  	vm2 =	vlt.u32 v17, $0xFE;
	v15 =	vadd.s32 $0xFFFFFFFF, v5;
	v17 =	vadd.s32 $0xFFFFFFFF, v4  }
0x367: {  	v7 =	vtrunc.f32 v7;
	vm1 =	vlt.u32 v15, $0xFE;
	v15 =	vadd.s32 $0xFFFFFFFF, v8  }
0x368: {  	v13 =	vsub.f32 v13, v1;
	vm0 =	vlt.u32 v17, $0xFE;
	v7 =	vcvt.f32.s32 v7;
	v17 =	vld [tilespmem:s28+$0x66A0]  }
0x369: {  	v8 =	vshll.u32 v8, $0x10;
	vm8 =	vlt.u32 v15, $0xFE;
	v15 =	vsub.f32 v16, v2;
	v16 =	vld [tilespmem:s28+$0xE1A0]  }
0x36a: {  	v13 =	vmul.f32 $2.560000000e+02, v13;
	v18 =	vshll.u32 v7, $0x8;
	v7 =	vadd.s32 $0xFFFFFFFF, v7  }
0x36b: {  	v8 =	vadd.s32 v8, v18;
	vm9 =	vlt.u32 v7, $0xFE;
	v7 =	vmul.f32 $2.560000000e+02, v15  }
0x36c: {  	v8 =	vadd.s32 v9, v8;
	vm8 =	vmand vm8, vm9;
	v9 =	vtrunc.f32 v13  }
0x36d: {  	vm7 =	vmand vm8, vm7;
	v9 =	vcvt.f32.s32 v9  }
0x36e: {  	v7 =	vtrunc.f32 v7;
	v15 =	vsub.f32 v17, v1;
	v16 =	vsub.f32 v16, v2  }
0x36f: {  	v17 =	vld [tilespmem:s28+$0x66B0];
	v13 =	vcvt.f32.s32 v7;
	v7 =	vnsel vm7, $0xFFFFFFFF, v8;
	v8 =	vshll.u32 v9, $0x10  }
0x370: {  	v9 =	vadd.s32 $0xFFFFFFFF, v9;
	v15 =	vmul.f32 $2.560000000e+02, v15;
	v16 =	vmul.f32 $2.560000000e+02, v16  }
0x371: {  	v18 =	vshll.u32 v13, $0x8;
	vm12 =	vlt.u32 v9, $0xFE;
	v9 =	vadd.s32 $0xFFFFFFFF, v13;
	v13 =	vld [tilespmem:s28+$0xE1B0]  }
0x372: {  	vm13 =	vlt.u32 v9, $0xFE;
	v9 =	vtrunc.f32 v15;
	v15 =	vtrunc.f32 v16  }
0x373: {  	v8 =	vadd.s32 v8, v18;
	v9 =	vcvt.f32.s32 v9;
	v15 =	vcvt.f32.s32 v15  }
0x374: {  	v8 =	vadd.s32 v11, v8;
	v11 =	vsub.f32 v17, v1  }
0x375: {  	v18 =	vld [tilespmem:s28+$0x66C0];
	vm7 =	vmand vm12, vm13;
	v16 =	vshll.u32 v9, $0x10;
	v17 =	vshll.u32 v15, $0x8  }
0x376: {  	v9 =	vadd.s32 $0xFFFFFFFF, v9;
	v11 =	vmul.f32 $2.560000000e+02, v11;
	v13 =	vsub.f32 v13, v2  }
0x377: {  	v15 =	vadd.s32 $0xFFFFFFFF, v15;
	v16 =	vadd.s32 v16, v17;
	vm14 =	vlt.u32 v9, $0xFE  }
0x378: {  	vm15 =	vlt.u32 v15, $0xFE;
	v15 =	vld [tilespmem:s28+$0xE1C0];
	v9 =	vtrunc.f32 v11;
	v11 =	vmul.f32 $2.560000000e+02, v13  }
0x379: {  	vm6 =	vmand vm7, vm6;
	vm7 =	vmand vm14, vm15;
	v12 =	vadd.s32 v12, v16  }
0x37a: {  	v16 =	vsub.f32 v18, v1;
	v13 =	vcvt.f32.s32 v9;
	v11 =	vtrunc.f32 v11  }
0x37b: {  	v18 =	vld [tilespmem:s28+$0xE1D0];
	vm5 =	vmand vm7, vm5;
	v9 =	vnsel vm6, $0xFFFFFFFF, v8;
	v11 =	vcvt.f32.s32 v11  }
0x37c: {  	v8 =	vnsel vm5, $0xFFFFFFFF, v12;
	v12 =	vadd.s32 $0xFFFFFFFF, v13;
	v13 =	vshll.u32 v13, $0x10  }
0x37d: {  	vm12 =	vlt.u32 v12, $0xFE;
	v12 =	vsub.f32 v15, v2;
	v15 =	vld [tilespmem:s28+$0x66D0];
	v17 =	vshll.u32 v11, $0x8  }
0x37e: {  	v16 =	vmul.f32 $2.560000000e+02, v16;
	v11 =	vadd.s32 $0xFFFFFFFF, v11;
	v13 =	vadd.s32 v13, v17  }
0x37f: {  	vm13 =	vlt.u32 v11, $0xFE;
	v11 =	vmul.f32 $2.560000000e+02, v12;
	v12 =	vadd.s32 v14, v13  }
0x380: {  	vm5 =	vmand vm12, vm13;
	v13 =	vtrunc.f32 v16;
	v16 =	vsub.f32 v18, v2  }
0x381: {  	vm4 =	vmand vm5, vm4;
	v13 =	vcvt.f32.s32 v13;
	v14 =	vtrunc.f32 v11  }
0x382: {  	[tilespmem:s28+$0xE190] =	vst v0;
	v11 =	vnsel vm4, $0xFFFFFFFF, v12;
	v12 =	vcvt.f32.s32 v14;
	v14 =	vsub.f32 v15, v1  }
0x383: {  	[tilespmem:s28+$0xE180] =	vst v0;
	v17 =	vld [tilespmem:s28+$0x66E0];
	v16 =	vmul.f32 $2.560000000e+02, v16;
	v15 =	vshll.u32 v13, $0x10  }
0x384: {  	[tilespmem:s28+$0xE1A0] =	vst v0;
	v13 =	vadd.s32 $0xFFFFFFFF, v13;
	v18 =	vshll.u32 v12, $0x8;
	v14 =	vmul.f32 $2.560000000e+02, v14  }
0x385: {  	[tilespmem:s28+$0xE1B0] =	vst v0;
	vm14 =	vlt.u32 v13, $0xFE;
	v12 =	vadd.s32 $0xFFFFFFFF, v12;
	v13 =	vld [tilespmem:s28+$0xE1E0];
	v15 =	vadd.s32 v15, v18  }
0x386: {  	[tilespmem:s28+$0xE1C0] =	vst v0;
	vm15 =	vlt.u32 v12, $0xFE;
	v10 =	vadd.s32 v10, v15;
	v12 =	vtrunc.f32 v14  }
0x387: {  	[tilespmem:s28+$0xE1D0] =	vst v0;
	vm4 =	vmand vm14, vm15;
	v14 =	vtrunc.f32 v16;
	v18 =	vcvt.f32.s32 v12  }
0x388: {  	[tilespmem:s28+$0xE1E0] =	vst v0;
	v16 =	vsub.f32 v17, v1;
	v12 =	vld [tilespmem:s28+$0x66F0];
	vm3 =	vmand vm4, vm3;
	v15 =	vcvt.f32.s32 v14  }
0x389: {  	s29 =	simm.s32 $0x200;
	v14 =	vld [tilespmem:s28+$0xE1F0];
	[tilespmem:s28+$0xE1F0] =	vst v0;
	v10 =	vnsel vm3, $0xFFFFFFFF, v10;
	v17 =	vshll.u32 v18, $0x10;
	v18 =	vadd.s32 $0xFFFFFFFF, v18  }
.LBB2_12:
0x38a: {  	p0 =	sne.s32 s29, $0x5000;
	v19 =	vshll.u32 v15, $0x8;
	v16 =	vmul.f32 $2.560000000e+02, v16;
	v13 =	vsub.f32 v13, v2  }
0x38b: {  	vm3 =	vlt.u32 v18, $0xFE;
	v15 =	vadd.s32 $0xFFFFFFFF, v15;
	v17 =	vadd.s32 v17, v19  }
0x38c: {  	vm4 =	vlt.u32 v15, $0xFE;
	v15 =	vtrunc.f32 v16;
	v13 =	vmul.f32 $2.560000000e+02, v13  }
0x38d: {  	v6 =	vadd.s32 v6, v17;
	vm3 =	vmand vm3, vm4;
	v15 =	vcvt.f32.s32 v15  }
0x38e: {  	v12 =	vsub.f32 v12, v1;
	v13 =	vtrunc.f32 v13;
	v14 =	vsub.f32 v14, v2  }
0x38f: {  	vm2 =	vmand vm3, vm2;
	v13 =	vcvt.f32.s32 v13;
	v16 =	vshll.u32 v15, $0x10  }
0x390: {  	v15 =	vadd.s32 $0xFFFFFFFF, v15;
	v12 =	vmul.f32 $2.560000000e+02, v12;
	v14 =	vmul.f32 $2.560000000e+02, v14  }
0x391: {  	vm3 =	vlt.u32 v15, $0xFE;
	v17 =	vshll.u32 v13, $0x8;
	v13 =	vadd.s32 $0xFFFFFFFF, v13  }
0x392: {  	v12 =	vtrunc.f32 v12;
	v15 =	vadd.s32 v16, v17;
	v14 =	vtrunc.f32 v14  }
0x393: {  	vm4 =	vlt.u32 v13, $0xFE;
	[tilespmem:s28+$0x1D780] =	vst v7;
	v7 =	vcvt.f32.s32 v12;
	v12 =	vcvt.f32.s32 v14  }
0x394: {  	v6 =	vnsel vm2, $0xFFFFFFFF, v6;
	v5 =	vadd.s32 v5, v15;
	vm2 =	vmand vm3, vm4;
	[tilespmem:s28+$0x1D790] =	vst v9  }
0x395: {  	[tilespmem:s28+$0x1D7A0] =	vst v8;
	v8 =	vshll.u32 v7, $0x10;
	v7 =	vadd.s32 $0xFFFFFFFF, v7;
	v9 =	vadd.s32 $0xFFFFFFFF, v12  }
0x396: {  	[tilespmem:s28+$0x1D7B0] =	vst v11;
	v11 =	vshll.u32 v12, $0x8;
	vm3 =	vlt.u32 v7, $0xFE;
	vm4 =	vlt.u32 v9, $0xFE  }
0x397: {  	vm1 =	vmand vm2, vm1;
	[tilespmem:s28+$0x1D7C0] =	vst v10;
	v7 =	vadd.s32 v8, v11;
	vm2 =	vmand vm3, vm4  }
0x398: {  	v5 =	vnsel vm1, $0xFFFFFFFF, v5;
	[tilespmem:s28+$0x1D7D0] =	vst v6;
	v4 =	vadd.s32 v4, v7;
	vm0 =	vmand vm2, vm0  }
0x399: {  	[tilespmem:s28+$0x1D7E0] =	vst v5;
	v4 =	vnsel vm0, $0xFFFFFFFF, v4  }
0x39a: {  	s4 =	sshra.s32 s29, $0x2;
	[tilespmem:s28+$0x1D7F0] =	vst v4;
	(ifvalue) =	ssetifvalue $0xFFFFFFFF  }
0x39b: {  	s25 =	sadd.s32 $0xE180, s28;
	s28 =	sadd.s32 $0x1D780, s28;
	(ifvalue) =	ssetifvalue $0xFFFFFFFF  }
0x39c: {  	[tilespmem:s25], [sflag:$0x2] =	stream.indirect.gather [hbm4b:s2+s1], $0x1, s28, s1, $0x40b8;
	[tilespmem:$0x1F400] =	vst v63  }
0x39d: {  	s28 =	smov.u32 s4;
	v4 =	vld [tilespmem:s4+$0x15C80]  }
0x39e: {  	v5 =	vld [tilespmem:s28+$0x15C90]  }
0x39f: {  	v6 =	vld [tilespmem:s28+$0x15CA0];
	_ =	sdelay $0x2  }
0x3a0: {  	v4 =	vsub.f32 v4, v3;
	v7 =	vld [tilespmem:s28+$0x15CB0]  }
0x3a1: {  	v5 =	vsub.f32 v5, v3;
	v8 =	vld [tilespmem:s28+$0x15CC0]  }
0x3a2: {  	v4 =	vmul.f32 $2.560000000e+02, v4;
	v6 =	vsub.f32 v6, v3  }
0x3a3: {  	v5 =	vmul.f32 $2.560000000e+02, v5  }
0x3a4: {  	v4 =	vtrunc.f32 v4;
	v6 =	vmul.f32 $2.560000000e+02, v6  }
0x3a5: {  	v9 =	vcvt.f32.s32 v4;
	v4 =	vtrunc.f32 v5;
	v5 =	vsub.f32 v7, v3;
	v7 =	vld [tilespmem:s28+$0x15CD0]  }
0x3a6: {  	v12 =	vcvt.f32.s32 v4;
	v4 =	vtrunc.f32 v6;
	v6 =	vsub.f32 v8, v3;
	v13 =	vld [tilespmem:s28+$0x15CE0]  }
0x3a7: {  	v10 =	vadd.s32 $0xFFFFFFFF, v9;
	v8 =	vcvt.f32.s32 v4;
	v4 =	vmul.f32 $2.560000000e+02, v5;
	v5 =	vld [tilespmem:s28+$0x15CF0]  }
0x3a8: {  	vm7 =	vlt.u32 v10, $0xFE;
	v10 =	vadd.s32 $0xFFFFFFFF, v12;
	v6 =	vmul.f32 $2.560000000e+02, v6  }
0x3a9: {  	v14 =	vld [tilespmem:s28+$0x6680];
	vm6 =	vlt.u32 v10, $0xFE;
	v10 =	vadd.s32 $0xFFFFFFFF, v8;
	v4 =	vtrunc.f32 v4  }
0x3aa: {  	v11 =	vcvt.f32.s32 v4;
	v4 =	vtrunc.f32 v6;
	v6 =	vsub.f32 v7, v3  }
0x3ab: {  	vm5 =	vlt.u32 v10, $0xFE;
	v7 =	vld [tilespmem:s28+$0xE180];
	[tilespmem:s28+$0xE180] =	vst v0;
	v10 =	vcvt.f32.s32 v4;
	v4 =	vsub.f32 v13, v3  }
0x3ac: {  	v13 =	vadd.s32 $0xFFFFFFFF, v11;
	v6 =	vmul.f32 $2.560000000e+02, v6;
	v5 =	vsub.f32 v5, v3  }
0x3ad: {  	vm4 =	vlt.u32 v13, $0xFE;
	v13 =	vadd.s32 $0xFFFFFFFF, v10;
	v4 =	vmul.f32 $2.560000000e+02, v4  }
0x3ae: {  	v14 =	vsub.f32 v14, v1;
	v6 =	vtrunc.f32 v6;
	v5 =	vmul.f32 $2.560000000e+02, v5  }
0x3af: {  	vm3 =	vlt.u32 v13, $0xFE;
	v6 =	vcvt.f32.s32 v6;
	v4 =	vtrunc.f32 v4  }
0x3b0: {  	v13 =	vmul.f32 $2.560000000e+02, v14;
	v7 =	vsub.f32 v7, v2;
	v14 =	vld [tilespmem:s28+$0x6690];
	v15 =	vtrunc.f32 v5  }
0x3b1: {  	v5 =	vcvt.f32.s32 v4;
	v16 =	vld [tilespmem:s28+$0xE190];
	[tilespmem:s28+$0xE190] =	vst v0;
	v17 =	vadd.s32 $0xFFFFFFFF, v6;
	v4 =	vcvt.f32.s32 v15  }
0x3b2: {  	v13 =	vtrunc.f32 v13;
	v7 =	vmul.f32 $2.560000000e+02, v7;
	vm2 =	vlt.u32 v17, $0xFE  }
0x3b3: {  	v15 =	vadd.s32 $0xFFFFFFFF, v5;
	v13 =	vcvt.f32.s32 v13;
	v17 =	vadd.s32 $0xFFFFFFFF, v4  }
0x3b4: {  	vm1 =	vlt.u32 v15, $0xFE;
	v7 =	vtrunc.f32 v7;
	vm0 =	vlt.u32 v17, $0xFE  }
0x3b5: {  	v7 =	vcvt.f32.s32 v7;
	v15 =	vadd.s32 $0xFFFFFFFF, v13;
	v14 =	vsub.f32 v14, v1;
	v17 =	vld [tilespmem:s28+$0x66A0]  }
0x3b6: {  	v13 =	vshll.u32 v13, $0x10;
	vm8 =	vlt.u32 v15, $0xFE;
	v15 =	vsub.f32 v16, v2;
	v16 =	vld [tilespmem:s28+$0xE1A0];
	[tilespmem:s28+$0xE1A0] =	vst v0  }
0x3b7: {  	v18 =	vshll.u32 v7, $0x8;
	v7 =	vadd.s32 $0xFFFFFFFF, v7;
	v14 =	vmul.f32 $2.560000000e+02, v14  }
0x3b8: {  	v13 =	vadd.s32 v13, v18;
	vm9 =	vlt.u32 v7, $0xFE;
	v7 =	vmul.f32 $2.560000000e+02, v15  }
0x3b9: {  	v9 =	vadd.s32 v9, v13;
	vm8 =	vmand vm8, vm9;
	v13 =	vtrunc.f32 v14  }
0x3ba: {  	vm7 =	vmand vm8, vm7;
	v13 =	vcvt.f32.s32 v13;
	v7 =	vtrunc.f32 v7  }
0x3bb: {  	v15 =	vsub.f32 v17, v1;
	v14 =	vcvt.f32.s32 v7;
	v16 =	vsub.f32 v16, v2  }
0x3bc: {  	v7 =	vnsel vm7, $0xFFFFFFFF, v9;
	v9 =	vshll.u32 v13, $0x10;
	v13 =	vadd.s32 $0xFFFFFFFF, v13;
	v17 =	vld [tilespmem:s28+$0x66B0]  }
0x3bd: {  	v15 =	vmul.f32 $2.560000000e+02, v15;
	v18 =	vshll.u32 v14, $0x8;
	v16 =	vmul.f32 $2.560000000e+02, v16  }
0x3be: {  	vm7 =	vlt.u32 v13, $0xFE;
	v13 =	vadd.s32 $0xFFFFFFFF, v14;
	v9 =	vadd.s32 v9, v18;
	v14 =	vld [tilespmem:s28+$0xE1B0];
	[tilespmem:s28+$0xE1B0] =	vst v0  }
0x3bf: {  	vm8 =	vlt.u32 v13, $0xFE;
	v13 =	vtrunc.f32 v15;
	v15 =	vtrunc.f32 v16  }
0x3c0: {  	vm7 =	vmand vm7, vm8;
	v13 =	vcvt.f32.s32 v13;
	v15 =	vcvt.f32.s32 v15  }
0x3c1: {  	v9 =	vadd.s32 v12, v9;
	vm6 =	vmand vm7, vm6;
	v12 =	vsub.f32 v17, v1  }
0x3c2: {  	v16 =	vshll.u32 v13, $0x10;
	v13 =	vadd.s32 $0xFFFFFFFF, v13;
	v17 =	vshll.u32 v15, $0x8  }
0x3c3: {  	v15 =	vadd.s32 $0xFFFFFFFF, v15;
	v12 =	vmul.f32 $2.560000000e+02, v12;
	v14 =	vsub.f32 v14, v2;
	v18 =	vld [tilespmem:s28+$0x66C0]  }
0x3c4: {  	vm7 =	vlt.u32 v13, $0xFE;
	v16 =	vadd.s32 v16, v17;
	vm8 =	vlt.u32 v15, $0xFE;
	v13 =	vld [tilespmem:s28+$0xE1C0];
	[tilespmem:s28+$0xE1C0] =	vst v0  }
0x3c5: {  	vm7 =	vmand vm7, vm8;
	v12 =	vtrunc.f32 v12;
	v14 =	vmul.f32 $2.560000000e+02, v14  }
0x3c6: {  	v8 =	vadd.s32 v8, v16;
	vm5 =	vmand vm7, vm5;
	v12 =	vcvt.f32.s32 v12  }
0x3c7: {  	v9 =	vnsel vm6, $0xFFFFFFFF, v9;
	v8 =	vnsel vm5, $0xFFFFFFFF, v8;
	v14 =	vtrunc.f32 v14  }
0x3c8: {  	v14 =	vcvt.f32.s32 v14;
	v15 =	vadd.s32 $0xFFFFFFFF, v12;
	v16 =	vsub.f32 v18, v1  }
0x3c9: {  	v12 =	vshll.u32 v12, $0x10;
	vm5 =	vlt.u32 v15, $0xFE;
	v13 =	vsub.f32 v13, v2;
	v15 =	vld [tilespmem:s28+$0x66D0]  }
0x3ca: {  	v17 =	vshll.u32 v14, $0x8;
	v14 =	vadd.s32 $0xFFFFFFFF, v14;
	v16 =	vmul.f32 $2.560000000e+02, v16;
	v18 =	vld [tilespmem:s28+$0xE1D0];
	[tilespmem:s28+$0xE1D0] =	vst v0  }
0x3cb: {  	v12 =	vadd.s32 v12, v17;
	vm6 =	vlt.u32 v14, $0xFE;
	v13 =	vmul.f32 $2.560000000e+02, v13  }
0x3cc: {  	v11 =	vadd.s32 v11, v12;
	vm5 =	vmand vm5, vm6;
	v12 =	vtrunc.f32 v16  }
0x3cd: {  	vm4 =	vmand vm5, vm4;
	v12 =	vcvt.f32.s32 v12;
	v13 =	vtrunc.f32 v13  }
0x3ce: {  	v11 =	vnsel vm4, $0xFFFFFFFF, v11;
	v13 =	vcvt.f32.s32 v13;
	v14 =	vsub.f32 v15, v1  }
0x3cf: {  	v15 =	vshll.u32 v12, $0x10;
	v12 =	vadd.s32 $0xFFFFFFFF, v12;
	v16 =	vsub.f32 v18, v2;
	v17 =	vld [tilespmem:s28+$0x66E0]  }
0x3d0: {  	v18 =	vshll.u32 v13, $0x8;
	vm4 =	vlt.u32 v12, $0xFE;
	v12 =	vmul.f32 $2.560000000e+02, v14  }
.Ltmp5:
0x3d1: {  	v14 =	vadd.s32 v15, v18;
	v15 =	vadd.s32 $0xFFFFFFFF, v13;
	v16 =	vmul.f32 $2.560000000e+02, v16;
	v13 =	vld [tilespmem:s28+$0xE1E0];
	[tilespmem:s28+$0xE1E0] =	vst v0;
	(pc) =	sbr.rel @p0 .LBB2_12-.Ltmp5, $4  }
0x3d2: {  	v10 =	vadd.s32 v10, v14;
	vm5 =	vlt.u32 v15, $0xFE;
	v12 =	vtrunc.f32 v12  }
0x3d3: {  	vm4 =	vmand vm4, vm5;
	v14 =	vcvt.f32.s32 v12;
	v12 =	vtrunc.f32 v16  }
0x3d4: {  	vm3 =	vmand vm4, vm3;
	v15 =	vcvt.f32.s32 v12;
	v16 =	vsub.f32 v17, v1;
	v12 =	vld [tilespmem:s28+$0x66F0]  }
0x3d5: {  	s29 =	sadd.s32 $0x200, s29;
	v10 =	vnsel vm3, $0xFFFFFFFF, v10;
	v17 =	vshll.u32 v14, $0x10;
	v18 =	vadd.s32 $0xFFFFFFFF, v14;
	v14 =	vld [tilespmem:s28+$0xE1F0];
	[tilespmem:s28+$0xE1F0] =	vst v0  }
0x3d6: {  	v3 =	vshll.u32 v15, $0x8;
	v16 =	vmul.f32 $2.560000000e+02, v16;
	v13 =	vsub.f32 v13, v2  }
0x3d7: {  	vm3 =	vlt.u32 v18, $0xFE;
	v54 =	vadd.s32 $0xFFFFFFFF, v15;
	v3 =	vadd.s32 v17, v3  }
0x3d8: {  	vm4 =	vlt.u32 v54, $0xFE;
	v55 =	vtrunc.f32 v16;
	v13 =	vmul.f32 $2.560000000e+02, v13  }
0x3d9: {  	v3 =	vadd.s32 v6, v3;
	vm3 =	vmand vm3, vm4;
	v56 =	vcvt.f32.s32 v55  }
0x3da: {  	v1 =	vsub.f32 v12, v1;
	v13 =	vtrunc.f32 v13;
	v2 =	vsub.f32 v14, v2  }
0x3db: {  	vm2 =	vmand vm3, vm2;
	v57 =	vcvt.f32.s32 v13;
	v58 =	vshll.u32 v56, $0x10  }
0x3dc: {  	v6 =	vadd.s32 $0xFFFFFFFF, v56;
	v1 =	vmul.f32 $2.560000000e+02, v1;
	v2 =	vmul.f32 $2.560000000e+02, v2  }
0x3dd: {  	vm10 =	vlt.u32 v6, $0xFE;
	v59 =	vshll.u32 v57, $0x8;
	v60 =	vadd.s32 $0xFFFFFFFF, v57  }
0x3de: {  	v1 =	vtrunc.f32 v1;
	v61 =	vadd.s32 v58, v59;
	v2 =	vtrunc.f32 v2  }
0x3df: {  	[tilespmem:s28+$0x1D780] =	vst v7;
	vm11 =	vlt.u32 v60, $0xFE;
	v1 =	vcvt.f32.s32 v1;
	v2 =	vcvt.f32.s32 v2  }
0x3e0: {  	[tilespmem:s28+$0x1D790] =	vst v9;
	v3 =	vnsel vm2, $0xFFFFFFFF, v3;
	v5 =	vadd.s32 v5, v61;
	vm12 =	vmand vm10, vm11  }
0x3e1: {  	[tilespmem:s28+$0x1D7A0] =	vst v8;
	v62 =	vshll.u32 v1, $0x10;
	v1 =	vadd.s32 $0xFFFFFFFF, v1;
	v63 =	vadd.s32 $0xFFFFFFFF, v2  }
0x3e2: {  	[tilespmem:s28+$0x1D7B0] =	vst v11;
	v2 =	vshll.u32 v2, $0x8;
	vm13 =	vlt.u32 v1, $0xFE;
	vm14 =	vlt.u32 v63, $0xFE  }
0x3e3: {  	[tilespmem:s28+$0x1D7C0] =	vst v10;
	vm1 =	vmand vm12, vm1;
	v1 =	vadd.s32 v62, v2;
	vm15 =	vmand vm13, vm14  }
0x3e4: {  	[tilespmem:s28+$0x1D7D0] =	vst v3;
	v2 =	vnsel vm1, $0xFFFFFFFF, v5;
	v1 =	vadd.s32 v4, v1;
	vm0 =	vmand vm15, vm0  }
0x3e5: {  	[tilespmem:s28+$0x1D7E0] =	vst v2;
	v1 =	vnsel vm0, $0xFFFFFFFF, v1  }
0x3e6: {  	[tilespmem:s28+$0x1D7F0] =	vst v1;
	(ifvalue) =	ssetifvalue $0xFFFFFFFF  }
0x3e7: {  	s4 =	sadd.s32 $0xE180, s28;
	s25 =	sadd.s32 $0x1D780, s28;
	(ifvalue) =	ssetifvalue $0xFFFFFFFF  }
0x3e8: {  	[tilespmem:s4], [sflag:$0x2] =	stream.indirect.gather [hbm4b:s2+s1], $0x1, s25, s1, $0x40b8;
	[tilespmem:$0x1F400] =	vst v63  }
0x3e9: {  	s26 =	sadd.s32 $0x1, s26;
	_ =	swait.ge [sflag:s0], $0x7B00  }
0x3ea: {  	p0 =	sne.s32 s26, s24;
	[sflag:s0] =	ssyncset.done $0x0  }
.Ltmp6:
0x3eb: {  	s4 =	simm.s32 $0x7B00;
	[sflag:s0] =	ssyncadd.s32 $0xFFFF8500;
	(pc) =	sbr.rel @p0 .LBB2_1-.Ltmp6, $4  }
0x3ec: {  	[hbm4b:s23+s3] =	stream.linear.scatter [tilespmem:s4], [sflag:$0x3], $0x7B00, $0x38;
	[tilespmem:$0x1F400] =	vst v63  }
0x3ed: {  	_ =	swait.ge [sflag:s30], $0x7B00  }
0x3ee: {  	[sflag:s30] =	ssyncset.done $0x0  }
0x3ef: {  	[sflag:s30] =	ssyncadd.s32 $0xFFFF8500  }
0x3f0: {  	_ =	sfence.sel $0x180000  }
0x3f1: {  	[bflag:$0x0] =	sbarrier.arrive $0xFFFF  }
0x3f2: {  	_ =	strace $0x90000047  }
0x3f3: {  	s0 =	stileid.u32;
	[bflag:$0x2] =	sbarrier.arrive $0xFFFF  }
0x3f4: {  	p0 =	sne.s32 s0, $0x0;
	s0 =	rddreg [dreg:$0x3]  }
0x3f5: {  	s0 =	sadd.s32 @!p0 $0x100000, s0  }
0x3f6: {  	[sflag:s0] =	ssyncadd.tile.s32 @!p0 $0x1;
	_ =	shalt  }
.Lfunc_end2:
_tile_overlayer_lowered:
.L_overlay_start_2:
0x3f7: {  	(tag) =	ssettag $0x2  }
0x3f8: {  	s0 =	rddreg [dreg:$0x0];
	s2 =	stileid.u32  }
0x3f9: {  	s1 =	rddreg [dreg:$0x1];
	p0 =	sne.s32 s2, $0x0  }
0x3fa: {  	s3 =	rddreg [dreg:$0x2];
	[bflag:$0x3] =	sbarrier.arrive $0xFFFF;
	s2 =	simm.s32 @!p0 $0x1C03  }
0x3fb: {  	[timem:s3], [sflag:s2] =	dma.local @!p0 [hbm:s0], s1  }
0x3fc: {  	s0 =	simm.s32 @!p0 $0x3  }
0x3fd: {  	_ =	swait.ge @!p0 [sflag:s0], s1  }
0x3fe: {  	s1 =	ssub.s32 @!p0 $0x0, s1;
	[sflag:s0] =	ssyncset.done @!p0 $0x0  }
0x3ff: {  	[sflag:s0] =	ssyncadd.s32 @!p0 s1  }
0x400: {  	[bflag:$0x3] =	sbarrier.arrive $0xFFFF  }
0x401: {  	_ =	shalt  }

</sc_bundles>
